<compile_context>
chip_gen: v7x
topology: tpu7x:2x2x1
jax: 0.10.2.dev20260603
libtpu: 0.0.44.dev20260713+nightly
codegen_flags: <defaults>
</compile_context>

<pallas_src>
import functools
import math

import jax
import jax.numpy as jnp
from jax import lax
from jax.experimental import pallas as pl
from jax.experimental.pallas import tpu as pltpu
from jax.experimental.pallas import tpu_sc as plsc

B = 1
S = 2048
H = 1024
NH = 16
HD = H // NH
E = 8
K = 2
F = 2816

TS = 256
TB = 128
NST = S // TS
NP = K * S + E * TB
NT = NP // TB


def _attn_router_body(x_ref, g1_ref, b1_ref, wq_ref, bq_ref, wk_ref, bk_ref,
                      wv_ref, bv_ref, g2_ref, b2_ref, wr_ref, br_ref,
                      hidden_ref, x2_ref, gates_ref):
    x = x_ref[...]
    mu = jnp.mean(x, axis=-1, keepdims=True)
    var = jnp.mean((x - mu) ** 2, axis=-1, keepdims=True)
    xn = (x - mu) / jnp.sqrt(var + 1e-5) * g1_ref[...] + b1_ref[...]

    xn16 = xn.astype(jnp.bfloat16)
    q = jnp.dot(xn16, wq_ref[...], preferred_element_type=jnp.float32) + bq_ref[...]
    k = jnp.dot(xn16, wk_ref[...], preferred_element_type=jnp.float32) + bk_ref[...]
    v = jnp.dot(xn16, wv_ref[...], preferred_element_type=jnp.float32) + bv_ref[...]

    jj = lax.broadcasted_iota(jnp.int32, (H, NH), 0)
    mm = lax.broadcasted_iota(jnp.int32, (H, NH), 1)
    R = (jj // HD == mm).astype(jnp.float32)
    scale = 1.0 / math.sqrt(HD)
    qf = q.astype(jnp.bfloat16).astype(jnp.float32)
    kf = k.astype(jnp.bfloat16).astype(jnp.float32)
    vf = v.astype(jnp.bfloat16).astype(jnp.float32)
    ctx_parts = []
    for n in range(NH):
        qn = qf[:, n * HD:(n + 1) * HD]
        qt = jnp.concatenate([qn] * NH, axis=1)
        s = jnp.dot(qt * kf, R, preferred_element_type=jnp.float32,
                    precision=lax.Precision.HIGHEST) * scale
        s = s - jnp.max(s, axis=-1, keepdims=True)
        es = jnp.exp(s)
        probs = es / jnp.sum(es, axis=-1, keepdims=True)
        probs = probs.astype(jnp.bfloat16).astype(jnp.float32)
        cn = jnp.zeros((TS, HD), jnp.float32)
        for m in range(NH):
            cn = cn + probs[:, m:m + 1] * vf[:, m * HD:(m + 1) * HD]
        ctx_parts.append(cn)
    ctx = jnp.concatenate(ctx_parts, axis=1)

    hidden = x + ctx
    hidden_ref[...] = hidden

    mu2 = jnp.mean(hidden, axis=-1, keepdims=True)
    var2 = jnp.mean((hidden - mu2) ** 2, axis=-1, keepdims=True)
    x2 = (hidden - mu2) / jnp.sqrt(var2 + 1e-5) * g2_ref[...] + b2_ref[...]
    x2_16 = x2.astype(jnp.bfloat16)
    x2_ref[...] = _pack16(x2_16)

    logits = jnp.dot(x2_16, wr_ref[...],
                     preferred_element_type=jnp.float32) + br_ref[...]
    lm = jnp.max(logits, axis=-1, keepdims=True)
    el = jnp.exp(logits - lm)
    rw = el / jnp.sum(el, axis=-1, keepdims=True)

    iota_e = lax.broadcasted_iota(jnp.int32, (TS, E), 1)
    m1 = jnp.max(rw, axis=-1, keepdims=True)
    i1 = jnp.min(jnp.where(rw == m1, iota_e, E), axis=-1, keepdims=True)
    oh1 = iota_e == i1
    masked = jnp.where(oh1, -jnp.inf, rw)
    m2 = jnp.max(masked, axis=-1, keepdims=True)
    i2 = jnp.min(jnp.where(masked == m2, iota_e, E), axis=-1, keepdims=True)
    oh2 = iota_e == i2
    w1 = jnp.sum(jnp.where(oh1, rw, 0.0), axis=-1, keepdims=True)
    w2 = jnp.sum(jnp.where(oh2, rw, 0.0), axis=-1, keepdims=True)
    gates = (oh1 * w1 + oh2 * w2) / (w1 + w2)
    gates_ref[...] = gates.astype(jnp.float32)


HP = H // 2


def _pack16(a16):
    ai = lax.bitcast_convert_type(a16, jnp.int16)
    lo = ai[:, :HP].astype(jnp.int32) & 0xFFFF
    hi = ai[:, HP:].astype(jnp.int32) << 16
    return lo | hi


def _unpack16(p):
    lo = lax.bitcast_convert_type(p << 16, jnp.float32)
    hi = lax.bitcast_convert_type(p & jnp.int32(-65536), jnp.float32)
    return jnp.concatenate([lo, hi], axis=1)


def _make_sc_gather(d, b_rows, dtype, n_chunks=2):
    info = plsc.get_sparse_core_info()
    nw = info.num_cores * info.num_subcores
    b_per_w = b_rows // nw
    chunk = b_per_w // n_chunks
    assert b_per_w % n_chunks == 0 and chunk % 8 == 0
    mesh = plsc.VectorSubcoreMesh(core_axis_name="c", subcore_axis_name="s")

    @functools.partial(
        pl.kernel, mesh=mesh,
        out_type=jax.ShapeDtypeStruct((b_rows, d), dtype),
        scratch_types=[
            pltpu.VMEM((b_per_w,), jnp.int32),
            pltpu.VMEM((chunk, d), dtype),
            pltpu.VMEM((chunk, d), dtype),
            pltpu.SemaphoreType.DMA,
            pltpu.SemaphoreType.DMA,
            pltpu.SemaphoreType.DMA,
            pltpu.SemaphoreType.DMA,
        ],
    )
    def g(table_hbm, idx_hbm, out_hbm, idx_v, rows_a, rows_b, g_a, g_b, o_a, o_b):
        wid = lax.axis_index("s") * info.num_cores + lax.axis_index("c")
        base = wid * b_per_w
        pltpu.sync_copy(idx_hbm.at[pl.ds(base, b_per_w)], idx_v)
        rows = (rows_a, rows_b)
        gsem = (g_a, g_b)
        osem = (o_a, o_b)
        gh = [None, None]
        oh = [None, None]
        gh[0] = pltpu.async_copy(
            table_hbm.at[idx_v.at[pl.ds(0, chunk)]], rows[0], gsem[0])
        for c in range(n_chunks):
            b = c % 2
            nb = (c + 1) % 2
            if c + 1 < n_chunks:
                if oh[nb] is not None:
                    oh[nb].wait()
                gh[nb] = pltpu.async_copy(
                    table_hbm.at[idx_v.at[pl.ds((c + 1) * chunk, chunk)]],
                    rows[nb], gsem[nb])
            gh[b].wait()
            oh[b] = pltpu.async_copy(
                rows[b], out_hbm.at[pl.ds(base + c * chunk, chunk)], osem[b])
        oh[(n_chunks - 2) % 2].wait()
        oh[(n_chunks - 1) % 2].wait()

    return g


def _moe_grouped_body(eot_ref, xs_ref, w1_ref, b1_ref, w2_ref, b2_ref, ys_ref):
    xb = _unpack16(xs_ref[...]).astype(jnp.bfloat16)
    h = jnp.dot(xb, w1_ref[0], preferred_element_type=jnp.float32) + b1_ref[0]
    a = 0.5 * h * (1.0 + lax.erf(h / math.sqrt(2.0)))
    y = jnp.dot(a.astype(jnp.bfloat16), w2_ref[0],
                preferred_element_type=jnp.float32) + b2_ref[0]
    ys_ref[...] = _pack16(y.astype(jnp.bfloat16))


def _combine_body(hidden_ref, gates_ref, y1_ref, y2_ref, out_ref):
    g = gates_ref[...]
    w1 = jnp.max(g, axis=-1, keepdims=True)
    w2 = jnp.sum(g, axis=-1, keepdims=True) - w1
    y1 = _unpack16(y1_ref[...])
    y2 = _unpack16(y2_ref[...])
    out_ref[...] = hidden_ref[...] + w1 * y1 + w2 * y2


def kernel(hidden_states, ln1_g, ln1_b, Wq, bq, Wk, bk, Wv, bv, Wl, bl,
           ln2_g, ln2_b, Wr, br, W1, b1, W2, b2):
    x = hidden_states.reshape(S, H)
    bf = jnp.bfloat16
    Wq16, Wk16, Wv16, Wr16 = (w.astype(bf) for w in (Wq, Wk, Wv, Wr))
    W1_16, W2_16 = W1.astype(bf), W2.astype(bf)

    row = lambda a: a.reshape(1, -1)

    hidden, x2, gates = pl.pallas_call(
        _attn_router_body,
        grid=(NST,),
        in_specs=[
            pl.BlockSpec((TS, H), lambda s: (s, 0)),
            pl.BlockSpec((1, H), lambda s: (0, 0)),
            pl.BlockSpec((1, H), lambda s: (0, 0)),
            pl.BlockSpec((H, H), lambda s: (0, 0)),
            pl.BlockSpec((1, H), lambda s: (0, 0)),
            pl.BlockSpec((H, H), lambda s: (0, 0)),
            pl.BlockSpec((1, H), lambda s: (0, 0)),
            pl.BlockSpec((H, H), lambda s: (0, 0)),
            pl.BlockSpec((1, H), lambda s: (0, 0)),
            pl.BlockSpec((1, H), lambda s: (0, 0)),
            pl.BlockSpec((1, H), lambda s: (0, 0)),
            pl.BlockSpec((H, E), lambda s: (0, 0)),
            pl.BlockSpec((1, E), lambda s: (0, 0)),
        ],
        out_specs=[
            pl.BlockSpec((TS, H), lambda s: (s, 0)),
            pl.BlockSpec((TS, HP), lambda s: (s, 0)),
            pl.BlockSpec((TS, E), lambda s: (s, 0)),
        ],
        out_shape=[
            jax.ShapeDtypeStruct((S, H), jnp.float32),
            jax.ShapeDtypeStruct((S, HP), jnp.int32),
            jax.ShapeDtypeStruct((S, E), jnp.float32),
        ],
    )(x, row(ln1_g), row(ln1_b), Wq16, row(bq), Wk16, row(bk), Wv16, row(bv),
      row(ln2_g), row(ln2_b), Wr16, row(br))

    iota_e = jnp.arange(E, dtype=jnp.int32)[None, :]
    i1 = jnp.argmax(gates, axis=-1).astype(jnp.int32)
    masked = jnp.where(iota_e == i1[:, None], -1.0, gates)
    i2 = jnp.argmax(masked, axis=-1).astype(jnp.int32)
    e_all = jnp.concatenate([i1, i2])
    oh = (e_all[:, None] == iota_e).astype(jnp.int32)
    cum = jnp.cumsum(oh, axis=0)
    rank = jnp.take_along_axis(cum, e_all[:, None], axis=1)[:, 0] - 1
    counts = cum[-1]
    padded = ((counts + TB - 1) // TB) * TB
    ends = jnp.cumsum(padded)
    off = ends - padded
    dest = off[e_all] + rank
    src_tok = jnp.concatenate([jnp.arange(S, dtype=jnp.int32)] * 2)
    src_idx = jnp.zeros((NP,), jnp.int32).at[dest].set(src_tok)
    pos12 = dest
    t_starts = jnp.arange(NT, dtype=jnp.int32) * TB
    eot = jnp.minimum(
        jnp.sum((t_starts[:, None] >= ends[None, :]).astype(jnp.int32), axis=1),
        E - 1).astype(jnp.int32)

    xs = _make_sc_gather(HP, NP, jnp.int32)(x2, src_idx)

    ys = pl.pallas_call(
        _moe_grouped_body,
        grid_spec=pltpu.PrefetchScalarGridSpec(
            num_scalar_prefetch=1,
            grid=(NT,),
            in_specs=[
                pl.BlockSpec((TB, HP), lambda t, eot_ref: (t, 0)),
                pl.BlockSpec((1, H, F), lambda t, eot_ref: (eot_ref[t], 0, 0)),
                pl.BlockSpec((1, 1, F), lambda t, eot_ref: (eot_ref[t], 0, 0)),
                pl.BlockSpec((1, F, H), lambda t, eot_ref: (eot_ref[t], 0, 0)),
                pl.BlockSpec((1, 1, H), lambda t, eot_ref: (eot_ref[t], 0, 0)),
            ],
            out_specs=pl.BlockSpec((TB, HP), lambda t, eot_ref: (t, 0)),
        ),
        out_shape=jax.ShapeDtypeStruct((NP, HP), jnp.int32),
    )(eot, xs, W1_16, b1.reshape(E, 1, F), W2_16, b2.reshape(E, 1, H))

    y12 = _make_sc_gather(HP, K * S, jnp.int32)(ys, pos12)

    out = pl.pallas_call(
        _combine_body,
        grid=(NST,),
        in_specs=[
            pl.BlockSpec((TS, H), lambda s: (s, 0)),
            pl.BlockSpec((TS, E), lambda s: (s, 0)),
            pl.BlockSpec((TS, HP), lambda s: (s, 0)),
            pl.BlockSpec((TS, HP), lambda s: (s + NST, 0)),
        ],
        out_specs=pl.BlockSpec((TS, H), lambda s: (s, 0)),
        out_shape=jax.ShapeDtypeStruct((S, H), jnp.float32),
    )(hidden, gates, y12, y12)

    return out.reshape(B, S, H)

# --- scband reference (transcript-rebuilt; emitter-appended) ---
"""Pipeline reference for scband-deep-seek-block-82068235092054 (READ-ONLY COPY).

The authoritative reference and input builder live on the scoring server;
editing this copy changes nothing except your own understanding.
"""

import jax, jax.numpy as jnp
import numpy as np

B = 1
S = 2048
H = 1024
NH = 16
HD = H // NH
E = 8
K = 2
F = 2816


def setup_inputs(seed: int = 0) -> dict:
    key = jax.random.key(seed)
    ks = jax.random.split(key, 12)

    def w(k, shape):
        return 0.02 * jax.random.normal(k, shape, jnp.float32)

    inp = {
        'hidden_states': jax.random.normal(ks[0], (B, S, H), jnp.float32),
        'ln1_g': jnp.ones((H,), jnp.float32),
        'ln1_b': jnp.zeros((H,), jnp.float32),
        'Wq': w(ks[1], (H, H)), 'bq': jnp.zeros((H,), jnp.float32),
        'Wk': w(ks[2], (H, H)), 'bk': jnp.zeros((H,), jnp.float32),
        'Wv': w(ks[3], (H, H)), 'bv': jnp.zeros((H,), jnp.float32),
        'Wl': w(ks[4], (H, H)), 'bl': jnp.zeros((H,), jnp.float32),
        'ln2_g': jnp.ones((H,), jnp.float32),
        'ln2_b': jnp.zeros((H,), jnp.float32),
        'Wr': w(ks[5], (H, E)), 'br': jnp.zeros((E,), jnp.float32),
        'W1': w(ks[6], (E, H, F)), 'b1': jnp.zeros((E, F), jnp.float32),
        'W2': w(ks[7], (E, F, H)), 'b2': jnp.zeros((E, H), jnp.float32),
    }
    return inp


def _layernorm(x, g, b):
    mu = jnp.mean(x, axis=-1, keepdims=True)
    var = jnp.mean((x - mu) ** 2, axis=-1, keepdims=True)
    return (x - mu) / jnp.sqrt(var + 1e-5) * g + b


def reference(hidden_states, ln1_g, ln1_b, Wq, bq, Wk, bk, Wv, bv, Wl, bl,
              ln2_g, ln2_b, Wr, br, W1, b1, W2, b2):
    residual = hidden_states
    x = _layernorm(hidden_states, ln1_g, ln1_b)
    # Multi-head 'latent' attention, faithful to the original torch code:
    # q/k/v stay in [B, S, NH, HD] layout (no head transpose), so the matmul
    # contracts over head_dim and attends over the HEADS axis (as written).
    q = (x @ Wq + bq).reshape(B, S, NH, HD)
    k_ = (x @ Wk + bk).reshape(B, S, NH, HD)
    v = (x @ Wv + bv).reshape(B, S, NH, HD)
    latent = x @ Wl + bl  # computed but unused in the original forward
    scores = jnp.einsum('bsnd,bsmd->bsnm', q, k_) / np.sqrt(HD)
    probs = jax.nn.softmax(scores, axis=-1)
    ctx = jnp.einsum('bsnm,bsmd->bsnd', probs, v).reshape(B, S, H)
    hidden = residual + ctx
    residual = hidden
    x2 = _layernorm(hidden, ln2_g, ln2_b)
    # DeepSeek MoE: router -> softmax -> top-k -> renormalize -> per-token experts
    logits = x2 @ Wr + br
    rw = jax.nn.softmax(logits, axis=-1)
    topw, topi = jax.lax.top_k(rw, K)
    topw = topw / jnp.sum(topw, axis=-1, keepdims=True)
    # Dense all-expert compute, then per-token one-hot select (same math as
    # applying the selected expert MLP to each token).
    h = jnp.einsum('bsh,ehf->ebsf', x2, W1) + b1[:, None, None, :]
    a = jax.nn.gelu(h, approximate=False)
    y = jnp.einsum('ebsf,efh->ebsh', a, W2) + b2[:, None, None, :]
    out = jnp.zeros((B, S, H), jnp.float32)
    for i in range(K):
        mask = jax.nn.one_hot(topi[..., i], E, dtype=jnp.float32)
        sel = jnp.einsum('bse,ebsh->bsh', mask, y)
        out = out + sel * topw[..., i:i + 1]
    return residual + out

if __name__ == "__main__":
    import jax
    _d = setup_inputs()
    print(jax.jit(kernel)(*tuple(_d.values())))

</pallas_src>

<mosaic_0001>
#map = affine_map<(d0, d1) -> (0, 0)>
#map1 = affine_map<(d0, d1) -> (0)>
module attributes {stable_mosaic.version = 14 : i64} {
  func.func @g(%arg0: i32, %arg1: i32, %arg2: memref<2048x512xi32, #tpu.memory_space<hbm>>, %arg3: memref<5120xi32, #tpu.memory_space<hbm>>, %arg4: memref<5120x512xi32, #tpu.memory_space<hbm>>, %arg5: memref<160xi32, #tpu.memory_space<vmem>>, %arg6: memref<80x512xi32, #tpu.memory_space<vmem>>, %arg7: memref<80x512xi32, #tpu.memory_space<vmem>>, %arg8: memref<!tpu.dma_semaphore, #tpu.memory_space<semaphore_mem>>, %arg9: memref<!tpu.dma_semaphore, #tpu.memory_space<semaphore_mem>>, %arg10: memref<!tpu.dma_semaphore, #tpu.memory_space<semaphore_mem>>, %arg11: memref<!tpu.dma_semaphore, #tpu.memory_space<semaphore_mem>>) attributes {dimension_semantics = [#tpu.dimension_semantics<core_parallel>, #tpu.dimension_semantics<subcore_parallel>], iteration_bounds = array<i64: 2, 16>, scalar_prefetch = 0 : i64, scratch_operands = 7 : i64, tpu.core_type = #tpu.core_type<sc_vector_subcore>, window_params = [{transform_indices = #map}, {transform_indices = #map1}, {transform_indices = #map}]} {
    %mul3A = arith.constant 2 : i32
    %mul3A_0 = arith.muli %arg1, %mul3A : i32
    %add3A = arith.addi %mul3A_0, %arg0 : i32
    %mul3A_1 = arith.constant 160 : i32
    %mul3A_2 = arith.muli %add3A, %mul3A_1 : i32
    "tpu.region"() ({
      %run_scoped3A = tpu.sem_alloc : memref<!tpu.dma_semaphore, #tpu.memory_space<semaphore_mem>>
      %dma_start3A_41 = tpu.memref_slice %arg3[%mul3A_2] : memref<5120xi32, #tpu.memory_space<hbm>> -> memref<160xi32, #tpu.memory_space<hbm>>
      %dma_start3A_42 = tpu.memref_slice %arg3[%mul3A_2] : memref<5120xi32, #tpu.memory_space<hbm>> -> memref<160xi32, #tpu.memory_space<hbm>>
      tpu.enqueue_dma source(%dma_start3A_42 : memref<160xi32, #tpu.memory_space<hbm>>) target(%arg5 : memref<160xi32, #tpu.memory_space<vmem>>) target_semaphore(%run_scoped3A : memref<!tpu.dma_semaphore, #tpu.memory_space<semaphore_mem>>)
      %dma_wait3A_43 = tpu.memref_slice %arg3[%mul3A_2] : memref<5120xi32, #tpu.memory_space<hbm>> -> memref<160xi32, #tpu.memory_space<hbm>>
      %dma_wait3A_44 = tpu.memref_slice %arg3[%mul3A_2] : memref<5120xi32, #tpu.memory_space<hbm>> -> memref<160xi32, #tpu.memory_space<hbm>>
      tpu.wait_dma2 semaphore(%run_scoped3A : memref<!tpu.dma_semaphore, #tpu.memory_space<semaphore_mem>>) src(%dma_wait3A_44 : memref<160xi32, #tpu.memory_space<hbm>>) dst(%arg5 : memref<160xi32, #tpu.memory_space<vmem>>)
      tpu.yield
    }) : () -> ()
    %dma_start3A = arith.constant 0 : i32
    %dma_start3A_3 = tpu.memref_slice %arg5[%dma_start3A] : memref<160xi32, #tpu.memory_space<vmem>> -> memref<80xi32, #tpu.memory_space<vmem>>
    %dma_start3A_4 = arith.constant 0 : i32
    %dma_start3A_5 = arith.constant 0 : i32
    %dma_start3A_6 = tpu.memref_slice %arg2[%dma_start3A_4, %dma_start3A_5] : memref<2048x512xi32, #tpu.memory_space<hbm>> -> memref<2048x512xi32, #tpu.memory_space<hbm>>
    tpu.enqueue_indirect_dma source(%dma_start3A_6 : memref<2048x512xi32, #tpu.memory_space<hbm>>) target(%arg6 : memref<80x512xi32, #tpu.memory_space<vmem>>) offsets(%dma_start3A_3 : memref<80xi32, #tpu.memory_space<vmem>>) semaphore(%arg8 : memref<!tpu.dma_semaphore, #tpu.memory_space<semaphore_mem>>)
    %dma_start3A_7 = arith.constant 80 : i32
    %dma_start3A_8 = tpu.memref_slice %arg5[%dma_start3A_7] : memref<160xi32, #tpu.memory_space<vmem>> -> memref<80xi32, #tpu.memory_space<vmem>>
    %dma_start3A_9 = arith.constant 0 : i32
    %dma_start3A_10 = arith.constant 0 : i32
    %dma_start3A_11 = tpu.memref_slice %arg2[%dma_start3A_9, %dma_start3A_10] : memref<2048x512xi32, #tpu.memory_space<hbm>> -> memref<2048x512xi32, #tpu.memory_space<hbm>>
    tpu.enqueue_indirect_dma source(%dma_start3A_11 : memref<2048x512xi32, #tpu.memory_space<hbm>>) target(%arg7 : memref<80x512xi32, #tpu.memory_space<vmem>>) offsets(%dma_start3A_8 : memref<80xi32, #tpu.memory_space<vmem>>) semaphore(%arg9 : memref<!tpu.dma_semaphore, #tpu.memory_space<semaphore_mem>>)
    %dma_wait3A = arith.constant 0 : i32
    %dma_wait3A_12 = tpu.memref_slice %arg5[%dma_wait3A] : memref<160xi32, #tpu.memory_space<vmem>> -> memref<80xi32, #tpu.memory_space<vmem>>
    %dma_wait3A_13 = arith.constant 0 : i32
    %dma_wait3A_14 = arith.constant 0 : i32
    %dma_wait3A_15 = tpu.memref_slice %arg2[%dma_wait3A_13, %dma_wait3A_14] : memref<2048x512xi32, #tpu.memory_space<hbm>> -> memref<2048x512xi32, #tpu.memory_space<hbm>>
    tpu.wait_indirect_dma semaphore(%arg8 : memref<!tpu.dma_semaphore, #tpu.memory_space<semaphore_mem>>) src(%dma_wait3A_15 : memref<2048x512xi32, #tpu.memory_space<hbm>>) dst(%arg6 : memref<80x512xi32, #tpu.memory_space<vmem>>)
    %add3A_16 = arith.constant 0 : i32
    %add3A_17 = arith.addi %mul3A_2, %add3A_16 : i32
    %dma_start3A_18 = arith.constant 0 : i32
    %dma_start3A_19 = tpu.memref_slice %arg4[%add3A_17, %dma_start3A_18] : memref<5120x512xi32, #tpu.memory_space<hbm>> -> memref<80x512xi32, #tpu.memory_space<hbm>>
    %dma_start3A_20 = arith.constant 0 : i32
    %dma_start3A_21 = tpu.memref_slice %arg4[%add3A_17, %dma_start3A_20] : memref<5120x512xi32, #tpu.memory_space<hbm>> -> memref<80x512xi32, #tpu.memory_space<hbm>>
    tpu.enqueue_dma source(%arg6 : memref<80x512xi32, #tpu.memory_space<vmem>>) target(%dma_start3A_21 : memref<80x512xi32, #tpu.memory_space<hbm>>) target_semaphore(%arg10 : memref<!tpu.dma_semaphore, #tpu.memory_space<semaphore_mem>>)
    %dma_wait3A_22 = arith.constant 80 : i32
    %dma_wait3A_23 = tpu.memref_slice %arg5[%dma_wait3A_22] : memref<160xi32, #tpu.memory_space<vmem>> -> memref<80xi32, #tpu.memory_space<vmem>>
    %dma_wait3A_24 = arith.constant 0 : i32
    %dma_wait3A_25 = arith.constant 0 : i32
    %dma_wait3A_26 = tpu.memref_slice %arg2[%dma_wait3A_24, %dma_wait3A_25] : memref<2048x512xi32, #tpu.memory_space<hbm>> -> memref<2048x512xi32, #tpu.memory_space<hbm>>
    tpu.wait_indirect_dma semaphore(%arg9 : memref<!tpu.dma_semaphore, #tpu.memory_space<semaphore_mem>>) src(%dma_wait3A_26 : memref<2048x512xi32, #tpu.memory_space<hbm>>) dst(%arg7 : memref<80x512xi32, #tpu.memory_space<vmem>>)
    %add3A_27 = arith.constant 80 : i32
    %add3A_28 = arith.addi %mul3A_2, %add3A_27 : i32
    %dma_start3A_29 = arith.constant 0 : i32
    %dma_start3A_30 = tpu.memref_slice %arg4[%add3A_28, %dma_start3A_29] : memref<5120x512xi32, #tpu.memory_space<hbm>> -> memref<80x512xi32, #tpu.memory_space<hbm>>
    %dma_start3A_31 = arith.constant 0 : i32
    %dma_start3A_32 = tpu.memref_slice %arg4[%add3A_28, %dma_start3A_31] : memref<5120x512xi32, #tpu.memory_space<hbm>> -> memref<80x512xi32, #tpu.memory_space<hbm>>
    tpu.enqueue_dma source(%arg7 : memref<80x512xi32, #tpu.memory_space<vmem>>) target(%dma_start3A_32 : memref<80x512xi32, #tpu.memory_space<hbm>>) target_semaphore(%arg11 : memref<!tpu.dma_semaphore, #tpu.memory_space<semaphore_mem>>)
    %dma_wait3A_33 = arith.constant 0 : i32
    %dma_wait3A_34 = tpu.memref_slice %arg4[%add3A_17, %dma_wait3A_33] : memref<5120x512xi32, #tpu.memory_space<hbm>> -> memref<80x512xi32, #tpu.memory_space<hbm>>
    %dma_wait3A_35 = arith.constant 0 : i32
    %dma_wait3A_36 = tpu.memref_slice %arg4[%add3A_17, %dma_wait3A_35] : memref<5120x512xi32, #tpu.memory_space<hbm>> -> memref<80x512xi32, #tpu.memory_space<hbm>>
    tpu.wait_dma2 semaphore(%arg10 : memref<!tpu.dma_semaphore, #tpu.memory_space<semaphore_mem>>) src(%arg6 : memref<80x512xi32, #tpu.memory_space<vmem>>) dst(%dma_wait3A_36 : memref<80x512xi32, #tpu.memory_space<hbm>>)
    %dma_wait3A_37 = arith.constant 0 : i32
    %dma_wait3A_38 = tpu.memref_slice %arg4[%add3A_28, %dma_wait3A_37] : memref<5120x512xi32, #tpu.memory_space<hbm>> -> memref<80x512xi32, #tpu.memory_space<hbm>>
    %dma_wait3A_39 = arith.constant 0 : i32
    %dma_wait3A_40 = tpu.memref_slice %arg4[%add3A_28, %dma_wait3A_39] : memref<5120x512xi32, #tpu.memory_space<hbm>> -> memref<80x512xi32, #tpu.memory_space<hbm>>
    tpu.wait_dma2 semaphore(%arg11 : memref<!tpu.dma_semaphore, #tpu.memory_space<semaphore_mem>>) src(%arg7 : memref<80x512xi32, #tpu.memory_space<vmem>>) dst(%dma_wait3A_40 : memref<80x512xi32, #tpu.memory_space<hbm>>)
    return
  }
}

#map = affine_map<(d0, d1) -> (0, 0)>
#map1 = affine_map<(d0, d1) -> (0)>
module attributes {stable_mosaic.version = 14 : i64} {
  func.func @g(%arg0: i32, %arg1: i32, %arg2: memref<5120x512xi32, #tpu.memory_space<hbm>>, %arg3: memref<4096xi32, #tpu.memory_space<hbm>>, %arg4: memref<4096x512xi32, #tpu.memory_space<hbm>>, %arg5: memref<128xi32, #tpu.memory_space<vmem>>, %arg6: memref<64x512xi32, #tpu.memory_space<vmem>>, %arg7: memref<64x512xi32, #tpu.memory_space<vmem>>, %arg8: memref<!tpu.dma_semaphore, #tpu.memory_space<semaphore_mem>>, %arg9: memref<!tpu.dma_semaphore, #tpu.memory_space<semaphore_mem>>, %arg10: memref<!tpu.dma_semaphore, #tpu.memory_space<semaphore_mem>>, %arg11: memref<!tpu.dma_semaphore, #tpu.memory_space<semaphore_mem>>) attributes {dimension_semantics = [#tpu.dimension_semantics<core_parallel>, #tpu.dimension_semantics<subcore_parallel>], iteration_bounds = array<i64: 2, 16>, scalar_prefetch = 0 : i64, scratch_operands = 7 : i64, tpu.core_type = #tpu.core_type<sc_vector_subcore>, window_params = [{transform_indices = #map}, {transform_indices = #map1}, {transform_indices = #map}]} {
    %mul3A = arith.constant 2 : i32
    %mul3A_0 = arith.muli %arg1, %mul3A : i32
    %add3A = arith.addi %mul3A_0, %arg0 : i32
    %mul3A_1 = arith.constant 128 : i32
    %mul3A_2 = arith.muli %add3A, %mul3A_1 : i32
    "tpu.region"() ({
      %run_scoped3A = tpu.sem_alloc : memref<!tpu.dma_semaphore, #tpu.memory_space<semaphore_mem>>
      %dma_start3A_41 = tpu.memref_slice %arg3[%mul3A_2] : memref<4096xi32, #tpu.memory_space<hbm>> -> memref<128xi32, #tpu.memory_space<hbm>>
      %dma_start3A_42 = tpu.memref_slice %arg3[%mul3A_2] : memref<4096xi32, #tpu.memory_space<hbm>> -> memref<128xi32, #tpu.memory_space<hbm>>
      tpu.enqueue_dma source(%dma_start3A_42 : memref<128xi32, #tpu.memory_space<hbm>>) target(%arg5 : memref<128xi32, #tpu.memory_space<vmem>>) target_semaphore(%run_scoped3A : memref<!tpu.dma_semaphore, #tpu.memory_space<semaphore_mem>>)
      %dma_wait3A_43 = tpu.memref_slice %arg3[%mul3A_2] : memref<4096xi32, #tpu.memory_space<hbm>> -> memref<128xi32, #tpu.memory_space<hbm>>
      %dma_wait3A_44 = tpu.memref_slice %arg3[%mul3A_2] : memref<4096xi32, #tpu.memory_space<hbm>> -> memref<128xi32, #tpu.memory_space<hbm>>
      tpu.wait_dma2 semaphore(%run_scoped3A : memref<!tpu.dma_semaphore, #tpu.memory_space<semaphore_mem>>) src(%dma_wait3A_44 : memref<128xi32, #tpu.memory_space<hbm>>) dst(%arg5 : memref<128xi32, #tpu.memory_space<vmem>>)
      tpu.yield
    }) : () -> ()
    %dma_start3A = arith.constant 0 : i32
    %dma_start3A_3 = tpu.memref_slice %arg5[%dma_start3A] : memref<128xi32, #tpu.memory_space<vmem>> -> memref<64xi32, #tpu.memory_space<vmem>>
    %dma_start3A_4 = arith.constant 0 : i32
    %dma_start3A_5 = arith.constant 0 : i32
    %dma_start3A_6 = tpu.memref_slice %arg2[%dma_start3A_4, %dma_start3A_5] : memref<5120x512xi32, #tpu.memory_space<hbm>> -> memref<5120x512xi32, #tpu.memory_space<hbm>>
    tpu.enqueue_indirect_dma source(%dma_start3A_6 : memref<5120x512xi32, #tpu.memory_space<hbm>>) target(%arg6 : memref<64x512xi32, #tpu.memory_space<vmem>>) offsets(%dma_start3A_3 : memref<64xi32, #tpu.memory_space<vmem>>) semaphore(%arg8 : memref<!tpu.dma_semaphore, #tpu.memory_space<semaphore_mem>>)
    %dma_start3A_7 = arith.constant 64 : i32
    %dma_start3A_8 = tpu.memref_slice %arg5[%dma_start3A_7] : memref<128xi32, #tpu.memory_space<vmem>> -> memref<64xi32, #tpu.memory_space<vmem>>
    %dma_start3A_9 = arith.constant 0 : i32
    %dma_start3A_10 = arith.constant 0 : i32
    %dma_start3A_11 = tpu.memref_slice %arg2[%dma_start3A_9, %dma_start3A_10] : memref<5120x512xi32, #tpu.memory_space<hbm>> -> memref<5120x512xi32, #tpu.memory_space<hbm>>
    tpu.enqueue_indirect_dma source(%dma_start3A_11 : memref<5120x512xi32, #tpu.memory_space<hbm>>) target(%arg7 : memref<64x512xi32, #tpu.memory_space<vmem>>) offsets(%dma_start3A_8 : memref<64xi32, #tpu.memory_space<vmem>>) semaphore(%arg9 : memref<!tpu.dma_semaphore, #tpu.memory_space<semaphore_mem>>)
    %dma_wait3A = arith.constant 0 : i32
    %dma_wait3A_12 = tpu.memref_slice %arg5[%dma_wait3A] : memref<128xi32, #tpu.memory_space<vmem>> -> memref<64xi32, #tpu.memory_space<vmem>>
    %dma_wait3A_13 = arith.constant 0 : i32
    %dma_wait3A_14 = arith.constant 0 : i32
    %dma_wait3A_15 = tpu.memref_slice %arg2[%dma_wait3A_13, %dma_wait3A_14] : memref<5120x512xi32, #tpu.memory_space<hbm>> -> memref<5120x512xi32, #tpu.memory_space<hbm>>
    tpu.wait_indirect_dma semaphore(%arg8 : memref<!tpu.dma_semaphore, #tpu.memory_space<semaphore_mem>>) src(%dma_wait3A_15 : memref<5120x512xi32, #tpu.memory_space<hbm>>) dst(%arg6 : memref<64x512xi32, #tpu.memory_space<vmem>>)
    %add3A_16 = arith.constant 0 : i32
    %add3A_17 = arith.addi %mul3A_2, %add3A_16 : i32
    %dma_start3A_18 = arith.constant 0 : i32
    %dma_start3A_19 = tpu.memref_slice %arg4[%add3A_17, %dma_start3A_18] : memref<4096x512xi32, #tpu.memory_space<hbm>> -> memref<64x512xi32, #tpu.memory_space<hbm>>
    %dma_start3A_20 = arith.constant 0 : i32
    %dma_start3A_21 = tpu.memref_slice %arg4[%add3A_17, %dma_start3A_20] : memref<4096x512xi32, #tpu.memory_space<hbm>> -> memref<64x512xi32, #tpu.memory_space<hbm>>
    tpu.enqueue_dma source(%arg6 : memref<64x512xi32, #tpu.memory_space<vmem>>) target(%dma_start3A_21 : memref<64x512xi32, #tpu.memory_space<hbm>>) target_semaphore(%arg10 : memref<!tpu.dma_semaphore, #tpu.memory_space<semaphore_mem>>)
    %dma_wait3A_22 = arith.constant 64 : i32
    %dma_wait3A_23 = tpu.memref_slice %arg5[%dma_wait3A_22] : memref<128xi32, #tpu.memory_space<vmem>> -> memref<64xi32, #tpu.memory_space<vmem>>
    %dma_wait3A_24 = arith.constant 0 : i32
    %dma_wait3A_25 = arith.constant 0 : i32
    %dma_wait3A_26 = tpu.memref_slice %arg2[%dma_wait3A_24, %dma_wait3A_25] : memref<5120x512xi32, #tpu.memory_space<hbm>> -> memref<5120x512xi32, #tpu.memory_space<hbm>>
    tpu.wait_indirect_dma semaphore(%arg9 : memref<!tpu.dma_semaphore, #tpu.memory_space<semaphore_mem>>) src(%dma_wait3A_26 : memref<5120x512xi32, #tpu.memory_space<hbm>>) dst(%arg7 : memref<64x512xi32, #tpu.memory_space<vmem>>)
    %add3A_27 = arith.constant 64 : i32
    %add3A_28 = arith.addi %mul3A_2, %add3A_27 : i32
    %dma_start3A_29 = arith.constant 0 : i32
    %dma_start3A_30 = tpu.memref_slice %arg4[%add3A_28, %dma_start3A_29] : memref<4096x512xi32, #tpu.memory_space<hbm>> -> memref<64x512xi32, #tpu.memory_space<hbm>>
    %dma_start3A_31 = arith.constant 0 : i32
    %dma_start3A_32 = tpu.memref_slice %arg4[%add3A_28, %dma_start3A_31] : memref<4096x512xi32, #tpu.memory_space<hbm>> -> memref<64x512xi32, #tpu.memory_space<hbm>>
    tpu.enqueue_dma source(%arg7 : memref<64x512xi32, #tpu.memory_space<vmem>>) target(%dma_start3A_32 : memref<64x512xi32, #tpu.memory_space<hbm>>) target_semaphore(%arg11 : memref<!tpu.dma_semaphore, #tpu.memory_space<semaphore_mem>>)
    %dma_wait3A_33 = arith.constant 0 : i32
    %dma_wait3A_34 = tpu.memref_slice %arg4[%add3A_17, %dma_wait3A_33] : memref<4096x512xi32, #tpu.memory_space<hbm>> -> memref<64x512xi32, #tpu.memory_space<hbm>>
    %dma_wait3A_35 = arith.constant 0 : i32
    %dma_wait3A_36 = tpu.memref_slice %arg4[%add3A_17, %dma_wait3A_35] : memref<4096x512xi32, #tpu.memory_space<hbm>> -> memref<64x512xi32, #tpu.memory_space<hbm>>
    tpu.wait_dma2 semaphore(%arg10 : memref<!tpu.dma_semaphore, #tpu.memory_space<semaphore_mem>>) src(%arg6 : memref<64x512xi32, #tpu.memory_space<vmem>>) dst(%dma_wait3A_36 : memref<64x512xi32, #tpu.memory_space<hbm>>)
    %dma_wait3A_37 = arith.constant 0 : i32
    %dma_wait3A_38 = tpu.memref_slice %arg4[%add3A_28, %dma_wait3A_37] : memref<4096x512xi32, #tpu.memory_space<hbm>> -> memref<64x512xi32, #tpu.memory_space<hbm>>
    %dma_wait3A_39 = arith.constant 0 : i32
    %dma_wait3A_40 = tpu.memref_slice %arg4[%add3A_28, %dma_wait3A_39] : memref<4096x512xi32, #tpu.memory_space<hbm>> -> memref<64x512xi32, #tpu.memory_space<hbm>>
    tpu.wait_dma2 semaphore(%arg11 : memref<!tpu.dma_semaphore, #tpu.memory_space<semaphore_mem>>) src(%arg7 : memref<64x512xi32, #tpu.memory_space<vmem>>) dst(%dma_wait3A_40 : memref<64x512xi32, #tpu.memory_space<hbm>>)
    return
  }
}

module attributes {stable_mosaic.version = 14 : i64} {
  func.func @_attn_router_body(%arg0: i32, %arg1: memref<256x1024xf32, #tpu.memory_space<vmem>>, %arg2: memref<1x1024xf32, #tpu.memory_space<vmem>>, %arg3: memref<1x1024xf32, #tpu.memory_space<vmem>>, %arg4: memref<1024x1024xbf16, #tpu.memory_space<vmem>>, %arg5: memref<1x1024xf32, #tpu.memory_space<vmem>>, %arg6: memref<1024x1024xbf16, #tpu.memory_space<vmem>>, %arg7: memref<1x1024xf32, #tpu.memory_space<vmem>>, %arg8: memref<1024x1024xbf16, #tpu.memory_space<vmem>>, %arg9: memref<1x1024xf32, #tpu.memory_space<vmem>>, %arg10: memref<1x1024xf32, #tpu.memory_space<vmem>>, %arg11: memref<1x1024xf32, #tpu.memory_space<vmem>>, %arg12: memref<1024x8xbf16, #tpu.memory_space<vmem>>, %arg13: memref<1x8xf32, #tpu.memory_space<vmem>>, %arg14: memref<256x1024xf32, #tpu.memory_space<vmem>>, %arg15: memref<256x512xi32, #tpu.memory_space<vmem>>, %arg16: memref<256x8xf32, #tpu.memory_space<vmem>>) attributes {dimension_semantics = [#tpu.dimension_semantics<arbitrary>], iteration_bounds = array<i64: 8>, scalar_prefetch = 0 : i64, scratch_operands = 0 : i64, tpu.core_type = #tpu.core_type<tc>, window_params = [{transform_indices = @transform_0, window_bounds = array<i64: 256, 1024>}, {pipeline_mode = #tpu.pipeline_mode<synchronous>, transform_indices = @transform_1, window_bounds = array<i64: 1, 1024>}, {pipeline_mode = #tpu.pipeline_mode<synchronous>, transform_indices = @transform_2, window_bounds = array<i64: 1, 1024>}, {pipeline_mode = #tpu.pipeline_mode<synchronous>, transform_indices = @transform_3, window_bounds = array<i64: 1024, 1024>}, {pipeline_mode = #tpu.pipeline_mode<synchronous>, transform_indices = @transform_4, window_bounds = array<i64: 1, 1024>}, {pipeline_mode = #tpu.pipeline_mode<synchronous>, transform_indices = @transform_5, window_bounds = array<i64: 1024, 1024>}, {pipeline_mode = #tpu.pipeline_mode<synchronous>, transform_indices = @transform_6, window_bounds = array<i64: 1, 1024>}, {pipeline_mode = #tpu.pipeline_mode<synchronous>, transform_indices = @transform_7, window_bounds = array<i64: 1024, 1024>}, {pipeline_mode = #tpu.pipeline_mode<synchronous>, transform_indices = @transform_8, window_bounds = array<i64: 1, 1024>}, {pipeline_mode = #tpu.pipeline_mode<synchronous>, transform_indices = @transform_9, window_bounds = array<i64: 1, 1024>}, {pipeline_mode = #tpu.pipeline_mode<synchronous>, transform_indices = @transform_10, window_bounds = array<i64: 1, 1024>}, {pipeline_mode = #tpu.pipeline_mode<synchronous>, transform_indices = @transform_11, window_bounds = array<i64: 1024, 8>}, {pipeline_mode = #tpu.pipeline_mode<synchronous>, transform_indices = @transform_12, window_bounds = array<i64: 1, 8>}, {transform_indices = @transform_13, window_bounds = array<i64: 256, 1024>}, {transform_indices = @transform_14, window_bounds = array<i64: 256, 512>}, {transform_indices = @transform_15, window_bounds = array<i64: 256, 8>}]} {
    %get3A = arith.constant 0 : index
    %get3A_0 = arith.constant 0 : index
    %get3A_1 = vector.load %arg1[%get3A, %get3A_0] : memref<256x1024xf32, #tpu.memory_space<vmem>>, vector<256x1024xf32>
    %reduce_sum3A = arith.constant dense<0.000000e+00> : vector<256xf32>
    %reduce_sum3A_2 = vector.multi_reduction <add>, %get3A_1, %reduce_sum3A [1] : vector<256x1024xf32> to vector<256xf32>
    %broadcast_in_dim3A = vector.shape_cast %reduce_sum3A_2 : vector<256xf32> to vector<256x1xf32>
    %div3A = arith.constant 1.024000e+03 : f32
    %div3A_3 = vector.broadcast %div3A : f32 to vector<256x1xf32>
    %div3A_4 = arith.divf %broadcast_in_dim3A, %div3A_3 : vector<256x1xf32>
    %sub3A = vector.broadcast %div3A_4 : vector<256x1xf32> to vector<256x1024xf32>
    %sub3A_5 = arith.subf %get3A_1, %sub3A : vector<256x1024xf32>
    %integer_pow3A = arith.mulf %sub3A_5, %sub3A_5 : vector<256x1024xf32>
    %reduce_sum3A_6 = arith.constant dense<0.000000e+00> : vector<256xf32>
    %reduce_sum3A_7 = vector.multi_reduction <add>, %integer_pow3A, %reduce_sum3A_6 [1] : vector<256x1024xf32> to vector<256xf32>
    %broadcast_in_dim3A_8 = vector.shape_cast %reduce_sum3A_7 : vector<256xf32> to vector<256x1xf32>
    %div3A_9 = arith.constant 1.024000e+03 : f32
    %div3A_10 = vector.broadcast %div3A_9 : f32 to vector<256x1xf32>
    %div3A_11 = arith.divf %broadcast_in_dim3A_8, %div3A_10 : vector<256x1xf32>
    %sub3A_12 = vector.broadcast %div3A_4 : vector<256x1xf32> to vector<256x1024xf32>
    %sub3A_13 = arith.subf %get3A_1, %sub3A_12 : vector<256x1024xf32>
    %add3A = arith.constant 9.99999974E-6 : f32
    %add3A_14 = vector.broadcast %add3A : f32 to vector<256x1xf32>
    %add3A_15 = arith.addf %div3A_11, %add3A_14 : vector<256x1xf32>
    %sqrt3A = math.sqrt %add3A_15 : vector<256x1xf32>
    %div3A_16 = vector.broadcast %sqrt3A : vector<256x1xf32> to vector<256x1024xf32>
    %div3A_17 = arith.divf %sub3A_13, %div3A_16 : vector<256x1024xf32>
    %get3A_18 = arith.constant 0 : index
    %get3A_19 = arith.constant 0 : index
    %get3A_20 = vector.load %arg2[%get3A_18, %get3A_19] : memref<1x1024xf32, #tpu.memory_space<vmem>>, vector<1x1024xf32>
    %mul3A = vector.broadcast %get3A_20 : vector<1x1024xf32> to vector<256x1024xf32>
    %mul3A_21 = arith.mulf %div3A_17, %mul3A : vector<256x1024xf32>
    %get3A_22 = arith.constant 0 : index
    %get3A_23 = arith.constant 0 : index
    %get3A_24 = vector.load %arg3[%get3A_22, %get3A_23] : memref<1x1024xf32, #tpu.memory_space<vmem>>, vector<1x1024xf32>
    %add3A_25 = vector.broadcast %get3A_24 : vector<1x1024xf32> to vector<256x1024xf32>
    %add3A_26 = arith.addf %mul3A_21, %add3A_25 : vector<256x1024xf32>
    %convert_element_type3A = arith.truncf %add3A_26 : vector<256x1024xf32> to vector<256x1024xbf16>
    %get3A_27 = arith.constant 0 : index
    %get3A_28 = arith.constant 0 : index
    %get3A_29 = vector.load %arg4[%get3A_27, %get3A_28] : memref<1024x1024xbf16, #tpu.memory_space<vmem>>, vector<1024x1024xbf16>
    %dot_general3A = arith.constant dense<0.000000e+00> : vector<256x1024xf32>
    %dot_general3A_30 = tpu.matmul %convert_element_type3A, %get3A_29, %dot_general3A {dimension_numbers = #tpu.dot_dimension_numbers<[1], [0], [0], [1], [0, 0, 1, 1], [], []>, transpose_lhs_hint = false} : vector<256x1024xbf16>, vector<1024x1024xbf16>, vector<256x1024xf32> -> vector<256x1024xf32>
    %get3A_31 = arith.constant 0 : index
    %get3A_32 = arith.constant 0 : index
    %get3A_33 = vector.load %arg5[%get3A_31, %get3A_32] : memref<1x1024xf32, #tpu.memory_space<vmem>>, vector<1x1024xf32>
    %add3A_34 = vector.broadcast %get3A_33 : vector<1x1024xf32> to vector<256x1024xf32>
    %add3A_35 = arith.addf %dot_general3A_30, %add3A_34 : vector<256x1024xf32>
    %get3A_36 = arith.constant 0 : index
    %get3A_37 = arith.constant 0 : index
    %get3A_38 = vector.load %arg6[%get3A_36, %get3A_37] : memref<1024x1024xbf16, #tpu.memory_space<vmem>>, vector<1024x1024xbf16>
    %dot_general3A_39 = arith.constant dense<0.000000e+00> : vector<256x1024xf32>
    %dot_general3A_40 = tpu.matmul %convert_element_type3A, %get3A_38, %dot_general3A_39 {dimension_numbers = #tpu.dot_dimension_numbers<[1], [0], [0], [1], [0, 0, 1, 1], [], []>, transpose_lhs_hint = false} : vector<256x1024xbf16>, vector<1024x1024xbf16>, vector<256x1024xf32> -> vector<256x1024xf32>
    %get3A_41 = arith.constant 0 : index
    %get3A_42 = arith.constant 0 : index
    %get3A_43 = vector.load %arg7[%get3A_41, %get3A_42] : memref<1x1024xf32, #tpu.memory_space<vmem>>, vector<1x1024xf32>
    %add3A_44 = vector.broadcast %get3A_43 : vector<1x1024xf32> to vector<256x1024xf32>
    %add3A_45 = arith.addf %dot_general3A_40, %add3A_44 : vector<256x1024xf32>
    %get3A_46 = arith.constant 0 : index
    %get3A_47 = arith.constant 0 : index
    %get3A_48 = vector.load %arg8[%get3A_46, %get3A_47] : memref<1024x1024xbf16, #tpu.memory_space<vmem>>, vector<1024x1024xbf16>
    %dot_general3A_49 = arith.constant dense<0.000000e+00> : vector<256x1024xf32>
    %dot_general3A_50 = tpu.matmul %convert_element_type3A, %get3A_48, %dot_general3A_49 {dimension_numbers = #tpu.dot_dimension_numbers<[1], [0], [0], [1], [0, 0, 1, 1], [], []>, transpose_lhs_hint = false} : vector<256x1024xbf16>, vector<1024x1024xbf16>, vector<256x1024xf32> -> vector<256x1024xf32>
    %get3A_51 = arith.constant 0 : index
    %get3A_52 = arith.constant 0 : index
    %get3A_53 = vector.load %arg9[%get3A_51, %get3A_52] : memref<1x1024xf32, #tpu.memory_space<vmem>>, vector<1x1024xf32>
    %add3A_54 = vector.broadcast %get3A_53 : vector<1x1024xf32> to vector<256x1024xf32>
    %add3A_55 = arith.addf %dot_general3A_50, %add3A_54 : vector<256x1024xf32>
    %iota3A = tpu.iota {dimensions = array<i32: 0>} : vector<1024x16xi32>
    %iota3A_56 = tpu.iota {dimensions = array<i32: 1>} : vector<1024x16xi32>
    %jit3A = arith.constant 64 : i32
    %div3A_57 = vector.broadcast %jit3A : i32 to vector<1024x16xi32>
    %div3A_58 = arith.divsi %iota3A, %div3A_57 : vector<1024x16xi32>
    %sign3A = arith.constant 0 : i32
    %sign3A_59 = vector.broadcast %sign3A : i32 to vector<1024x16xi32>
    %sign3A_60 = arith.cmpi sgt, %iota3A, %sign3A_59 : vector<1024x16xi32>
    %sign3A_61 = arith.extui %sign3A_60 : vector<1024x16xi1> to vector<1024x16xi32>
    %sign3A_62 = arith.constant 0 : i32
    %sign3A_63 = vector.broadcast %sign3A_62 : i32 to vector<1024x16xi32>
    %sign3A_64 = arith.cmpi slt, %iota3A, %sign3A_63 : vector<1024x16xi32>
    %sign3A_65 = arith.extui %sign3A_64 : vector<1024x16xi1> to vector<1024x16xi32>
    %sign3A_66 = arith.subi %sign3A_61, %sign3A_65 : vector<1024x16xi32>
    %sign3A_67 = arith.constant 0 : i32
    %sign3A_68 = arith.cmpi sgt, %jit3A, %sign3A_67 : i32
    %sign3A_69 = arith.extui %sign3A_68 : i1 to i32
    %sign3A_70 = arith.constant 0 : i32
    %sign3A_71 = arith.cmpi slt, %jit3A, %sign3A_70 : i32
    %sign3A_72 = arith.extui %sign3A_71 : i1 to i32
    %sign3A_73 = arith.subi %sign3A_69, %sign3A_72 : i32
    %ne3A = vector.broadcast %sign3A_73 : i32 to vector<1024x16xi32>
    %ne3A_74 = arith.cmpi ne, %sign3A_66, %ne3A : vector<1024x16xi32>
    %rem3A = vector.broadcast %jit3A : i32 to vector<1024x16xi32>
    %rem3A_75 = arith.remsi %iota3A, %rem3A : vector<1024x16xi32>
    %ne3A_76 = arith.constant 0 : i32
    %ne3A_77 = vector.broadcast %ne3A_76 : i32 to vector<1024x16xi32>
    %ne3A_78 = arith.cmpi ne, %rem3A_75, %ne3A_77 : vector<1024x16xi32>
    %and3A = arith.andi %ne3A_74, %ne3A_78 : vector<1024x16xi1>
    %sub3A_79 = arith.constant 1 : i32
    %sub3A_80 = vector.broadcast %sub3A_79 : i32 to vector<1024x16xi32>
    %sub3A_81 = arith.subi %div3A_58, %sub3A_80 : vector<1024x16xi32>
    %select_n3A = arith.select %and3A, %sub3A_81, %div3A_58 : vector<1024x16xi1>, vector<1024x16xi32>
    %eq3A = arith.cmpi eq, %select_n3A, %iota3A_56 : vector<1024x16xi32>
    %convert_element_type3A_82 = arith.extui %eq3A : vector<1024x16xi1> to vector<1024x16xi32>
    %convert_element_type3A_83 = arith.sitofp %convert_element_type3A_82 : vector<1024x16xi32> to vector<1024x16xf32>
    %convert_element_type3A_84 = arith.truncf %add3A_35 : vector<256x1024xf32> to vector<256x1024xbf16>
    %convert_element_type3A_85 = arith.extf %convert_element_type3A_84 : vector<256x1024xbf16> to vector<256x1024xf32>
    %convert_element_type3A_86 = arith.truncf %add3A_45 : vector<256x1024xf32> to vector<256x1024xbf16>
    %convert_element_type3A_87 = arith.extf %convert_element_type3A_86 : vector<256x1024xbf16> to vector<256x1024xf32>
    %convert_element_type3A_88 = arith.truncf %add3A_55 : vector<256x1024xf32> to vector<256x1024xbf16>
    %convert_element_type3A_89 = arith.extf %convert_element_type3A_88 : vector<256x1024xbf16> to vector<256x1024xf32>
    %slice3A = vector.extract_strided_slice %convert_element_type3A_85 {offsets = [0, 0], sizes = [256, 64], strides = [1, 1]} : vector<256x1024xf32> to vector<256x64xf32>
    %concatenate3A = tpu.concatenate %slice3A, %slice3A, %slice3A, %slice3A, %slice3A, %slice3A, %slice3A, %slice3A, %slice3A, %slice3A, %slice3A, %slice3A, %slice3A, %slice3A, %slice3A, %slice3A in 1 : vector<256x64xf32>, vector<256x64xf32>, vector<256x64xf32>, vector<256x64xf32>, vector<256x64xf32>, vector<256x64xf32>, vector<256x64xf32>, vector<256x64xf32>, vector<256x64xf32>, vector<256x64xf32>, vector<256x64xf32>, vector<256x64xf32>, vector<256x64xf32>, vector<256x64xf32>, vector<256x64xf32>, vector<256x64xf32> -> vector<256x1024xf32>
    %mul3A_90 = arith.mulf %concatenate3A, %convert_element_type3A_87 : vector<256x1024xf32>
    %dot_general3A_91 = arith.constant dense<0.000000e+00> : vector<256x16xf32>
    %dot_general3A_92 = tpu.matmul %mul3A_90, %convert_element_type3A_83, %dot_general3A_91 {dimension_numbers = #tpu.dot_dimension_numbers<[1], [0], [0], [1], [0, 0, 1, 1], [], []>, precision = #tpu.contract_precision<fp32>, transpose_lhs_hint = false} : vector<256x1024xf32>, vector<1024x16xf32>, vector<256x16xf32> -> vector<256x16xf32>
    %mul3A_93 = arith.constant 1.250000e-01 : f32
    %mul3A_94 = vector.broadcast %mul3A_93 : f32 to vector<256x16xf32>
    %mul3A_95 = arith.mulf %dot_general3A_92, %mul3A_94 : vector<256x16xf32>
    %reduce_max3A = arith.constant dense<0xFF800000> : vector<256xf32>
    %reduce_max3A_96 = vector.multi_reduction <maximumf>, %mul3A_95, %reduce_max3A [1] : vector<256x16xf32> to vector<256xf32>
    %broadcast_in_dim3A_97 = vector.shape_cast %reduce_max3A_96 : vector<256xf32> to vector<256x1xf32>
    %sub3A_98 = vector.broadcast %broadcast_in_dim3A_97 : vector<256x1xf32> to vector<256x16xf32>
    %sub3A_99 = arith.subf %mul3A_95, %sub3A_98 : vector<256x16xf32>
    %exp3A = math.exp %sub3A_99 : vector<256x16xf32>
    %reduce_sum3A_100 = arith.constant dense<0.000000e+00> : vector<256xf32>
    %reduce_sum3A_101 = vector.multi_reduction <add>, %exp3A, %reduce_sum3A_100 [1] : vector<256x16xf32> to vector<256xf32>
    %broadcast_in_dim3A_102 = vector.shape_cast %reduce_sum3A_101 : vector<256xf32> to vector<256x1xf32>
    %div3A_103 = vector.broadcast %broadcast_in_dim3A_102 : vector<256x1xf32> to vector<256x16xf32>
    %div3A_104 = arith.divf %exp3A, %div3A_103 : vector<256x16xf32>
    %convert_element_type3A_105 = arith.truncf %div3A_104 : vector<256x16xf32> to vector<256x16xbf16>
    %convert_element_type3A_106 = arith.extf %convert_element_type3A_105 : vector<256x16xbf16> to vector<256x16xf32>
    %broadcast_in_dim3A_107 = arith.constant 0.000000e+00 : f32
    %broadcast_in_dim3A_108 = vector.broadcast %broadcast_in_dim3A_107 : f32 to vector<256x64xf32>
    %slice3A_109 = vector.extract_strided_slice %convert_element_type3A_106 {offsets = [0, 0], sizes = [256, 1], strides = [1, 1]} : vector<256x16xf32> to vector<256x1xf32>
    %slice3A_110 = vector.extract_strided_slice %convert_element_type3A_89 {offsets = [0, 0], sizes = [256, 64], strides = [1, 1]} : vector<256x1024xf32> to vector<256x64xf32>
    %mul3A_111 = vector.broadcast %slice3A_109 : vector<256x1xf32> to vector<256x64xf32>
    %mul3A_112 = arith.mulf %mul3A_111, %slice3A_110 : vector<256x64xf32>
    %add3A_113 = arith.addf %broadcast_in_dim3A_108, %mul3A_112 : vector<256x64xf32>
    %slice3A_114 = vector.extract_strided_slice %convert_element_type3A_106 {offsets = [0, 1], sizes = [256, 1], strides = [1, 1]} : vector<256x16xf32> to vector<256x1xf32>
    %slice3A_115 = vector.extract_strided_slice %convert_element_type3A_89 {offsets = [0, 64], sizes = [256, 64], strides = [1, 1]} : vector<256x1024xf32> to vector<256x64xf32>
    %mul3A_116 = vector.broadcast %slice3A_114 : vector<256x1xf32> to vector<256x64xf32>
    %mul3A_117 = arith.mulf %mul3A_116, %slice3A_115 : vector<256x64xf32>
    %add3A_118 = arith.addf %add3A_113, %mul3A_117 : vector<256x64xf32>
    %slice3A_119 = vector.extract_strided_slice %convert_element_type3A_106 {offsets = [0, 2], sizes = [256, 1], strides = [1, 1]} : vector<256x16xf32> to vector<256x1xf32>
    %slice3A_120 = vector.extract_strided_slice %convert_element_type3A_89 {offsets = [0, 128], sizes = [256, 64], strides = [1, 1]} : vector<256x1024xf32> to vector<256x64xf32>
    %mul3A_121 = vector.broadcast %slice3A_119 : vector<256x1xf32> to vector<256x64xf32>
    %mul3A_122 = arith.mulf %mul3A_121, %slice3A_120 : vector<256x64xf32>
    %add3A_123 = arith.addf %add3A_118, %mul3A_122 : vector<256x64xf32>
    %slice3A_124 = vector.extract_strided_slice %convert_element_type3A_106 {offsets = [0, 3], sizes = [256, 1], strides = [1, 1]} : vector<256x16xf32> to vector<256x1xf32>
    %slice3A_125 = vector.extract_strided_slice %convert_element_type3A_89 {offsets = [0, 192], sizes = [256, 64], strides = [1, 1]} : vector<256x1024xf32> to vector<256x64xf32>
    %mul3A_126 = vector.broadcast %slice3A_124 : vector<256x1xf32> to vector<256x64xf32>
    %mul3A_127 = arith.mulf %mul3A_126, %slice3A_125 : vector<256x64xf32>
    %add3A_128 = arith.addf %add3A_123, %mul3A_127 : vector<256x64xf32>
    %slice3A_129 = vector.extract_strided_slice %convert_element_type3A_106 {offsets = [0, 4], sizes = [256, 1], strides = [1, 1]} : vector<256x16xf32> to vector<256x1xf32>
    %slice3A_130 = vector.extract_strided_slice %convert_element_type3A_89 {offsets = [0, 256], sizes = [256, 64], strides = [1, 1]} : vector<256x1024xf32> to vector<256x64xf32>
    %mul3A_131 = vector.broadcast %slice3A_129 : vector<256x1xf32> to vector<256x64xf32>
    %mul3A_132 = arith.mulf %mul3A_131, %slice3A_130 : vector<256x64xf32>
    %add3A_133 = arith.addf %add3A_128, %mul3A_132 : vector<256x64xf32>
    %slice3A_134 = vector.extract_strided_slice %convert_element_type3A_106 {offsets = [0, 5], sizes = [256, 1], strides = [1, 1]} : vector<256x16xf32> to vector<256x1xf32>
    %slice3A_135 = vector.extract_strided_slice %convert_element_type3A_89 {offsets = [0, 320], sizes = [256, 64], strides = [1, 1]} : vector<256x1024xf32> to vector<256x64xf32>
    %mul3A_136 = vector.broadcast %slice3A_134 : vector<256x1xf32> to vector<256x64xf32>
    %mul3A_137 = arith.mulf %mul3A_136, %slice3A_135 : vector<256x64xf32>
    %add3A_138 = arith.addf %add3A_133, %mul3A_137 : vector<256x64xf32>
    %slice3A_139 = vector.extract_strided_slice %convert_element_type3A_106 {offsets = [0, 6], sizes = [256, 1], strides = [1, 1]} : vector<256x16xf32> to vector<256x1xf32>
    %slice3A_140 = vector.extract_strided_slice %convert_element_type3A_89 {offsets = [0, 384], sizes = [256, 64], strides = [1, 1]} : vector<256x1024xf32> to vector<256x64xf32>
    %mul3A_141 = vector.broadcast %slice3A_139 : vector<256x1xf32> to vector<256x64xf32>
    %mul3A_142 = arith.mulf %mul3A_141, %slice3A_140 : vector<256x64xf32>
    %add3A_143 = arith.addf %add3A_138, %mul3A_142 : vector<256x64xf32>
    %slice3A_144 = vector.extract_strided_slice %convert_element_type3A_106 {offsets = [0, 7], sizes = [256, 1], strides = [1, 1]} : vector<256x16xf32> to vector<256x1xf32>
    %slice3A_145 = vector.extract_strided_slice %convert_element_type3A_89 {offsets = [0, 448], sizes = [256, 64], strides = [1, 1]} : vector<256x1024xf32> to vector<256x64xf32>
    %mul3A_146 = vector.broadcast %slice3A_144 : vector<256x1xf32> to vector<256x64xf32>
    %mul3A_147 = arith.mulf %mul3A_146, %slice3A_145 : vector<256x64xf32>
    %add3A_148 = arith.addf %add3A_143, %mul3A_147 : vector<256x64xf32>
    %slice3A_149 = vector.extract_strided_slice %convert_element_type3A_106 {offsets = [0, 8], sizes = [256, 1], strides = [1, 1]} : vector<256x16xf32> to vector<256x1xf32>
    %slice3A_150 = vector.extract_strided_slice %convert_element_type3A_89 {offsets = [0, 512], sizes = [256, 64], strides = [1, 1]} : vector<256x1024xf32> to vector<256x64xf32>
    %mul3A_151 = vector.broadcast %slice3A_149 : vector<256x1xf32> to vector<256x64xf32>
    %mul3A_152 = arith.mulf %mul3A_151, %slice3A_150 : vector<256x64xf32>
    %add3A_153 = arith.addf %add3A_148, %mul3A_152 : vector<256x64xf32>
    %slice3A_154 = vector.extract_strided_slice %convert_element_type3A_106 {offsets = [0, 9], sizes = [256, 1], strides = [1, 1]} : vector<256x16xf32> to vector<256x1xf32>
    %slice3A_155 = vector.extract_strided_slice %convert_element_type3A_89 {offsets = [0, 576], sizes = [256, 64], strides = [1, 1]} : vector<256x1024xf32> to vector<256x64xf32>
    %mul3A_156 = vector.broadcast %slice3A_154 : vector<256x1xf32> to vector<256x64xf32>
    %mul3A_157 = arith.mulf %mul3A_156, %slice3A_155 : vector<256x64xf32>
    %add3A_158 = arith.addf %add3A_153, %mul3A_157 : vector<256x64xf32>
    %slice3A_159 = vector.extract_strided_slice %convert_element_type3A_106 {offsets = [0, 10], sizes = [256, 1], strides = [1, 1]} : vector<256x16xf32> to vector<256x1xf32>
    %slice3A_160 = vector.extract_strided_slice %convert_element_type3A_89 {offsets = [0, 640], sizes = [256, 64], strides = [1, 1]} : vector<256x1024xf32> to vector<256x64xf32>
    %mul3A_161 = vector.broadcast %slice3A_159 : vector<256x1xf32> to vector<256x64xf32>
    %mul3A_162 = arith.mulf %mul3A_161, %slice3A_160 : vector<256x64xf32>
    %add3A_163 = arith.addf %add3A_158, %mul3A_162 : vector<256x64xf32>
    %slice3A_164 = vector.extract_strided_slice %convert_element_type3A_106 {offsets = [0, 11], sizes = [256, 1], strides = [1, 1]} : vector<256x16xf32> to vector<256x1xf32>
    %slice3A_165 = vector.extract_strided_slice %convert_element_type3A_89 {offsets = [0, 704], sizes = [256, 64], strides = [1, 1]} : vector<256x1024xf32> to vector<256x64xf32>
    %mul3A_166 = vector.broadcast %slice3A_164 : vector<256x1xf32> to vector<256x64xf32>
    %mul3A_167 = arith.mulf %mul3A_166, %slice3A_165 : vector<256x64xf32>
    %add3A_168 = arith.addf %add3A_163, %mul3A_167 : vector<256x64xf32>
    %slice3A_169 = vector.extract_strided_slice %convert_element_type3A_106 {offsets = [0, 12], sizes = [256, 1], strides = [1, 1]} : vector<256x16xf32> to vector<256x1xf32>
    %slice3A_170 = vector.extract_strided_slice %convert_element_type3A_89 {offsets = [0, 768], sizes = [256, 64], strides = [1, 1]} : vector<256x1024xf32> to vector<256x64xf32>
    %mul3A_171 = vector.broadcast %slice3A_169 : vector<256x1xf32> to vector<256x64xf32>
    %mul3A_172 = arith.mulf %mul3A_171, %slice3A_170 : vector<256x64xf32>
    %add3A_173 = arith.addf %add3A_168, %mul3A_172 : vector<256x64xf32>
    %slice3A_174 = vector.extract_strided_slice %convert_element_type3A_106 {offsets = [0, 13], sizes = [256, 1], strides = [1, 1]} : vector<256x16xf32> to vector<256x1xf32>
    %slice3A_175 = vector.extract_strided_slice %convert_element_type3A_89 {offsets = [0, 832], sizes = [256, 64], strides = [1, 1]} : vector<256x1024xf32> to vector<256x64xf32>
    %mul3A_176 = vector.broadcast %slice3A_174 : vector<256x1xf32> to vector<256x64xf32>
    %mul3A_177 = arith.mulf %mul3A_176, %slice3A_175 : vector<256x64xf32>
    %add3A_178 = arith.addf %add3A_173, %mul3A_177 : vector<256x64xf32>
    %slice3A_179 = vector.extract_strided_slice %convert_element_type3A_106 {offsets = [0, 14], sizes = [256, 1], strides = [1, 1]} : vector<256x16xf32> to vector<256x1xf32>
    %slice3A_180 = vector.extract_strided_slice %convert_element_type3A_89 {offsets = [0, 896], sizes = [256, 64], strides = [1, 1]} : vector<256x1024xf32> to vector<256x64xf32>
    %mul3A_181 = vector.broadcast %slice3A_179 : vector<256x1xf32> to vector<256x64xf32>
    %mul3A_182 = arith.mulf %mul3A_181, %slice3A_180 : vector<256x64xf32>
    %add3A_183 = arith.addf %add3A_178, %mul3A_182 : vector<256x64xf32>
    %slice3A_184 = vector.extract_strided_slice %convert_element_type3A_106 {offsets = [0, 15], sizes = [256, 1], strides = [1, 1]} : vector<256x16xf32> to vector<256x1xf32>
    %slice3A_185 = vector.extract_strided_slice %convert_element_type3A_89 {offsets = [0, 960], sizes = [256, 64], strides = [1, 1]} : vector<256x1024xf32> to vector<256x64xf32>
    %mul3A_186 = vector.broadcast %slice3A_184 : vector<256x1xf32> to vector<256x64xf32>
    %mul3A_187 = arith.mulf %mul3A_186, %slice3A_185 : vector<256x64xf32>
    %add3A_188 = arith.addf %add3A_183, %mul3A_187 : vector<256x64xf32>
    %slice3A_189 = vector.extract_strided_slice %convert_element_type3A_85 {offsets = [0, 64], sizes = [256, 64], strides = [1, 1]} : vector<256x1024xf32> to vector<256x64xf32>
    %concatenate3A_190 = tpu.concatenate %slice3A_189, %slice3A_189, %slice3A_189, %slice3A_189, %slice3A_189, %slice3A_189, %slice3A_189, %slice3A_189, %slice3A_189, %slice3A_189, %slice3A_189, %slice3A_189, %slice3A_189, %slice3A_189, %slice3A_189, %slice3A_189 in 1 : vector<256x64xf32>, vector<256x64xf32>, vector<256x64xf32>, vector<256x64xf32>, vector<256x64xf32>, vector<256x64xf32>, vector<256x64xf32>, vector<256x64xf32>, vector<256x64xf32>, vector<256x64xf32>, vector<256x64xf32>, vector<256x64xf32>, vector<256x64xf32>, vector<256x64xf32>, vector<256x64xf32>, vector<256x64xf32> -> vector<256x1024xf32>
    %mul3A_191 = arith.mulf %concatenate3A_190, %convert_element_type3A_87 : vector<256x1024xf32>
    %dot_general3A_192 = arith.constant dense<0.000000e+00> : vector<256x16xf32>
    %dot_general3A_193 = tpu.matmul %mul3A_191, %convert_element_type3A_83, %dot_general3A_192 {dimension_numbers = #tpu.dot_dimension_numbers<[1], [0], [0], [1], [0, 0, 1, 1], [], []>, precision = #tpu.contract_precision<fp32>, transpose_lhs_hint = false} : vector<256x1024xf32>, vector<1024x16xf32>, vector<256x16xf32> -> vector<256x16xf32>
    %mul3A_194 = arith.constant 1.250000e-01 : f32
    %mul3A_195 = vector.broadcast %mul3A_194 : f32 to vector<256x16xf32>
    %mul3A_196 = arith.mulf %dot_general3A_193, %mul3A_195 : vector<256x16xf32>
    %reduce_max3A_197 = arith.constant dense<0xFF800000> : vector<256xf32>
    %reduce_max3A_198 = vector.multi_reduction <maximumf>, %mul3A_196, %reduce_max3A_197 [1] : vector<256x16xf32> to vector<256xf32>
    %broadcast_in_dim3A_199 = vector.shape_cast %reduce_max3A_198 : vector<256xf32> to vector<256x1xf32>
    %sub3A_200 = vector.broadcast %broadcast_in_dim3A_199 : vector<256x1xf32> to vector<256x16xf32>
    %sub3A_201 = arith.subf %mul3A_196, %sub3A_200 : vector<256x16xf32>
    %exp3A_202 = math.exp %sub3A_201 : vector<256x16xf32>
    %reduce_sum3A_203 = arith.constant dense<0.000000e+00> : vector<256xf32>
    %reduce_sum3A_204 = vector.multi_reduction <add>, %exp3A_202, %reduce_sum3A_203 [1] : vector<256x16xf32> to vector<256xf32>
    %broadcast_in_dim3A_205 = vector.shape_cast %reduce_sum3A_204 : vector<256xf32> to vector<256x1xf32>
    %div3A_206 = vector.broadcast %broadcast_in_dim3A_205 : vector<256x1xf32> to vector<256x16xf32>
    %div3A_207 = arith.divf %exp3A_202, %div3A_206 : vector<256x16xf32>
    %convert_element_type3A_208 = arith.truncf %div3A_207 : vector<256x16xf32> to vector<256x16xbf16>
    %convert_element_type3A_209 = arith.extf %convert_element_type3A_208 : vector<256x16xbf16> to vector<256x16xf32>
    %broadcast_in_dim3A_210 = arith.constant 0.000000e+00 : f32
    %broadcast_in_dim3A_211 = vector.broadcast %broadcast_in_dim3A_210 : f32 to vector<256x64xf32>
    %slice3A_212 = vector.extract_strided_slice %convert_element_type3A_209 {offsets = [0, 0], sizes = [256, 1], strides = [1, 1]} : vector<256x16xf32> to vector<256x1xf32>
    %slice3A_213 = vector.extract_strided_slice %convert_element_type3A_89 {offsets = [0, 0], sizes = [256, 64], strides = [1, 1]} : vector<256x1024xf32> to vector<256x64xf32>
    %mul3A_214 = vector.broadcast %slice3A_212 : vector<256x1xf32> to vector<256x64xf32>
    %mul3A_215 = arith.mulf %mul3A_214, %slice3A_213 : vector<256x64xf32>
    %add3A_216 = arith.addf %broadcast_in_dim3A_211, %mul3A_215 : vector<256x64xf32>
    %slice3A_217 = vector.extract_strided_slice %convert_element_type3A_209 {offsets = [0, 1], sizes = [256, 1], strides = [1, 1]} : vector<256x16xf32> to vector<256x1xf32>
    %slice3A_218 = vector.extract_strided_slice %convert_element_type3A_89 {offsets = [0, 64], sizes = [256, 64], strides = [1, 1]} : vector<256x1024xf32> to vector<256x64xf32>
    %mul3A_219 = vector.broadcast %slice3A_217 : vector<256x1xf32> to vector<256x64xf32>
    %mul3A_220 = arith.mulf %mul3A_219, %slice3A_218 : vector<256x64xf32>
    %add3A_221 = arith.addf %add3A_216, %mul3A_220 : vector<256x64xf32>
    %slice3A_222 = vector.extract_strided_slice %convert_element_type3A_209 {offsets = [0, 2], sizes = [256, 1], strides = [1, 1]} : vector<256x16xf32> to vector<256x1xf32>
    %slice3A_223 = vector.extract_strided_slice %convert_element_type3A_89 {offsets = [0, 128], sizes = [256, 64], strides = [1, 1]} : vector<256x1024xf32> to vector<256x64xf32>
    %mul3A_224 = vector.broadcast %slice3A_222 : vector<256x1xf32> to vector<256x64xf32>
    %mul3A_225 = arith.mulf %mul3A_224, %slice3A_223 : vector<256x64xf32>
    %add3A_226 = arith.addf %add3A_221, %mul3A_225 : vector<256x64xf32>
    %slice3A_227 = vector.extract_strided_slice %convert_element_type3A_209 {offsets = [0, 3], sizes = [256, 1], strides = [1, 1]} : vector<256x16xf32> to vector<256x1xf32>
    %slice3A_228 = vector.extract_strided_slice %convert_element_type3A_89 {offsets = [0, 192], sizes = [256, 64], strides = [1, 1]} : vector<256x1024xf32> to vector<256x64xf32>
    %mul3A_229 = vector.broadcast %slice3A_227 : vector<256x1xf32> to vector<256x64xf32>
    %mul3A_230 = arith.mulf %mul3A_229, %slice3A_228 : vector<256x64xf32>
    %add3A_231 = arith.addf %add3A_226, %mul3A_230 : vector<256x64xf32>
    %slice3A_232 = vector.extract_strided_slice %convert_element_type3A_209 {offsets = [0, 4], sizes = [256, 1], strides = [1, 1]} : vector<256x16xf32> to vector<256x1xf32>
    %slice3A_233 = vector.extract_strided_slice %convert_element_type3A_89 {offsets = [0, 256], sizes = [256, 64], strides = [1, 1]} : vector<256x1024xf32> to vector<256x64xf32>
    %mul3A_234 = vector.broadcast %slice3A_232 : vector<256x1xf32> to vector<256x64xf32>
    %mul3A_235 = arith.mulf %mul3A_234, %slice3A_233 : vector<256x64xf32>
    %add3A_236 = arith.addf %add3A_231, %mul3A_235 : vector<256x64xf32>
    %slice3A_237 = vector.extract_strided_slice %convert_element_type3A_209 {offsets = [0, 5], sizes = [256, 1], strides = [1, 1]} : vector<256x16xf32> to vector<256x1xf32>
    %slice3A_238 = vector.extract_strided_slice %convert_element_type3A_89 {offsets = [0, 320], sizes = [256, 64], strides = [1, 1]} : vector<256x1024xf32> to vector<256x64xf32>
    %mul3A_239 = vector.broadcast %slice3A_237 : vector<256x1xf32> to vector<256x64xf32>
    %mul3A_240 = arith.mulf %mul3A_239, %slice3A_238 : vector<256x64xf32>
    %add3A_241 = arith.addf %add3A_236, %mul3A_240 : vector<256x64xf32>
    %slice3A_242 = vector.extract_strided_slice %convert_element_type3A_209 {offsets = [0, 6], sizes = [256, 1], strides = [1, 1]} : vector<256x16xf32> to vector<256x1xf32>
    %slice3A_243 = vector.extract_strided_slice %convert_element_type3A_89 {offsets = [0, 384], sizes = [256, 64], strides = [1, 1]} : vector<256x1024xf32> to vector<256x64xf32>
    %mul3A_244 = vector.broadcast %slice3A_242 : vector<256x1xf32> to vector<256x64xf32>
    %mul3A_245 = arith.mulf %mul3A_244, %slice3A_243 : vector<256x64xf32>
    %add3A_246 = arith.addf %add3A_241, %mul3A_245 : vector<256x64xf32>
    %slice3A_247 = vector.extract_strided_slice %convert_element_type3A_209 {offsets = [0, 7], sizes = [256, 1], strides = [1, 1]} : vector<256x16xf32> to vector<256x1xf32>
    %slice3A_248 = vector.extract_strided_slice %convert_element_type3A_89 {offsets = [0, 448], sizes = [256, 64], strides = [1, 1]} : vector<256x1024xf32> to vector<256x64xf32>
    %mul3A_249 = vector.broadcast %slice3A_247 : vector<256x1xf32> to vector<256x64xf32>
    %mul3A_250 = arith.mulf %mul3A_249, %slice3A_248 : vector<256x64xf32>
    %add3A_251 = arith.addf %add3A_246, %mul3A_250 : vector<256x64xf32>
    %slice3A_252 = vector.extract_strided_slice %convert_element_type3A_209 {offsets = [0, 8], sizes = [256, 1], strides = [1, 1]} : vector<256x16xf32> to vector<256x1xf32>
    %slice3A_253 = vector.extract_strided_slice %convert_element_type3A_89 {offsets = [0, 512], sizes = [256, 64], strides = [1, 1]} : vector<256x1024xf32> to vector<256x64xf32>
    %mul3A_254 = vector.broadcast %slice3A_252 : vector<256x1xf32> to vector<256x64xf32>
    %mul3A_255 = arith.mulf %mul3A_254, %slice3A_253 : vector<256x64xf32>
    %add3A_256 = arith.addf %add3A_251, %mul3A_255 : vector<256x64xf32>
    %slice3A_257 = vector.extract_strided_slice %convert_element_type3A_209 {offsets = [0, 9], sizes = [256, 1], strides = [1, 1]} : vector<256x16xf32> to vector<256x1xf32>
    %slice3A_258 = vector.extract_strided_slice %convert_element_type3A_89 {offsets = [0, 576], sizes = [256, 64], strides = [1, 1]} : vector<256x1024xf32> to vector<256x64xf32>
    %mul3A_259 = vector.broadcast %slice3A_257 : vector<256x1xf32> to vector<256x64xf32>
    %mul3A_260 = arith.mulf %mul3A_259, %slice3A_258 : vector<256x64xf32>
    %add3A_261 = arith.addf %add3A_256, %mul3A_260 : vector<256x64xf32>
    %slice3A_262 = vector.extract_strided_slice %convert_element_type3A_209 {offsets = [0, 10], sizes = [256, 1], strides = [1, 1]} : vector<256x16xf32> to vector<256x1xf32>
    %slice3A_263 = vector.extract_strided_slice %convert_element_type3A_89 {offsets = [0, 640], sizes = [256, 64], strides = [1, 1]} : vector<256x1024xf32> to vector<256x64xf32>
    %mul3A_264 = vector.broadcast %slice3A_262 : vector<256x1xf32> to vector<256x64xf32>
    %mul3A_265 = arith.mulf %mul3A_264, %slice3A_263 : vector<256x64xf32>
    %add3A_266 = arith.addf %add3A_261, %mul3A_265 : vector<256x64xf32>
    %slice3A_267 = vector.extract_strided_slice %convert_element_type3A_209 {offsets = [0, 11], sizes = [256, 1], strides = [1, 1]} : vector<256x16xf32> to vector<256x1xf32>
    %slice3A_268 = vector.extract_strided_slice %convert_element_type3A_89 {offsets = [0, 704], sizes = [256, 64], strides = [1, 1]} : vector<256x1024xf32> to vector<256x64xf32>
    %mul3A_269 = vector.broadcast %slice3A_267 : vector<256x1xf32> to vector<256x64xf32>
    %mul3A_270 = arith.mulf %mul3A_269, %slice3A_268 : vector<256x64xf32>
    %add3A_271 = arith.addf %add3A_266, %mul3A_270 : vector<256x64xf32>
    %slice3A_272 = vector.extract_strided_slice %convert_element_type3A_209 {offsets = [0, 12], sizes = [256, 1], strides = [1, 1]} : vector<256x16xf32> to vector<256x1xf32>
    %slice3A_273 = vector.extract_strided_slice %convert_element_type3A_89 {offsets = [0, 768], sizes = [256, 64], strides = [1, 1]} : vector<256x1024xf32> to vector<256x64xf32>
    %mul3A_274 = vector.broadcast %slice3A_272 : vector<256x1xf32> to vector<256x64xf32>
    %mul3A_275 = arith.mulf %mul3A_274, %slice3A_273 : vector<256x64xf32>
    %add3A_276 = arith.addf %add3A_271, %mul3A_275 : vector<256x64xf32>
    %slice3A_277 = vector.extract_strided_slice %convert_element_type3A_209 {offsets = [0, 13], sizes = [256, 1], strides = [1, 1]} : vector<256x16xf32> to vector<256x1xf32>
    %slice3A_278 = vector.extract_strided_slice %convert_element_type3A_89 {offsets = [0, 832], sizes = [256, 64], strides = [1, 1]} : vector<256x1024xf32> to vector<256x64xf32>
    %mul3A_279 = vector.broadcast %slice3A_277 : vector<256x1xf32> to vector<256x64xf32>
    %mul3A_280 = arith.mulf %mul3A_279, %slice3A_278 : vector<256x64xf32>
    %add3A_281 = arith.addf %add3A_276, %mul3A_280 : vector<256x64xf32>
    %slice3A_282 = vector.extract_strided_slice %convert_element_type3A_209 {offsets = [0, 14], sizes = [256, 1], strides = [1, 1]} : vector<256x16xf32> to vector<256x1xf32>
    %slice3A_283 = vector.extract_strided_slice %convert_element_type3A_89 {offsets = [0, 896], sizes = [256, 64], strides = [1, 1]} : vector<256x1024xf32> to vector<256x64xf32>
    %mul3A_284 = vector.broadcast %slice3A_282 : vector<256x1xf32> to vector<256x64xf32>
    %mul3A_285 = arith.mulf %mul3A_284, %slice3A_283 : vector<256x64xf32>
    %add3A_286 = arith.addf %add3A_281, %mul3A_285 : vector<256x64xf32>
    %slice3A_287 = vector.extract_strided_slice %convert_element_type3A_209 {offsets = [0, 15], sizes = [256, 1], strides = [1, 1]} : vector<256x16xf32> to vector<256x1xf32>
    %slice3A_288 = vector.extract_strided_slice %convert_element_type3A_89 {offsets = [0, 960], sizes = [256, 64], strides = [1, 1]} : vector<256x1024xf32> to vector<256x64xf32>
    %mul3A_289 = vector.broadcast %slice3A_287 : vector<256x1xf32> to vector<256x64xf32>
    %mul3A_290 = arith.mulf %mul3A_289, %slice3A_288 : vector<256x64xf32>
    %add3A_291 = arith.addf %add3A_286, %mul3A_290 : vector<256x64xf32>
    %slice3A_292 = vector.extract_strided_slice %convert_element_type3A_85 {offsets = [0, 128], sizes = [256, 64], strides = [1, 1]} : vector<256x1024xf32> to vector<256x64xf32>
    %concatenate3A_293 = tpu.concatenate %slice3A_292, %slice3A_292, %slice3A_292, %slice3A_292, %slice3A_292, %slice3A_292, %slice3A_292, %slice3A_292, %slice3A_292, %slice3A_292, %slice3A_292, %slice3A_292, %slice3A_292, %slice3A_292, %slice3A_292, %slice3A_292 in 1 : vector<256x64xf32>, vector<256x64xf32>, vector<256x64xf32>, vector<256x64xf32>, vector<256x64xf32>, vector<256x64xf32>, vector<256x64xf32>, vector<256x64xf32>, vector<256x64xf32>, vector<256x64xf32>, vector<256x64xf32>, vector<256x64xf32>, vector<256x64xf32>, vector<256x64xf32>, vector<256x64xf32>, vector<256x64xf32> -> vector<256x1024xf32>
    %mul3A_294 = arith.mulf %concatenate3A_293, %convert_element_type3A_87 : vector<256x1024xf32>
    %dot_general3A_295 = arith.constant dense<0.000000e+00> : vector<256x16xf32>
    %dot_general3A_296 = tpu.matmul %mul3A_294, %convert_element_type3A_83, %dot_general3A_295 {dimension_numbers = #tpu.dot_dimension_numbers<[1], [0], [0], [1], [0, 0, 1, 1], [], []>, precision = #tpu.contract_precision<fp32>, transpose_lhs_hint = false} : vector<256x1024xf32>, vector<1024x16xf32>, vector<256x16xf32> -> vector<256x16xf32>
    %mul3A_297 = arith.constant 1.250000e-01 : f32
    %mul3A_298 = vector.broadcast %mul3A_297 : f32 to vector<256x16xf32>
    %mul3A_299 = arith.mulf %dot_general3A_296, %mul3A_298 : vector<256x16xf32>
    %reduce_max3A_300 = arith.constant dense<0xFF800000> : vector<256xf32>
    %reduce_max3A_301 = vector.multi_reduction <maximumf>, %mul3A_299, %reduce_max3A_300 [1] : vector<256x16xf32> to vector<256xf32>
    %broadcast_in_dim3A_302 = vector.shape_cast %reduce_max3A_301 : vector<256xf32> to vector<256x1xf32>
    %sub3A_303 = vector.broadcast %broadcast_in_dim3A_302 : vector<256x1xf32> to vector<256x16xf32>
    %sub3A_304 = arith.subf %mul3A_299, %sub3A_303 : vector<256x16xf32>
    %exp3A_305 = math.exp %sub3A_304 : vector<256x16xf32>
    %reduce_sum3A_306 = arith.constant dense<0.000000e+00> : vector<256xf32>
    %reduce_sum3A_307 = vector.multi_reduction <add>, %exp3A_305, %reduce_sum3A_306 [1] : vector<256x16xf32> to vector<256xf32>
    %broadcast_in_dim3A_308 = vector.shape_cast %reduce_sum3A_307 : vector<256xf32> to vector<256x1xf32>
    %div3A_309 = vector.broadcast %broadcast_in_dim3A_308 : vector<256x1xf32> to vector<256x16xf32>
    %div3A_310 = arith.divf %exp3A_305, %div3A_309 : vector<256x16xf32>
    %convert_element_type3A_311 = arith.truncf %div3A_310 : vector<256x16xf32> to vector<256x16xbf16>
    %convert_element_type3A_312 = arith.extf %convert_element_type3A_311 : vector<256x16xbf16> to vector<256x16xf32>
    %broadcast_in_dim3A_313 = arith.constant 0.000000e+00 : f32
    %broadcast_in_dim3A_314 = vector.broadcast %broadcast_in_dim3A_313 : f32 to vector<256x64xf32>
    %slice3A_315 = vector.extract_strided_slice %convert_element_type3A_312 {offsets = [0, 0], sizes = [256, 1], strides = [1, 1]} : vector<256x16xf32> to vector<256x1xf32>
    %slice3A_316 = vector.extract_strided_slice %convert_element_type3A_89 {offsets = [0, 0], sizes = [256, 64], strides = [1, 1]} : vector<256x1024xf32> to vector<256x64xf32>
    %mul3A_317 = vector.broadcast %slice3A_315 : vector<256x1xf32> to vector<256x64xf32>
    %mul3A_318 = arith.mulf %mul3A_317, %slice3A_316 : vector<256x64xf32>
    %add3A_319 = arith.addf %broadcast_in_dim3A_314, %mul3A_318 : vector<256x64xf32>
    %slice3A_320 = vector.extract_strided_slice %convert_element_type3A_312 {offsets = [0, 1], sizes = [256, 1], strides = [1, 1]} : vector<256x16xf32> to vector<256x1xf32>
    %slice3A_321 = vector.extract_strided_slice %convert_element_type3A_89 {offsets = [0, 64], sizes = [256, 64], strides = [1, 1]} : vector<256x1024xf32> to vector<256x64xf32>
    %mul3A_322 = vector.broadcast %slice3A_320 : vector<256x1xf32> to vector<256x64xf32>
    %mul3A_323 = arith.mulf %mul3A_322, %slice3A_321 : vector<256x64xf32>
    %add3A_324 = arith.addf %add3A_319, %mul3A_323 : vector<256x64xf32>
    %slice3A_325 = vector.extract_strided_slice %convert_element_type3A_312 {offsets = [0, 2], sizes = [256, 1], strides = [1, 1]} : vector<256x16xf32> to vector<256x1xf32>
    %slice3A_326 = vector.extract_strided_slice %convert_element_type3A_89 {offsets = [0, 128], sizes = [256, 64], strides = [1, 1]} : vector<256x1024xf32> to vector<256x64xf32>
    %mul3A_327 = vector.broadcast %slice3A_325 : vector<256x1xf32> to vector<256x64xf32>
    %mul3A_328 = arith.mulf %mul3A_327, %slice3A_326 : vector<256x64xf32>
    %add3A_329 = arith.addf %add3A_324, %mul3A_328 : vector<256x64xf32>
    %slice3A_330 = vector.extract_strided_slice %convert_element_type3A_312 {offsets = [0, 3], sizes = [256, 1], strides = [1, 1]} : vector<256x16xf32> to vector<256x1xf32>
    %slice3A_331 = vector.extract_strided_slice %convert_element_type3A_89 {offsets = [0, 192], sizes = [256, 64], strides = [1, 1]} : vector<256x1024xf32> to vector<256x64xf32>
    %mul3A_332 = vector.broadcast %slice3A_330 : vector<256x1xf32> to vector<256x64xf32>
    %mul3A_333 = arith.mulf %mul3A_332, %slice3A_331 : vector<256x64xf32>
    %add3A_334 = arith.addf %add3A_329, %mul3A_333 : vector<256x64xf32>
    %slice3A_335 = vector.extract_strided_slice %convert_element_type3A_312 {offsets = [0, 4], sizes = [256, 1], strides = [1, 1]} : vector<256x16xf32> to vector<256x1xf32>
    %slice3A_336 = vector.extract_strided_slice %convert_element_type3A_89 {offsets = [0, 256], sizes = [256, 64], strides = [1, 1]} : vector<256x1024xf32> to vector<256x64xf32>
    %mul3A_337 = vector.broadcast %slice3A_335 : vector<256x1xf32> to vector<256x64xf32>
    %mul3A_338 = arith.mulf %mul3A_337, %slice3A_336 : vector<256x64xf32>
    %add3A_339 = arith.addf %add3A_334, %mul3A_338 : vector<256x64xf32>
    %slice3A_340 = vector.extract_strided_slice %convert_element_type3A_312 {offsets = [0, 5], sizes = [256, 1], strides = [1, 1]} : vector<256x16xf32> to vector<256x1xf32>
    %slice3A_341 = vector.extract_strided_slice %convert_element_type3A_89 {offsets = [0, 320], sizes = [256, 64], strides = [1, 1]} : vector<256x1024xf32> to vector<256x64xf32>
    %mul3A_342 = vector.broadcast %slice3A_340 : vector<256x1xf32> to vector<256x64xf32>
    %mul3A_343 = arith.mulf %mul3A_342, %slice3A_341 : vector<256x64xf32>
    %add3A_344 = arith.addf %add3A_339, %mul3A_343 : vector<256x64xf32>
    %slice3A_345 = vector.extract_strided_slice %convert_element_type3A_312 {offsets = [0, 6], sizes = [256, 1], strides = [1, 1]} : vector<256x16xf32> to vector<256x1xf32>
    %slice3A_346 = vector.extract_strided_slice %convert_element_type3A_89 {offsets = [0, 384], sizes = [256, 64], strides = [1, 1]} : vector<256x1024xf32> to vector<256x64xf32>
    %mul3A_347 = vector.broadcast %slice3A_345 : vector<256x1xf32> to vector<256x64xf32>
    %mul3A_348 = arith.mulf %mul3A_347, %slice3A_346 : vector<256x64xf32>
    %add3A_349 = arith.addf %add3A_344, %mul3A_348 : vector<256x64xf32>
    %slice3A_350 = vector.extract_strided_slice %convert_element_type3A_312 {offsets = [0, 7], sizes = [256, 1], strides = [1, 1]} : vector<256x16xf32> to vector<256x1xf32>
    %slice3A_351 = vector.extract_strided_slice %convert_element_type3A_89 {offsets = [0, 448], sizes = [256, 64], strides = [1, 1]} : vector<256x1024xf32> to vector<256x64xf32>
    %mul3A_352 = vector.broadcast %slice3A_350 : vector<256x1xf32> to vector<256x64xf32>
    %mul3A_353 = arith.mulf %mul3A_352, %slice3A_351 : vector<256x64xf32>
    %add3A_354 = arith.addf %add3A_349, %mul3A_353 : vector<256x64xf32>
    %slice3A_355 = vector.extract_strided_slice %convert_element_type3A_312 {offsets = [0, 8], sizes = [256, 1], strides = [1, 1]} : vector<256x16xf32> to vector<256x1xf32>
    %slice3A_356 = vector.extract_strided_slice %convert_element_type3A_89 {offsets = [0, 512], sizes = [256, 64], strides = [1, 1]} : vector<256x1024xf32> to vector<256x64xf32>
    %mul3A_357 = vector.broadcast %slice3A_355 : vector<256x1xf32> to vector<256x64xf32>
    %mul3A_358 = arith.mulf %mul3A_357, %slice3A_356 : vector<256x64xf32>
    %add3A_359 = arith.addf %add3A_354, %mul3A_358 : vector<256x64xf32>
    %slice3A_360 = vector.extract_strided_slice %convert_element_type3A_312 {offsets = [0, 9], sizes = [256, 1], strides = [1, 1]} : vector<256x16xf32> to vector<256x1xf32>
    %slice3A_361 = vector.extract_strided_slice %convert_element_type3A_89 {offsets = [0, 576], sizes = [256, 64], strides = [1, 1]} : vector<256x1024xf32> to vector<256x64xf32>
    %mul3A_362 = vector.broadcast %slice3A_360 : vector<256x1xf32> to vector<256x64xf32>
    %mul3A_363 = arith.mulf %mul3A_362, %slice3A_361 : vector<256x64xf32>
    %add3A_364 = arith.addf %add3A_359, %mul3A_363 : vector<256x64xf32>
    %slice3A_365 = vector.extract_strided_slice %convert_element_type3A_312 {offsets = [0, 10], sizes = [256, 1], strides = [1, 1]} : vector<256x16xf32> to vector<256x1xf32>
    %slice3A_366 = vector.extract_strided_slice %convert_element_type3A_89 {offsets = [0, 640], sizes = [256, 64], strides = [1, 1]} : vector<256x1024xf32> to vector<256x64xf32>
    %mul3A_367 = vector.broadcast %slice3A_365 : vector<256x1xf32> to vector<256x64xf32>
    %mul3A_368 = arith.mulf %mul3A_367, %slice3A_366 : vector<256x64xf32>
    %add3A_369 = arith.addf %add3A_364, %mul3A_368 : vector<256x64xf32>
    %slice3A_370 = vector.extract_strided_slice %convert_element_type3A_312 {offsets = [0, 11], sizes = [256, 1], strides = [1, 1]} : vector<256x16xf32> to vector<256x1xf32>
    %slice3A_371 = vector.extract_strided_slice %convert_element_type3A_89 {offsets = [0, 704], sizes = [256, 64], strides = [1, 1]} : vector<256x1024xf32> to vector<256x64xf32>
    %mul3A_372 = vector.broadcast %slice3A_370 : vector<256x1xf32> to vector<256x64xf32>
    %mul3A_373 = arith.mulf %mul3A_372, %slice3A_371 : vector<256x64xf32>
    %add3A_374 = arith.addf %add3A_369, %mul3A_373 : vector<256x64xf32>
    %slice3A_375 = vector.extract_strided_slice %convert_element_type3A_312 {offsets = [0, 12], sizes = [256, 1], strides = [1, 1]} : vector<256x16xf32> to vector<256x1xf32>
    %slice3A_376 = vector.extract_strided_slice %convert_element_type3A_89 {offsets = [0, 768], sizes = [256, 64], strides = [1, 1]} : vector<256x1024xf32> to vector<256x64xf32>
    %mul3A_377 = vector.broadcast %slice3A_375 : vector<256x1xf32> to vector<256x64xf32>
    %mul3A_378 = arith.mulf %mul3A_377, %slice3A_376 : vector<256x64xf32>
    %add3A_379 = arith.addf %add3A_374, %mul3A_378 : vector<256x64xf32>
    %slice3A_380 = vector.extract_strided_slice %convert_element_type3A_312 {offsets = [0, 13], sizes = [256, 1], strides = [1, 1]} : vector<256x16xf32> to vector<256x1xf32>
    %slice3A_381 = vector.extract_strided_slice %convert_element_type3A_89 {offsets = [0, 832], sizes = [256, 64], strides = [1, 1]} : vector<256x1024xf32> to vector<256x64xf32>
    %mul3A_382 = vector.broadcast %slice3A_380 : vector<256x1xf32> to vector<256x64xf32>
    %mul3A_383 = arith.mulf %mul3A_382, %slice3A_381 : vector<256x64xf32>
    %add3A_384 = arith.addf %add3A_379, %mul3A_383 : vector<256x64xf32>
    %slice3A_385 = vector.extract_strided_slice %convert_element_type3A_312 {offsets = [0, 14], sizes = [256, 1], strides = [1, 1]} : vector<256x16xf32> to vector<256x1xf32>
    %slice3A_386 = vector.extract_strided_slice %convert_element_type3A_89 {offsets = [0, 896], sizes = [256, 64], strides = [1, 1]} : vector<256x1024xf32> to vector<256x64xf32>
    %mul3A_387 = vector.broadcast %slice3A_385 : vector<256x1xf32> to vector<256x64xf32>
    %mul3A_388 = arith.mulf %mul3A_387, %slice3A_386 : vector<256x64xf32>
    %add3A_389 = arith.addf %add3A_384, %mul3A_388 : vector<256x64xf32>
    %slice3A_390 = vector.extract_strided_slice %convert_element_type3A_312 {offsets = [0, 15], sizes = [256, 1], strides = [1, 1]} : vector<256x16xf32> to vector<256x1xf32>
    %slice3A_391 = vector.extract_strided_slice %convert_element_type3A_89 {offsets = [0, 960], sizes = [256, 64], strides = [1, 1]} : vector<256x1024xf32> to vector<256x64xf32>
    %mul3A_392 = vector.broadcast %slice3A_390 : vector<256x1xf32> to vector<256x64xf32>
    %mul3A_393 = arith.mulf %mul3A_392, %slice3A_391 : vector<256x64xf32>
    %add3A_394 = arith.addf %add3A_389, %mul3A_393 : vector<256x64xf32>
    %slice3A_395 = vector.extract_strided_slice %convert_element_type3A_85 {offsets = [0, 192], sizes = [256, 64], strides = [1, 1]} : vector<256x1024xf32> to vector<256x64xf32>
    %concatenate3A_396 = tpu.concatenate %slice3A_395, %slice3A_395, %slice3A_395, %slice3A_395, %slice3A_395, %slice3A_395, %slice3A_395, %slice3A_395, %slice3A_395, %slice3A_395, %slice3A_395, %slice3A_395, %slice3A_395, %slice3A_395, %slice3A_395, %slice3A_395 in 1 : vector<256x64xf32>, vector<256x64xf32>, vector<256x64xf32>, vector<256x64xf32>, vector<256x64xf32>, vector<256x64xf32>, vector<256x64xf32>, vector<256x64xf32>, vector<256x64xf32>, vector<256x64xf32>, vector<256x64xf32>, vector<256x64xf32>, vector<256x64xf32>, vector<256x64xf32>, vector<256x64xf32>, vector<256x64xf32> -> vector<256x1024xf32>
    %mul3A_397 = arith.mulf %concatenate3A_396, %convert_element_type3A_87 : vector<256x1024xf32>
    %dot_general3A_398 = arith.constant dense<0.000000e+00> : vector<256x16xf32>
    %dot_general3A_399 = tpu.matmul %mul3A_397, %convert_element_type3A_83, %dot_general3A_398 {dimension_numbers = #tpu.dot_dimension_numbers<[1], [0], [0], [1], [0, 0, 1, 1], [], []>, precision = #tpu.contract_precision<fp32>, transpose_lhs_hint = false} : vector<256x1024xf32>, vector<1024x16xf32>, vector<256x16xf32> -> vector<256x16xf32>
    %mul3A_400 = arith.constant 1.250000e-01 : f32
    %mul3A_401 = vector.broadcast %mul3A_400 : f32 to vector<256x16xf32>
    %mul3A_402 = arith.mulf %dot_general3A_399, %mul3A_401 : vector<256x16xf32>
    %reduce_max3A_403 = arith.constant dense<0xFF800000> : vector<256xf32>
    %reduce_max3A_404 = vector.multi_reduction <maximumf>, %mul3A_402, %reduce_max3A_403 [1] : vector<256x16xf32> to vector<256xf32>
    %broadcast_in_dim3A_405 = vector.shape_cast %reduce_max3A_404 : vector<256xf32> to vector<256x1xf32>
    %sub3A_406 = vector.broadcast %broadcast_in_dim3A_405 : vector<256x1xf32> to vector<256x16xf32>
    %sub3A_407 = arith.subf %mul3A_402, %sub3A_406 : vector<256x16xf32>
    %exp3A_408 = math.exp %sub3A_407 : vector<256x16xf32>
    %reduce_sum3A_409 = arith.constant dense<0.000000e+00> : vector<256xf32>
    %reduce_sum3A_410 = vector.multi_reduction <add>, %exp3A_408, %reduce_sum3A_409 [1] : vector<256x16xf32> to vector<256xf32>
    %broadcast_in_dim3A_411 = vector.shape_cast %reduce_sum3A_410 : vector<256xf32> to vector<256x1xf32>
    %div3A_412 = vector.broadcast %broadcast_in_dim3A_411 : vector<256x1xf32> to vector<256x16xf32>
    %div3A_413 = arith.divf %exp3A_408, %div3A_412 : vector<256x16xf32>
    %convert_element_type3A_414 = arith.truncf %div3A_413 : vector<256x16xf32> to vector<256x16xbf16>
    %convert_element_type3A_415 = arith.extf %convert_element_type3A_414 : vector<256x16xbf16> to vector<256x16xf32>
    %broadcast_in_dim3A_416 = arith.constant 0.000000e+00 : f32
    %broadcast_in_dim3A_417 = vector.broadcast %broadcast_in_dim3A_416 : f32 to vector<256x64xf32>
    %slice3A_418 = vector.extract_strided_slice %convert_element_type3A_415 {offsets = [0, 0], sizes = [256, 1], strides = [1, 1]} : vector<256x16xf32> to vector<256x1xf32>
    %slice3A_419 = vector.extract_strided_slice %convert_element_type3A_89 {offsets = [0, 0], sizes = [256, 64], strides = [1, 1]} : vector<256x1024xf32> to vector<256x64xf32>
    %mul3A_420 = vector.broadcast %slice3A_418 : vector<256x1xf32> to vector<256x64xf32>
    %mul3A_421 = arith.mulf %mul3A_420, %slice3A_419 : vector<256x64xf32>
    %add3A_422 = arith.addf %broadcast_in_dim3A_417, %mul3A_421 : vector<256x64xf32>
    %slice3A_423 = vector.extract_strided_slice %convert_element_type3A_415 {offsets = [0, 1], sizes = [256, 1], strides = [1, 1]} : vector<256x16xf32> to vector<256x1xf32>
    %slice3A_424 = vector.extract_strided_slice %convert_element_type3A_89 {offsets = [0, 64], sizes = [256, 64], strides = [1, 1]} : vector<256x1024xf32> to vector<256x64xf32>
    %mul3A_425 = vector.broadcast %slice3A_423 : vector<256x1xf32> to vector<256x64xf32>
    %mul3A_426 = arith.mulf %mul3A_425, %slice3A_424 : vector<256x64xf32>
    %add3A_427 = arith.addf %add3A_422, %mul3A_426 : vector<256x64xf32>
    %slice3A_428 = vector.extract_strided_slice %convert_element_type3A_415 {offsets = [0, 2], sizes = [256, 1], strides = [1, 1]} : vector<256x16xf32> to vector<256x1xf32>
    %slice3A_429 = vector.extract_strided_slice %convert_element_type3A_89 {offsets = [0, 128], sizes = [256, 64], strides = [1, 1]} : vector<256x1024xf32> to vector<256x64xf32>
    %mul3A_430 = vector.broadcast %slice3A_428 : vector<256x1xf32> to vector<256x64xf32>
    %mul3A_431 = arith.mulf %mul3A_430, %slice3A_429 : vector<256x64xf32>
    %add3A_432 = arith.addf %add3A_427, %mul3A_431 : vector<256x64xf32>
    %slice3A_433 = vector.extract_strided_slice %convert_element_type3A_415 {offsets = [0, 3], sizes = [256, 1], strides = [1, 1]} : vector<256x16xf32> to vector<256x1xf32>
    %slice3A_434 = vector.extract_strided_slice %convert_element_type3A_89 {offsets = [0, 192], sizes = [256, 64], strides = [1, 1]} : vector<256x1024xf32> to vector<256x64xf32>
    %mul3A_435 = vector.broadcast %slice3A_433 : vector<256x1xf32> to vector<256x64xf32>
    %mul3A_436 = arith.mulf %mul3A_435, %slice3A_434 : vector<256x64xf32>
    %add3A_437 = arith.addf %add3A_432, %mul3A_436 : vector<256x64xf32>
    %slice3A_438 = vector.extract_strided_slice %convert_element_type3A_415 {offsets = [0, 4], sizes = [256, 1], strides = [1, 1]} : vector<256x16xf32> to vector<256x1xf32>
    %slice3A_439 = vector.extract_strided_slice %convert_element_type3A_89 {offsets = [0, 256], sizes = [256, 64], strides = [1, 1]} : vector<256x1024xf32> to vector<256x64xf32>
    %mul3A_440 = vector.broadcast %slice3A_438 : vector<256x1xf32> to vector<256x64xf32>
    %mul3A_441 = arith.mulf %mul3A_440, %slice3A_439 : vector<256x64xf32>
    %add3A_442 = arith.addf %add3A_437, %mul3A_441 : vector<256x64xf32>
    %slice3A_443 = vector.extract_strided_slice %convert_element_type3A_415 {offsets = [0, 5], sizes = [256, 1], strides = [1, 1]} : vector<256x16xf32> to vector<256x1xf32>
    %slice3A_444 = vector.extract_strided_slice %convert_element_type3A_89 {offsets = [0, 320], sizes = [256, 64], strides = [1, 1]} : vector<256x1024xf32> to vector<256x64xf32>
    %mul3A_445 = vector.broadcast %slice3A_443 : vector<256x1xf32> to vector<256x64xf32>
    %mul3A_446 = arith.mulf %mul3A_445, %slice3A_444 : vector<256x64xf32>
    %add3A_447 = arith.addf %add3A_442, %mul3A_446 : vector<256x64xf32>
    %slice3A_448 = vector.extract_strided_slice %convert_element_type3A_415 {offsets = [0, 6], sizes = [256, 1], strides = [1, 1]} : vector<256x16xf32> to vector<256x1xf32>
    %slice3A_449 = vector.extract_strided_slice %convert_element_type3A_89 {offsets = [0, 384], sizes = [256, 64], strides = [1, 1]} : vector<256x1024xf32> to vector<256x64xf32>
    %mul3A_450 = vector.broadcast %slice3A_448 : vector<256x1xf32> to vector<256x64xf32>
    %mul3A_451 = arith.mulf %mul3A_450, %slice3A_449 : vector<256x64xf32>
    %add3A_452 = arith.addf %add3A_447, %mul3A_451 : vector<256x64xf32>
    %slice3A_453 = vector.extract_strided_slice %convert_element_type3A_415 {offsets = [0, 7], sizes = [256, 1], strides = [1, 1]} : vector<256x16xf32> to vector<256x1xf32>
    %slice3A_454 = vector.extract_strided_slice %convert_element_type3A_89 {offsets = [0, 448], sizes = [256, 64], strides = [1, 1]} : vector<256x1024xf32> to vector<256x64xf32>
    %mul3A_455 = vector.broadcast %slice3A_453 : vector<256x1xf32> to vector<256x64xf32>
    %mul3A_456 = arith.mulf %mul3A_455, %slice3A_454 : vector<256x64xf32>
    %add3A_457 = arith.addf %add3A_452, %mul3A_456 : vector<256x64xf32>
    %slice3A_458 = vector.extract_strided_slice %convert_element_type3A_415 {offsets = [0, 8], sizes = [256, 1], strides = [1, 1]} : vector<256x16xf32> to vector<256x1xf32>
    %slice3A_459 = vector.extract_strided_slice %convert_element_type3A_89 {offsets = [0, 512], sizes = [256, 64], strides = [1, 1]} : vector<256x1024xf32> to vector<256x64xf32>
    %mul3A_460 = vector.broadcast %slice3A_458 : vector<256x1xf32> to vector<256x64xf32>
    %mul3A_461 = arith.mulf %mul3A_460, %slice3A_459 : vector<256x64xf32>
    %add3A_462 = arith.addf %add3A_457, %mul3A_461 : vector<256x64xf32>
    %slice3A_463 = vector.extract_strided_slice %convert_element_type3A_415 {offsets = [0, 9], sizes = [256, 1], strides = [1, 1]} : vector<256x16xf32> to vector<256x1xf32>
    %slice3A_464 = vector.extract_strided_slice %convert_element_type3A_89 {offsets = [0, 576], sizes = [256, 64], strides = [1, 1]} : vector<256x1024xf32> to vector<256x64xf32>
    %mul3A_465 = vector.broadcast %slice3A_463 : vector<256x1xf32> to vector<256x64xf32>
    %mul3A_466 = arith.mulf %mul3A_465, %slice3A_464 : vector<256x64xf32>
    %add3A_467 = arith.addf %add3A_462, %mul3A_466 : vector<256x64xf32>
    %slice3A_468 = vector.extract_strided_slice %convert_element_type3A_415 {offsets = [0, 10], sizes = [256, 1], strides = [1, 1]} : vector<256x16xf32> to vector<256x1xf32>
    %slice3A_469 = vector.extract_strided_slice %convert_element_type3A_89 {offsets = [0, 640], sizes = [256, 64], strides = [1, 1]} : vector<256x1024xf32> to vector<256x64xf32>
    %mul3A_470 = vector.broadcast %slice3A_468 : vector<256x1xf32> to vector<256x64xf32>
    %mul3A_471 = arith.mulf %mul3A_470, %slice3A_469 : vector<256x64xf32>
    %add3A_472 = arith.addf %add3A_467, %mul3A_471 : vector<256x64xf32>
    %slice3A_473 = vector.extract_strided_slice %convert_element_type3A_415 {offsets = [0, 11], sizes = [256, 1], strides = [1, 1]} : vector<256x16xf32> to vector<256x1xf32>
    %slice3A_474 = vector.extract_strided_slice %convert_element_type3A_89 {offsets = [0, 704], sizes = [256, 64], strides = [1, 1]} : vector<256x1024xf32> to vector<256x64xf32>
    %mul3A_475 = vector.broadcast %slice3A_473 : vector<256x1xf32> to vector<256x64xf32>
    %mul3A_476 = arith.mulf %mul3A_475, %slice3A_474 : vector<256x64xf32>
    %add3A_477 = arith.addf %add3A_472, %mul3A_476 : vector<256x64xf32>
    %slice3A_478 = vector.extract_strided_slice %convert_element_type3A_415 {offsets = [0, 12], sizes = [256, 1], strides = [1, 1]} : vector<256x16xf32> to vector<256x1xf32>
    %slice3A_479 = vector.extract_strided_slice %convert_element_type3A_89 {offsets = [0, 768], sizes = [256, 64], strides = [1, 1]} : vector<256x1024xf32> to vector<256x64xf32>
    %mul3A_480 = vector.broadcast %slice3A_478 : vector<256x1xf32> to vector<256x64xf32>
    %mul3A_481 = arith.mulf %mul3A_480, %slice3A_479 : vector<256x64xf32>
    %add3A_482 = arith.addf %add3A_477, %mul3A_481 : vector<256x64xf32>
    %slice3A_483 = vector.extract_strided_slice %convert_element_type3A_415 {offsets = [0, 13], sizes = [256, 1], strides = [1, 1]} : vector<256x16xf32> to vector<256x1xf32>
    %slice3A_484 = vector.extract_strided_slice %convert_element_type3A_89 {offsets = [0, 832], sizes = [256, 64], strides = [1, 1]} : vector<256x1024xf32> to vector<256x64xf32>
    %mul3A_485 = vector.broadcast %slice3A_483 : vector<256x1xf32> to vector<256x64xf32>
    %mul3A_486 = arith.mulf %mul3A_485, %slice3A_484 : vector<256x64xf32>
    %add3A_487 = arith.addf %add3A_482, %mul3A_486 : vector<256x64xf32>
    %slice3A_488 = vector.extract_strided_slice %convert_element_type3A_415 {offsets = [0, 14], sizes = [256, 1], strides = [1, 1]} : vector<256x16xf32> to vector<256x1xf32>
    %slice3A_489 = vector.extract_strided_slice %convert_element_type3A_89 {offsets = [0, 896], sizes = [256, 64], strides = [1, 1]} : vector<256x1024xf32> to vector<256x64xf32>
    %mul3A_490 = vector.broadcast %slice3A_488 : vector<256x1xf32> to vector<256x64xf32>
    %mul3A_491 = arith.mulf %mul3A_490, %slice3A_489 : vector<256x64xf32>
    %add3A_492 = arith.addf %add3A_487, %mul3A_491 : vector<256x64xf32>
    %slice3A_493 = vector.extract_strided_slice %convert_element_type3A_415 {offsets = [0, 15], sizes = [256, 1], strides = [1, 1]} : vector<256x16xf32> to vector<256x1xf32>
    %slice3A_494 = vector.extract_strided_slice %convert_element_type3A_89 {offsets = [0, 960], sizes = [256, 64], strides = [1, 1]} : vector<256x1024xf32> to vector<256x64xf32>
    %mul3A_495 = vector.broadcast %slice3A_493 : vector<256x1xf32> to vector<256x64xf32>
    %mul3A_496 = arith.mulf %mul3A_495, %slice3A_494 : vector<256x64xf32>
    %add3A_497 = arith.addf %add3A_492, %mul3A_496 : vector<256x64xf32>
    %slice3A_498 = vector.extract_strided_slice %convert_element_type3A_85 {offsets = [0, 256], sizes = [256, 64], strides = [1, 1]} : vector<256x1024xf32> to vector<256x64xf32>
    %concatenate3A_499 = tpu.concatenate %slice3A_498, %slice3A_498, %slice3A_498, %slice3A_498, %slice3A_498, %slice3A_498, %slice3A_498, %slice3A_498, %slice3A_498, %slice3A_498, %slice3A_498, %slice3A_498, %slice3A_498, %slice3A_498, %slice3A_498, %slice3A_498 in 1 : vector<256x64xf32>, vector<256x64xf32>, vector<256x64xf32>, vector<256x64xf32>, vector<256x64xf32>, vector<256x64xf32>, vector<256x64xf32>, vector<256x64xf32>, vector<256x64xf32>, vector<256x64xf32>, vector<256x64xf32>, vector<256x64xf32>, vector<256x64xf32>, vector<256x64xf32>, vector<256x64xf32>, vector<256x64xf32> -> vector<256x1024xf32>
    %mul3A_500 = arith.mulf %concatenate3A_499, %convert_element_type3A_87 : vector<256x1024xf32>
    %dot_general3A_501 = arith.constant dense<0.000000e+00> : vector<256x16xf32>
    %dot_general3A_502 = tpu.matmul %mul3A_500, %convert_element_type3A_83, %dot_general3A_501 {dimension_numbers = #tpu.dot_dimension_numbers<[1], [0], [0], [1], [0, 0, 1, 1], [], []>, precision = #tpu.contract_precision<fp32>, transpose_lhs_hint = false} : vector<256x1024xf32>, vector<1024x16xf32>, vector<256x16xf32> -> vector<256x16xf32>
    %mul3A_503 = arith.constant 1.250000e-01 : f32
    %mul3A_504 = vector.broadcast %mul3A_503 : f32 to vector<256x16xf32>
    %mul3A_505 = arith.mulf %dot_general3A_502, %mul3A_504 : vector<256x16xf32>
    %reduce_max3A_506 = arith.constant dense<0xFF800000> : vector<256xf32>
    %reduce_max3A_507 = vector.multi_reduction <maximumf>, %mul3A_505, %reduce_max3A_506 [1] : vector<256x16xf32> to vector<256xf32>
    %broadcast_in_dim3A_508 = vector.shape_cast %reduce_max3A_507 : vector<256xf32> to vector<256x1xf32>
    %sub3A_509 = vector.broadcast %broadcast_in_dim3A_508 : vector<256x1xf32> to vector<256x16xf32>
    %sub3A_510 = arith.subf %mul3A_505, %sub3A_509 : vector<256x16xf32>
    %exp3A_511 = math.exp %sub3A_510 : vector<256x16xf32>
    %reduce_sum3A_512 = arith.constant dense<0.000000e+00> : vector<256xf32>
    %reduce_sum3A_513 = vector.multi_reduction <add>, %exp3A_511, %reduce_sum3A_512 [1] : vector<256x16xf32> to vector<256xf32>
    %broadcast_in_dim3A_514 = vector.shape_cast %reduce_sum3A_513 : vector<256xf32> to vector<256x1xf32>
    %div3A_515 = vector.broadcast %broadcast_in_dim3A_514 : vector<256x1xf32> to vector<256x16xf32>
    %div3A_516 = arith.divf %exp3A_511, %div3A_515 : vector<256x16xf32>
    %convert_element_type3A_517 = arith.truncf %div3A_516 : vector<256x16xf32> to vector<256x16xbf16>
    %convert_element_type3A_518 = arith.extf %convert_element_type3A_517 : vector<256x16xbf16> to vector<256x16xf32>
    %broadcast_in_dim3A_519 = arith.constant 0.000000e+00 : f32
    %broadcast_in_dim3A_520 = vector.broadcast %broadcast_in_dim3A_519 : f32 to vector<256x64xf32>
    %slice3A_521 = vector.extract_strided_slice %convert_element_type3A_518 {offsets = [0, 0], sizes = [256, 1], strides = [1, 1]} : vector<256x16xf32> to vector<256x1xf32>
    %slice3A_522 = vector.extract_strided_slice %convert_element_type3A_89 {offsets = [0, 0], sizes = [256, 64], strides = [1, 1]} : vector<256x1024xf32> to vector<256x64xf32>
    %mul3A_523 = vector.broadcast %slice3A_521 : vector<256x1xf32> to vector<256x64xf32>
    %mul3A_524 = arith.mulf %mul3A_523, %slice3A_522 : vector<256x64xf32>
    %add3A_525 = arith.addf %broadcast_in_dim3A_520, %mul3A_524 : vector<256x64xf32>
    %slice3A_526 = vector.extract_strided_slice %convert_element_type3A_518 {offsets = [0, 1], sizes = [256, 1], strides = [1, 1]} : vector<256x16xf32> to vector<256x1xf32>
    %slice3A_527 = vector.extract_strided_slice %convert_element_type3A_89 {offsets = [0, 64], sizes = [256, 64], strides = [1, 1]} : vector<256x1024xf32> to vector<256x64xf32>
    %mul3A_528 = vector.broadcast %slice3A_526 : vector<256x1xf32> to vector<256x64xf32>
    %mul3A_529 = arith.mulf %mul3A_528, %slice3A_527 : vector<256x64xf32>
    %add3A_530 = arith.addf %add3A_525, %mul3A_529 : vector<256x64xf32>
    %slice3A_531 = vector.extract_strided_slice %convert_element_type3A_518 {offsets = [0, 2], sizes = [256, 1], strides = [1, 1]} : vector<256x16xf32> to vector<256x1xf32>
    %slice3A_532 = vector.extract_strided_slice %convert_element_type3A_89 {offsets = [0, 128], sizes = [256, 64], strides = [1, 1]} : vector<256x1024xf32> to vector<256x64xf32>
    %mul3A_533 = vector.broadcast %slice3A_531 : vector<256x1xf32> to vector<256x64xf32>
    %mul3A_534 = arith.mulf %mul3A_533, %slice3A_532 : vector<256x64xf32>
    %add3A_535 = arith.addf %add3A_530, %mul3A_534 : vector<256x64xf32>
    %slice3A_536 = vector.extract_strided_slice %convert_element_type3A_518 {offsets = [0, 3], sizes = [256, 1], strides = [1, 1]} : vector<256x16xf32> to vector<256x1xf32>
    %slice3A_537 = vector.extract_strided_slice %convert_element_type3A_89 {offsets = [0, 192], sizes = [256, 64], strides = [1, 1]} : vector<256x1024xf32> to vector<256x64xf32>
    %mul3A_538 = vector.broadcast %slice3A_536 : vector<256x1xf32> to vector<256x64xf32>
    %mul3A_539 = arith.mulf %mul3A_538, %slice3A_537 : vector<256x64xf32>
    %add3A_540 = arith.addf %add3A_535, %mul3A_539 : vector<256x64xf32>
    %slice3A_541 = vector.extract_strided_slice %convert_element_type3A_518 {offsets = [0, 4], sizes = [256, 1], strides = [1, 1]} : vector<256x16xf32> to vector<256x1xf32>
    %slice3A_542 = vector.extract_strided_slice %convert_element_type3A_89 {offsets = [0, 256], sizes = [256, 64], strides = [1, 1]} : vector<256x1024xf32> to vector<256x64xf32>
    %mul3A_543 = vector.broadcast %slice3A_541 : vector<256x1xf32> to vector<256x64xf32>
    %mul3A_544 = arith.mulf %mul3A_543, %slice3A_542 : vector<256x64xf32>
    %add3A_545 = arith.addf %add3A_540, %mul3A_544 : vector<256x64xf32>
    %slice3A_546 = vector.extract_strided_slice %convert_element_type3A_518 {offsets = [0, 5], sizes = [256, 1], strides = [1, 1]} : vector<256x16xf32> to vector<256x1xf32>
    %slice3A_547 = vector.extract_strided_slice %convert_element_type3A_89 {offsets = [0, 320], sizes = [256, 64], strides = [1, 1]} : vector<256x1024xf32> to vector<256x64xf32>
    %mul3A_548 = vector.broadcast %slice3A_546 : vector<256x1xf32> to vector<256x64xf32>
    %mul3A_549 = arith.mulf %mul3A_548, %slice3A_547 : vector<256x64xf32>
    %add3A_550 = arith.addf %add3A_545, %mul3A_549 : vector<256x64xf32>
    %slice3A_551 = vector.extract_strided_slice %convert_element_type3A_518 {offsets = [0, 6], sizes = [256, 1], strides = [1, 1]} : vector<256x16xf32> to vector<256x1xf32>
    %slice3A_552 = vector.extract_strided_slice %convert_element_type3A_89 {offsets = [0, 384], sizes = [256, 64], strides = [1, 1]} : vector<256x1024xf32> to vector<256x64xf32>
    %mul3A_553 = vector.broadcast %slice3A_551 : vector<256x1xf32> to vector<256x64xf32>
    %mul3A_554 = arith.mulf %mul3A_553, %slice3A_552 : vector<256x64xf32>
    %add3A_555 = arith.addf %add3A_550, %mul3A_554 : vector<256x64xf32>
    %slice3A_556 = vector.extract_strided_slice %convert_element_type3A_518 {offsets = [0, 7], sizes = [256, 1], strides = [1, 1]} : vector<256x16xf32> to vector<256x1xf32>
    %slice3A_557 = vector.extract_strided_slice %convert_element_type3A_89 {offsets = [0, 448], sizes = [256, 64], strides = [1, 1]} : vector<256x1024xf32> to vector<256x64xf32>
    %mul3A_558 = vector.broadcast %slice3A_556 : vector<256x1xf32> to vector<256x64xf32>
    %mul3A_559 = arith.mulf %mul3A_558, %slice3A_557 : vector<256x64xf32>
    %add3A_560 = arith.addf %add3A_555, %mul3A_559 : vector<256x64xf32>
    %slice3A_561 = vector.extract_strided_slice %convert_element_type3A_518 {offsets = [0, 8], sizes = [256, 1], strides = [1, 1]} : vector<256x16xf32> to vector<256x1xf32>
    %slice3A_562 = vector.extract_strided_slice %convert_element_type3A_89 {offsets = [0, 512], sizes = [256, 64], strides = [1, 1]} : vector<256x1024xf32> to vector<256x64xf32>
    %mul3A_563 = vector.broadcast %slice3A_561 : vector<256x1xf32> to vector<256x64xf32>
    %mul3A_564 = arith.mulf %mul3A_563, %slice3A_562 : vector<256x64xf32>
    %add3A_565 = arith.addf %add3A_560, %mul3A_564 : vector<256x64xf32>
    %slice3A_566 = vector.extract_strided_slice %convert_element_type3A_518 {offsets = [0, 9], sizes = [256, 1], strides = [1, 1]} : vector<256x16xf32> to vector<256x1xf32>
    %slice3A_567 = vector.extract_strided_slice %convert_element_type3A_89 {offsets = [0, 576], sizes = [256, 64], strides = [1, 1]} : vector<256x1024xf32> to vector<256x64xf32>
    %mul3A_568 = vector.broadcast %slice3A_566 : vector<256x1xf32> to vector<256x64xf32>
    %mul3A_569 = arith.mulf %mul3A_568, %slice3A_567 : vector<256x64xf32>
    %add3A_570 = arith.addf %add3A_565, %mul3A_569 : vector<256x64xf32>
    %slice3A_571 = vector.extract_strided_slice %convert_element_type3A_518 {offsets = [0, 10], sizes = [256, 1], strides = [1, 1]} : vector<256x16xf32> to vector<256x1xf32>
    %slice3A_572 = vector.extract_strided_slice %convert_element_type3A_89 {offsets = [0, 640], sizes = [256, 64], strides = [1, 1]} : vector<256x1024xf32> to vector<256x64xf32>
    %mul3A_573 = vector.broadcast %slice3A_571 : vector<256x1xf32> to vector<256x64xf32>
    %mul3A_574 = arith.mulf %mul3A_573, %slice3A_572 : vector<256x64xf32>
    %add3A_575 = arith.addf %add3A_570, %mul3A_574 : vector<256x64xf32>
    %slice3A_576 = vector.extract_strided_slice %convert_element_type3A_518 {offsets = [0, 11], sizes = [256, 1], strides = [1, 1]} : vector<256x16xf32> to vector<256x1xf32>
    %slice3A_577 = vector.extract_strided_slice %convert_element_type3A_89 {offsets = [0, 704], sizes = [256, 64], strides = [1, 1]} : vector<256x1024xf32> to vector<256x64xf32>
    %mul3A_578 = vector.broadcast %slice3A_576 : vector<256x1xf32> to vector<256x64xf32>
    %mul3A_579 = arith.mulf %mul3A_578, %slice3A_577 : vector<256x64xf32>
    %add3A_580 = arith.addf %add3A_575, %mul3A_579 : vector<256x64xf32>
    %slice3A_581 = vector.extract_strided_slice %convert_element_type3A_518 {offsets = [0, 12], sizes = [256, 1], strides = [1, 1]} : vector<256x16xf32> to vector<256x1xf32>
    %slice3A_582 = vector.extract_strided_slice %convert_element_type3A_89 {offsets = [0, 768], sizes = [256, 64], strides = [1, 1]} : vector<256x1024xf32> to vector<256x64xf32>
    %mul3A_583 = vector.broadcast %slice3A_581 : vector<256x1xf32> to vector<256x64xf32>
    %mul3A_584 = arith.mulf %mul3A_583, %slice3A_582 : vector<256x64xf32>
    %add3A_585 = arith.addf %add3A_580, %mul3A_584 : vector<256x64xf32>
    %slice3A_586 = vector.extract_strided_slice %convert_element_type3A_518 {offsets = [0, 13], sizes = [256, 1], strides = [1, 1]} : vector<256x16xf32> to vector<256x1xf32>
    %slice3A_587 = vector.extract_strided_slice %convert_element_type3A_89 {offsets = [0, 832], sizes = [256, 64], strides = [1, 1]} : vector<256x1024xf32> to vector<256x64xf32>
    %mul3A_588 = vector.broadcast %slice3A_586 : vector<256x1xf32> to vector<256x64xf32>
    %mul3A_589 = arith.mulf %mul3A_588, %slice3A_587 : vector<256x64xf32>
    %add3A_590 = arith.addf %add3A_585, %mul3A_589 : vector<256x64xf32>
    %slice3A_591 = vector.extract_strided_slice %convert_element_type3A_518 {offsets = [0, 14], sizes = [256, 1], strides = [1, 1]} : vector<256x16xf32> to vector<256x1xf32>
    %slice3A_592 = vector.extract_strided_slice %convert_element_type3A_89 {offsets = [0, 896], sizes = [256, 64], strides = [1, 1]} : vector<256x1024xf32> to vector<256x64xf32>
    %mul3A_593 = vector.broadcast %slice3A_591 : vector<256x1xf32> to vector<256x64xf32>
    %mul3A_594 = arith.mulf %mul3A_593, %slice3A_592 : vector<256x64xf32>
    %add3A_595 = arith.addf %add3A_590, %mul3A_594 : vector<256x64xf32>
    %slice3A_596 = vector.extract_strided_slice %convert_element_type3A_518 {offsets = [0, 15], sizes = [256, 1], strides = [1, 1]} : vector<256x16xf32> to vector<256x1xf32>
    %slice3A_597 = vector.extract_strided_slice %convert_element_type3A_89 {offsets = [0, 960], sizes = [256, 64], strides = [1, 1]} : vector<256x1024xf32> to vector<256x64xf32>
    %mul3A_598 = vector.broadcast %slice3A_596 : vector<256x1xf32> to vector<256x64xf32>
    %mul3A_599 = arith.mulf %mul3A_598, %slice3A_597 : vector<256x64xf32>
    %add3A_600 = arith.addf %add3A_595, %mul3A_599 : vector<256x64xf32>
    %slice3A_601 = vector.extract_strided_slice %convert_element_type3A_85 {offsets = [0, 320], sizes = [256, 64], strides = [1, 1]} : vector<256x1024xf32> to vector<256x64xf32>
    %concatenate3A_602 = tpu.concatenate %slice3A_601, %slice3A_601, %slice3A_601, %slice3A_601, %slice3A_601, %slice3A_601, %slice3A_601, %slice3A_601, %slice3A_601, %slice3A_601, %slice3A_601, %slice3A_601, %slice3A_601, %slice3A_601, %slice3A_601, %slice3A_601 in 1 : vector<256x64xf32>, vector<256x64xf32>, vector<256x64xf32>, vector<256x64xf32>, vector<256x64xf32>, vector<256x64xf32>, vector<256x64xf32>, vector<256x64xf32>, vector<256x64xf32>, vector<256x64xf32>, vector<256x64xf32>, vector<256x64xf32>, vector<256x64xf32>, vector<256x64xf32>, vector<256x64xf32>, vector<256x64xf32> -> vector<256x1024xf32>
    %mul3A_603 = arith.mulf %concatenate3A_602, %convert_element_type3A_87 : vector<256x1024xf32>
    %dot_general3A_604 = arith.constant dense<0.000000e+00> : vector<256x16xf32>
    %dot_general3A_605 = tpu.matmul %mul3A_603, %convert_element_type3A_83, %dot_general3A_604 {dimension_numbers = #tpu.dot_dimension_numbers<[1], [0], [0], [1], [0, 0, 1, 1], [], []>, precision = #tpu.contract_precision<fp32>, transpose_lhs_hint = false} : vector<256x1024xf32>, vector<1024x16xf32>, vector<256x16xf32> -> vector<256x16xf32>
    %mul3A_606 = arith.constant 1.250000e-01 : f32
    %mul3A_607 = vector.broadcast %mul3A_606 : f32 to vector<256x16xf32>
    %mul3A_608 = arith.mulf %dot_general3A_605, %mul3A_607 : vector<256x16xf32>
    %reduce_max3A_609 = arith.constant dense<0xFF800000> : vector<256xf32>
    %reduce_max3A_610 = vector.multi_reduction <maximumf>, %mul3A_608, %reduce_max3A_609 [1] : vector<256x16xf32> to vector<256xf32>
    %broadcast_in_dim3A_611 = vector.shape_cast %reduce_max3A_610 : vector<256xf32> to vector<256x1xf32>
    %sub3A_612 = vector.broadcast %broadcast_in_dim3A_611 : vector<256x1xf32> to vector<256x16xf32>
    %sub3A_613 = arith.subf %mul3A_608, %sub3A_612 : vector<256x16xf32>
    %exp3A_614 = math.exp %sub3A_613 : vector<256x16xf32>
    %reduce_sum3A_615 = arith.constant dense<0.000000e+00> : vector<256xf32>
    %reduce_sum3A_616 = vector.multi_reduction <add>, %exp3A_614, %reduce_sum3A_615 [1] : vector<256x16xf32> to vector<256xf32>
    %broadcast_in_dim3A_617 = vector.shape_cast %reduce_sum3A_616 : vector<256xf32> to vector<256x1xf32>
    %div3A_618 = vector.broadcast %broadcast_in_dim3A_617 : vector<256x1xf32> to vector<256x16xf32>
    %div3A_619 = arith.divf %exp3A_614, %div3A_618 : vector<256x16xf32>
    %convert_element_type3A_620 = arith.truncf %div3A_619 : vector<256x16xf32> to vector<256x16xbf16>
    %convert_element_type3A_621 = arith.extf %convert_element_type3A_620 : vector<256x16xbf16> to vector<256x16xf32>
    %broadcast_in_dim3A_622 = arith.constant 0.000000e+00 : f32
    %broadcast_in_dim3A_623 = vector.broadcast %broadcast_in_dim3A_622 : f32 to vector<256x64xf32>
    %slice3A_624 = vector.extract_strided_slice %convert_element_type3A_621 {offsets = [0, 0], sizes = [256, 1], strides = [1, 1]} : vector<256x16xf32> to vector<256x1xf32>
    %slice3A_625 = vector.extract_strided_slice %convert_element_type3A_89 {offsets = [0, 0], sizes = [256, 64], strides = [1, 1]} : vector<256x1024xf32> to vector<256x64xf32>
    %mul3A_626 = vector.broadcast %slice3A_624 : vector<256x1xf32> to vector<256x64xf32>
    %mul3A_627 = arith.mulf %mul3A_626, %slice3A_625 : vector<256x64xf32>
    %add3A_628 = arith.addf %broadcast_in_dim3A_623, %mul3A_627 : vector<256x64xf32>
    %slice3A_629 = vector.extract_strided_slice %convert_element_type3A_621 {offsets = [0, 1], sizes = [256, 1], strides = [1, 1]} : vector<256x16xf32> to vector<256x1xf32>
    %slice3A_630 = vector.extract_strided_slice %convert_element_type3A_89 {offsets = [0, 64], sizes = [256, 64], strides = [1, 1]} : vector<256x1024xf32> to vector<256x64xf32>
    %mul3A_631 = vector.broadcast %slice3A_629 : vector<256x1xf32> to vector<256x64xf32>
    %mul3A_632 = arith.mulf %mul3A_631, %slice3A_630 : vector<256x64xf32>
    %add3A_633 = arith.addf %add3A_628, %mul3A_632 : vector<256x64xf32>
    %slice3A_634 = vector.extract_strided_slice %convert_element_type3A_621 {offsets = [0, 2], sizes = [256, 1], strides = [1, 1]} : vector<256x16xf32> to vector<256x1xf32>
    %slice3A_635 = vector.extract_strided_slice %convert_element_type3A_89 {offsets = [0, 128], sizes = [256, 64], strides = [1, 1]} : vector<256x1024xf32> to vector<256x64xf32>
    %mul3A_636 = vector.broadcast %slice3A_634 : vector<256x1xf32> to vector<256x64xf32>
    %mul3A_637 = arith.mulf %mul3A_636, %slice3A_635 : vector<256x64xf32>
    %add3A_638 = arith.addf %add3A_633, %mul3A_637 : vector<256x64xf32>
    %slice3A_639 = vector.extract_strided_slice %convert_element_type3A_621 {offsets = [0, 3], sizes = [256, 1], strides = [1, 1]} : vector<256x16xf32> to vector<256x1xf32>
    %slice3A_640 = vector.extract_strided_slice %convert_element_type3A_89 {offsets = [0, 192], sizes = [256, 64], strides = [1, 1]} : vector<256x1024xf32> to vector<256x64xf32>
    %mul3A_641 = vector.broadcast %slice3A_639 : vector<256x1xf32> to vector<256x64xf32>
    %mul3A_642 = arith.mulf %mul3A_641, %slice3A_640 : vector<256x64xf32>
    %add3A_643 = arith.addf %add3A_638, %mul3A_642 : vector<256x64xf32>
    %slice3A_644 = vector.extract_strided_slice %convert_element_type3A_621 {offsets = [0, 4], sizes = [256, 1], strides = [1, 1]} : vector<256x16xf32> to vector<256x1xf32>
    %slice3A_645 = vector.extract_strided_slice %convert_element_type3A_89 {offsets = [0, 256], sizes = [256, 64], strides = [1, 1]} : vector<256x1024xf32> to vector<256x64xf32>
    %mul3A_646 = vector.broadcast %slice3A_644 : vector<256x1xf32> to vector<256x64xf32>
    %mul3A_647 = arith.mulf %mul3A_646, %slice3A_645 : vector<256x64xf32>
    %add3A_648 = arith.addf %add3A_643, %mul3A_647 : vector<256x64xf32>
    %slice3A_649 = vector.extract_strided_slice %convert_element_type3A_621 {offsets = [0, 5], sizes = [256, 1], strides = [1, 1]} : vector<256x16xf32> to vector<256x1xf32>
    %slice3A_650 = vector.extract_strided_slice %convert_element_type3A_89 {offsets = [0, 320], sizes = [256, 64], strides = [1, 1]} : vector<256x1024xf32> to vector<256x64xf32>
    %mul3A_651 = vector.broadcast %slice3A_649 : vector<256x1xf32> to vector<256x64xf32>
    %mul3A_652 = arith.mulf %mul3A_651, %slice3A_650 : vector<256x64xf32>
    %add3A_653 = arith.addf %add3A_648, %mul3A_652 : vector<256x64xf32>
    %slice3A_654 = vector.extract_strided_slice %convert_element_type3A_621 {offsets = [0, 6], sizes = [256, 1], strides = [1, 1]} : vector<256x16xf32> to vector<256x1xf32>
    %slice3A_655 = vector.extract_strided_slice %convert_element_type3A_89 {offsets = [0, 384], sizes = [256, 64], strides = [1, 1]} : vector<256x1024xf32> to vector<256x64xf32>
    %mul3A_656 = vector.broadcast %slice3A_654 : vector<256x1xf32> to vector<256x64xf32>
    %mul3A_657 = arith.mulf %mul3A_656, %slice3A_655 : vector<256x64xf32>
    %add3A_658 = arith.addf %add3A_653, %mul3A_657 : vector<256x64xf32>
    %slice3A_659 = vector.extract_strided_slice %convert_element_type3A_621 {offsets = [0, 7], sizes = [256, 1], strides = [1, 1]} : vector<256x16xf32> to vector<256x1xf32>
    %slice3A_660 = vector.extract_strided_slice %convert_element_type3A_89 {offsets = [0, 448], sizes = [256, 64], strides = [1, 1]} : vector<256x1024xf32> to vector<256x64xf32>
    %mul3A_661 = vector.broadcast %slice3A_659 : vector<256x1xf32> to vector<256x64xf32>
    %mul3A_662 = arith.mulf %mul3A_661, %slice3A_660 : vector<256x64xf32>
    %add3A_663 = arith.addf %add3A_658, %mul3A_662 : vector<256x64xf32>
    %slice3A_664 = vector.extract_strided_slice %convert_element_type3A_621 {offsets = [0, 8], sizes = [256, 1], strides = [1, 1]} : vector<256x16xf32> to vector<256x1xf32>
    %slice3A_665 = vector.extract_strided_slice %convert_element_type3A_89 {offsets = [0, 512], sizes = [256, 64], strides = [1, 1]} : vector<256x1024xf32> to vector<256x64xf32>
    %mul3A_666 = vector.broadcast %slice3A_664 : vector<256x1xf32> to vector<256x64xf32>
    %mul3A_667 = arith.mulf %mul3A_666, %slice3A_665 : vector<256x64xf32>
    %add3A_668 = arith.addf %add3A_663, %mul3A_667 : vector<256x64xf32>
    %slice3A_669 = vector.extract_strided_slice %convert_element_type3A_621 {offsets = [0, 9], sizes = [256, 1], strides = [1, 1]} : vector<256x16xf32> to vector<256x1xf32>
    %slice3A_670 = vector.extract_strided_slice %convert_element_type3A_89 {offsets = [0, 576], sizes = [256, 64], strides = [1, 1]} : vector<256x1024xf32> to vector<256x64xf32>
    %mul3A_671 = vector.broadcast %slice3A_669 : vector<256x1xf32> to vector<256x64xf32>
    %mul3A_672 = arith.mulf %mul3A_671, %slice3A_670 : vector<256x64xf32>
    %add3A_673 = arith.addf %add3A_668, %mul3A_672 : vector<256x64xf32>
    %slice3A_674 = vector.extract_strided_slice %convert_element_type3A_621 {offsets = [0, 10], sizes = [256, 1], strides = [1, 1]} : vector<256x16xf32> to vector<256x1xf32>
    %slice3A_675 = vector.extract_strided_slice %convert_element_type3A_89 {offsets = [0, 640], sizes = [256, 64], strides = [1, 1]} : vector<256x1024xf32> to vector<256x64xf32>
    %mul3A_676 = vector.broadcast %slice3A_674 : vector<256x1xf32> to vector<256x64xf32>
    %mul3A_677 = arith.mulf %mul3A_676, %slice3A_675 : vector<256x64xf32>
    %add3A_678 = arith.addf %add3A_673, %mul3A_677 : vector<256x64xf32>
    %slice3A_679 = vector.extract_strided_slice %convert_element_type3A_621 {offsets = [0, 11], sizes = [256, 1], strides = [1, 1]} : vector<256x16xf32> to vector<256x1xf32>
    %slice3A_680 = vector.extract_strided_slice %convert_element_type3A_89 {offsets = [0, 704], sizes = [256, 64], strides = [1, 1]} : vector<256x1024xf32> to vector<256x64xf32>
    %mul3A_681 = vector.broadcast %slice3A_679 : vector<256x1xf32> to vector<256x64xf32>
    %mul3A_682 = arith.mulf %mul3A_681, %slice3A_680 : vector<256x64xf32>
    %add3A_683 = arith.addf %add3A_678, %mul3A_682 : vector<256x64xf32>
    %slice3A_684 = vector.extract_strided_slice %convert_element_type3A_621 {offsets = [0, 12], sizes = [256, 1], strides = [1, 1]} : vector<256x16xf32> to vector<256x1xf32>
    %slice3A_685 = vector.extract_strided_slice %convert_element_type3A_89 {offsets = [0, 768], sizes = [256, 64], strides = [1, 1]} : vector<256x1024xf32> to vector<256x64xf32>
    %mul3A_686 = vector.broadcast %slice3A_684 : vector<256x1xf32> to vector<256x64xf32>
    %mul3A_687 = arith.mulf %mul3A_686, %slice3A_685 : vector<256x64xf32>
    %add3A_688 = arith.addf %add3A_683, %mul3A_687 : vector<256x64xf32>
    %slice3A_689 = vector.extract_strided_slice %convert_element_type3A_621 {offsets = [0, 13], sizes = [256, 1], strides = [1, 1]} : vector<256x16xf32> to vector<256x1xf32>
    %slice3A_690 = vector.extract_strided_slice %convert_element_type3A_89 {offsets = [0, 832], sizes = [256, 64], strides = [1, 1]} : vector<256x1024xf32> to vector<256x64xf32>
    %mul3A_691 = vector.broadcast %slice3A_689 : vector<256x1xf32> to vector<256x64xf32>
    %mul3A_692 = arith.mulf %mul3A_691, %slice3A_690 : vector<256x64xf32>
    %add3A_693 = arith.addf %add3A_688, %mul3A_692 : vector<256x64xf32>
    %slice3A_694 = vector.extract_strided_slice %convert_element_type3A_621 {offsets = [0, 14], sizes = [256, 1], strides = [1, 1]} : vector<256x16xf32> to vector<256x1xf32>
    %slice3A_695 = vector.extract_strided_slice %convert_element_type3A_89 {offsets = [0, 896], sizes = [256, 64], strides = [1, 1]} : vector<256x1024xf32> to vector<256x64xf32>
    %mul3A_696 = vector.broadcast %slice3A_694 : vector<256x1xf32> to vector<256x64xf32>
    %mul3A_697 = arith.mulf %mul3A_696, %slice3A_695 : vector<256x64xf32>
    %add3A_698 = arith.addf %add3A_693, %mul3A_697 : vector<256x64xf32>
    %slice3A_699 = vector.extract_strided_slice %convert_element_type3A_621 {offsets = [0, 15], sizes = [256, 1], strides = [1, 1]} : vector<256x16xf32> to vector<256x1xf32>
    %slice3A_700 = vector.extract_strided_slice %convert_element_type3A_89 {offsets = [0, 960], sizes = [256, 64], strides = [1, 1]} : vector<256x1024xf32> to vector<256x64xf32>
    %mul3A_701 = vector.broadcast %slice3A_699 : vector<256x1xf32> to vector<256x64xf32>
    %mul3A_702 = arith.mulf %mul3A_701, %slice3A_700 : vector<256x64xf32>
    %add3A_703 = arith.addf %add3A_698, %mul3A_702 : vector<256x64xf32>
    %slice3A_704 = vector.extract_strided_slice %convert_element_type3A_85 {offsets = [0, 384], sizes = [256, 64], strides = [1, 1]} : vector<256x1024xf32> to vector<256x64xf32>
    %concatenate3A_705 = tpu.concatenate %slice3A_704, %slice3A_704, %slice3A_704, %slice3A_704, %slice3A_704, %slice3A_704, %slice3A_704, %slice3A_704, %slice3A_704, %slice3A_704, %slice3A_704, %slice3A_704, %slice3A_704, %slice3A_704, %slice3A_704, %slice3A_704 in 1 : vector<256x64xf32>, vector<256x64xf32>, vector<256x64xf32>, vector<256x64xf32>, vector<256x64xf32>, vector<256x64xf32>, vector<256x64xf32>, vector<256x64xf32>, vector<256x64xf32>, vector<256x64xf32>, vector<256x64xf32>, vector<256x64xf32>, vector<256x64xf32>, vector<256x64xf32>, vector<256x64xf32>, vector<256x64xf32> -> vector<256x1024xf32>
    %mul3A_706 = arith.mulf %concatenate3A_705, %convert_element_type3A_87 : vector<256x1024xf32>
    %dot_general3A_707 = arith.constant dense<0.000000e+00> : vector<256x16xf32>
    %dot_general3A_708 = tpu.matmul %mul3A_706, %convert_element_type3A_83, %dot_general3A_707 {dimension_numbers = #tpu.dot_dimension_numbers<[1], [0], [0], [1], [0, 0, 1, 1], [], []>, precision = #tpu.contract_precision<fp32>, transpose_lhs_hint = false} : vector<256x1024xf32>, vector<1024x16xf32>, vector<256x16xf32> -> vector<256x16xf32>
    %mul3A_709 = arith.constant 1.250000e-01 : f32
    %mul3A_710 = vector.broadcast %mul3A_709 : f32 to vector<256x16xf32>
    %mul3A_711 = arith.mulf %dot_general3A_708, %mul3A_710 : vector<256x16xf32>
    %reduce_max3A_712 = arith.constant dense<0xFF800000> : vector<256xf32>
    %reduce_max3A_713 = vector.multi_reduction <maximumf>, %mul3A_711, %reduce_max3A_712 [1] : vector<256x16xf32> to vector<256xf32>
    %broadcast_in_dim3A_714 = vector.shape_cast %reduce_max3A_713 : vector<256xf32> to vector<256x1xf32>
    %sub3A_715 = vector.broadcast %broadcast_in_dim3A_714 : vector<256x1xf32> to vector<256x16xf32>
    %sub3A_716 = arith.subf %mul3A_711, %sub3A_715 : vector<256x16xf32>
    %exp3A_717 = math.exp %sub3A_716 : vector<256x16xf32>
    %reduce_sum3A_718 = arith.constant dense<0.000000e+00> : vector<256xf32>
    %reduce_sum3A_719 = vector.multi_reduction <add>, %exp3A_717, %reduce_sum3A_718 [1] : vector<256x16xf32> to vector<256xf32>
    %broadcast_in_dim3A_720 = vector.shape_cast %reduce_sum3A_719 : vector<256xf32> to vector<256x1xf32>
    %div3A_721 = vector.broadcast %broadcast_in_dim3A_720 : vector<256x1xf32> to vector<256x16xf32>
    %div3A_722 = arith.divf %exp3A_717, %div3A_721 : vector<256x16xf32>
    %convert_element_type3A_723 = arith.truncf %div3A_722 : vector<256x16xf32> to vector<256x16xbf16>
    %convert_element_type3A_724 = arith.extf %convert_element_type3A_723 : vector<256x16xbf16> to vector<256x16xf32>
    %broadcast_in_dim3A_725 = arith.constant 0.000000e+00 : f32
    %broadcast_in_dim3A_726 = vector.broadcast %broadcast_in_dim3A_725 : f32 to vector<256x64xf32>
    %slice3A_727 = vector.extract_strided_slice %convert_element_type3A_724 {offsets = [0, 0], sizes = [256, 1], strides = [1, 1]} : vector<256x16xf32> to vector<256x1xf32>
    %slice3A_728 = vector.extract_strided_slice %convert_element_type3A_89 {offsets = [0, 0], sizes = [256, 64], strides = [1, 1]} : vector<256x1024xf32> to vector<256x64xf32>
    %mul3A_729 = vector.broadcast %slice3A_727 : vector<256x1xf32> to vector<256x64xf32>
    %mul3A_730 = arith.mulf %mul3A_729, %slice3A_728 : vector<256x64xf32>
    %add3A_731 = arith.addf %broadcast_in_dim3A_726, %mul3A_730 : vector<256x64xf32>
    %slice3A_732 = vector.extract_strided_slice %convert_element_type3A_724 {offsets = [0, 1], sizes = [256, 1], strides = [1, 1]} : vector<256x16xf32> to vector<256x1xf32>
    %slice3A_733 = vector.extract_strided_slice %convert_element_type3A_89 {offsets = [0, 64], sizes = [256, 64], strides = [1, 1]} : vector<256x1024xf32> to vector<256x64xf32>
    %mul3A_734 = vector.broadcast %slice3A_732 : vector<256x1xf32> to vector<256x64xf32>
    %mul3A_735 = arith.mulf %mul3A_734, %slice3A_733 : vector<256x64xf32>
    %add3A_736 = arith.addf %add3A_731, %mul3A_735 : vector<256x64xf32>
    %slice3A_737 = vector.extract_strided_slice %convert_element_type3A_724 {offsets = [0, 2], sizes = [256, 1], strides = [1, 1]} : vector<256x16xf32> to vector<256x1xf32>
    %slice3A_738 = vector.extract_strided_slice %convert_element_type3A_89 {offsets = [0, 128], sizes = [256, 64], strides = [1, 1]} : vector<256x1024xf32> to vector<256x64xf32>
    %mul3A_739 = vector.broadcast %slice3A_737 : vector<256x1xf32> to vector<256x64xf32>
    %mul3A_740 = arith.mulf %mul3A_739, %slice3A_738 : vector<256x64xf32>
    %add3A_741 = arith.addf %add3A_736, %mul3A_740 : vector<256x64xf32>
    %slice3A_742 = vector.extract_strided_slice %convert_element_type3A_724 {offsets = [0, 3], sizes = [256, 1], strides = [1, 1]} : vector<256x16xf32> to vector<256x1xf32>
    %slice3A_743 = vector.extract_strided_slice %convert_element_type3A_89 {offsets = [0, 192], sizes = [256, 64], strides = [1, 1]} : vector<256x1024xf32> to vector<256x64xf32>
    %mul3A_744 = vector.broadcast %slice3A_742 : vector<256x1xf32> to vector<256x64xf32>
    %mul3A_745 = arith.mulf %mul3A_744, %slice3A_743 : vector<256x64xf32>
    %add3A_746 = arith.addf %add3A_741, %mul3A_745 : vector<256x64xf32>
    %slice3A_747 = vector.extract_strided_slice %convert_element_type3A_724 {offsets = [0, 4], sizes = [256, 1], strides = [1, 1]} : vector<256x16xf32> to vector<256x1xf32>
    %slice3A_748 = vector.extract_strided_slice %convert_element_type3A_89 {offsets = [0, 256], sizes = [256, 64], strides = [1, 1]} : vector<256x1024xf32> to vector<256x64xf32>
    %mul3A_749 = vector.broadcast %slice3A_747 : vector<256x1xf32> to vector<256x64xf32>
    %mul3A_750 = arith.mulf %mul3A_749, %slice3A_748 : vector<256x64xf32>
    %add3A_751 = arith.addf %add3A_746, %mul3A_750 : vector<256x64xf32>
    %slice3A_752 = vector.extract_strided_slice %convert_element_type3A_724 {offsets = [0, 5], sizes = [256, 1], strides = [1, 1]} : vector<256x16xf32> to vector<256x1xf32>
    %slice3A_753 = vector.extract_strided_slice %convert_element_type3A_89 {offsets = [0, 320], sizes = [256, 64], strides = [1, 1]} : vector<256x1024xf32> to vector<256x64xf32>
    %mul3A_754 = vector.broadcast %slice3A_752 : vector<256x1xf32> to vector<256x64xf32>
    %mul3A_755 = arith.mulf %mul3A_754, %slice3A_753 : vector<256x64xf32>
    %add3A_756 = arith.addf %add3A_751, %mul3A_755 : vector<256x64xf32>
    %slice3A_757 = vector.extract_strided_slice %convert_element_type3A_724 {offsets = [0, 6], sizes = [256, 1], strides = [1, 1]} : vector<256x16xf32> to vector<256x1xf32>
    %slice3A_758 = vector.extract_strided_slice %convert_element_type3A_89 {offsets = [0, 384], sizes = [256, 64], strides = [1, 1]} : vector<256x1024xf32> to vector<256x64xf32>
    %mul3A_759 = vector.broadcast %slice3A_757 : vector<256x1xf32> to vector<256x64xf32>
    %mul3A_760 = arith.mulf %mul3A_759, %slice3A_758 : vector<256x64xf32>
    %add3A_761 = arith.addf %add3A_756, %mul3A_760 : vector<256x64xf32>
    %slice3A_762 = vector.extract_strided_slice %convert_element_type3A_724 {offsets = [0, 7], sizes = [256, 1], strides = [1, 1]} : vector<256x16xf32> to vector<256x1xf32>
    %slice3A_763 = vector.extract_strided_slice %convert_element_type3A_89 {offsets = [0, 448], sizes = [256, 64], strides = [1, 1]} : vector<256x1024xf32> to vector<256x64xf32>
    %mul3A_764 = vector.broadcast %slice3A_762 : vector<256x1xf32> to vector<256x64xf32>
    %mul3A_765 = arith.mulf %mul3A_764, %slice3A_763 : vector<256x64xf32>
    %add3A_766 = arith.addf %add3A_761, %mul3A_765 : vector<256x64xf32>
    %slice3A_767 = vector.extract_strided_slice %convert_element_type3A_724 {offsets = [0, 8], sizes = [256, 1], strides = [1, 1]} : vector<256x16xf32> to vector<256x1xf32>
    %slice3A_768 = vector.extract_strided_slice %convert_element_type3A_89 {offsets = [0, 512], sizes = [256, 64], strides = [1, 1]} : vector<256x1024xf32> to vector<256x64xf32>
    %mul3A_769 = vector.broadcast %slice3A_767 : vector<256x1xf32> to vector<256x64xf32>
    %mul3A_770 = arith.mulf %mul3A_769, %slice3A_768 : vector<256x64xf32>
    %add3A_771 = arith.addf %add3A_766, %mul3A_770 : vector<256x64xf32>
    %slice3A_772 = vector.extract_strided_slice %convert_element_type3A_724 {offsets = [0, 9], sizes = [256, 1], strides = [1, 1]} : vector<256x16xf32> to vector<256x1xf32>
    %slice3A_773 = vector.extract_strided_slice %convert_element_type3A_89 {offsets = [0, 576], sizes = [256, 64], strides = [1, 1]} : vector<256x1024xf32> to vector<256x64xf32>
    %mul3A_774 = vector.broadcast %slice3A_772 : vector<256x1xf32> to vector<256x64xf32>
    %mul3A_775 = arith.mulf %mul3A_774, %slice3A_773 : vector<256x64xf32>
    %add3A_776 = arith.addf %add3A_771, %mul3A_775 : vector<256x64xf32>
    %slice3A_777 = vector.extract_strided_slice %convert_element_type3A_724 {offsets = [0, 10], sizes = [256, 1], strides = [1, 1]} : vector<256x16xf32> to vector<256x1xf32>
    %slice3A_778 = vector.extract_strided_slice %convert_element_type3A_89 {offsets = [0, 640], sizes = [256, 64], strides = [1, 1]} : vector<256x1024xf32> to vector<256x64xf32>
    %mul3A_779 = vector.broadcast %slice3A_777 : vector<256x1xf32> to vector<256x64xf32>
    %mul3A_780 = arith.mulf %mul3A_779, %slice3A_778 : vector<256x64xf32>
    %add3A_781 = arith.addf %add3A_776, %mul3A_780 : vector<256x64xf32>
    %slice3A_782 = vector.extract_strided_slice %convert_element_type3A_724 {offsets = [0, 11], sizes = [256, 1], strides = [1, 1]} : vector<256x16xf32> to vector<256x1xf32>
    %slice3A_783 = vector.extract_strided_slice %convert_element_type3A_89 {offsets = [0, 704], sizes = [256, 64], strides = [1, 1]} : vector<256x1024xf32> to vector<256x64xf32>
    %mul3A_784 = vector.broadcast %slice3A_782 : vector<256x1xf32> to vector<256x64xf32>
    %mul3A_785 = arith.mulf %mul3A_784, %slice3A_783 : vector<256x64xf32>
    %add3A_786 = arith.addf %add3A_781, %mul3A_785 : vector<256x64xf32>
    %slice3A_787 = vector.extract_strided_slice %convert_element_type3A_724 {offsets = [0, 12], sizes = [256, 1], strides = [1, 1]} : vector<256x16xf32> to vector<256x1xf32>
    %slice3A_788 = vector.extract_strided_slice %convert_element_type3A_89 {offsets = [0, 768], sizes = [256, 64], strides = [1, 1]} : vector<256x1024xf32> to vector<256x64xf32>
    %mul3A_789 = vector.broadcast %slice3A_787 : vector<256x1xf32> to vector<256x64xf32>
    %mul3A_790 = arith.mulf %mul3A_789, %slice3A_788 : vector<256x64xf32>
    %add3A_791 = arith.addf %add3A_786, %mul3A_790 : vector<256x64xf32>
    %slice3A_792 = vector.extract_strided_slice %convert_element_type3A_724 {offsets = [0, 13], sizes = [256, 1], strides = [1, 1]} : vector<256x16xf32> to vector<256x1xf32>
    %slice3A_793 = vector.extract_strided_slice %convert_element_type3A_89 {offsets = [0, 832], sizes = [256, 64], strides = [1, 1]} : vector<256x1024xf32> to vector<256x64xf32>
    %mul3A_794 = vector.broadcast %slice3A_792 : vector<256x1xf32> to vector<256x64xf32>
    %mul3A_795 = arith.mulf %mul3A_794, %slice3A_793 : vector<256x64xf32>
    %add3A_796 = arith.addf %add3A_791, %mul3A_795 : vector<256x64xf32>
    %slice3A_797 = vector.extract_strided_slice %convert_element_type3A_724 {offsets = [0, 14], sizes = [256, 1], strides = [1, 1]} : vector<256x16xf32> to vector<256x1xf32>
    %slice3A_798 = vector.extract_strided_slice %convert_element_type3A_89 {offsets = [0, 896], sizes = [256, 64], strides = [1, 1]} : vector<256x1024xf32> to vector<256x64xf32>
    %mul3A_799 = vector.broadcast %slice3A_797 : vector<256x1xf32> to vector<256x64xf32>
    %mul3A_800 = arith.mulf %mul3A_799, %slice3A_798 : vector<256x64xf32>
    %add3A_801 = arith.addf %add3A_796, %mul3A_800 : vector<256x64xf32>
    %slice3A_802 = vector.extract_strided_slice %convert_element_type3A_724 {offsets = [0, 15], sizes = [256, 1], strides = [1, 1]} : vector<256x16xf32> to vector<256x1xf32>
    %slice3A_803 = vector.extract_strided_slice %convert_element_type3A_89 {offsets = [0, 960], sizes = [256, 64], strides = [1, 1]} : vector<256x1024xf32> to vector<256x64xf32>
    %mul3A_804 = vector.broadcast %slice3A_802 : vector<256x1xf32> to vector<256x64xf32>
    %mul3A_805 = arith.mulf %mul3A_804, %slice3A_803 : vector<256x64xf32>
    %add3A_806 = arith.addf %add3A_801, %mul3A_805 : vector<256x64xf32>
    %slice3A_807 = vector.extract_strided_slice %convert_element_type3A_85 {offsets = [0, 448], sizes = [256, 64], strides = [1, 1]} : vector<256x1024xf32> to vector<256x64xf32>
    %concatenate3A_808 = tpu.concatenate %slice3A_807, %slice3A_807, %slice3A_807, %slice3A_807, %slice3A_807, %slice3A_807, %slice3A_807, %slice3A_807, %slice3A_807, %slice3A_807, %slice3A_807, %slice3A_807, %slice3A_807, %slice3A_807, %slice3A_807, %slice3A_807 in 1 : vector<256x64xf32>, vector<256x64xf32>, vector<256x64xf32>, vector<256x64xf32>, vector<256x64xf32>, vector<256x64xf32>, vector<256x64xf32>, vector<256x64xf32>, vector<256x64xf32>, vector<256x64xf32>, vector<256x64xf32>, vector<256x64xf32>, vector<256x64xf32>, vector<256x64xf32>, vector<256x64xf32>, vector<256x64xf32> -> vector<256x1024xf32>
    %mul3A_809 = arith.mulf %concatenate3A_808, %convert_element_type3A_87 : vector<256x1024xf32>
    %dot_general3A_810 = arith.constant dense<0.000000e+00> : vector<256x16xf32>
    %dot_general3A_811 = tpu.matmul %mul3A_809, %convert_element_type3A_83, %dot_general3A_810 {dimension_numbers = #tpu.dot_dimension_numbers<[1], [0], [0], [1], [0, 0, 1, 1], [], []>, precision = #tpu.contract_precision<fp32>, transpose_lhs_hint = false} : vector<256x1024xf32>, vector<1024x16xf32>, vector<256x16xf32> -> vector<256x16xf32>
    %mul3A_812 = arith.constant 1.250000e-01 : f32
    %mul3A_813 = vector.broadcast %mul3A_812 : f32 to vector<256x16xf32>
    %mul3A_814 = arith.mulf %dot_general3A_811, %mul3A_813 : vector<256x16xf32>
    %reduce_max3A_815 = arith.constant dense<0xFF800000> : vector<256xf32>
    %reduce_max3A_816 = vector.multi_reduction <maximumf>, %mul3A_814, %reduce_max3A_815 [1] : vector<256x16xf32> to vector<256xf32>
    %broadcast_in_dim3A_817 = vector.shape_cast %reduce_max3A_816 : vector<256xf32> to vector<256x1xf32>
    %sub3A_818 = vector.broadcast %broadcast_in_dim3A_817 : vector<256x1xf32> to vector<256x16xf32>
    %sub3A_819 = arith.subf %mul3A_814, %sub3A_818 : vector<256x16xf32>
    %exp3A_820 = math.exp %sub3A_819 : vector<256x16xf32>
    %reduce_sum3A_821 = arith.constant dense<0.000000e+00> : vector<256xf32>
    %reduce_sum3A_822 = vector.multi_reduction <add>, %exp3A_820, %reduce_sum3A_821 [1] : vector<256x16xf32> to vector<256xf32>
    %broadcast_in_dim3A_823 = vector.shape_cast %reduce_sum3A_822 : vector<256xf32> to vector<256x1xf32>
    %div3A_824 = vector.broadcast %broadcast_in_dim3A_823 : vector<256x1xf32> to vector<256x16xf32>
    %div3A_825 = arith.divf %exp3A_820, %div3A_824 : vector<256x16xf32>
    %convert_element_type3A_826 = arith.truncf %div3A_825 : vector<256x16xf32> to vector<256x16xbf16>
    %convert_element_type3A_827 = arith.extf %convert_element_type3A_826 : vector<256x16xbf16> to vector<256x16xf32>
    %broadcast_in_dim3A_828 = arith.constant 0.000000e+00 : f32
    %broadcast_in_dim3A_829 = vector.broadcast %broadcast_in_dim3A_828 : f32 to vector<256x64xf32>
    %slice3A_830 = vector.extract_strided_slice %convert_element_type3A_827 {offsets = [0, 0], sizes = [256, 1], strides = [1, 1]} : vector<256x16xf32> to vector<256x1xf32>
    %slice3A_831 = vector.extract_strided_slice %convert_element_type3A_89 {offsets = [0, 0], sizes = [256, 64], strides = [1, 1]} : vector<256x1024xf32> to vector<256x64xf32>
    %mul3A_832 = vector.broadcast %slice3A_830 : vector<256x1xf32> to vector<256x64xf32>
    %mul3A_833 = arith.mulf %mul3A_832, %slice3A_831 : vector<256x64xf32>
    %add3A_834 = arith.addf %broadcast_in_dim3A_829, %mul3A_833 : vector<256x64xf32>
    %slice3A_835 = vector.extract_strided_slice %convert_element_type3A_827 {offsets = [0, 1], sizes = [256, 1], strides = [1, 1]} : vector<256x16xf32> to vector<256x1xf32>
    %slice3A_836 = vector.extract_strided_slice %convert_element_type3A_89 {offsets = [0, 64], sizes = [256, 64], strides = [1, 1]} : vector<256x1024xf32> to vector<256x64xf32>
    %mul3A_837 = vector.broadcast %slice3A_835 : vector<256x1xf32> to vector<256x64xf32>
    %mul3A_838 = arith.mulf %mul3A_837, %slice3A_836 : vector<256x64xf32>
    %add3A_839 = arith.addf %add3A_834, %mul3A_838 : vector<256x64xf32>
    %slice3A_840 = vector.extract_strided_slice %convert_element_type3A_827 {offsets = [0, 2], sizes = [256, 1], strides = [1, 1]} : vector<256x16xf32> to vector<256x1xf32>
    %slice3A_841 = vector.extract_strided_slice %convert_element_type3A_89 {offsets = [0, 128], sizes = [256, 64], strides = [1, 1]} : vector<256x1024xf32> to vector<256x64xf32>
    %mul3A_842 = vector.broadcast %slice3A_840 : vector<256x1xf32> to vector<256x64xf32>
    %mul3A_843 = arith.mulf %mul3A_842, %slice3A_841 : vector<256x64xf32>
    %add3A_844 = arith.addf %add3A_839, %mul3A_843 : vector<256x64xf32>
    %slice3A_845 = vector.extract_strided_slice %convert_element_type3A_827 {offsets = [0, 3], sizes = [256, 1], strides = [1, 1]} : vector<256x16xf32> to vector<256x1xf32>
    %slice3A_846 = vector.extract_strided_slice %convert_element_type3A_89 {offsets = [0, 192], sizes = [256, 64], strides = [1, 1]} : vector<256x1024xf32> to vector<256x64xf32>
    %mul3A_847 = vector.broadcast %slice3A_845 : vector<256x1xf32> to vector<256x64xf32>
    %mul3A_848 = arith.mulf %mul3A_847, %slice3A_846 : vector<256x64xf32>
    %add3A_849 = arith.addf %add3A_844, %mul3A_848 : vector<256x64xf32>
    %slice3A_850 = vector.extract_strided_slice %convert_element_type3A_827 {offsets = [0, 4], sizes = [256, 1], strides = [1, 1]} : vector<256x16xf32> to vector<256x1xf32>
    %slice3A_851 = vector.extract_strided_slice %convert_element_type3A_89 {offsets = [0, 256], sizes = [256, 64], strides = [1, 1]} : vector<256x1024xf32> to vector<256x64xf32>
    %mul3A_852 = vector.broadcast %slice3A_850 : vector<256x1xf32> to vector<256x64xf32>
    %mul3A_853 = arith.mulf %mul3A_852, %slice3A_851 : vector<256x64xf32>
    %add3A_854 = arith.addf %add3A_849, %mul3A_853 : vector<256x64xf32>
    %slice3A_855 = vector.extract_strided_slice %convert_element_type3A_827 {offsets = [0, 5], sizes = [256, 1], strides = [1, 1]} : vector<256x16xf32> to vector<256x1xf32>
    %slice3A_856 = vector.extract_strided_slice %convert_element_type3A_89 {offsets = [0, 320], sizes = [256, 64], strides = [1, 1]} : vector<256x1024xf32> to vector<256x64xf32>
    %mul3A_857 = vector.broadcast %slice3A_855 : vector<256x1xf32> to vector<256x64xf32>
    %mul3A_858 = arith.mulf %mul3A_857, %slice3A_856 : vector<256x64xf32>
    %add3A_859 = arith.addf %add3A_854, %mul3A_858 : vector<256x64xf32>
    %slice3A_860 = vector.extract_strided_slice %convert_element_type3A_827 {offsets = [0, 6], sizes = [256, 1], strides = [1, 1]} : vector<256x16xf32> to vector<256x1xf32>
    %slice3A_861 = vector.extract_strided_slice %convert_element_type3A_89 {offsets = [0, 384], sizes = [256, 64], strides = [1, 1]} : vector<256x1024xf32> to vector<256x64xf32>
    %mul3A_862 = vector.broadcast %slice3A_860 : vector<256x1xf32> to vector<256x64xf32>
    %mul3A_863 = arith.mulf %mul3A_862, %slice3A_861 : vector<256x64xf32>
    %add3A_864 = arith.addf %add3A_859, %mul3A_863 : vector<256x64xf32>
    %slice3A_865 = vector.extract_strided_slice %convert_element_type3A_827 {offsets = [0, 7], sizes = [256, 1], strides = [1, 1]} : vector<256x16xf32> to vector<256x1xf32>
    %slice3A_866 = vector.extract_strided_slice %convert_element_type3A_89 {offsets = [0, 448], sizes = [256, 64], strides = [1, 1]} : vector<256x1024xf32> to vector<256x64xf32>
    %mul3A_867 = vector.broadcast %slice3A_865 : vector<256x1xf32> to vector<256x64xf32>
    %mul3A_868 = arith.mulf %mul3A_867, %slice3A_866 : vector<256x64xf32>
    %add3A_869 = arith.addf %add3A_864, %mul3A_868 : vector<256x64xf32>
    %slice3A_870 = vector.extract_strided_slice %convert_element_type3A_827 {offsets = [0, 8], sizes = [256, 1], strides = [1, 1]} : vector<256x16xf32> to vector<256x1xf32>
    %slice3A_871 = vector.extract_strided_slice %convert_element_type3A_89 {offsets = [0, 512], sizes = [256, 64], strides = [1, 1]} : vector<256x1024xf32> to vector<256x64xf32>
    %mul3A_872 = vector.broadcast %slice3A_870 : vector<256x1xf32> to vector<256x64xf32>
    %mul3A_873 = arith.mulf %mul3A_872, %slice3A_871 : vector<256x64xf32>
    %add3A_874 = arith.addf %add3A_869, %mul3A_873 : vector<256x64xf32>
    %slice3A_875 = vector.extract_strided_slice %convert_element_type3A_827 {offsets = [0, 9], sizes = [256, 1], strides = [1, 1]} : vector<256x16xf32> to vector<256x1xf32>
    %slice3A_876 = vector.extract_strided_slice %convert_element_type3A_89 {offsets = [0, 576], sizes = [256, 64], strides = [1, 1]} : vector<256x1024xf32> to vector<256x64xf32>
    %mul3A_877 = vector.broadcast %slice3A_875 : vector<256x1xf32> to vector<256x64xf32>
    %mul3A_878 = arith.mulf %mul3A_877, %slice3A_876 : vector<256x64xf32>
    %add3A_879 = arith.addf %add3A_874, %mul3A_878 : vector<256x64xf32>
    %slice3A_880 = vector.extract_strided_slice %convert_element_type3A_827 {offsets = [0, 10], sizes = [256, 1], strides = [1, 1]} : vector<256x16xf32> to vector<256x1xf32>
    %slice3A_881 = vector.extract_strided_slice %convert_element_type3A_89 {offsets = [0, 640], sizes = [256, 64], strides = [1, 1]} : vector<256x1024xf32> to vector<256x64xf32>
    %mul3A_882 = vector.broadcast %slice3A_880 : vector<256x1xf32> to vector<256x64xf32>
    %mul3A_883 = arith.mulf %mul3A_882, %slice3A_881 : vector<256x64xf32>
    %add3A_884 = arith.addf %add3A_879, %mul3A_883 : vector<256x64xf32>
    %slice3A_885 = vector.extract_strided_slice %convert_element_type3A_827 {offsets = [0, 11], sizes = [256, 1], strides = [1, 1]} : vector<256x16xf32> to vector<256x1xf32>
    %slice3A_886 = vector.extract_strided_slice %convert_element_type3A_89 {offsets = [0, 704], sizes = [256, 64], strides = [1, 1]} : vector<256x1024xf32> to vector<256x64xf32>
    %mul3A_887 = vector.broadcast %slice3A_885 : vector<256x1xf32> to vector<256x64xf32>
    %mul3A_888 = arith.mulf %mul3A_887, %slice3A_886 : vector<256x64xf32>
    %add3A_889 = arith.addf %add3A_884, %mul3A_888 : vector<256x64xf32>
    %slice3A_890 = vector.extract_strided_slice %convert_element_type3A_827 {offsets = [0, 12], sizes = [256, 1], strides = [1, 1]} : vector<256x16xf32> to vector<256x1xf32>
    %slice3A_891 = vector.extract_strided_slice %convert_element_type3A_89 {offsets = [0, 768], sizes = [256, 64], strides = [1, 1]} : vector<256x1024xf32> to vector<256x64xf32>
    %mul3A_892 = vector.broadcast %slice3A_890 : vector<256x1xf32> to vector<256x64xf32>
    %mul3A_893 = arith.mulf %mul3A_892, %slice3A_891 : vector<256x64xf32>
    %add3A_894 = arith.addf %add3A_889, %mul3A_893 : vector<256x64xf32>
    %slice3A_895 = vector.extract_strided_slice %convert_element_type3A_827 {offsets = [0, 13], sizes = [256, 1], strides = [1, 1]} : vector<256x16xf32> to vector<256x1xf32>
    %slice3A_896 = vector.extract_strided_slice %convert_element_type3A_89 {offsets = [0, 832], sizes = [256, 64], strides = [1, 1]} : vector<256x1024xf32> to vector<256x64xf32>
    %mul3A_897 = vector.broadcast %slice3A_895 : vector<256x1xf32> to vector<256x64xf32>
    %mul3A_898 = arith.mulf %mul3A_897, %slice3A_896 : vector<256x64xf32>
    %add3A_899 = arith.addf %add3A_894, %mul3A_898 : vector<256x64xf32>
    %slice3A_900 = vector.extract_strided_slice %convert_element_type3A_827 {offsets = [0, 14], sizes = [256, 1], strides = [1, 1]} : vector<256x16xf32> to vector<256x1xf32>
    %slice3A_901 = vector.extract_strided_slice %convert_element_type3A_89 {offsets = [0, 896], sizes = [256, 64], strides = [1, 1]} : vector<256x1024xf32> to vector<256x64xf32>
    %mul3A_902 = vector.broadcast %slice3A_900 : vector<256x1xf32> to vector<256x64xf32>
    %mul3A_903 = arith.mulf %mul3A_902, %slice3A_901 : vector<256x64xf32>
    %add3A_904 = arith.addf %add3A_899, %mul3A_903 : vector<256x64xf32>
    %slice3A_905 = vector.extract_strided_slice %convert_element_type3A_827 {offsets = [0, 15], sizes = [256, 1], strides = [1, 1]} : vector<256x16xf32> to vector<256x1xf32>
    %slice3A_906 = vector.extract_strided_slice %convert_element_type3A_89 {offsets = [0, 960], sizes = [256, 64], strides = [1, 1]} : vector<256x1024xf32> to vector<256x64xf32>
    %mul3A_907 = vector.broadcast %slice3A_905 : vector<256x1xf32> to vector<256x64xf32>
    %mul3A_908 = arith.mulf %mul3A_907, %slice3A_906 : vector<256x64xf32>
    %add3A_909 = arith.addf %add3A_904, %mul3A_908 : vector<256x64xf32>
    %slice3A_910 = vector.extract_strided_slice %convert_element_type3A_85 {offsets = [0, 512], sizes = [256, 64], strides = [1, 1]} : vector<256x1024xf32> to vector<256x64xf32>
    %concatenate3A_911 = tpu.concatenate %slice3A_910, %slice3A_910, %slice3A_910, %slice3A_910, %slice3A_910, %slice3A_910, %slice3A_910, %slice3A_910, %slice3A_910, %slice3A_910, %slice3A_910, %slice3A_910, %slice3A_910, %slice3A_910, %slice3A_910, %slice3A_910 in 1 : vector<256x64xf32>, vector<256x64xf32>, vector<256x64xf32>, vector<256x64xf32>, vector<256x64xf32>, vector<256x64xf32>, vector<256x64xf32>, vector<256x64xf32>, vector<256x64xf32>, vector<256x64xf32>, vector<256x64xf32>, vector<256x64xf32>, vector<256x64xf32>, vector<256x64xf32>, vector<256x64xf32>, vector<256x64xf32> -> vector<256x1024xf32>
    %mul3A_912 = arith.mulf %concatenate3A_911, %convert_element_type3A_87 : vector<256x1024xf32>
    %dot_general3A_913 = arith.constant dense<0.000000e+00> : vector<256x16xf32>
    %dot_general3A_914 = tpu.matmul %mul3A_912, %convert_element_type3A_83, %dot_general3A_913 {dimension_numbers = #tpu.dot_dimension_numbers<[1], [0], [0], [1], [0, 0, 1, 1], [], []>, precision = #tpu.contract_precision<fp32>, transpose_lhs_hint = false} : vector<256x1024xf32>, vector<1024x16xf32>, vector<256x16xf32> -> vector<256x16xf32>
    %mul3A_915 = arith.constant 1.250000e-01 : f32
    %mul3A_916 = vector.broadcast %mul3A_915 : f32 to vector<256x16xf32>
    %mul3A_917 = arith.mulf %dot_general3A_914, %mul3A_916 : vector<256x16xf32>
    %reduce_max3A_918 = arith.constant dense<0xFF800000> : vector<256xf32>
    %reduce_max3A_919 = vector.multi_reduction <maximumf>, %mul3A_917, %reduce_max3A_918 [1] : vector<256x16xf32> to vector<256xf32>
    %broadcast_in_dim3A_920 = vector.shape_cast %reduce_max3A_919 : vector<256xf32> to vector<256x1xf32>
    %sub3A_921 = vector.broadcast %broadcast_in_dim3A_920 : vector<256x1xf32> to vector<256x16xf32>
    %sub3A_922 = arith.subf %mul3A_917, %sub3A_921 : vector<256x16xf32>
    %exp3A_923 = math.exp %sub3A_922 : vector<256x16xf32>
    %reduce_sum3A_924 = arith.constant dense<0.000000e+00> : vector<256xf32>
    %reduce_sum3A_925 = vector.multi_reduction <add>, %exp3A_923, %reduce_sum3A_924 [1] : vector<256x16xf32> to vector<256xf32>
    %broadcast_in_dim3A_926 = vector.shape_cast %reduce_sum3A_925 : vector<256xf32> to vector<256x1xf32>
    %div3A_927 = vector.broadcast %broadcast_in_dim3A_926 : vector<256x1xf32> to vector<256x16xf32>
    %div3A_928 = arith.divf %exp3A_923, %div3A_927 : vector<256x16xf32>
    %convert_element_type3A_929 = arith.truncf %div3A_928 : vector<256x16xf32> to vector<256x16xbf16>
    %convert_element_type3A_930 = arith.extf %convert_element_type3A_929 : vector<256x16xbf16> to vector<256x16xf32>
    %broadcast_in_dim3A_931 = arith.constant 0.000000e+00 : f32
    %broadcast_in_dim3A_932 = vector.broadcast %broadcast_in_dim3A_931 : f32 to vector<256x64xf32>
    %slice3A_933 = vector.extract_strided_slice %convert_element_type3A_930 {offsets = [0, 0], sizes = [256, 1], strides = [1, 1]} : vector<256x16xf32> to vector<256x1xf32>
    %slice3A_934 = vector.extract_strided_slice %convert_element_type3A_89 {offsets = [0, 0], sizes = [256, 64], strides = [1, 1]} : vector<256x1024xf32> to vector<256x64xf32>
    %mul3A_935 = vector.broadcast %slice3A_933 : vector<256x1xf32> to vector<256x64xf32>
    %mul3A_936 = arith.mulf %mul3A_935, %slice3A_934 : vector<256x64xf32>
    %add3A_937 = arith.addf %broadcast_in_dim3A_932, %mul3A_936 : vector<256x64xf32>
    %slice3A_938 = vector.extract_strided_slice %convert_element_type3A_930 {offsets = [0, 1], sizes = [256, 1], strides = [1, 1]} : vector<256x16xf32> to vector<256x1xf32>
    %slice3A_939 = vector.extract_strided_slice %convert_element_type3A_89 {offsets = [0, 64], sizes = [256, 64], strides = [1, 1]} : vector<256x1024xf32> to vector<256x64xf32>
    %mul3A_940 = vector.broadcast %slice3A_938 : vector<256x1xf32> to vector<256x64xf32>
    %mul3A_941 = arith.mulf %mul3A_940, %slice3A_939 : vector<256x64xf32>
    %add3A_942 = arith.addf %add3A_937, %mul3A_941 : vector<256x64xf32>
    %slice3A_943 = vector.extract_strided_slice %convert_element_type3A_930 {offsets = [0, 2], sizes = [256, 1], strides = [1, 1]} : vector<256x16xf32> to vector<256x1xf32>
    %slice3A_944 = vector.extract_strided_slice %convert_element_type3A_89 {offsets = [0, 128], sizes = [256, 64], strides = [1, 1]} : vector<256x1024xf32> to vector<256x64xf32>
    %mul3A_945 = vector.broadcast %slice3A_943 : vector<256x1xf32> to vector<256x64xf32>
    %mul3A_946 = arith.mulf %mul3A_945, %slice3A_944 : vector<256x64xf32>
    %add3A_947 = arith.addf %add3A_942, %mul3A_946 : vector<256x64xf32>
    %slice3A_948 = vector.extract_strided_slice %convert_element_type3A_930 {offsets = [0, 3], sizes = [256, 1], strides = [1, 1]} : vector<256x16xf32> to vector<256x1xf32>
    %slice3A_949 = vector.extract_strided_slice %convert_element_type3A_89 {offsets = [0, 192], sizes = [256, 64], strides = [1, 1]} : vector<256x1024xf32> to vector<256x64xf32>
    %mul3A_950 = vector.broadcast %slice3A_948 : vector<256x1xf32> to vector<256x64xf32>
    %mul3A_951 = arith.mulf %mul3A_950, %slice3A_949 : vector<256x64xf32>
    %add3A_952 = arith.addf %add3A_947, %mul3A_951 : vector<256x64xf32>
    %slice3A_953 = vector.extract_strided_slice %convert_element_type3A_930 {offsets = [0, 4], sizes = [256, 1], strides = [1, 1]} : vector<256x16xf32> to vector<256x1xf32>
    %slice3A_954 = vector.extract_strided_slice %convert_element_type3A_89 {offsets = [0, 256], sizes = [256, 64], strides = [1, 1]} : vector<256x1024xf32> to vector<256x64xf32>
    %mul3A_955 = vector.broadcast %slice3A_953 : vector<256x1xf32> to vector<256x64xf32>
    %mul3A_956 = arith.mulf %mul3A_955, %slice3A_954 : vector<256x64xf32>
    %add3A_957 = arith.addf %add3A_952, %mul3A_956 : vector<256x64xf32>
    %slice3A_958 = vector.extract_strided_slice %convert_element_type3A_930 {offsets = [0, 5], sizes = [256, 1], strides = [1, 1]} : vector<256x16xf32> to vector<256x1xf32>
    %slice3A_959 = vector.extract_strided_slice %convert_element_type3A_89 {offsets = [0, 320], sizes = [256, 64], strides = [1, 1]} : vector<256x1024xf32> to vector<256x64xf32>
    %mul3A_960 = vector.broadcast %slice3A_958 : vector<256x1xf32> to vector<256x64xf32>
    %mul3A_961 = arith.mulf %mul3A_960, %slice3A_959 : vector<256x64xf32>
    %add3A_962 = arith.addf %add3A_957, %mul3A_961 : vector<256x64xf32>
    %slice3A_963 = vector.extract_strided_slice %convert_element_type3A_930 {offsets = [0, 6], sizes = [256, 1], strides = [1, 1]} : vector<256x16xf32> to vector<256x1xf32>
    %slice3A_964 = vector.extract_strided_slice %convert_element_type3A_89 {offsets = [0, 384], sizes = [256, 64], strides = [1, 1]} : vector<256x1024xf32> to vector<256x64xf32>
    %mul3A_965 = vector.broadcast %slice3A_963 : vector<256x1xf32> to vector<256x64xf32>
    %mul3A_966 = arith.mulf %mul3A_965, %slice3A_964 : vector<256x64xf32>
    %add3A_967 = arith.addf %add3A_962, %mul3A_966 : vector<256x64xf32>
    %slice3A_968 = vector.extract_strided_slice %convert_element_type3A_930 {offsets = [0, 7], sizes = [256, 1], strides = [1, 1]} : vector<256x16xf32> to vector<256x1xf32>
    %slice3A_969 = vector.extract_strided_slice %convert_element_type3A_89 {offsets = [0, 448], sizes = [256, 64], strides = [1, 1]} : vector<256x1024xf32> to vector<256x64xf32>
    %mul3A_970 = vector.broadcast %slice3A_968 : vector<256x1xf32> to vector<256x64xf32>
    %mul3A_971 = arith.mulf %mul3A_970, %slice3A_969 : vector<256x64xf32>
    %add3A_972 = arith.addf %add3A_967, %mul3A_971 : vector<256x64xf32>
    %slice3A_973 = vector.extract_strided_slice %convert_element_type3A_930 {offsets = [0, 8], sizes = [256, 1], strides = [1, 1]} : vector<256x16xf32> to vector<256x1xf32>
    %slice3A_974 = vector.extract_strided_slice %convert_element_type3A_89 {offsets = [0, 512], sizes = [256, 64], strides = [1, 1]} : vector<256x1024xf32> to vector<256x64xf32>
    %mul3A_975 = vector.broadcast %slice3A_973 : vector<256x1xf32> to vector<256x64xf32>
    %mul3A_976 = arith.mulf %mul3A_975, %slice3A_974 : vector<256x64xf32>
    %add3A_977 = arith.addf %add3A_972, %mul3A_976 : vector<256x64xf32>
    %slice3A_978 = vector.extract_strided_slice %convert_element_type3A_930 {offsets = [0, 9], sizes = [256, 1], strides = [1, 1]} : vector<256x16xf32> to vector<256x1xf32>
    %slice3A_979 = vector.extract_strided_slice %convert_element_type3A_89 {offsets = [0, 576], sizes = [256, 64], strides = [1, 1]} : vector<256x1024xf32> to vector<256x64xf32>
    %mul3A_980 = vector.broadcast %slice3A_978 : vector<256x1xf32> to vector<256x64xf32>
    %mul3A_981 = arith.mulf %mul3A_980, %slice3A_979 : vector<256x64xf32>
    %add3A_982 = arith.addf %add3A_977, %mul3A_981 : vector<256x64xf32>
    %slice3A_983 = vector.extract_strided_slice %convert_element_type3A_930 {offsets = [0, 10], sizes = [256, 1], strides = [1, 1]} : vector<256x16xf32> to vector<256x1xf32>
    %slice3A_984 = vector.extract_strided_slice %convert_element_type3A_89 {offsets = [0, 640], sizes = [256, 64], strides = [1, 1]} : vector<256x1024xf32> to vector<256x64xf32>
    %mul3A_985 = vector.broadcast %slice3A_983 : vector<256x1xf32> to vector<256x64xf32>
    %mul3A_986 = arith.mulf %mul3A_985, %slice3A_984 : vector<256x64xf32>
    %add3A_987 = arith.addf %add3A_982, %mul3A_986 : vector<256x64xf32>
    %slice3A_988 = vector.extract_strided_slice %convert_element_type3A_930 {offsets = [0, 11], sizes = [256, 1], strides = [1, 1]} : vector<256x16xf32> to vector<256x1xf32>
    %slice3A_989 = vector.extract_strided_slice %convert_element_type3A_89 {offsets = [0, 704], sizes = [256, 64], strides = [1, 1]} : vector<256x1024xf32> to vector<256x64xf32>
    %mul3A_990 = vector.broadcast %slice3A_988 : vector<256x1xf32> to vector<256x64xf32>
    %mul3A_991 = arith.mulf %mul3A_990, %slice3A_989 : vector<256x64xf32>
    %add3A_992 = arith.addf %add3A_987, %mul3A_991 : vector<256x64xf32>
    %slice3A_993 = vector.extract_strided_slice %convert_element_type3A_930 {offsets = [0, 12], sizes = [256, 1], strides = [1, 1]} : vector<256x16xf32> to vector<256x1xf32>
    %slice3A_994 = vector.extract_strided_slice %convert_element_type3A_89 {offsets = [0, 768], sizes = [256, 64], strides = [1, 1]} : vector<256x1024xf32> to vector<256x64xf32>
    %mul3A_995 = vector.broadcast %slice3A_993 : vector<256x1xf32> to vector<256x64xf32>
    %mul3A_996 = arith.mulf %mul3A_995, %slice3A_994 : vector<256x64xf32>
    %add3A_997 = arith.addf %add3A_992, %mul3A_996 : vector<256x64xf32>
    %slice3A_998 = vector.extract_strided_slice %convert_element_type3A_930 {offsets = [0, 13], sizes = [256, 1], strides = [1, 1]} : vector<256x16xf32> to vector<256x1xf32>
    %slice3A_999 = vector.extract_strided_slice %convert_element_type3A_89 {offsets = [0, 832], sizes = [256, 64], strides = [1, 1]} : vector<256x1024xf32> to vector<256x64xf32>
    %mul3A_1000 = vector.broadcast %slice3A_998 : vector<256x1xf32> to vector<256x64xf32>
    %mul3A_1001 = arith.mulf %mul3A_1000, %slice3A_999 : vector<256x64xf32>
    %add3A_1002 = arith.addf %add3A_997, %mul3A_1001 : vector<256x64xf32>
    %slice3A_1003 = vector.extract_strided_slice %convert_element_type3A_930 {offsets = [0, 14], sizes = [256, 1], strides = [1, 1]} : vector<256x16xf32> to vector<256x1xf32>
    %slice3A_1004 = vector.extract_strided_slice %convert_element_type3A_89 {offsets = [0, 896], sizes = [256, 64], strides = [1, 1]} : vector<256x1024xf32> to vector<256x64xf32>
    %mul3A_1005 = vector.broadcast %slice3A_1003 : vector<256x1xf32> to vector<256x64xf32>
    %mul3A_1006 = arith.mulf %mul3A_1005, %slice3A_1004 : vector<256x64xf32>
    %add3A_1007 = arith.addf %add3A_1002, %mul3A_1006 : vector<256x64xf32>
    %slice3A_1008 = vector.extract_strided_slice %convert_element_type3A_930 {offsets = [0, 15], sizes = [256, 1], strides = [1, 1]} : vector<256x16xf32> to vector<256x1xf32>
    %slice3A_1009 = vector.extract_strided_slice %convert_element_type3A_89 {offsets = [0, 960], sizes = [256, 64], strides = [1, 1]} : vector<256x1024xf32> to vector<256x64xf32>
    %mul3A_1010 = vector.broadcast %slice3A_1008 : vector<256x1xf32> to vector<256x64xf32>
    %mul3A_1011 = arith.mulf %mul3A_1010, %slice3A_1009 : vector<256x64xf32>
    %add3A_1012 = arith.addf %add3A_1007, %mul3A_1011 : vector<256x64xf32>
    %slice3A_1013 = vector.extract_strided_slice %convert_element_type3A_85 {offsets = [0, 576], sizes = [256, 64], strides = [1, 1]} : vector<256x1024xf32> to vector<256x64xf32>
    %concatenate3A_1014 = tpu.concatenate %slice3A_1013, %slice3A_1013, %slice3A_1013, %slice3A_1013, %slice3A_1013, %slice3A_1013, %slice3A_1013, %slice3A_1013, %slice3A_1013, %slice3A_1013, %slice3A_1013, %slice3A_1013, %slice3A_1013, %slice3A_1013, %slice3A_1013, %slice3A_1013 in 1 : vector<256x64xf32>, vector<256x64xf32>, vector<256x64xf32>, vector<256x64xf32>, vector<256x64xf32>, vector<256x64xf32>, vector<256x64xf32>, vector<256x64xf32>, vector<256x64xf32>, vector<256x64xf32>, vector<256x64xf32>, vector<256x64xf32>, vector<256x64xf32>, vector<256x64xf32>, vector<256x64xf32>, vector<256x64xf32> -> vector<256x1024xf32>
    %mul3A_1015 = arith.mulf %concatenate3A_1014, %convert_element_type3A_87 : vector<256x1024xf32>
    %dot_general3A_1016 = arith.constant dense<0.000000e+00> : vector<256x16xf32>
    %dot_general3A_1017 = tpu.matmul %mul3A_1015, %convert_element_type3A_83, %dot_general3A_1016 {dimension_numbers = #tpu.dot_dimension_numbers<[1], [0], [0], [1], [0, 0, 1, 1], [], []>, precision = #tpu.contract_precision<fp32>, transpose_lhs_hint = false} : vector<256x1024xf32>, vector<1024x16xf32>, vector<256x16xf32> -> vector<256x16xf32>
    %mul3A_1018 = arith.constant 1.250000e-01 : f32
    %mul3A_1019 = vector.broadcast %mul3A_1018 : f32 to vector<256x16xf32>
    %mul3A_1020 = arith.mulf %dot_general3A_1017, %mul3A_1019 : vector<256x16xf32>
    %reduce_max3A_1021 = arith.constant dense<0xFF800000> : vector<256xf32>
    %reduce_max3A_1022 = vector.multi_reduction <maximumf>, %mul3A_1020, %reduce_max3A_1021 [1] : vector<256x16xf32> to vector<256xf32>
    %broadcast_in_dim3A_1023 = vector.shape_cast %reduce_max3A_1022 : vector<256xf32> to vector<256x1xf32>
    %sub3A_1024 = vector.broadcast %broadcast_in_dim3A_1023 : vector<256x1xf32> to vector<256x16xf32>
    %sub3A_1025 = arith.subf %mul3A_1020, %sub3A_1024 : vector<256x16xf32>
    %exp3A_1026 = math.exp %sub3A_1025 : vector<256x16xf32>
    %reduce_sum3A_1027 = arith.constant dense<0.000000e+00> : vector<256xf32>
    %reduce_sum3A_1028 = vector.multi_reduction <add>, %exp3A_1026, %reduce_sum3A_1027 [1] : vector<256x16xf32> to vector<256xf32>
    %broadcast_in_dim3A_1029 = vector.shape_cast %reduce_sum3A_1028 : vector<256xf32> to vector<256x1xf32>
    %div3A_1030 = vector.broadcast %broadcast_in_dim3A_1029 : vector<256x1xf32> to vector<256x16xf32>
    %div3A_1031 = arith.divf %exp3A_1026, %div3A_1030 : vector<256x16xf32>
    %convert_element_type3A_1032 = arith.truncf %div3A_1031 : vector<256x16xf32> to vector<256x16xbf16>
    %convert_element_type3A_1033 = arith.extf %convert_element_type3A_1032 : vector<256x16xbf16> to vector<256x16xf32>
    %broadcast_in_dim3A_1034 = arith.constant 0.000000e+00 : f32
    %broadcast_in_dim3A_1035 = vector.broadcast %broadcast_in_dim3A_1034 : f32 to vector<256x64xf32>
    %slice3A_1036 = vector.extract_strided_slice %convert_element_type3A_1033 {offsets = [0, 0], sizes = [256, 1], strides = [1, 1]} : vector<256x16xf32> to vector<256x1xf32>
    %slice3A_1037 = vector.extract_strided_slice %convert_element_type3A_89 {offsets = [0, 0], sizes = [256, 64], strides = [1, 1]} : vector<256x1024xf32> to vector<256x64xf32>
    %mul3A_1038 = vector.broadcast %slice3A_1036 : vector<256x1xf32> to vector<256x64xf32>
    %mul3A_1039 = arith.mulf %mul3A_1038, %slice3A_1037 : vector<256x64xf32>
    %add3A_1040 = arith.addf %broadcast_in_dim3A_1035, %mul3A_1039 : vector<256x64xf32>
    %slice3A_1041 = vector.extract_strided_slice %convert_element_type3A_1033 {offsets = [0, 1], sizes = [256, 1], strides = [1, 1]} : vector<256x16xf32> to vector<256x1xf32>
    %slice3A_1042 = vector.extract_strided_slice %convert_element_type3A_89 {offsets = [0, 64], sizes = [256, 64], strides = [1, 1]} : vector<256x1024xf32> to vector<256x64xf32>
    %mul3A_1043 = vector.broadcast %slice3A_1041 : vector<256x1xf32> to vector<256x64xf32>
    %mul3A_1044 = arith.mulf %mul3A_1043, %slice3A_1042 : vector<256x64xf32>
    %add3A_1045 = arith.addf %add3A_1040, %mul3A_1044 : vector<256x64xf32>
    %slice3A_1046 = vector.extract_strided_slice %convert_element_type3A_1033 {offsets = [0, 2], sizes = [256, 1], strides = [1, 1]} : vector<256x16xf32> to vector<256x1xf32>
    %slice3A_1047 = vector.extract_strided_slice %convert_element_type3A_89 {offsets = [0, 128], sizes = [256, 64], strides = [1, 1]} : vector<256x1024xf32> to vector<256x64xf32>
    %mul3A_1048 = vector.broadcast %slice3A_1046 : vector<256x1xf32> to vector<256x64xf32>
    %mul3A_1049 = arith.mulf %mul3A_1048, %slice3A_1047 : vector<256x64xf32>
    %add3A_1050 = arith.addf %add3A_1045, %mul3A_1049 : vector<256x64xf32>
    %slice3A_1051 = vector.extract_strided_slice %convert_element_type3A_1033 {offsets = [0, 3], sizes = [256, 1], strides = [1, 1]} : vector<256x16xf32> to vector<256x1xf32>
    %slice3A_1052 = vector.extract_strided_slice %convert_element_type3A_89 {offsets = [0, 192], sizes = [256, 64], strides = [1, 1]} : vector<256x1024xf32> to vector<256x64xf32>
    %mul3A_1053 = vector.broadcast %slice3A_1051 : vector<256x1xf32> to vector<256x64xf32>
    %mul3A_1054 = arith.mulf %mul3A_1053, %slice3A_1052 : vector<256x64xf32>
    %add3A_1055 = arith.addf %add3A_1050, %mul3A_1054 : vector<256x64xf32>
    %slice3A_1056 = vector.extract_strided_slice %convert_element_type3A_1033 {offsets = [0, 4], sizes = [256, 1], strides = [1, 1]} : vector<256x16xf32> to vector<256x1xf32>
    %slice3A_1057 = vector.extract_strided_slice %convert_element_type3A_89 {offsets = [0, 256], sizes = [256, 64], strides = [1, 1]} : vector<256x1024xf32> to vector<256x64xf32>
    %mul3A_1058 = vector.broadcast %slice3A_1056 : vector<256x1xf32> to vector<256x64xf32>
    %mul3A_1059 = arith.mulf %mul3A_1058, %slice3A_1057 : vector<256x64xf32>
    %add3A_1060 = arith.addf %add3A_1055, %mul3A_1059 : vector<256x64xf32>
    %slice3A_1061 = vector.extract_strided_slice %convert_element_type3A_1033 {offsets = [0, 5], sizes = [256, 1], strides = [1, 1]} : vector<256x16xf32> to vector<256x1xf32>
    %slice3A_1062 = vector.extract_strided_slice %convert_element_type3A_89 {offsets = [0, 320], sizes = [256, 64], strides = [1, 1]} : vector<256x1024xf32> to vector<256x64xf32>
    %mul3A_1063 = vector.broadcast %slice3A_1061 : vector<256x1xf32> to vector<256x64xf32>
    %mul3A_1064 = arith.mulf %mul3A_1063, %slice3A_1062 : vector<256x64xf32>
    %add3A_1065 = arith.addf %add3A_1060, %mul3A_1064 : vector<256x64xf32>
    %slice3A_1066 = vector.extract_strided_slice %convert_element_type3A_1033 {offsets = [0, 6], sizes = [256, 1], strides = [1, 1]} : vector<256x16xf32> to vector<256x1xf32>
    %slice3A_1067 = vector.extract_strided_slice %convert_element_type3A_89 {offsets = [0, 384], sizes = [256, 64], strides = [1, 1]} : vector<256x1024xf32> to vector<256x64xf32>
    %mul3A_1068 = vector.broadcast %slice3A_1066 : vector<256x1xf32> to vector<256x64xf32>
    %mul3A_1069 = arith.mulf %mul3A_1068, %slice3A_1067 : vector<256x64xf32>
    %add3A_1070 = arith.addf %add3A_1065, %mul3A_1069 : vector<256x64xf32>
    %slice3A_1071 = vector.extract_strided_slice %convert_element_type3A_1033 {offsets = [0, 7], sizes = [256, 1], strides = [1, 1]} : vector<256x16xf32> to vector<256x1xf32>
    %slice3A_1072 = vector.extract_strided_slice %convert_element_type3A_89 {offsets = [0, 448], sizes = [256, 64], strides = [1, 1]} : vector<256x1024xf32> to vector<256x64xf32>
    %mul3A_1073 = vector.broadcast %slice3A_1071 : vector<256x1xf32> to vector<256x64xf32>
    %mul3A_1074 = arith.mulf %mul3A_1073, %slice3A_1072 : vector<256x64xf32>
    %add3A_1075 = arith.addf %add3A_1070, %mul3A_1074 : vector<256x64xf32>
    %slice3A_1076 = vector.extract_strided_slice %convert_element_type3A_1033 {offsets = [0, 8], sizes = [256, 1], strides = [1, 1]} : vector<256x16xf32> to vector<256x1xf32>
    %slice3A_1077 = vector.extract_strided_slice %convert_element_type3A_89 {offsets = [0, 512], sizes = [256, 64], strides = [1, 1]} : vector<256x1024xf32> to vector<256x64xf32>
    %mul3A_1078 = vector.broadcast %slice3A_1076 : vector<256x1xf32> to vector<256x64xf32>
    %mul3A_1079 = arith.mulf %mul3A_1078, %slice3A_1077 : vector<256x64xf32>
    %add3A_1080 = arith.addf %add3A_1075, %mul3A_1079 : vector<256x64xf32>
    %slice3A_1081 = vector.extract_strided_slice %convert_element_type3A_1033 {offsets = [0, 9], sizes = [256, 1], strides = [1, 1]} : vector<256x16xf32> to vector<256x1xf32>
    %slice3A_1082 = vector.extract_strided_slice %convert_element_type3A_89 {offsets = [0, 576], sizes = [256, 64], strides = [1, 1]} : vector<256x1024xf32> to vector<256x64xf32>
    %mul3A_1083 = vector.broadcast %slice3A_1081 : vector<256x1xf32> to vector<256x64xf32>
    %mul3A_1084 = arith.mulf %mul3A_1083, %slice3A_1082 : vector<256x64xf32>
    %add3A_1085 = arith.addf %add3A_1080, %mul3A_1084 : vector<256x64xf32>
    %slice3A_1086 = vector.extract_strided_slice %convert_element_type3A_1033 {offsets = [0, 10], sizes = [256, 1], strides = [1, 1]} : vector<256x16xf32> to vector<256x1xf32>
    %slice3A_1087 = vector.extract_strided_slice %convert_element_type3A_89 {offsets = [0, 640], sizes = [256, 64], strides = [1, 1]} : vector<256x1024xf32> to vector<256x64xf32>
    %mul3A_1088 = vector.broadcast %slice3A_1086 : vector<256x1xf32> to vector<256x64xf32>
    %mul3A_1089 = arith.mulf %mul3A_1088, %slice3A_1087 : vector<256x64xf32>
    %add3A_1090 = arith.addf %add3A_1085, %mul3A_1089 : vector<256x64xf32>
    %slice3A_1091 = vector.extract_strided_slice %convert_element_type3A_1033 {offsets = [0, 11], sizes = [256, 1], strides = [1, 1]} : vector<256x16xf32> to vector<256x1xf32>
    %slice3A_1092 = vector.extract_strided_slice %convert_element_type3A_89 {offsets = [0, 704], sizes = [256, 64], strides = [1, 1]} : vector<256x1024xf32> to vector<256x64xf32>
    %mul3A_1093 = vector.broadcast %slice3A_1091 : vector<256x1xf32> to vector<256x64xf32>
    %mul3A_1094 = arith.mulf %mul3A_1093, %slice3A_1092 : vector<256x64xf32>
    %add3A_1095 = arith.addf %add3A_1090, %mul3A_1094 : vector<256x64xf32>
    %slice3A_1096 = vector.extract_strided_slice %convert_element_type3A_1033 {offsets = [0, 12], sizes = [256, 1], strides = [1, 1]} : vector<256x16xf32> to vector<256x1xf32>
    %slice3A_1097 = vector.extract_strided_slice %convert_element_type3A_89 {offsets = [0, 768], sizes = [256, 64], strides = [1, 1]} : vector<256x1024xf32> to vector<256x64xf32>
    %mul3A_1098 = vector.broadcast %slice3A_1096 : vector<256x1xf32> to vector<256x64xf32>
    %mul3A_1099 = arith.mulf %mul3A_1098, %slice3A_1097 : vector<256x64xf32>
    %add3A_1100 = arith.addf %add3A_1095, %mul3A_1099 : vector<256x64xf32>
    %slice3A_1101 = vector.extract_strided_slice %convert_element_type3A_1033 {offsets = [0, 13], sizes = [256, 1], strides = [1, 1]} : vector<256x16xf32> to vector<256x1xf32>
    %slice3A_1102 = vector.extract_strided_slice %convert_element_type3A_89 {offsets = [0, 832], sizes = [256, 64], strides = [1, 1]} : vector<256x1024xf32> to vector<256x64xf32>
    %mul3A_1103 = vector.broadcast %slice3A_1101 : vector<256x1xf32> to vector<256x64xf32>
    %mul3A_1104 = arith.mulf %mul3A_1103, %slice3A_1102 : vector<256x64xf32>
    %add3A_1105 = arith.addf %add3A_1100, %mul3A_1104 : vector<256x64xf32>
    %slice3A_1106 = vector.extract_strided_slice %convert_element_type3A_1033 {offsets = [0, 14], sizes = [256, 1], strides = [1, 1]} : vector<256x16xf32> to vector<256x1xf32>
    %slice3A_1107 = vector.extract_strided_slice %convert_element_type3A_89 {offsets = [0, 896], sizes = [256, 64], strides = [1, 1]} : vector<256x1024xf32> to vector<256x64xf32>
    %mul3A_1108 = vector.broadcast %slice3A_1106 : vector<256x1xf32> to vector<256x64xf32>
    %mul3A_1109 = arith.mulf %mul3A_1108, %slice3A_1107 : vector<256x64xf32>
    %add3A_1110 = arith.addf %add3A_1105, %mul3A_1109 : vector<256x64xf32>
    %slice3A_1111 = vector.extract_strided_slice %convert_element_type3A_1033 {offsets = [0, 15], sizes = [256, 1], strides = [1, 1]} : vector<256x16xf32> to vector<256x1xf32>
    %slice3A_1112 = vector.extract_strided_slice %convert_element_type3A_89 {offsets = [0, 960], sizes = [256, 64], strides = [1, 1]} : vector<256x1024xf32> to vector<256x64xf32>
    %mul3A_1113 = vector.broadcast %slice3A_1111 : vector<256x1xf32> to vector<256x64xf32>
    %mul3A_1114 = arith.mulf %mul3A_1113, %slice3A_1112 : vector<256x64xf32>
    %add3A_1115 = arith.addf %add3A_1110, %mul3A_1114 : vector<256x64xf32>
    %slice3A_1116 = vector.extract_strided_slice %convert_element_type3A_85 {offsets = [0, 640], sizes = [256, 64], strides = [1, 1]} : vector<256x1024xf32> to vector<256x64xf32>
    %concatenate3A_1117 = tpu.concatenate %slice3A_1116, %slice3A_1116, %slice3A_1116, %slice3A_1116, %slice3A_1116, %slice3A_1116, %slice3A_1116, %slice3A_1116, %slice3A_1116, %slice3A_1116, %slice3A_1116, %slice3A_1116, %slice3A_1116, %slice3A_1116, %slice3A_1116, %slice3A_1116 in 1 : vector<256x64xf32>, vector<256x64xf32>, vector<256x64xf32>, vector<256x64xf32>, vector<256x64xf32>, vector<256x64xf32>, vector<256x64xf32>, vector<256x64xf32>, vector<256x64xf32>, vector<256x64xf32>, vector<256x64xf32>, vector<256x64xf32>, vector<256x64xf32>, vector<256x64xf32>, vector<256x64xf32>, vector<256x64xf32> -> vector<256x1024xf32>
    %mul3A_1118 = arith.mulf %concatenate3A_1117, %convert_element_type3A_87 : vector<256x1024xf32>
    %dot_general3A_1119 = arith.constant dense<0.000000e+00> : vector<256x16xf32>
    %dot_general3A_1120 = tpu.matmul %mul3A_1118, %convert_element_type3A_83, %dot_general3A_1119 {dimension_numbers = #tpu.dot_dimension_numbers<[1], [0], [0], [1], [0, 0, 1, 1], [], []>, precision = #tpu.contract_precision<fp32>, transpose_lhs_hint = false} : vector<256x1024xf32>, vector<1024x16xf32>, vector<256x16xf32> -> vector<256x16xf32>
    %mul3A_1121 = arith.constant 1.250000e-01 : f32
    %mul3A_1122 = vector.broadcast %mul3A_1121 : f32 to vector<256x16xf32>
    %mul3A_1123 = arith.mulf %dot_general3A_1120, %mul3A_1122 : vector<256x16xf32>
    %reduce_max3A_1124 = arith.constant dense<0xFF800000> : vector<256xf32>
    %reduce_max3A_1125 = vector.multi_reduction <maximumf>, %mul3A_1123, %reduce_max3A_1124 [1] : vector<256x16xf32> to vector<256xf32>
    %broadcast_in_dim3A_1126 = vector.shape_cast %reduce_max3A_1125 : vector<256xf32> to vector<256x1xf32>
    %sub3A_1127 = vector.broadcast %broadcast_in_dim3A_1126 : vector<256x1xf32> to vector<256x16xf32>
    %sub3A_1128 = arith.subf %mul3A_1123, %sub3A_1127 : vector<256x16xf32>
    %exp3A_1129 = math.exp %sub3A_1128 : vector<256x16xf32>
    %reduce_sum3A_1130 = arith.constant dense<0.000000e+00> : vector<256xf32>
    %reduce_sum3A_1131 = vector.multi_reduction <add>, %exp3A_1129, %reduce_sum3A_1130 [1] : vector<256x16xf32> to vector<256xf32>
    %broadcast_in_dim3A_1132 = vector.shape_cast %reduce_sum3A_1131 : vector<256xf32> to vector<256x1xf32>
    %div3A_1133 = vector.broadcast %broadcast_in_dim3A_1132 : vector<256x1xf32> to vector<256x16xf32>
    %div3A_1134 = arith.divf %exp3A_1129, %div3A_1133 : vector<256x16xf32>
    %convert_element_type3A_1135 = arith.truncf %div3A_1134 : vector<256x16xf32> to vector<256x16xbf16>
    %convert_element_type3A_1136 = arith.extf %convert_element_type3A_1135 : vector<256x16xbf16> to vector<256x16xf32>
    %broadcast_in_dim3A_1137 = arith.constant 0.000000e+00 : f32
    %broadcast_in_dim3A_1138 = vector.broadcast %broadcast_in_dim3A_1137 : f32 to vector<256x64xf32>
    %slice3A_1139 = vector.extract_strided_slice %convert_element_type3A_1136 {offsets = [0, 0], sizes = [256, 1], strides = [1, 1]} : vector<256x16xf32> to vector<256x1xf32>
    %slice3A_1140 = vector.extract_strided_slice %convert_element_type3A_89 {offsets = [0, 0], sizes = [256, 64], strides = [1, 1]} : vector<256x1024xf32> to vector<256x64xf32>
    %mul3A_1141 = vector.broadcast %slice3A_1139 : vector<256x1xf32> to vector<256x64xf32>
    %mul3A_1142 = arith.mulf %mul3A_1141, %slice3A_1140 : vector<256x64xf32>
    %add3A_1143 = arith.addf %broadcast_in_dim3A_1138, %mul3A_1142 : vector<256x64xf32>
    %slice3A_1144 = vector.extract_strided_slice %convert_element_type3A_1136 {offsets = [0, 1], sizes = [256, 1], strides = [1, 1]} : vector<256x16xf32> to vector<256x1xf32>
    %slice3A_1145 = vector.extract_strided_slice %convert_element_type3A_89 {offsets = [0, 64], sizes = [256, 64], strides = [1, 1]} : vector<256x1024xf32> to vector<256x64xf32>
    %mul3A_1146 = vector.broadcast %slice3A_1144 : vector<256x1xf32> to vector<256x64xf32>
    %mul3A_1147 = arith.mulf %mul3A_1146, %slice3A_1145 : vector<256x64xf32>
    %add3A_1148 = arith.addf %add3A_1143, %mul3A_1147 : vector<256x64xf32>
    %slice3A_1149 = vector.extract_strided_slice %convert_element_type3A_1136 {offsets = [0, 2], sizes = [256, 1], strides = [1, 1]} : vector<256x16xf32> to vector<256x1xf32>
    %slice3A_1150 = vector.extract_strided_slice %convert_element_type3A_89 {offsets = [0, 128], sizes = [256, 64], strides = [1, 1]} : vector<256x1024xf32> to vector<256x64xf32>
    %mul3A_1151 = vector.broadcast %slice3A_1149 : vector<256x1xf32> to vector<256x64xf32>
    %mul3A_1152 = arith.mulf %mul3A_1151, %slice3A_1150 : vector<256x64xf32>
    %add3A_1153 = arith.addf %add3A_1148, %mul3A_1152 : vector<256x64xf32>
    %slice3A_1154 = vector.extract_strided_slice %convert_element_type3A_1136 {offsets = [0, 3], sizes = [256, 1], strides = [1, 1]} : vector<256x16xf32> to vector<256x1xf32>
    %slice3A_1155 = vector.extract_strided_slice %convert_element_type3A_89 {offsets = [0, 192], sizes = [256, 64], strides = [1, 1]} : vector<256x1024xf32> to vector<256x64xf32>
    %mul3A_1156 = vector.broadcast %slice3A_1154 : vector<256x1xf32> to vector<256x64xf32>
    %mul3A_1157 = arith.mulf %mul3A_1156, %slice3A_1155 : vector<256x64xf32>
    %add3A_1158 = arith.addf %add3A_1153, %mul3A_1157 : vector<256x64xf32>
    %slice3A_1159 = vector.extract_strided_slice %convert_element_type3A_1136 {offsets = [0, 4], sizes = [256, 1], strides = [1, 1]} : vector<256x16xf32> to vector<256x1xf32>
    %slice3A_1160 = vector.extract_strided_slice %convert_element_type3A_89 {offsets = [0, 256], sizes = [256, 64], strides = [1, 1]} : vector<256x1024xf32> to vector<256x64xf32>
    %mul3A_1161 = vector.broadcast %slice3A_1159 : vector<256x1xf32> to vector<256x64xf32>
    %mul3A_1162 = arith.mulf %mul3A_1161, %slice3A_1160 : vector<256x64xf32>
    %add3A_1163 = arith.addf %add3A_1158, %mul3A_1162 : vector<256x64xf32>
    %slice3A_1164 = vector.extract_strided_slice %convert_element_type3A_1136 {offsets = [0, 5], sizes = [256, 1], strides = [1, 1]} : vector<256x16xf32> to vector<256x1xf32>
    %slice3A_1165 = vector.extract_strided_slice %convert_element_type3A_89 {offsets = [0, 320], sizes = [256, 64], strides = [1, 1]} : vector<256x1024xf32> to vector<256x64xf32>
    %mul3A_1166 = vector.broadcast %slice3A_1164 : vector<256x1xf32> to vector<256x64xf32>
    %mul3A_1167 = arith.mulf %mul3A_1166, %slice3A_1165 : vector<256x64xf32>
    %add3A_1168 = arith.addf %add3A_1163, %mul3A_1167 : vector<256x64xf32>
    %slice3A_1169 = vector.extract_strided_slice %convert_element_type3A_1136 {offsets = [0, 6], sizes = [256, 1], strides = [1, 1]} : vector<256x16xf32> to vector<256x1xf32>
    %slice3A_1170 = vector.extract_strided_slice %convert_element_type3A_89 {offsets = [0, 384], sizes = [256, 64], strides = [1, 1]} : vector<256x1024xf32> to vector<256x64xf32>
    %mul3A_1171 = vector.broadcast %slice3A_1169 : vector<256x1xf32> to vector<256x64xf32>
    %mul3A_1172 = arith.mulf %mul3A_1171, %slice3A_1170 : vector<256x64xf32>
    %add3A_1173 = arith.addf %add3A_1168, %mul3A_1172 : vector<256x64xf32>
    %slice3A_1174 = vector.extract_strided_slice %convert_element_type3A_1136 {offsets = [0, 7], sizes = [256, 1], strides = [1, 1]} : vector<256x16xf32> to vector<256x1xf32>
    %slice3A_1175 = vector.extract_strided_slice %convert_element_type3A_89 {offsets = [0, 448], sizes = [256, 64], strides = [1, 1]} : vector<256x1024xf32> to vector<256x64xf32>
    %mul3A_1176 = vector.broadcast %slice3A_1174 : vector<256x1xf32> to vector<256x64xf32>
    %mul3A_1177 = arith.mulf %mul3A_1176, %slice3A_1175 : vector<256x64xf32>
    %add3A_1178 = arith.addf %add3A_1173, %mul3A_1177 : vector<256x64xf32>
    %slice3A_1179 = vector.extract_strided_slice %convert_element_type3A_1136 {offsets = [0, 8], sizes = [256, 1], strides = [1, 1]} : vector<256x16xf32> to vector<256x1xf32>
    %slice3A_1180 = vector.extract_strided_slice %convert_element_type3A_89 {offsets = [0, 512], sizes = [256, 64], strides = [1, 1]} : vector<256x1024xf32> to vector<256x64xf32>
    %mul3A_1181 = vector.broadcast %slice3A_1179 : vector<256x1xf32> to vector<256x64xf32>
    %mul3A_1182 = arith.mulf %mul3A_1181, %slice3A_1180 : vector<256x64xf32>
    %add3A_1183 = arith.addf %add3A_1178, %mul3A_1182 : vector<256x64xf32>
    %slice3A_1184 = vector.extract_strided_slice %convert_element_type3A_1136 {offsets = [0, 9], sizes = [256, 1], strides = [1, 1]} : vector<256x16xf32> to vector<256x1xf32>
    %slice3A_1185 = vector.extract_strided_slice %convert_element_type3A_89 {offsets = [0, 576], sizes = [256, 64], strides = [1, 1]} : vector<256x1024xf32> to vector<256x64xf32>
    %mul3A_1186 = vector.broadcast %slice3A_1184 : vector<256x1xf32> to vector<256x64xf32>
    %mul3A_1187 = arith.mulf %mul3A_1186, %slice3A_1185 : vector<256x64xf32>
    %add3A_1188 = arith.addf %add3A_1183, %mul3A_1187 : vector<256x64xf32>
    %slice3A_1189 = vector.extract_strided_slice %convert_element_type3A_1136 {offsets = [0, 10], sizes = [256, 1], strides = [1, 1]} : vector<256x16xf32> to vector<256x1xf32>
    %slice3A_1190 = vector.extract_strided_slice %convert_element_type3A_89 {offsets = [0, 640], sizes = [256, 64], strides = [1, 1]} : vector<256x1024xf32> to vector<256x64xf32>
    %mul3A_1191 = vector.broadcast %slice3A_1189 : vector<256x1xf32> to vector<256x64xf32>
    %mul3A_1192 = arith.mulf %mul3A_1191, %slice3A_1190 : vector<256x64xf32>
    %add3A_1193 = arith.addf %add3A_1188, %mul3A_1192 : vector<256x64xf32>
    %slice3A_1194 = vector.extract_strided_slice %convert_element_type3A_1136 {offsets = [0, 11], sizes = [256, 1], strides = [1, 1]} : vector<256x16xf32> to vector<256x1xf32>
    %slice3A_1195 = vector.extract_strided_slice %convert_element_type3A_89 {offsets = [0, 704], sizes = [256, 64], strides = [1, 1]} : vector<256x1024xf32> to vector<256x64xf32>
    %mul3A_1196 = vector.broadcast %slice3A_1194 : vector<256x1xf32> to vector<256x64xf32>
    %mul3A_1197 = arith.mulf %mul3A_1196, %slice3A_1195 : vector<256x64xf32>
    %add3A_1198 = arith.addf %add3A_1193, %mul3A_1197 : vector<256x64xf32>
    %slice3A_1199 = vector.extract_strided_slice %convert_element_type3A_1136 {offsets = [0, 12], sizes = [256, 1], strides = [1, 1]} : vector<256x16xf32> to vector<256x1xf32>
    %slice3A_1200 = vector.extract_strided_slice %convert_element_type3A_89 {offsets = [0, 768], sizes = [256, 64], strides = [1, 1]} : vector<256x1024xf32> to vector<256x64xf32>
    %mul3A_1201 = vector.broadcast %slice3A_1199 : vector<256x1xf32> to vector<256x64xf32>
    %mul3A_1202 = arith.mulf %mul3A_1201, %slice3A_1200 : vector<256x64xf32>
    %add3A_1203 = arith.addf %add3A_1198, %mul3A_1202 : vector<256x64xf32>
    %slice3A_1204 = vector.extract_strided_slice %convert_element_type3A_1136 {offsets = [0, 13], sizes = [256, 1], strides = [1, 1]} : vector<256x16xf32> to vector<256x1xf32>
    %slice3A_1205 = vector.extract_strided_slice %convert_element_type3A_89 {offsets = [0, 832], sizes = [256, 64], strides = [1, 1]} : vector<256x1024xf32> to vector<256x64xf32>
    %mul3A_1206 = vector.broadcast %slice3A_1204 : vector<256x1xf32> to vector<256x64xf32>
    %mul3A_1207 = arith.mulf %mul3A_1206, %slice3A_1205 : vector<256x64xf32>
    %add3A_1208 = arith.addf %add3A_1203, %mul3A_1207 : vector<256x64xf32>
    %slice3A_1209 = vector.extract_strided_slice %convert_element_type3A_1136 {offsets = [0, 14], sizes = [256, 1], strides = [1, 1]} : vector<256x16xf32> to vector<256x1xf32>
    %slice3A_1210 = vector.extract_strided_slice %convert_element_type3A_89 {offsets = [0, 896], sizes = [256, 64], strides = [1, 1]} : vector<256x1024xf32> to vector<256x64xf32>
    %mul3A_1211 = vector.broadcast %slice3A_1209 : vector<256x1xf32> to vector<256x64xf32>
    %mul3A_1212 = arith.mulf %mul3A_1211, %slice3A_1210 : vector<256x64xf32>
    %add3A_1213 = arith.addf %add3A_1208, %mul3A_1212 : vector<256x64xf32>
    %slice3A_1214 = vector.extract_strided_slice %convert_element_type3A_1136 {offsets = [0, 15], sizes = [256, 1], strides = [1, 1]} : vector<256x16xf32> to vector<256x1xf32>
    %slice3A_1215 = vector.extract_strided_slice %convert_element_type3A_89 {offsets = [0, 960], sizes = [256, 64], strides = [1, 1]} : vector<256x1024xf32> to vector<256x64xf32>
    %mul3A_1216 = vector.broadcast %slice3A_1214 : vector<256x1xf32> to vector<256x64xf32>
    %mul3A_1217 = arith.mulf %mul3A_1216, %slice3A_1215 : vector<256x64xf32>
    %add3A_1218 = arith.addf %add3A_1213, %mul3A_1217 : vector<256x64xf32>
    %slice3A_1219 = vector.extract_strided_slice %convert_element_type3A_85 {offsets = [0, 704], sizes = [256, 64], strides = [1, 1]} : vector<256x1024xf32> to vector<256x64xf32>
    %concatenate3A_1220 = tpu.concatenate %slice3A_1219, %slice3A_1219, %slice3A_1219, %slice3A_1219, %slice3A_1219, %slice3A_1219, %slice3A_1219, %slice3A_1219, %slice3A_1219, %slice3A_1219, %slice3A_1219, %slice3A_1219, %slice3A_1219, %slice3A_1219, %slice3A_1219, %slice3A_1219 in 1 : vector<256x64xf32>, vector<256x64xf32>, vector<256x64xf32>, vector<256x64xf32>, vector<256x64xf32>, vector<256x64xf32>, vector<256x64xf32>, vector<256x64xf32>, vector<256x64xf32>, vector<256x64xf32>, vector<256x64xf32>, vector<256x64xf32>, vector<256x64xf32>, vector<256x64xf32>, vector<256x64xf32>, vector<256x64xf32> -> vector<256x1024xf32>
    %mul3A_1221 = arith.mulf %concatenate3A_1220, %convert_element_type3A_87 : vector<256x1024xf32>
    %dot_general3A_1222 = arith.constant dense<0.000000e+00> : vector<256x16xf32>
    %dot_general3A_1223 = tpu.matmul %mul3A_1221, %convert_element_type3A_83, %dot_general3A_1222 {dimension_numbers = #tpu.dot_dimension_numbers<[1], [0], [0], [1], [0, 0, 1, 1], [], []>, precision = #tpu.contract_precision<fp32>, transpose_lhs_hint = false} : vector<256x1024xf32>, vector<1024x16xf32>, vector<256x16xf32> -> vector<256x16xf32>
    %mul3A_1224 = arith.constant 1.250000e-01 : f32
    %mul3A_1225 = vector.broadcast %mul3A_1224 : f32 to vector<256x16xf32>
    %mul3A_1226 = arith.mulf %dot_general3A_1223, %mul3A_1225 : vector<256x16xf32>
    %reduce_max3A_1227 = arith.constant dense<0xFF800000> : vector<256xf32>
    %reduce_max3A_1228 = vector.multi_reduction <maximumf>, %mul3A_1226, %reduce_max3A_1227 [1] : vector<256x16xf32> to vector<256xf32>
    %broadcast_in_dim3A_1229 = vector.shape_cast %reduce_max3A_1228 : vector<256xf32> to vector<256x1xf32>
    %sub3A_1230 = vector.broadcast %broadcast_in_dim3A_1229 : vector<256x1xf32> to vector<256x16xf32>
    %sub3A_1231 = arith.subf %mul3A_1226, %sub3A_1230 : vector<256x16xf32>
    %exp3A_1232 = math.exp %sub3A_1231 : vector<256x16xf32>
    %reduce_sum3A_1233 = arith.constant dense<0.000000e+00> : vector<256xf32>
    %reduce_sum3A_1234 = vector.multi_reduction <add>, %exp3A_1232, %reduce_sum3A_1233 [1] : vector<256x16xf32> to vector<256xf32>
    %broadcast_in_dim3A_1235 = vector.shape_cast %reduce_sum3A_1234 : vector<256xf32> to vector<256x1xf32>
    %div3A_1236 = vector.broadcast %broadcast_in_dim3A_1235 : vector<256x1xf32> to vector<256x16xf32>
    %div3A_1237 = arith.divf %exp3A_1232, %div3A_1236 : vector<256x16xf32>
    %convert_element_type3A_1238 = arith.truncf %div3A_1237 : vector<256x16xf32> to vector<256x16xbf16>
    %convert_element_type3A_1239 = arith.extf %convert_element_type3A_1238 : vector<256x16xbf16> to vector<256x16xf32>
    %broadcast_in_dim3A_1240 = arith.constant 0.000000e+00 : f32
    %broadcast_in_dim3A_1241 = vector.broadcast %broadcast_in_dim3A_1240 : f32 to vector<256x64xf32>
    %slice3A_1242 = vector.extract_strided_slice %convert_element_type3A_1239 {offsets = [0, 0], sizes = [256, 1], strides = [1, 1]} : vector<256x16xf32> to vector<256x1xf32>
    %slice3A_1243 = vector.extract_strided_slice %convert_element_type3A_89 {offsets = [0, 0], sizes = [256, 64], strides = [1, 1]} : vector<256x1024xf32> to vector<256x64xf32>
    %mul3A_1244 = vector.broadcast %slice3A_1242 : vector<256x1xf32> to vector<256x64xf32>
    %mul3A_1245 = arith.mulf %mul3A_1244, %slice3A_1243 : vector<256x64xf32>
    %add3A_1246 = arith.addf %broadcast_in_dim3A_1241, %mul3A_1245 : vector<256x64xf32>
    %slice3A_1247 = vector.extract_strided_slice %convert_element_type3A_1239 {offsets = [0, 1], sizes = [256, 1], strides = [1, 1]} : vector<256x16xf32> to vector<256x1xf32>
    %slice3A_1248 = vector.extract_strided_slice %convert_element_type3A_89 {offsets = [0, 64], sizes = [256, 64], strides = [1, 1]} : vector<256x1024xf32> to vector<256x64xf32>
    %mul3A_1249 = vector.broadcast %slice3A_1247 : vector<256x1xf32> to vector<256x64xf32>
    %mul3A_1250 = arith.mulf %mul3A_1249, %slice3A_1248 : vector<256x64xf32>
    %add3A_1251 = arith.addf %add3A_1246, %mul3A_1250 : vector<256x64xf32>
    %slice3A_1252 = vector.extract_strided_slice %convert_element_type3A_1239 {offsets = [0, 2], sizes = [256, 1], strides = [1, 1]} : vector<256x16xf32> to vector<256x1xf32>
    %slice3A_1253 = vector.extract_strided_slice %convert_element_type3A_89 {offsets = [0, 128], sizes = [256, 64], strides = [1, 1]} : vector<256x1024xf32> to vector<256x64xf32>
    %mul3A_1254 = vector.broadcast %slice3A_1252 : vector<256x1xf32> to vector<256x64xf32>
    %mul3A_1255 = arith.mulf %mul3A_1254, %slice3A_1253 : vector<256x64xf32>
    %add3A_1256 = arith.addf %add3A_1251, %mul3A_1255 : vector<256x64xf32>
    %slice3A_1257 = vector.extract_strided_slice %convert_element_type3A_1239 {offsets = [0, 3], sizes = [256, 1], strides = [1, 1]} : vector<256x16xf32> to vector<256x1xf32>
    %slice3A_1258 = vector.extract_strided_slice %convert_element_type3A_89 {offsets = [0, 192], sizes = [256, 64], strides = [1, 1]} : vector<256x1024xf32> to vector<256x64xf32>
    %mul3A_1259 = vector.broadcast %slice3A_1257 : vector<256x1xf32> to vector<256x64xf32>
    %mul3A_1260 = arith.mulf %mul3A_1259, %slice3A_1258 : vector<256x64xf32>
    %add3A_1261 = arith.addf %add3A_1256, %mul3A_1260 : vector<256x64xf32>
    %slice3A_1262 = vector.extract_strided_slice %convert_element_type3A_1239 {offsets = [0, 4], sizes = [256, 1], strides = [1, 1]} : vector<256x16xf32> to vector<256x1xf32>
    %slice3A_1263 = vector.extract_strided_slice %convert_element_type3A_89 {offsets = [0, 256], sizes = [256, 64], strides = [1, 1]} : vector<256x1024xf32> to vector<256x64xf32>
    %mul3A_1264 = vector.broadcast %slice3A_1262 : vector<256x1xf32> to vector<256x64xf32>
    %mul3A_1265 = arith.mulf %mul3A_1264, %slice3A_1263 : vector<256x64xf32>
    %add3A_1266 = arith.addf %add3A_1261, %mul3A_1265 : vector<256x64xf32>
    %slice3A_1267 = vector.extract_strided_slice %convert_element_type3A_1239 {offsets = [0, 5], sizes = [256, 1], strides = [1, 1]} : vector<256x16xf32> to vector<256x1xf32>
    %slice3A_1268 = vector.extract_strided_slice %convert_element_type3A_89 {offsets = [0, 320], sizes = [256, 64], strides = [1, 1]} : vector<256x1024xf32> to vector<256x64xf32>
    %mul3A_1269 = vector.broadcast %slice3A_1267 : vector<256x1xf32> to vector<256x64xf32>
    %mul3A_1270 = arith.mulf %mul3A_1269, %slice3A_1268 : vector<256x64xf32>
    %add3A_1271 = arith.addf %add3A_1266, %mul3A_1270 : vector<256x64xf32>
    %slice3A_1272 = vector.extract_strided_slice %convert_element_type3A_1239 {offsets = [0, 6], sizes = [256, 1], strides = [1, 1]} : vector<256x16xf32> to vector<256x1xf32>
    %slice3A_1273 = vector.extract_strided_slice %convert_element_type3A_89 {offsets = [0, 384], sizes = [256, 64], strides = [1, 1]} : vector<256x1024xf32> to vector<256x64xf32>
    %mul3A_1274 = vector.broadcast %slice3A_1272 : vector<256x1xf32> to vector<256x64xf32>
    %mul3A_1275 = arith.mulf %mul3A_1274, %slice3A_1273 : vector<256x64xf32>
    %add3A_1276 = arith.addf %add3A_1271, %mul3A_1275 : vector<256x64xf32>
    %slice3A_1277 = vector.extract_strided_slice %convert_element_type3A_1239 {offsets = [0, 7], sizes = [256, 1], strides = [1, 1]} : vector<256x16xf32> to vector<256x1xf32>
    %slice3A_1278 = vector.extract_strided_slice %convert_element_type3A_89 {offsets = [0, 448], sizes = [256, 64], strides = [1, 1]} : vector<256x1024xf32> to vector<256x64xf32>
    %mul3A_1279 = vector.broadcast %slice3A_1277 : vector<256x1xf32> to vector<256x64xf32>
    %mul3A_1280 = arith.mulf %mul3A_1279, %slice3A_1278 : vector<256x64xf32>
    %add3A_1281 = arith.addf %add3A_1276, %mul3A_1280 : vector<256x64xf32>
    %slice3A_1282 = vector.extract_strided_slice %convert_element_type3A_1239 {offsets = [0, 8], sizes = [256, 1], strides = [1, 1]} : vector<256x16xf32> to vector<256x1xf32>
    %slice3A_1283 = vector.extract_strided_slice %convert_element_type3A_89 {offsets = [0, 512], sizes = [256, 64], strides = [1, 1]} : vector<256x1024xf32> to vector<256x64xf32>
    %mul3A_1284 = vector.broadcast %slice3A_1282 : vector<256x1xf32> to vector<256x64xf32>
    %mul3A_1285 = arith.mulf %mul3A_1284, %slice3A_1283 : vector<256x64xf32>
    %add3A_1286 = arith.addf %add3A_1281, %mul3A_1285 : vector<256x64xf32>
    %slice3A_1287 = vector.extract_strided_slice %convert_element_type3A_1239 {offsets = [0, 9], sizes = [256, 1], strides = [1, 1]} : vector<256x16xf32> to vector<256x1xf32>
    %slice3A_1288 = vector.extract_strided_slice %convert_element_type3A_89 {offsets = [0, 576], sizes = [256, 64], strides = [1, 1]} : vector<256x1024xf32> to vector<256x64xf32>
    %mul3A_1289 = vector.broadcast %slice3A_1287 : vector<256x1xf32> to vector<256x64xf32>
    %mul3A_1290 = arith.mulf %mul3A_1289, %slice3A_1288 : vector<256x64xf32>
    %add3A_1291 = arith.addf %add3A_1286, %mul3A_1290 : vector<256x64xf32>
    %slice3A_1292 = vector.extract_strided_slice %convert_element_type3A_1239 {offsets = [0, 10], sizes = [256, 1], strides = [1, 1]} : vector<256x16xf32> to vector<256x1xf32>
    %slice3A_1293 = vector.extract_strided_slice %convert_element_type3A_89 {offsets = [0, 640], sizes = [256, 64], strides = [1, 1]} : vector<256x1024xf32> to vector<256x64xf32>
    %mul3A_1294 = vector.broadcast %slice3A_1292 : vector<256x1xf32> to vector<256x64xf32>
    %mul3A_1295 = arith.mulf %mul3A_1294, %slice3A_1293 : vector<256x64xf32>
    %add3A_1296 = arith.addf %add3A_1291, %mul3A_1295 : vector<256x64xf32>
    %slice3A_1297 = vector.extract_strided_slice %convert_element_type3A_1239 {offsets = [0, 11], sizes = [256, 1], strides = [1, 1]} : vector<256x16xf32> to vector<256x1xf32>
    %slice3A_1298 = vector.extract_strided_slice %convert_element_type3A_89 {offsets = [0, 704], sizes = [256, 64], strides = [1, 1]} : vector<256x1024xf32> to vector<256x64xf32>
    %mul3A_1299 = vector.broadcast %slice3A_1297 : vector<256x1xf32> to vector<256x64xf32>
    %mul3A_1300 = arith.mulf %mul3A_1299, %slice3A_1298 : vector<256x64xf32>
    %add3A_1301 = arith.addf %add3A_1296, %mul3A_1300 : vector<256x64xf32>
    %slice3A_1302 = vector.extract_strided_slice %convert_element_type3A_1239 {offsets = [0, 12], sizes = [256, 1], strides = [1, 1]} : vector<256x16xf32> to vector<256x1xf32>
    %slice3A_1303 = vector.extract_strided_slice %convert_element_type3A_89 {offsets = [0, 768], sizes = [256, 64], strides = [1, 1]} : vector<256x1024xf32> to vector<256x64xf32>
    %mul3A_1304 = vector.broadcast %slice3A_1302 : vector<256x1xf32> to vector<256x64xf32>
    %mul3A_1305 = arith.mulf %mul3A_1304, %slice3A_1303 : vector<256x64xf32>
    %add3A_1306 = arith.addf %add3A_1301, %mul3A_1305 : vector<256x64xf32>
    %slice3A_1307 = vector.extract_strided_slice %convert_element_type3A_1239 {offsets = [0, 13], sizes = [256, 1], strides = [1, 1]} : vector<256x16xf32> to vector<256x1xf32>
    %slice3A_1308 = vector.extract_strided_slice %convert_element_type3A_89 {offsets = [0, 832], sizes = [256, 64], strides = [1, 1]} : vector<256x1024xf32> to vector<256x64xf32>
    %mul3A_1309 = vector.broadcast %slice3A_1307 : vector<256x1xf32> to vector<256x64xf32>
    %mul3A_1310 = arith.mulf %mul3A_1309, %slice3A_1308 : vector<256x64xf32>
    %add3A_1311 = arith.addf %add3A_1306, %mul3A_1310 : vector<256x64xf32>
    %slice3A_1312 = vector.extract_strided_slice %convert_element_type3A_1239 {offsets = [0, 14], sizes = [256, 1], strides = [1, 1]} : vector<256x16xf32> to vector<256x1xf32>
    %slice3A_1313 = vector.extract_strided_slice %convert_element_type3A_89 {offsets = [0, 896], sizes = [256, 64], strides = [1, 1]} : vector<256x1024xf32> to vector<256x64xf32>
    %mul3A_1314 = vector.broadcast %slice3A_1312 : vector<256x1xf32> to vector<256x64xf32>
    %mul3A_1315 = arith.mulf %mul3A_1314, %slice3A_1313 : vector<256x64xf32>
    %add3A_1316 = arith.addf %add3A_1311, %mul3A_1315 : vector<256x64xf32>
    %slice3A_1317 = vector.extract_strided_slice %convert_element_type3A_1239 {offsets = [0, 15], sizes = [256, 1], strides = [1, 1]} : vector<256x16xf32> to vector<256x1xf32>
    %slice3A_1318 = vector.extract_strided_slice %convert_element_type3A_89 {offsets = [0, 960], sizes = [256, 64], strides = [1, 1]} : vector<256x1024xf32> to vector<256x64xf32>
    %mul3A_1319 = vector.broadcast %slice3A_1317 : vector<256x1xf32> to vector<256x64xf32>
    %mul3A_1320 = arith.mulf %mul3A_1319, %slice3A_1318 : vector<256x64xf32>
    %add3A_1321 = arith.addf %add3A_1316, %mul3A_1320 : vector<256x64xf32>
    %slice3A_1322 = vector.extract_strided_slice %convert_element_type3A_85 {offsets = [0, 768], sizes = [256, 64], strides = [1, 1]} : vector<256x1024xf32> to vector<256x64xf32>
    %concatenate3A_1323 = tpu.concatenate %slice3A_1322, %slice3A_1322, %slice3A_1322, %slice3A_1322, %slice3A_1322, %slice3A_1322, %slice3A_1322, %slice3A_1322, %slice3A_1322, %slice3A_1322, %slice3A_1322, %slice3A_1322, %slice3A_1322, %slice3A_1322, %slice3A_1322, %slice3A_1322 in 1 : vector<256x64xf32>, vector<256x64xf32>, vector<256x64xf32>, vector<256x64xf32>, vector<256x64xf32>, vector<256x64xf32>, vector<256x64xf32>, vector<256x64xf32>, vector<256x64xf32>, vector<256x64xf32>, vector<256x64xf32>, vector<256x64xf32>, vector<256x64xf32>, vector<256x64xf32>, vector<256x64xf32>, vector<256x64xf32> -> vector<256x1024xf32>
    %mul3A_1324 = arith.mulf %concatenate3A_1323, %convert_element_type3A_87 : vector<256x1024xf32>
    %dot_general3A_1325 = arith.constant dense<0.000000e+00> : vector<256x16xf32>
    %dot_general3A_1326 = tpu.matmul %mul3A_1324, %convert_element_type3A_83, %dot_general3A_1325 {dimension_numbers = #tpu.dot_dimension_numbers<[1], [0], [0], [1], [0, 0, 1, 1], [], []>, precision = #tpu.contract_precision<fp32>, transpose_lhs_hint = false} : vector<256x1024xf32>, vector<1024x16xf32>, vector<256x16xf32> -> vector<256x16xf32>
    %mul3A_1327 = arith.constant 1.250000e-01 : f32
    %mul3A_1328 = vector.broadcast %mul3A_1327 : f32 to vector<256x16xf32>
    %mul3A_1329 = arith.mulf %dot_general3A_1326, %mul3A_1328 : vector<256x16xf32>
    %reduce_max3A_1330 = arith.constant dense<0xFF800000> : vector<256xf32>
    %reduce_max3A_1331 = vector.multi_reduction <maximumf>, %mul3A_1329, %reduce_max3A_1330 [1] : vector<256x16xf32> to vector<256xf32>
    %broadcast_in_dim3A_1332 = vector.shape_cast %reduce_max3A_1331 : vector<256xf32> to vector<256x1xf32>
    %sub3A_1333 = vector.broadcast %broadcast_in_dim3A_1332 : vector<256x1xf32> to vector<256x16xf32>
    %sub3A_1334 = arith.subf %mul3A_1329, %sub3A_1333 : vector<256x16xf32>
    %exp3A_1335 = math.exp %sub3A_1334 : vector<256x16xf32>
    %reduce_sum3A_1336 = arith.constant dense<0.000000e+00> : vector<256xf32>
    %reduce_sum3A_1337 = vector.multi_reduction <add>, %exp3A_1335, %reduce_sum3A_1336 [1] : vector<256x16xf32> to vector<256xf32>
    %broadcast_in_dim3A_1338 = vector.shape_cast %reduce_sum3A_1337 : vector<256xf32> to vector<256x1xf32>
    %div3A_1339 = vector.broadcast %broadcast_in_dim3A_1338 : vector<256x1xf32> to vector<256x16xf32>
    %div3A_1340 = arith.divf %exp3A_1335, %div3A_1339 : vector<256x16xf32>
    %convert_element_type3A_1341 = arith.truncf %div3A_1340 : vector<256x16xf32> to vector<256x16xbf16>
    %convert_element_type3A_1342 = arith.extf %convert_element_type3A_1341 : vector<256x16xbf16> to vector<256x16xf32>
    %broadcast_in_dim3A_1343 = arith.constant 0.000000e+00 : f32
    %broadcast_in_dim3A_1344 = vector.broadcast %broadcast_in_dim3A_1343 : f32 to vector<256x64xf32>
    %slice3A_1345 = vector.extract_strided_slice %convert_element_type3A_1342 {offsets = [0, 0], sizes = [256, 1], strides = [1, 1]} : vector<256x16xf32> to vector<256x1xf32>
    %slice3A_1346 = vector.extract_strided_slice %convert_element_type3A_89 {offsets = [0, 0], sizes = [256, 64], strides = [1, 1]} : vector<256x1024xf32> to vector<256x64xf32>
    %mul3A_1347 = vector.broadcast %slice3A_1345 : vector<256x1xf32> to vector<256x64xf32>
    %mul3A_1348 = arith.mulf %mul3A_1347, %slice3A_1346 : vector<256x64xf32>
    %add3A_1349 = arith.addf %broadcast_in_dim3A_1344, %mul3A_1348 : vector<256x64xf32>
    %slice3A_1350 = vector.extract_strided_slice %convert_element_type3A_1342 {offsets = [0, 1], sizes = [256, 1], strides = [1, 1]} : vector<256x16xf32> to vector<256x1xf32>
    %slice3A_1351 = vector.extract_strided_slice %convert_element_type3A_89 {offsets = [0, 64], sizes = [256, 64], strides = [1, 1]} : vector<256x1024xf32> to vector<256x64xf32>
    %mul3A_1352 = vector.broadcast %slice3A_1350 : vector<256x1xf32> to vector<256x64xf32>
    %mul3A_1353 = arith.mulf %mul3A_1352, %slice3A_1351 : vector<256x64xf32>
    %add3A_1354 = arith.addf %add3A_1349, %mul3A_1353 : vector<256x64xf32>
    %slice3A_1355 = vector.extract_strided_slice %convert_element_type3A_1342 {offsets = [0, 2], sizes = [256, 1], strides = [1, 1]} : vector<256x16xf32> to vector<256x1xf32>
    %slice3A_1356 = vector.extract_strided_slice %convert_element_type3A_89 {offsets = [0, 128], sizes = [256, 64], strides = [1, 1]} : vector<256x1024xf32> to vector<256x64xf32>
    %mul3A_1357 = vector.broadcast %slice3A_1355 : vector<256x1xf32> to vector<256x64xf32>
    %mul3A_1358 = arith.mulf %mul3A_1357, %slice3A_1356 : vector<256x64xf32>
    %add3A_1359 = arith.addf %add3A_1354, %mul3A_1358 : vector<256x64xf32>
    %slice3A_1360 = vector.extract_strided_slice %convert_element_type3A_1342 {offsets = [0, 3], sizes = [256, 1], strides = [1, 1]} : vector<256x16xf32> to vector<256x1xf32>
    %slice3A_1361 = vector.extract_strided_slice %convert_element_type3A_89 {offsets = [0, 192], sizes = [256, 64], strides = [1, 1]} : vector<256x1024xf32> to vector<256x64xf32>
    %mul3A_1362 = vector.broadcast %slice3A_1360 : vector<256x1xf32> to vector<256x64xf32>
    %mul3A_1363 = arith.mulf %mul3A_1362, %slice3A_1361 : vector<256x64xf32>
    %add3A_1364 = arith.addf %add3A_1359, %mul3A_1363 : vector<256x64xf32>
    %slice3A_1365 = vector.extract_strided_slice %convert_element_type3A_1342 {offsets = [0, 4], sizes = [256, 1], strides = [1, 1]} : vector<256x16xf32> to vector<256x1xf32>
    %slice3A_1366 = vector.extract_strided_slice %convert_element_type3A_89 {offsets = [0, 256], sizes = [256, 64], strides = [1, 1]} : vector<256x1024xf32> to vector<256x64xf32>
    %mul3A_1367 = vector.broadcast %slice3A_1365 : vector<256x1xf32> to vector<256x64xf32>
    %mul3A_1368 = arith.mulf %mul3A_1367, %slice3A_1366 : vector<256x64xf32>
    %add3A_1369 = arith.addf %add3A_1364, %mul3A_1368 : vector<256x64xf32>
    %slice3A_1370 = vector.extract_strided_slice %convert_element_type3A_1342 {offsets = [0, 5], sizes = [256, 1], strides = [1, 1]} : vector<256x16xf32> to vector<256x1xf32>
    %slice3A_1371 = vector.extract_strided_slice %convert_element_type3A_89 {offsets = [0, 320], sizes = [256, 64], strides = [1, 1]} : vector<256x1024xf32> to vector<256x64xf32>
    %mul3A_1372 = vector.broadcast %slice3A_1370 : vector<256x1xf32> to vector<256x64xf32>
    %mul3A_1373 = arith.mulf %mul3A_1372, %slice3A_1371 : vector<256x64xf32>
    %add3A_1374 = arith.addf %add3A_1369, %mul3A_1373 : vector<256x64xf32>
    %slice3A_1375 = vector.extract_strided_slice %convert_element_type3A_1342 {offsets = [0, 6], sizes = [256, 1], strides = [1, 1]} : vector<256x16xf32> to vector<256x1xf32>
    %slice3A_1376 = vector.extract_strided_slice %convert_element_type3A_89 {offsets = [0, 384], sizes = [256, 64], strides = [1, 1]} : vector<256x1024xf32> to vector<256x64xf32>
    %mul3A_1377 = vector.broadcast %slice3A_1375 : vector<256x1xf32> to vector<256x64xf32>
    %mul3A_1378 = arith.mulf %mul3A_1377, %slice3A_1376 : vector<256x64xf32>
    %add3A_1379 = arith.addf %add3A_1374, %mul3A_1378 : vector<256x64xf32>
    %slice3A_1380 = vector.extract_strided_slice %convert_element_type3A_1342 {offsets = [0, 7], sizes = [256, 1], strides = [1, 1]} : vector<256x16xf32> to vector<256x1xf32>
    %slice3A_1381 = vector.extract_strided_slice %convert_element_type3A_89 {offsets = [0, 448], sizes = [256, 64], strides = [1, 1]} : vector<256x1024xf32> to vector<256x64xf32>
    %mul3A_1382 = vector.broadcast %slice3A_1380 : vector<256x1xf32> to vector<256x64xf32>
    %mul3A_1383 = arith.mulf %mul3A_1382, %slice3A_1381 : vector<256x64xf32>
    %add3A_1384 = arith.addf %add3A_1379, %mul3A_1383 : vector<256x64xf32>
    %slice3A_1385 = vector.extract_strided_slice %convert_element_type3A_1342 {offsets = [0, 8], sizes = [256, 1], strides = [1, 1]} : vector<256x16xf32> to vector<256x1xf32>
    %slice3A_1386 = vector.extract_strided_slice %convert_element_type3A_89 {offsets = [0, 512], sizes = [256, 64], strides = [1, 1]} : vector<256x1024xf32> to vector<256x64xf32>
    %mul3A_1387 = vector.broadcast %slice3A_1385 : vector<256x1xf32> to vector<256x64xf32>
    %mul3A_1388 = arith.mulf %mul3A_1387, %slice3A_1386 : vector<256x64xf32>
    %add3A_1389 = arith.addf %add3A_1384, %mul3A_1388 : vector<256x64xf32>
    %slice3A_1390 = vector.extract_strided_slice %convert_element_type3A_1342 {offsets = [0, 9], sizes = [256, 1], strides = [1, 1]} : vector<256x16xf32> to vector<256x1xf32>
    %slice3A_1391 = vector.extract_strided_slice %convert_element_type3A_89 {offsets = [0, 576], sizes = [256, 64], strides = [1, 1]} : vector<256x1024xf32> to vector<256x64xf32>
    %mul3A_1392 = vector.broadcast %slice3A_1390 : vector<256x1xf32> to vector<256x64xf32>
    %mul3A_1393 = arith.mulf %mul3A_1392, %slice3A_1391 : vector<256x64xf32>
    %add3A_1394 = arith.addf %add3A_1389, %mul3A_1393 : vector<256x64xf32>
    %slice3A_1395 = vector.extract_strided_slice %convert_element_type3A_1342 {offsets = [0, 10], sizes = [256, 1], strides = [1, 1]} : vector<256x16xf32> to vector<256x1xf32>
    %slice3A_1396 = vector.extract_strided_slice %convert_element_type3A_89 {offsets = [0, 640], sizes = [256, 64], strides = [1, 1]} : vector<256x1024xf32> to vector<256x64xf32>
    %mul3A_1397 = vector.broadcast %slice3A_1395 : vector<256x1xf32> to vector<256x64xf32>
    %mul3A_1398 = arith.mulf %mul3A_1397, %slice3A_1396 : vector<256x64xf32>
    %add3A_1399 = arith.addf %add3A_1394, %mul3A_1398 : vector<256x64xf32>
    %slice3A_1400 = vector.extract_strided_slice %convert_element_type3A_1342 {offsets = [0, 11], sizes = [256, 1], strides = [1, 1]} : vector<256x16xf32> to vector<256x1xf32>
    %slice3A_1401 = vector.extract_strided_slice %convert_element_type3A_89 {offsets = [0, 704], sizes = [256, 64], strides = [1, 1]} : vector<256x1024xf32> to vector<256x64xf32>
    %mul3A_1402 = vector.broadcast %slice3A_1400 : vector<256x1xf32> to vector<256x64xf32>
    %mul3A_1403 = arith.mulf %mul3A_1402, %slice3A_1401 : vector<256x64xf32>
    %add3A_1404 = arith.addf %add3A_1399, %mul3A_1403 : vector<256x64xf32>
    %slice3A_1405 = vector.extract_strided_slice %convert_element_type3A_1342 {offsets = [0, 12], sizes = [256, 1], strides = [1, 1]} : vector<256x16xf32> to vector<256x1xf32>
    %slice3A_1406 = vector.extract_strided_slice %convert_element_type3A_89 {offsets = [0, 768], sizes = [256, 64], strides = [1, 1]} : vector<256x1024xf32> to vector<256x64xf32>
    %mul3A_1407 = vector.broadcast %slice3A_1405 : vector<256x1xf32> to vector<256x64xf32>
    %mul3A_1408 = arith.mulf %mul3A_1407, %slice3A_1406 : vector<256x64xf32>
    %add3A_1409 = arith.addf %add3A_1404, %mul3A_1408 : vector<256x64xf32>
    %slice3A_1410 = vector.extract_strided_slice %convert_element_type3A_1342 {offsets = [0, 13], sizes = [256, 1], strides = [1, 1]} : vector<256x16xf32> to vector<256x1xf32>
    %slice3A_1411 = vector.extract_strided_slice %convert_element_type3A_89 {offsets = [0, 832], sizes = [256, 64], strides = [1, 1]} : vector<256x1024xf32> to vector<256x64xf32>
    %mul3A_1412 = vector.broadcast %slice3A_1410 : vector<256x1xf32> to vector<256x64xf32>
    %mul3A_1413 = arith.mulf %mul3A_1412, %slice3A_1411 : vector<256x64xf32>
    %add3A_1414 = arith.addf %add3A_1409, %mul3A_1413 : vector<256x64xf32>
    %slice3A_1415 = vector.extract_strided_slice %convert_element_type3A_1342 {offsets = [0, 14], sizes = [256, 1], strides = [1, 1]} : vector<256x16xf32> to vector<256x1xf32>
    %slice3A_1416 = vector.extract_strided_slice %convert_element_type3A_89 {offsets = [0, 896], sizes = [256, 64], strides = [1, 1]} : vector<256x1024xf32> to vector<256x64xf32>
    %mul3A_1417 = vector.broadcast %slice3A_1415 : vector<256x1xf32> to vector<256x64xf32>
    %mul3A_1418 = arith.mulf %mul3A_1417, %slice3A_1416 : vector<256x64xf32>
    %add3A_1419 = arith.addf %add3A_1414, %mul3A_1418 : vector<256x64xf32>
    %slice3A_1420 = vector.extract_strided_slice %convert_element_type3A_1342 {offsets = [0, 15], sizes = [256, 1], strides = [1, 1]} : vector<256x16xf32> to vector<256x1xf32>
    %slice3A_1421 = vector.extract_strided_slice %convert_element_type3A_89 {offsets = [0, 960], sizes = [256, 64], strides = [1, 1]} : vector<256x1024xf32> to vector<256x64xf32>
    %mul3A_1422 = vector.broadcast %slice3A_1420 : vector<256x1xf32> to vector<256x64xf32>
    %mul3A_1423 = arith.mulf %mul3A_1422, %slice3A_1421 : vector<256x64xf32>
    %add3A_1424 = arith.addf %add3A_1419, %mul3A_1423 : vector<256x64xf32>
    %slice3A_1425 = vector.extract_strided_slice %convert_element_type3A_85 {offsets = [0, 832], sizes = [256, 64], strides = [1, 1]} : vector<256x1024xf32> to vector<256x64xf32>
    %concatenate3A_1426 = tpu.concatenate %slice3A_1425, %slice3A_1425, %slice3A_1425, %slice3A_1425, %slice3A_1425, %slice3A_1425, %slice3A_1425, %slice3A_1425, %slice3A_1425, %slice3A_1425, %slice3A_1425, %slice3A_1425, %slice3A_1425, %slice3A_1425, %slice3A_1425, %slice3A_1425 in 1 : vector<256x64xf32>, vector<256x64xf32>, vector<256x64xf32>, vector<256x64xf32>, vector<256x64xf32>, vector<256x64xf32>, vector<256x64xf32>, vector<256x64xf32>, vector<256x64xf32>, vector<256x64xf32>, vector<256x64xf32>, vector<256x64xf32>, vector<256x64xf32>, vector<256x64xf32>, vector<256x64xf32>, vector<256x64xf32> -> vector<256x1024xf32>
    %mul3A_1427 = arith.mulf %concatenate3A_1426, %convert_element_type3A_87 : vector<256x1024xf32>
    %dot_general3A_1428 = arith.constant dense<0.000000e+00> : vector<256x16xf32>
    %dot_general3A_1429 = tpu.matmul %mul3A_1427, %convert_element_type3A_83, %dot_general3A_1428 {dimension_numbers = #tpu.dot_dimension_numbers<[1], [0], [0], [1], [0, 0, 1, 1], [], []>, precision = #tpu.contract_precision<fp32>, transpose_lhs_hint = false} : vector<256x1024xf32>, vector<1024x16xf32>, vector<256x16xf32> -> vector<256x16xf32>
    %mul3A_1430 = arith.constant 1.250000e-01 : f32
    %mul3A_1431 = vector.broadcast %mul3A_1430 : f32 to vector<256x16xf32>
    %mul3A_1432 = arith.mulf %dot_general3A_1429, %mul3A_1431 : vector<256x16xf32>
    %reduce_max3A_1433 = arith.constant dense<0xFF800000> : vector<256xf32>
    %reduce_max3A_1434 = vector.multi_reduction <maximumf>, %mul3A_1432, %reduce_max3A_1433 [1] : vector<256x16xf32> to vector<256xf32>
    %broadcast_in_dim3A_1435 = vector.shape_cast %reduce_max3A_1434 : vector<256xf32> to vector<256x1xf32>
    %sub3A_1436 = vector.broadcast %broadcast_in_dim3A_1435 : vector<256x1xf32> to vector<256x16xf32>
    %sub3A_1437 = arith.subf %mul3A_1432, %sub3A_1436 : vector<256x16xf32>
    %exp3A_1438 = math.exp %sub3A_1437 : vector<256x16xf32>
    %reduce_sum3A_1439 = arith.constant dense<0.000000e+00> : vector<256xf32>
    %reduce_sum3A_1440 = vector.multi_reduction <add>, %exp3A_1438, %reduce_sum3A_1439 [1] : vector<256x16xf32> to vector<256xf32>
    %broadcast_in_dim3A_1441 = vector.shape_cast %reduce_sum3A_1440 : vector<256xf32> to vector<256x1xf32>
    %div3A_1442 = vector.broadcast %broadcast_in_dim3A_1441 : vector<256x1xf32> to vector<256x16xf32>
    %div3A_1443 = arith.divf %exp3A_1438, %div3A_1442 : vector<256x16xf32>
    %convert_element_type3A_1444 = arith.truncf %div3A_1443 : vector<256x16xf32> to vector<256x16xbf16>
    %convert_element_type3A_1445 = arith.extf %convert_element_type3A_1444 : vector<256x16xbf16> to vector<256x16xf32>
    %broadcast_in_dim3A_1446 = arith.constant 0.000000e+00 : f32
    %broadcast_in_dim3A_1447 = vector.broadcast %broadcast_in_dim3A_1446 : f32 to vector<256x64xf32>
    %slice3A_1448 = vector.extract_strided_slice %convert_element_type3A_1445 {offsets = [0, 0], sizes = [256, 1], strides = [1, 1]} : vector<256x16xf32> to vector<256x1xf32>
    %slice3A_1449 = vector.extract_strided_slice %convert_element_type3A_89 {offsets = [0, 0], sizes = [256, 64], strides = [1, 1]} : vector<256x1024xf32> to vector<256x64xf32>
    %mul3A_1450 = vector.broadcast %slice3A_1448 : vector<256x1xf32> to vector<256x64xf32>
    %mul3A_1451 = arith.mulf %mul3A_1450, %slice3A_1449 : vector<256x64xf32>
    %add3A_1452 = arith.addf %broadcast_in_dim3A_1447, %mul3A_1451 : vector<256x64xf32>
    %slice3A_1453 = vector.extract_strided_slice %convert_element_type3A_1445 {offsets = [0, 1], sizes = [256, 1], strides = [1, 1]} : vector<256x16xf32> to vector<256x1xf32>
    %slice3A_1454 = vector.extract_strided_slice %convert_element_type3A_89 {offsets = [0, 64], sizes = [256, 64], strides = [1, 1]} : vector<256x1024xf32> to vector<256x64xf32>
    %mul3A_1455 = vector.broadcast %slice3A_1453 : vector<256x1xf32> to vector<256x64xf32>
    %mul3A_1456 = arith.mulf %mul3A_1455, %slice3A_1454 : vector<256x64xf32>
    %add3A_1457 = arith.addf %add3A_1452, %mul3A_1456 : vector<256x64xf32>
    %slice3A_1458 = vector.extract_strided_slice %convert_element_type3A_1445 {offsets = [0, 2], sizes = [256, 1], strides = [1, 1]} : vector<256x16xf32> to vector<256x1xf32>
    %slice3A_1459 = vector.extract_strided_slice %convert_element_type3A_89 {offsets = [0, 128], sizes = [256, 64], strides = [1, 1]} : vector<256x1024xf32> to vector<256x64xf32>
    %mul3A_1460 = vector.broadcast %slice3A_1458 : vector<256x1xf32> to vector<256x64xf32>
    %mul3A_1461 = arith.mulf %mul3A_1460, %slice3A_1459 : vector<256x64xf32>
    %add3A_1462 = arith.addf %add3A_1457, %mul3A_1461 : vector<256x64xf32>
    %slice3A_1463 = vector.extract_strided_slice %convert_element_type3A_1445 {offsets = [0, 3], sizes = [256, 1], strides = [1, 1]} : vector<256x16xf32> to vector<256x1xf32>
    %slice3A_1464 = vector.extract_strided_slice %convert_element_type3A_89 {offsets = [0, 192], sizes = [256, 64], strides = [1, 1]} : vector<256x1024xf32> to vector<256x64xf32>
    %mul3A_1465 = vector.broadcast %slice3A_1463 : vector<256x1xf32> to vector<256x64xf32>
    %mul3A_1466 = arith.mulf %mul3A_1465, %slice3A_1464 : vector<256x64xf32>
    %add3A_1467 = arith.addf %add3A_1462, %mul3A_1466 : vector<256x64xf32>
    %slice3A_1468 = vector.extract_strided_slice %convert_element_type3A_1445 {offsets = [0, 4], sizes = [256, 1], strides = [1, 1]} : vector<256x16xf32> to vector<256x1xf32>
    %slice3A_1469 = vector.extract_strided_slice %convert_element_type3A_89 {offsets = [0, 256], sizes = [256, 64], strides = [1, 1]} : vector<256x1024xf32> to vector<256x64xf32>
    %mul3A_1470 = vector.broadcast %slice3A_1468 : vector<256x1xf32> to vector<256x64xf32>
    %mul3A_1471 = arith.mulf %mul3A_1470, %slice3A_1469 : vector<256x64xf32>
    %add3A_1472 = arith.addf %add3A_1467, %mul3A_1471 : vector<256x64xf32>
    %slice3A_1473 = vector.extract_strided_slice %convert_element_type3A_1445 {offsets = [0, 5], sizes = [256, 1], strides = [1, 1]} : vector<256x16xf32> to vector<256x1xf32>
    %slice3A_1474 = vector.extract_strided_slice %convert_element_type3A_89 {offsets = [0, 320], sizes = [256, 64], strides = [1, 1]} : vector<256x1024xf32> to vector<256x64xf32>
    %mul3A_1475 = vector.broadcast %slice3A_1473 : vector<256x1xf32> to vector<256x64xf32>
    %mul3A_1476 = arith.mulf %mul3A_1475, %slice3A_1474 : vector<256x64xf32>
    %add3A_1477 = arith.addf %add3A_1472, %mul3A_1476 : vector<256x64xf32>
    %slice3A_1478 = vector.extract_strided_slice %convert_element_type3A_1445 {offsets = [0, 6], sizes = [256, 1], strides = [1, 1]} : vector<256x16xf32> to vector<256x1xf32>
    %slice3A_1479 = vector.extract_strided_slice %convert_element_type3A_89 {offsets = [0, 384], sizes = [256, 64], strides = [1, 1]} : vector<256x1024xf32> to vector<256x64xf32>
    %mul3A_1480 = vector.broadcast %slice3A_1478 : vector<256x1xf32> to vector<256x64xf32>
    %mul3A_1481 = arith.mulf %mul3A_1480, %slice3A_1479 : vector<256x64xf32>
    %add3A_1482 = arith.addf %add3A_1477, %mul3A_1481 : vector<256x64xf32>
    %slice3A_1483 = vector.extract_strided_slice %convert_element_type3A_1445 {offsets = [0, 7], sizes = [256, 1], strides = [1, 1]} : vector<256x16xf32> to vector<256x1xf32>
    %slice3A_1484 = vector.extract_strided_slice %convert_element_type3A_89 {offsets = [0, 448], sizes = [256, 64], strides = [1, 1]} : vector<256x1024xf32> to vector<256x64xf32>
    %mul3A_1485 = vector.broadcast %slice3A_1483 : vector<256x1xf32> to vector<256x64xf32>
    %mul3A_1486 = arith.mulf %mul3A_1485, %slice3A_1484 : vector<256x64xf32>
    %add3A_1487 = arith.addf %add3A_1482, %mul3A_1486 : vector<256x64xf32>
    %slice3A_1488 = vector.extract_strided_slice %convert_element_type3A_1445 {offsets = [0, 8], sizes = [256, 1], strides = [1, 1]} : vector<256x16xf32> to vector<256x1xf32>
    %slice3A_1489 = vector.extract_strided_slice %convert_element_type3A_89 {offsets = [0, 512], sizes = [256, 64], strides = [1, 1]} : vector<256x1024xf32> to vector<256x64xf32>
    %mul3A_1490 = vector.broadcast %slice3A_1488 : vector<256x1xf32> to vector<256x64xf32>
    %mul3A_1491 = arith.mulf %mul3A_1490, %slice3A_1489 : vector<256x64xf32>
    %add3A_1492 = arith.addf %add3A_1487, %mul3A_1491 : vector<256x64xf32>
    %slice3A_1493 = vector.extract_strided_slice %convert_element_type3A_1445 {offsets = [0, 9], sizes = [256, 1], strides = [1, 1]} : vector<256x16xf32> to vector<256x1xf32>
    %slice3A_1494 = vector.extract_strided_slice %convert_element_type3A_89 {offsets = [0, 576], sizes = [256, 64], strides = [1, 1]} : vector<256x1024xf32> to vector<256x64xf32>
    %mul3A_1495 = vector.broadcast %slice3A_1493 : vector<256x1xf32> to vector<256x64xf32>
    %mul3A_1496 = arith.mulf %mul3A_1495, %slice3A_1494 : vector<256x64xf32>
    %add3A_1497 = arith.addf %add3A_1492, %mul3A_1496 : vector<256x64xf32>
    %slice3A_1498 = vector.extract_strided_slice %convert_element_type3A_1445 {offsets = [0, 10], sizes = [256, 1], strides = [1, 1]} : vector<256x16xf32> to vector<256x1xf32>
    %slice3A_1499 = vector.extract_strided_slice %convert_element_type3A_89 {offsets = [0, 640], sizes = [256, 64], strides = [1, 1]} : vector<256x1024xf32> to vector<256x64xf32>
    %mul3A_1500 = vector.broadcast %slice3A_1498 : vector<256x1xf32> to vector<256x64xf32>
    %mul3A_1501 = arith.mulf %mul3A_1500, %slice3A_1499 : vector<256x64xf32>
    %add3A_1502 = arith.addf %add3A_1497, %mul3A_1501 : vector<256x64xf32>
    %slice3A_1503 = vector.extract_strided_slice %convert_element_type3A_1445 {offsets = [0, 11], sizes = [256, 1], strides = [1, 1]} : vector<256x16xf32> to vector<256x1xf32>
    %slice3A_1504 = vector.extract_strided_slice %convert_element_type3A_89 {offsets = [0, 704], sizes = [256, 64], strides = [1, 1]} : vector<256x1024xf32> to vector<256x64xf32>
    %mul3A_1505 = vector.broadcast %slice3A_1503 : vector<256x1xf32> to vector<256x64xf32>
    %mul3A_1506 = arith.mulf %mul3A_1505, %slice3A_1504 : vector<256x64xf32>
    %add3A_1507 = arith.addf %add3A_1502, %mul3A_1506 : vector<256x64xf32>
    %slice3A_1508 = vector.extract_strided_slice %convert_element_type3A_1445 {offsets = [0, 12], sizes = [256, 1], strides = [1, 1]} : vector<256x16xf32> to vector<256x1xf32>
    %slice3A_1509 = vector.extract_strided_slice %convert_element_type3A_89 {offsets = [0, 768], sizes = [256, 64], strides = [1, 1]} : vector<256x1024xf32> to vector<256x64xf32>
    %mul3A_1510 = vector.broadcast %slice3A_1508 : vector<256x1xf32> to vector<256x64xf32>
    %mul3A_1511 = arith.mulf %mul3A_1510, %slice3A_1509 : vector<256x64xf32>
    %add3A_1512 = arith.addf %add3A_1507, %mul3A_1511 : vector<256x64xf32>
    %slice3A_1513 = vector.extract_strided_slice %convert_element_type3A_1445 {offsets = [0, 13], sizes = [256, 1], strides = [1, 1]} : vector<256x16xf32> to vector<256x1xf32>
    %slice3A_1514 = vector.extract_strided_slice %convert_element_type3A_89 {offsets = [0, 832], sizes = [256, 64], strides = [1, 1]} : vector<256x1024xf32> to vector<256x64xf32>
    %mul3A_1515 = vector.broadcast %slice3A_1513 : vector<256x1xf32> to vector<256x64xf32>
    %mul3A_1516 = arith.mulf %mul3A_1515, %slice3A_1514 : vector<256x64xf32>
    %add3A_1517 = arith.addf %add3A_1512, %mul3A_1516 : vector<256x64xf32>
    %slice3A_1518 = vector.extract_strided_slice %convert_element_type3A_1445 {offsets = [0, 14], sizes = [256, 1], strides = [1, 1]} : vector<256x16xf32> to vector<256x1xf32>
    %slice3A_1519 = vector.extract_strided_slice %convert_element_type3A_89 {offsets = [0, 896], sizes = [256, 64], strides = [1, 1]} : vector<256x1024xf32> to vector<256x64xf32>
    %mul3A_1520 = vector.broadcast %slice3A_1518 : vector<256x1xf32> to vector<256x64xf32>
    %mul3A_1521 = arith.mulf %mul3A_1520, %slice3A_1519 : vector<256x64xf32>
    %add3A_1522 = arith.addf %add3A_1517, %mul3A_1521 : vector<256x64xf32>
    %slice3A_1523 = vector.extract_strided_slice %convert_element_type3A_1445 {offsets = [0, 15], sizes = [256, 1], strides = [1, 1]} : vector<256x16xf32> to vector<256x1xf32>
    %slice3A_1524 = vector.extract_strided_slice %convert_element_type3A_89 {offsets = [0, 960], sizes = [256, 64], strides = [1, 1]} : vector<256x1024xf32> to vector<256x64xf32>
    %mul3A_1525 = vector.broadcast %slice3A_1523 : vector<256x1xf32> to vector<256x64xf32>
    %mul3A_1526 = arith.mulf %mul3A_1525, %slice3A_1524 : vector<256x64xf32>
    %add3A_1527 = arith.addf %add3A_1522, %mul3A_1526 : vector<256x64xf32>
    %slice3A_1528 = vector.extract_strided_slice %convert_element_type3A_85 {offsets = [0, 896], sizes = [256, 64], strides = [1, 1]} : vector<256x1024xf32> to vector<256x64xf32>
    %concatenate3A_1529 = tpu.concatenate %slice3A_1528, %slice3A_1528, %slice3A_1528, %slice3A_1528, %slice3A_1528, %slice3A_1528, %slice3A_1528, %slice3A_1528, %slice3A_1528, %slice3A_1528, %slice3A_1528, %slice3A_1528, %slice3A_1528, %slice3A_1528, %slice3A_1528, %slice3A_1528 in 1 : vector<256x64xf32>, vector<256x64xf32>, vector<256x64xf32>, vector<256x64xf32>, vector<256x64xf32>, vector<256x64xf32>, vector<256x64xf32>, vector<256x64xf32>, vector<256x64xf32>, vector<256x64xf32>, vector<256x64xf32>, vector<256x64xf32>, vector<256x64xf32>, vector<256x64xf32>, vector<256x64xf32>, vector<256x64xf32> -> vector<256x1024xf32>
    %mul3A_1530 = arith.mulf %concatenate3A_1529, %convert_element_type3A_87 : vector<256x1024xf32>
    %dot_general3A_1531 = arith.constant dense<0.000000e+00> : vector<256x16xf32>
    %dot_general3A_1532 = tpu.matmul %mul3A_1530, %convert_element_type3A_83, %dot_general3A_1531 {dimension_numbers = #tpu.dot_dimension_numbers<[1], [0], [0], [1], [0, 0, 1, 1], [], []>, precision = #tpu.contract_precision<fp32>, transpose_lhs_hint = false} : vector<256x1024xf32>, vector<1024x16xf32>, vector<256x16xf32> -> vector<256x16xf32>
    %mul3A_1533 = arith.constant 1.250000e-01 : f32
    %mul3A_1534 = vector.broadcast %mul3A_1533 : f32 to vector<256x16xf32>
    %mul3A_1535 = arith.mulf %dot_general3A_1532, %mul3A_1534 : vector<256x16xf32>
    %reduce_max3A_1536 = arith.constant dense<0xFF800000> : vector<256xf32>
    %reduce_max3A_1537 = vector.multi_reduction <maximumf>, %mul3A_1535, %reduce_max3A_1536 [1] : vector<256x16xf32> to vector<256xf32>
    %broadcast_in_dim3A_1538 = vector.shape_cast %reduce_max3A_1537 : vector<256xf32> to vector<256x1xf32>
    %sub3A_1539 = vector.broadcast %broadcast_in_dim3A_1538 : vector<256x1xf32> to vector<256x16xf32>
    %sub3A_1540 = arith.subf %mul3A_1535, %sub3A_1539 : vector<256x16xf32>
    %exp3A_1541 = math.exp %sub3A_1540 : vector<256x16xf32>
    %reduce_sum3A_1542 = arith.constant dense<0.000000e+00> : vector<256xf32>
    %reduce_sum3A_1543 = vector.multi_reduction <add>, %exp3A_1541, %reduce_sum3A_1542 [1] : vector<256x16xf32> to vector<256xf32>
    %broadcast_in_dim3A_1544 = vector.shape_cast %reduce_sum3A_1543 : vector<256xf32> to vector<256x1xf32>
    %div3A_1545 = vector.broadcast %broadcast_in_dim3A_1544 : vector<256x1xf32> to vector<256x16xf32>
    %div3A_1546 = arith.divf %exp3A_1541, %div3A_1545 : vector<256x16xf32>
    %convert_element_type3A_1547 = arith.truncf %div3A_1546 : vector<256x16xf32> to vector<256x16xbf16>
    %convert_element_type3A_1548 = arith.extf %convert_element_type3A_1547 : vector<256x16xbf16> to vector<256x16xf32>
    %broadcast_in_dim3A_1549 = arith.constant 0.000000e+00 : f32
    %broadcast_in_dim3A_1550 = vector.broadcast %broadcast_in_dim3A_1549 : f32 to vector<256x64xf32>
    %slice3A_1551 = vector.extract_strided_slice %convert_element_type3A_1548 {offsets = [0, 0], sizes = [256, 1], strides = [1, 1]} : vector<256x16xf32> to vector<256x1xf32>
    %slice3A_1552 = vector.extract_strided_slice %convert_element_type3A_89 {offsets = [0, 0], sizes = [256, 64], strides = [1, 1]} : vector<256x1024xf32> to vector<256x64xf32>
    %mul3A_1553 = vector.broadcast %slice3A_1551 : vector<256x1xf32> to vector<256x64xf32>
    %mul3A_1554 = arith.mulf %mul3A_1553, %slice3A_1552 : vector<256x64xf32>
    %add3A_1555 = arith.addf %broadcast_in_dim3A_1550, %mul3A_1554 : vector<256x64xf32>
    %slice3A_1556 = vector.extract_strided_slice %convert_element_type3A_1548 {offsets = [0, 1], sizes = [256, 1], strides = [1, 1]} : vector<256x16xf32> to vector<256x1xf32>
    %slice3A_1557 = vector.extract_strided_slice %convert_element_type3A_89 {offsets = [0, 64], sizes = [256, 64], strides = [1, 1]} : vector<256x1024xf32> to vector<256x64xf32>
    %mul3A_1558 = vector.broadcast %slice3A_1556 : vector<256x1xf32> to vector<256x64xf32>
    %mul3A_1559 = arith.mulf %mul3A_1558, %slice3A_1557 : vector<256x64xf32>
    %add3A_1560 = arith.addf %add3A_1555, %mul3A_1559 : vector<256x64xf32>
    %slice3A_1561 = vector.extract_strided_slice %convert_element_type3A_1548 {offsets = [0, 2], sizes = [256, 1], strides = [1, 1]} : vector<256x16xf32> to vector<256x1xf32>
    %slice3A_1562 = vector.extract_strided_slice %convert_element_type3A_89 {offsets = [0, 128], sizes = [256, 64], strides = [1, 1]} : vector<256x1024xf32> to vector<256x64xf32>
    %mul3A_1563 = vector.broadcast %slice3A_1561 : vector<256x1xf32> to vector<256x64xf32>
    %mul3A_1564 = arith.mulf %mul3A_1563, %slice3A_1562 : vector<256x64xf32>
    %add3A_1565 = arith.addf %add3A_1560, %mul3A_1564 : vector<256x64xf32>
    %slice3A_1566 = vector.extract_strided_slice %convert_element_type3A_1548 {offsets = [0, 3], sizes = [256, 1], strides = [1, 1]} : vector<256x16xf32> to vector<256x1xf32>
    %slice3A_1567 = vector.extract_strided_slice %convert_element_type3A_89 {offsets = [0, 192], sizes = [256, 64], strides = [1, 1]} : vector<256x1024xf32> to vector<256x64xf32>
    %mul3A_1568 = vector.broadcast %slice3A_1566 : vector<256x1xf32> to vector<256x64xf32>
    %mul3A_1569 = arith.mulf %mul3A_1568, %slice3A_1567 : vector<256x64xf32>
    %add3A_1570 = arith.addf %add3A_1565, %mul3A_1569 : vector<256x64xf32>
    %slice3A_1571 = vector.extract_strided_slice %convert_element_type3A_1548 {offsets = [0, 4], sizes = [256, 1], strides = [1, 1]} : vector<256x16xf32> to vector<256x1xf32>
    %slice3A_1572 = vector.extract_strided_slice %convert_element_type3A_89 {offsets = [0, 256], sizes = [256, 64], strides = [1, 1]} : vector<256x1024xf32> to vector<256x64xf32>
    %mul3A_1573 = vector.broadcast %slice3A_1571 : vector<256x1xf32> to vector<256x64xf32>
    %mul3A_1574 = arith.mulf %mul3A_1573, %slice3A_1572 : vector<256x64xf32>
    %add3A_1575 = arith.addf %add3A_1570, %mul3A_1574 : vector<256x64xf32>
    %slice3A_1576 = vector.extract_strided_slice %convert_element_type3A_1548 {offsets = [0, 5], sizes = [256, 1], strides = [1, 1]} : vector<256x16xf32> to vector<256x1xf32>
    %slice3A_1577 = vector.extract_strided_slice %convert_element_type3A_89 {offsets = [0, 320], sizes = [256, 64], strides = [1, 1]} : vector<256x1024xf32> to vector<256x64xf32>
    %mul3A_1578 = vector.broadcast %slice3A_1576 : vector<256x1xf32> to vector<256x64xf32>
    %mul3A_1579 = arith.mulf %mul3A_1578, %slice3A_1577 : vector<256x64xf32>
    %add3A_1580 = arith.addf %add3A_1575, %mul3A_1579 : vector<256x64xf32>
    %slice3A_1581 = vector.extract_strided_slice %convert_element_type3A_1548 {offsets = [0, 6], sizes = [256, 1], strides = [1, 1]} : vector<256x16xf32> to vector<256x1xf32>
    %slice3A_1582 = vector.extract_strided_slice %convert_element_type3A_89 {offsets = [0, 384], sizes = [256, 64], strides = [1, 1]} : vector<256x1024xf32> to vector<256x64xf32>
    %mul3A_1583 = vector.broadcast %slice3A_1581 : vector<256x1xf32> to vector<256x64xf32>
    %mul3A_1584 = arith.mulf %mul3A_1583, %slice3A_1582 : vector<256x64xf32>
    %add3A_1585 = arith.addf %add3A_1580, %mul3A_1584 : vector<256x64xf32>
    %slice3A_1586 = vector.extract_strided_slice %convert_element_type3A_1548 {offsets = [0, 7], sizes = [256, 1], strides = [1, 1]} : vector<256x16xf32> to vector<256x1xf32>
    %slice3A_1587 = vector.extract_strided_slice %convert_element_type3A_89 {offsets = [0, 448], sizes = [256, 64], strides = [1, 1]} : vector<256x1024xf32> to vector<256x64xf32>
    %mul3A_1588 = vector.broadcast %slice3A_1586 : vector<256x1xf32> to vector<256x64xf32>
    %mul3A_1589 = arith.mulf %mul3A_1588, %slice3A_1587 : vector<256x64xf32>
    %add3A_1590 = arith.addf %add3A_1585, %mul3A_1589 : vector<256x64xf32>
    %slice3A_1591 = vector.extract_strided_slice %convert_element_type3A_1548 {offsets = [0, 8], sizes = [256, 1], strides = [1, 1]} : vector<256x16xf32> to vector<256x1xf32>
    %slice3A_1592 = vector.extract_strided_slice %convert_element_type3A_89 {offsets = [0, 512], sizes = [256, 64], strides = [1, 1]} : vector<256x1024xf32> to vector<256x64xf32>
    %mul3A_1593 = vector.broadcast %slice3A_1591 : vector<256x1xf32> to vector<256x64xf32>
    %mul3A_1594 = arith.mulf %mul3A_1593, %slice3A_1592 : vector<256x64xf32>
    %add3A_1595 = arith.addf %add3A_1590, %mul3A_1594 : vector<256x64xf32>
    %slice3A_1596 = vector.extract_strided_slice %convert_element_type3A_1548 {offsets = [0, 9], sizes = [256, 1], strides = [1, 1]} : vector<256x16xf32> to vector<256x1xf32>
    %slice3A_1597 = vector.extract_strided_slice %convert_element_type3A_89 {offsets = [0, 576], sizes = [256, 64], strides = [1, 1]} : vector<256x1024xf32> to vector<256x64xf32>
    %mul3A_1598 = vector.broadcast %slice3A_1596 : vector<256x1xf32> to vector<256x64xf32>
    %mul3A_1599 = arith.mulf %mul3A_1598, %slice3A_1597 : vector<256x64xf32>
    %add3A_1600 = arith.addf %add3A_1595, %mul3A_1599 : vector<256x64xf32>
    %slice3A_1601 = vector.extract_strided_slice %convert_element_type3A_1548 {offsets = [0, 10], sizes = [256, 1], strides = [1, 1]} : vector<256x16xf32> to vector<256x1xf32>
    %slice3A_1602 = vector.extract_strided_slice %convert_element_type3A_89 {offsets = [0, 640], sizes = [256, 64], strides = [1, 1]} : vector<256x1024xf32> to vector<256x64xf32>
    %mul3A_1603 = vector.broadcast %slice3A_1601 : vector<256x1xf32> to vector<256x64xf32>
    %mul3A_1604 = arith.mulf %mul3A_1603, %slice3A_1602 : vector<256x64xf32>
    %add3A_1605 = arith.addf %add3A_1600, %mul3A_1604 : vector<256x64xf32>
    %slice3A_1606 = vector.extract_strided_slice %convert_element_type3A_1548 {offsets = [0, 11], sizes = [256, 1], strides = [1, 1]} : vector<256x16xf32> to vector<256x1xf32>
    %slice3A_1607 = vector.extract_strided_slice %convert_element_type3A_89 {offsets = [0, 704], sizes = [256, 64], strides = [1, 1]} : vector<256x1024xf32> to vector<256x64xf32>
    %mul3A_1608 = vector.broadcast %slice3A_1606 : vector<256x1xf32> to vector<256x64xf32>
    %mul3A_1609 = arith.mulf %mul3A_1608, %slice3A_1607 : vector<256x64xf32>
    %add3A_1610 = arith.addf %add3A_1605, %mul3A_1609 : vector<256x64xf32>
    %slice3A_1611 = vector.extract_strided_slice %convert_element_type3A_1548 {offsets = [0, 12], sizes = [256, 1], strides = [1, 1]} : vector<256x16xf32> to vector<256x1xf32>
    %slice3A_1612 = vector.extract_strided_slice %convert_element_type3A_89 {offsets = [0, 768], sizes = [256, 64], strides = [1, 1]} : vector<256x1024xf32> to vector<256x64xf32>
    %mul3A_1613 = vector.broadcast %slice3A_1611 : vector<256x1xf32> to vector<256x64xf32>
    %mul3A_1614 = arith.mulf %mul3A_1613, %slice3A_1612 : vector<256x64xf32>
    %add3A_1615 = arith.addf %add3A_1610, %mul3A_1614 : vector<256x64xf32>
    %slice3A_1616 = vector.extract_strided_slice %convert_element_type3A_1548 {offsets = [0, 13], sizes = [256, 1], strides = [1, 1]} : vector<256x16xf32> to vector<256x1xf32>
    %slice3A_1617 = vector.extract_strided_slice %convert_element_type3A_89 {offsets = [0, 832], sizes = [256, 64], strides = [1, 1]} : vector<256x1024xf32> to vector<256x64xf32>
    %mul3A_1618 = vector.broadcast %slice3A_1616 : vector<256x1xf32> to vector<256x64xf32>
    %mul3A_1619 = arith.mulf %mul3A_1618, %slice3A_1617 : vector<256x64xf32>
    %add3A_1620 = arith.addf %add3A_1615, %mul3A_1619 : vector<256x64xf32>
    %slice3A_1621 = vector.extract_strided_slice %convert_element_type3A_1548 {offsets = [0, 14], sizes = [256, 1], strides = [1, 1]} : vector<256x16xf32> to vector<256x1xf32>
    %slice3A_1622 = vector.extract_strided_slice %convert_element_type3A_89 {offsets = [0, 896], sizes = [256, 64], strides = [1, 1]} : vector<256x1024xf32> to vector<256x64xf32>
    %mul3A_1623 = vector.broadcast %slice3A_1621 : vector<256x1xf32> to vector<256x64xf32>
    %mul3A_1624 = arith.mulf %mul3A_1623, %slice3A_1622 : vector<256x64xf32>
    %add3A_1625 = arith.addf %add3A_1620, %mul3A_1624 : vector<256x64xf32>
    %slice3A_1626 = vector.extract_strided_slice %convert_element_type3A_1548 {offsets = [0, 15], sizes = [256, 1], strides = [1, 1]} : vector<256x16xf32> to vector<256x1xf32>
    %slice3A_1627 = vector.extract_strided_slice %convert_element_type3A_89 {offsets = [0, 960], sizes = [256, 64], strides = [1, 1]} : vector<256x1024xf32> to vector<256x64xf32>
    %mul3A_1628 = vector.broadcast %slice3A_1626 : vector<256x1xf32> to vector<256x64xf32>
    %mul3A_1629 = arith.mulf %mul3A_1628, %slice3A_1627 : vector<256x64xf32>
    %add3A_1630 = arith.addf %add3A_1625, %mul3A_1629 : vector<256x64xf32>
    %slice3A_1631 = vector.extract_strided_slice %convert_element_type3A_85 {offsets = [0, 960], sizes = [256, 64], strides = [1, 1]} : vector<256x1024xf32> to vector<256x64xf32>
    %concatenate3A_1632 = tpu.concatenate %slice3A_1631, %slice3A_1631, %slice3A_1631, %slice3A_1631, %slice3A_1631, %slice3A_1631, %slice3A_1631, %slice3A_1631, %slice3A_1631, %slice3A_1631, %slice3A_1631, %slice3A_1631, %slice3A_1631, %slice3A_1631, %slice3A_1631, %slice3A_1631 in 1 : vector<256x64xf32>, vector<256x64xf32>, vector<256x64xf32>, vector<256x64xf32>, vector<256x64xf32>, vector<256x64xf32>, vector<256x64xf32>, vector<256x64xf32>, vector<256x64xf32>, vector<256x64xf32>, vector<256x64xf32>, vector<256x64xf32>, vector<256x64xf32>, vector<256x64xf32>, vector<256x64xf32>, vector<256x64xf32> -> vector<256x1024xf32>
    %mul3A_1633 = arith.mulf %concatenate3A_1632, %convert_element_type3A_87 : vector<256x1024xf32>
    %dot_general3A_1634 = arith.constant dense<0.000000e+00> : vector<256x16xf32>
    %dot_general3A_1635 = tpu.matmul %mul3A_1633, %convert_element_type3A_83, %dot_general3A_1634 {dimension_numbers = #tpu.dot_dimension_numbers<[1], [0], [0], [1], [0, 0, 1, 1], [], []>, precision = #tpu.contract_precision<fp32>, transpose_lhs_hint = false} : vector<256x1024xf32>, vector<1024x16xf32>, vector<256x16xf32> -> vector<256x16xf32>
    %mul3A_1636 = arith.constant 1.250000e-01 : f32
    %mul3A_1637 = vector.broadcast %mul3A_1636 : f32 to vector<256x16xf32>
    %mul3A_1638 = arith.mulf %dot_general3A_1635, %mul3A_1637 : vector<256x16xf32>
    %reduce_max3A_1639 = arith.constant dense<0xFF800000> : vector<256xf32>
    %reduce_max3A_1640 = vector.multi_reduction <maximumf>, %mul3A_1638, %reduce_max3A_1639 [1] : vector<256x16xf32> to vector<256xf32>
    %broadcast_in_dim3A_1641 = vector.shape_cast %reduce_max3A_1640 : vector<256xf32> to vector<256x1xf32>
    %sub3A_1642 = vector.broadcast %broadcast_in_dim3A_1641 : vector<256x1xf32> to vector<256x16xf32>
    %sub3A_1643 = arith.subf %mul3A_1638, %sub3A_1642 : vector<256x16xf32>
    %exp3A_1644 = math.exp %sub3A_1643 : vector<256x16xf32>
    %reduce_sum3A_1645 = arith.constant dense<0.000000e+00> : vector<256xf32>
    %reduce_sum3A_1646 = vector.multi_reduction <add>, %exp3A_1644, %reduce_sum3A_1645 [1] : vector<256x16xf32> to vector<256xf32>
    %broadcast_in_dim3A_1647 = vector.shape_cast %reduce_sum3A_1646 : vector<256xf32> to vector<256x1xf32>
    %div3A_1648 = vector.broadcast %broadcast_in_dim3A_1647 : vector<256x1xf32> to vector<256x16xf32>
    %div3A_1649 = arith.divf %exp3A_1644, %div3A_1648 : vector<256x16xf32>
    %convert_element_type3A_1650 = arith.truncf %div3A_1649 : vector<256x16xf32> to vector<256x16xbf16>
    %convert_element_type3A_1651 = arith.extf %convert_element_type3A_1650 : vector<256x16xbf16> to vector<256x16xf32>
    %broadcast_in_dim3A_1652 = arith.constant 0.000000e+00 : f32
    %broadcast_in_dim3A_1653 = vector.broadcast %broadcast_in_dim3A_1652 : f32 to vector<256x64xf32>
    %slice3A_1654 = vector.extract_strided_slice %convert_element_type3A_1651 {offsets = [0, 0], sizes = [256, 1], strides = [1, 1]} : vector<256x16xf32> to vector<256x1xf32>
    %slice3A_1655 = vector.extract_strided_slice %convert_element_type3A_89 {offsets = [0, 0], sizes = [256, 64], strides = [1, 1]} : vector<256x1024xf32> to vector<256x64xf32>
    %mul3A_1656 = vector.broadcast %slice3A_1654 : vector<256x1xf32> to vector<256x64xf32>
    %mul3A_1657 = arith.mulf %mul3A_1656, %slice3A_1655 : vector<256x64xf32>
    %add3A_1658 = arith.addf %broadcast_in_dim3A_1653, %mul3A_1657 : vector<256x64xf32>
    %slice3A_1659 = vector.extract_strided_slice %convert_element_type3A_1651 {offsets = [0, 1], sizes = [256, 1], strides = [1, 1]} : vector<256x16xf32> to vector<256x1xf32>
    %slice3A_1660 = vector.extract_strided_slice %convert_element_type3A_89 {offsets = [0, 64], sizes = [256, 64], strides = [1, 1]} : vector<256x1024xf32> to vector<256x64xf32>
    %mul3A_1661 = vector.broadcast %slice3A_1659 : vector<256x1xf32> to vector<256x64xf32>
    %mul3A_1662 = arith.mulf %mul3A_1661, %slice3A_1660 : vector<256x64xf32>
    %add3A_1663 = arith.addf %add3A_1658, %mul3A_1662 : vector<256x64xf32>
    %slice3A_1664 = vector.extract_strided_slice %convert_element_type3A_1651 {offsets = [0, 2], sizes = [256, 1], strides = [1, 1]} : vector<256x16xf32> to vector<256x1xf32>
    %slice3A_1665 = vector.extract_strided_slice %convert_element_type3A_89 {offsets = [0, 128], sizes = [256, 64], strides = [1, 1]} : vector<256x1024xf32> to vector<256x64xf32>
    %mul3A_1666 = vector.broadcast %slice3A_1664 : vector<256x1xf32> to vector<256x64xf32>
    %mul3A_1667 = arith.mulf %mul3A_1666, %slice3A_1665 : vector<256x64xf32>
    %add3A_1668 = arith.addf %add3A_1663, %mul3A_1667 : vector<256x64xf32>
    %slice3A_1669 = vector.extract_strided_slice %convert_element_type3A_1651 {offsets = [0, 3], sizes = [256, 1], strides = [1, 1]} : vector<256x16xf32> to vector<256x1xf32>
    %slice3A_1670 = vector.extract_strided_slice %convert_element_type3A_89 {offsets = [0, 192], sizes = [256, 64], strides = [1, 1]} : vector<256x1024xf32> to vector<256x64xf32>
    %mul3A_1671 = vector.broadcast %slice3A_1669 : vector<256x1xf32> to vector<256x64xf32>
    %mul3A_1672 = arith.mulf %mul3A_1671, %slice3A_1670 : vector<256x64xf32>
    %add3A_1673 = arith.addf %add3A_1668, %mul3A_1672 : vector<256x64xf32>
    %slice3A_1674 = vector.extract_strided_slice %convert_element_type3A_1651 {offsets = [0, 4], sizes = [256, 1], strides = [1, 1]} : vector<256x16xf32> to vector<256x1xf32>
    %slice3A_1675 = vector.extract_strided_slice %convert_element_type3A_89 {offsets = [0, 256], sizes = [256, 64], strides = [1, 1]} : vector<256x1024xf32> to vector<256x64xf32>
    %mul3A_1676 = vector.broadcast %slice3A_1674 : vector<256x1xf32> to vector<256x64xf32>
    %mul3A_1677 = arith.mulf %mul3A_1676, %slice3A_1675 : vector<256x64xf32>
    %add3A_1678 = arith.addf %add3A_1673, %mul3A_1677 : vector<256x64xf32>
    %slice3A_1679 = vector.extract_strided_slice %convert_element_type3A_1651 {offsets = [0, 5], sizes = [256, 1], strides = [1, 1]} : vector<256x16xf32> to vector<256x1xf32>
    %slice3A_1680 = vector.extract_strided_slice %convert_element_type3A_89 {offsets = [0, 320], sizes = [256, 64], strides = [1, 1]} : vector<256x1024xf32> to vector<256x64xf32>
    %mul3A_1681 = vector.broadcast %slice3A_1679 : vector<256x1xf32> to vector<256x64xf32>
    %mul3A_1682 = arith.mulf %mul3A_1681, %slice3A_1680 : vector<256x64xf32>
    %add3A_1683 = arith.addf %add3A_1678, %mul3A_1682 : vector<256x64xf32>
    %slice3A_1684 = vector.extract_strided_slice %convert_element_type3A_1651 {offsets = [0, 6], sizes = [256, 1], strides = [1, 1]} : vector<256x16xf32> to vector<256x1xf32>
    %slice3A_1685 = vector.extract_strided_slice %convert_element_type3A_89 {offsets = [0, 384], sizes = [256, 64], strides = [1, 1]} : vector<256x1024xf32> to vector<256x64xf32>
    %mul3A_1686 = vector.broadcast %slice3A_1684 : vector<256x1xf32> to vector<256x64xf32>
    %mul3A_1687 = arith.mulf %mul3A_1686, %slice3A_1685 : vector<256x64xf32>
    %add3A_1688 = arith.addf %add3A_1683, %mul3A_1687 : vector<256x64xf32>
    %slice3A_1689 = vector.extract_strided_slice %convert_element_type3A_1651 {offsets = [0, 7], sizes = [256, 1], strides = [1, 1]} : vector<256x16xf32> to vector<256x1xf32>
    %slice3A_1690 = vector.extract_strided_slice %convert_element_type3A_89 {offsets = [0, 448], sizes = [256, 64], strides = [1, 1]} : vector<256x1024xf32> to vector<256x64xf32>
    %mul3A_1691 = vector.broadcast %slice3A_1689 : vector<256x1xf32> to vector<256x64xf32>
    %mul3A_1692 = arith.mulf %mul3A_1691, %slice3A_1690 : vector<256x64xf32>
    %add3A_1693 = arith.addf %add3A_1688, %mul3A_1692 : vector<256x64xf32>
    %slice3A_1694 = vector.extract_strided_slice %convert_element_type3A_1651 {offsets = [0, 8], sizes = [256, 1], strides = [1, 1]} : vector<256x16xf32> to vector<256x1xf32>
    %slice3A_1695 = vector.extract_strided_slice %convert_element_type3A_89 {offsets = [0, 512], sizes = [256, 64], strides = [1, 1]} : vector<256x1024xf32> to vector<256x64xf32>
    %mul3A_1696 = vector.broadcast %slice3A_1694 : vector<256x1xf32> to vector<256x64xf32>
    %mul3A_1697 = arith.mulf %mul3A_1696, %slice3A_1695 : vector<256x64xf32>
    %add3A_1698 = arith.addf %add3A_1693, %mul3A_1697 : vector<256x64xf32>
    %slice3A_1699 = vector.extract_strided_slice %convert_element_type3A_1651 {offsets = [0, 9], sizes = [256, 1], strides = [1, 1]} : vector<256x16xf32> to vector<256x1xf32>
    %slice3A_1700 = vector.extract_strided_slice %convert_element_type3A_89 {offsets = [0, 576], sizes = [256, 64], strides = [1, 1]} : vector<256x1024xf32> to vector<256x64xf32>
    %mul3A_1701 = vector.broadcast %slice3A_1699 : vector<256x1xf32> to vector<256x64xf32>
    %mul3A_1702 = arith.mulf %mul3A_1701, %slice3A_1700 : vector<256x64xf32>
    %add3A_1703 = arith.addf %add3A_1698, %mul3A_1702 : vector<256x64xf32>
    %slice3A_1704 = vector.extract_strided_slice %convert_element_type3A_1651 {offsets = [0, 10], sizes = [256, 1], strides = [1, 1]} : vector<256x16xf32> to vector<256x1xf32>
    %slice3A_1705 = vector.extract_strided_slice %convert_element_type3A_89 {offsets = [0, 640], sizes = [256, 64], strides = [1, 1]} : vector<256x1024xf32> to vector<256x64xf32>
    %mul3A_1706 = vector.broadcast %slice3A_1704 : vector<256x1xf32> to vector<256x64xf32>
    %mul3A_1707 = arith.mulf %mul3A_1706, %slice3A_1705 : vector<256x64xf32>
    %add3A_1708 = arith.addf %add3A_1703, %mul3A_1707 : vector<256x64xf32>
    %slice3A_1709 = vector.extract_strided_slice %convert_element_type3A_1651 {offsets = [0, 11], sizes = [256, 1], strides = [1, 1]} : vector<256x16xf32> to vector<256x1xf32>
    %slice3A_1710 = vector.extract_strided_slice %convert_element_type3A_89 {offsets = [0, 704], sizes = [256, 64], strides = [1, 1]} : vector<256x1024xf32> to vector<256x64xf32>
    %mul3A_1711 = vector.broadcast %slice3A_1709 : vector<256x1xf32> to vector<256x64xf32>
    %mul3A_1712 = arith.mulf %mul3A_1711, %slice3A_1710 : vector<256x64xf32>
    %add3A_1713 = arith.addf %add3A_1708, %mul3A_1712 : vector<256x64xf32>
    %slice3A_1714 = vector.extract_strided_slice %convert_element_type3A_1651 {offsets = [0, 12], sizes = [256, 1], strides = [1, 1]} : vector<256x16xf32> to vector<256x1xf32>
    %slice3A_1715 = vector.extract_strided_slice %convert_element_type3A_89 {offsets = [0, 768], sizes = [256, 64], strides = [1, 1]} : vector<256x1024xf32> to vector<256x64xf32>
    %mul3A_1716 = vector.broadcast %slice3A_1714 : vector<256x1xf32> to vector<256x64xf32>
    %mul3A_1717 = arith.mulf %mul3A_1716, %slice3A_1715 : vector<256x64xf32>
    %add3A_1718 = arith.addf %add3A_1713, %mul3A_1717 : vector<256x64xf32>
    %slice3A_1719 = vector.extract_strided_slice %convert_element_type3A_1651 {offsets = [0, 13], sizes = [256, 1], strides = [1, 1]} : vector<256x16xf32> to vector<256x1xf32>
    %slice3A_1720 = vector.extract_strided_slice %convert_element_type3A_89 {offsets = [0, 832], sizes = [256, 64], strides = [1, 1]} : vector<256x1024xf32> to vector<256x64xf32>
    %mul3A_1721 = vector.broadcast %slice3A_1719 : vector<256x1xf32> to vector<256x64xf32>
    %mul3A_1722 = arith.mulf %mul3A_1721, %slice3A_1720 : vector<256x64xf32>
    %add3A_1723 = arith.addf %add3A_1718, %mul3A_1722 : vector<256x64xf32>
    %slice3A_1724 = vector.extract_strided_slice %convert_element_type3A_1651 {offsets = [0, 14], sizes = [256, 1], strides = [1, 1]} : vector<256x16xf32> to vector<256x1xf32>
    %slice3A_1725 = vector.extract_strided_slice %convert_element_type3A_89 {offsets = [0, 896], sizes = [256, 64], strides = [1, 1]} : vector<256x1024xf32> to vector<256x64xf32>
    %mul3A_1726 = vector.broadcast %slice3A_1724 : vector<256x1xf32> to vector<256x64xf32>
    %mul3A_1727 = arith.mulf %mul3A_1726, %slice3A_1725 : vector<256x64xf32>
    %add3A_1728 = arith.addf %add3A_1723, %mul3A_1727 : vector<256x64xf32>
    %slice3A_1729 = vector.extract_strided_slice %convert_element_type3A_1651 {offsets = [0, 15], sizes = [256, 1], strides = [1, 1]} : vector<256x16xf32> to vector<256x1xf32>
    %slice3A_1730 = vector.extract_strided_slice %convert_element_type3A_89 {offsets = [0, 960], sizes = [256, 64], strides = [1, 1]} : vector<256x1024xf32> to vector<256x64xf32>
    %mul3A_1731 = vector.broadcast %slice3A_1729 : vector<256x1xf32> to vector<256x64xf32>
    %mul3A_1732 = arith.mulf %mul3A_1731, %slice3A_1730 : vector<256x64xf32>
    %add3A_1733 = arith.addf %add3A_1728, %mul3A_1732 : vector<256x64xf32>
    %concatenate3A_1734 = tpu.concatenate %add3A_188, %add3A_291, %add3A_394, %add3A_497, %add3A_600, %add3A_703, %add3A_806, %add3A_909, %add3A_1012, %add3A_1115, %add3A_1218, %add3A_1321, %add3A_1424, %add3A_1527, %add3A_1630, %add3A_1733 in 1 : vector<256x64xf32>, vector<256x64xf32>, vector<256x64xf32>, vector<256x64xf32>, vector<256x64xf32>, vector<256x64xf32>, vector<256x64xf32>, vector<256x64xf32>, vector<256x64xf32>, vector<256x64xf32>, vector<256x64xf32>, vector<256x64xf32>, vector<256x64xf32>, vector<256x64xf32>, vector<256x64xf32>, vector<256x64xf32> -> vector<256x1024xf32>
    %add3A_1735 = arith.addf %get3A_1, %concatenate3A_1734 : vector<256x1024xf32>
    %swap3A = arith.constant 0 : index
    %swap3A_1736 = arith.constant 0 : index
    %swap3A_1737 = vector.load %arg14[%swap3A, %swap3A_1736] : memref<256x1024xf32, #tpu.memory_space<vmem>>, vector<256x1024xf32>
    tpu.vector_store %arg14[%swap3A, %swap3A_1736], %add3A_1735 {strides = array<i32>} : memref<256x1024xf32, #tpu.memory_space<vmem>>, vector<256x1024xf32>,
    %reduce_sum3A_1738 = arith.constant dense<0.000000e+00> : vector<256xf32>
    %reduce_sum3A_1739 = vector.multi_reduction <add>, %add3A_1735, %reduce_sum3A_1738 [1] : vector<256x1024xf32> to vector<256xf32>
    %broadcast_in_dim3A_1740 = vector.shape_cast %reduce_sum3A_1739 : vector<256xf32> to vector<256x1xf32>
    %div3A_1741 = arith.constant 1.024000e+03 : f32
    %div3A_1742 = vector.broadcast %div3A_1741 : f32 to vector<256x1xf32>
    %div3A_1743 = arith.divf %broadcast_in_dim3A_1740, %div3A_1742 : vector<256x1xf32>
    %sub3A_1744 = vector.broadcast %div3A_1743 : vector<256x1xf32> to vector<256x1024xf32>
    %sub3A_1745 = arith.subf %add3A_1735, %sub3A_1744 : vector<256x1024xf32>
    %integer_pow3A_1746 = arith.mulf %sub3A_1745, %sub3A_1745 : vector<256x1024xf32>
    %reduce_sum3A_1747 = arith.constant dense<0.000000e+00> : vector<256xf32>
    %reduce_sum3A_1748 = vector.multi_reduction <add>, %integer_pow3A_1746, %reduce_sum3A_1747 [1] : vector<256x1024xf32> to vector<256xf32>
    %broadcast_in_dim3A_1749 = vector.shape_cast %reduce_sum3A_1748 : vector<256xf32> to vector<256x1xf32>
    %div3A_1750 = arith.constant 1.024000e+03 : f32
    %div3A_1751 = vector.broadcast %div3A_1750 : f32 to vector<256x1xf32>
    %div3A_1752 = arith.divf %broadcast_in_dim3A_1749, %div3A_1751 : vector<256x1xf32>
    %sub3A_1753 = vector.broadcast %div3A_1743 : vector<256x1xf32> to vector<256x1024xf32>
    %sub3A_1754 = arith.subf %add3A_1735, %sub3A_1753 : vector<256x1024xf32>
    %add3A_1755 = arith.constant 9.99999974E-6 : f32
    %add3A_1756 = vector.broadcast %add3A_1755 : f32 to vector<256x1xf32>
    %add3A_1757 = arith.addf %div3A_1752, %add3A_1756 : vector<256x1xf32>
    %sqrt3A_1758 = math.sqrt %add3A_1757 : vector<256x1xf32>
    %div3A_1759 = vector.broadcast %sqrt3A_1758 : vector<256x1xf32> to vector<256x1024xf32>
    %div3A_1760 = arith.divf %sub3A_1754, %div3A_1759 : vector<256x1024xf32>
    %get3A_1761 = arith.constant 0 : index
    %get3A_1762 = arith.constant 0 : index
    %get3A_1763 = vector.load %arg10[%get3A_1761, %get3A_1762] : memref<1x1024xf32, #tpu.memory_space<vmem>>, vector<1x1024xf32>
    %mul3A_1764 = vector.broadcast %get3A_1763 : vector<1x1024xf32> to vector<256x1024xf32>
    %mul3A_1765 = arith.mulf %div3A_1760, %mul3A_1764 : vector<256x1024xf32>
    %get3A_1766 = arith.constant 0 : index
    %get3A_1767 = arith.constant 0 : index
    %get3A_1768 = vector.load %arg11[%get3A_1766, %get3A_1767] : memref<1x1024xf32, #tpu.memory_space<vmem>>, vector<1x1024xf32>
    %add3A_1769 = vector.broadcast %get3A_1768 : vector<1x1024xf32> to vector<256x1024xf32>
    %add3A_1770 = arith.addf %mul3A_1765, %add3A_1769 : vector<256x1024xf32>
    %convert_element_type3A_1771 = arith.truncf %add3A_1770 : vector<256x1024xf32> to vector<256x1024xbf16>
    %bitcast_convert_type3A = tpu.bitcast %convert_element_type3A_1771 : vector<256x1024xbf16> -> vector<256x1024xi16>
    %slice3A_1772 = vector.extract_strided_slice %bitcast_convert_type3A {offsets = [0, 0], sizes = [256, 512], strides = [1, 1]} : vector<256x1024xi16> to vector<256x512xi16>
    %convert_element_type3A_1773 = arith.extsi %slice3A_1772 : vector<256x512xi16> to vector<256x512xi32>
    %and3A_1774 = arith.constant 65535 : i32
    %and3A_1775 = vector.broadcast %and3A_1774 : i32 to vector<256x512xi32>
    %and3A_1776 = arith.andi %convert_element_type3A_1773, %and3A_1775 : vector<256x512xi32>
    %slice3A_1777 = vector.extract_strided_slice %bitcast_convert_type3A {offsets = [0, 512], sizes = [256, 512], strides = [1, 1]} : vector<256x1024xi16> to vector<256x512xi16>
    %convert_element_type3A_1778 = arith.extsi %slice3A_1777 : vector<256x512xi16> to vector<256x512xi32>
    %shift_left3A = arith.constant 16 : i32
    %shift_left3A_1779 = vector.broadcast %shift_left3A : i32 to vector<256x512xi32>
    %shift_left3A_1780 = arith.shli %convert_element_type3A_1778, %shift_left3A_1779 : vector<256x512xi32>
    %or3A = arith.ori %and3A_1776, %shift_left3A_1780 : vector<256x512xi32>
    %swap3A_1781 = arith.constant 0 : index
    %swap3A_1782 = arith.constant 0 : index
    %swap3A_1783 = vector.load %arg15[%swap3A_1781, %swap3A_1782] : memref<256x512xi32, #tpu.memory_space<vmem>>, vector<256x512xi32>
    tpu.vector_store %arg15[%swap3A_1781, %swap3A_1782], %or3A {strides = array<i32>} : memref<256x512xi32, #tpu.memory_space<vmem>>, vector<256x512xi32>,
    %get3A_1784 = arith.constant 0 : index
    %get3A_1785 = arith.constant 0 : index
    %get3A_1786 = vector.load %arg12[%get3A_1784, %get3A_1785] : memref<1024x8xbf16, #tpu.memory_space<vmem>>, vector<1024x8xbf16>
    %dot_general3A_1787 = arith.constant dense<0.000000e+00> : vector<256x8xf32>
    %dot_general3A_1788 = tpu.matmul %convert_element_type3A_1771, %get3A_1786, %dot_general3A_1787 {dimension_numbers = #tpu.dot_dimension_numbers<[1], [0], [0], [1], [0, 0, 1, 1], [], []>, transpose_lhs_hint = false} : vector<256x1024xbf16>, vector<1024x8xbf16>, vector<256x8xf32> -> vector<256x8xf32>
    %get3A_1789 = arith.constant 0 : index
    %get3A_1790 = arith.constant 0 : index
    %get3A_1791 = vector.load %arg13[%get3A_1789, %get3A_1790] : memref<1x8xf32, #tpu.memory_space<vmem>>, vector<1x8xf32>
    %add3A_1792 = vector.broadcast %get3A_1791 : vector<1x8xf32> to vector<256x8xf32>
    %add3A_1793 = arith.addf %dot_general3A_1788, %add3A_1792 : vector<256x8xf32>
    %reduce_max3A_1794 = arith.constant dense<0xFF800000> : vector<256xf32>
    %reduce_max3A_1795 = vector.multi_reduction <maximumf>, %add3A_1793, %reduce_max3A_1794 [1] : vector<256x8xf32> to vector<256xf32>
    %broadcast_in_dim3A_1796 = vector.shape_cast %reduce_max3A_1795 : vector<256xf32> to vector<256x1xf32>
    %sub3A_1797 = vector.broadcast %broadcast_in_dim3A_1796 : vector<256x1xf32> to vector<256x8xf32>
    %sub3A_1798 = arith.subf %add3A_1793, %sub3A_1797 : vector<256x8xf32>
    %exp3A_1799 = math.exp %sub3A_1798 : vector<256x8xf32>
    %reduce_sum3A_1800 = arith.constant dense<0.000000e+00> : vector<256xf32>
    %reduce_sum3A_1801 = vector.multi_reduction <add>, %exp3A_1799, %reduce_sum3A_1800 [1] : vector<256x8xf32> to vector<256xf32>
    %broadcast_in_dim3A_1802 = vector.shape_cast %reduce_sum3A_1801 : vector<256xf32> to vector<256x1xf32>
    %div3A_1803 = vector.broadcast %broadcast_in_dim3A_1802 : vector<256x1xf32> to vector<256x8xf32>
    %div3A_1804 = arith.divf %exp3A_1799, %div3A_1803 : vector<256x8xf32>
    %iota3A_1805 = tpu.iota {dimensions = array<i32: 1>} : vector<256x8xi32>
    %reduce_max3A_1806 = arith.constant dense<0xFF800000> : vector<256xf32>
    %reduce_max3A_1807 = vector.multi_reduction <maximumf>, %div3A_1804, %reduce_max3A_1806 [1] : vector<256x8xf32> to vector<256xf32>
    %broadcast_in_dim3A_1808 = vector.shape_cast %reduce_max3A_1807 : vector<256xf32> to vector<256x1xf32>
    %eq3A_1809 = vector.broadcast %broadcast_in_dim3A_1808 : vector<256x1xf32> to vector<256x8xf32>
    %eq3A_1810 = arith.cmpf oeq, %div3A_1804, %eq3A_1809 : vector<256x8xf32>
    %jit3A_1811 = arith.constant 8 : i32
    %broadcast_in_dim3A_1812 = vector.broadcast %jit3A_1811 : i32 to vector<256x8xi32>
    %select_n3A_1813 = arith.select %eq3A_1810, %iota3A_1805, %broadcast_in_dim3A_1812 : vector<256x8xi1>, vector<256x8xi32>
    %reduce_min3A = arith.constant dense<2147483647> : vector<256xi32>
    %reduce_min3A_1814 = vector.multi_reduction <minsi>, %select_n3A_1813, %reduce_min3A [1] : vector<256x8xi32> to vector<256xi32>
    %broadcast_in_dim3A_1815 = vector.shape_cast %reduce_min3A_1814 : vector<256xi32> to vector<256x1xi32>
    %eq3A_1816 = vector.broadcast %broadcast_in_dim3A_1815 : vector<256x1xi32> to vector<256x8xi32>
    %eq3A_1817 = arith.cmpi eq, %iota3A_1805, %eq3A_1816 : vector<256x8xi32>
    %jit3A_1818 = arith.constant 0xFF800000 : f32
    %broadcast_in_dim3A_1819 = vector.broadcast %jit3A_1818 : f32 to vector<256x8xf32>
    %select_n3A_1820 = arith.select %eq3A_1817, %broadcast_in_dim3A_1819, %div3A_1804 : vector<256x8xi1>, vector<256x8xf32>
    %reduce_max3A_1821 = arith.constant dense<0xFF800000> : vector<256xf32>
    %reduce_max3A_1822 = vector.multi_reduction <maximumf>, %select_n3A_1820, %reduce_max3A_1821 [1] : vector<256x8xf32> to vector<256xf32>
    %broadcast_in_dim3A_1823 = vector.shape_cast %reduce_max3A_1822 : vector<256xf32> to vector<256x1xf32>
    %eq3A_1824 = vector.broadcast %broadcast_in_dim3A_1823 : vector<256x1xf32> to vector<256x8xf32>
    %eq3A_1825 = arith.cmpf oeq, %select_n3A_1820, %eq3A_1824 : vector<256x8xf32>
    %jit3A_1826 = arith.constant 8 : i32
    %broadcast_in_dim3A_1827 = vector.broadcast %jit3A_1826 : i32 to vector<256x8xi32>
    %select_n3A_1828 = arith.select %eq3A_1825, %iota3A_1805, %broadcast_in_dim3A_1827 : vector<256x8xi1>, vector<256x8xi32>
    %reduce_min3A_1829 = arith.constant dense<2147483647> : vector<256xi32>
    %reduce_min3A_1830 = vector.multi_reduction <minsi>, %select_n3A_1828, %reduce_min3A_1829 [1] : vector<256x8xi32> to vector<256xi32>
    %broadcast_in_dim3A_1831 = vector.shape_cast %reduce_min3A_1830 : vector<256xi32> to vector<256x1xi32>
    %eq3A_1832 = vector.broadcast %broadcast_in_dim3A_1831 : vector<256x1xi32> to vector<256x8xi32>
    %eq3A_1833 = arith.cmpi eq, %iota3A_1805, %eq3A_1832 : vector<256x8xi32>
    %jit3A_1834 = arith.constant 0.000000e+00 : f32
    %broadcast_in_dim3A_1835 = vector.broadcast %jit3A_1834 : f32 to vector<256x8xf32>
    %select_n3A_1836 = arith.select %eq3A_1817, %div3A_1804, %broadcast_in_dim3A_1835 : vector<256x8xi1>, vector<256x8xf32>
    %reduce_sum3A_1837 = arith.constant dense<0.000000e+00> : vector<256xf32>
    %reduce_sum3A_1838 = vector.multi_reduction <add>, %select_n3A_1836, %reduce_sum3A_1837 [1] : vector<256x8xf32> to vector<256xf32>
    %broadcast_in_dim3A_1839 = vector.shape_cast %reduce_sum3A_1838 : vector<256xf32> to vector<256x1xf32>
    %jit3A_1840 = arith.constant 0.000000e+00 : f32
    %broadcast_in_dim3A_1841 = vector.broadcast %jit3A_1840 : f32 to vector<256x8xf32>
    %select_n3A_1842 = arith.select %eq3A_1833, %div3A_1804, %broadcast_in_dim3A_1841 : vector<256x8xi1>, vector<256x8xf32>
    %reduce_sum3A_1843 = arith.constant dense<0.000000e+00> : vector<256xf32>
    %reduce_sum3A_1844 = vector.multi_reduction <add>, %select_n3A_1842, %reduce_sum3A_1843 [1] : vector<256x8xf32> to vector<256xf32>
    %broadcast_in_dim3A_1845 = vector.shape_cast %reduce_sum3A_1844 : vector<256xf32> to vector<256x1xf32>
    %convert_element_type3A_1846 = arith.extui %eq3A_1817 : vector<256x8xi1> to vector<256x8xi32>
    %convert_element_type3A_1847 = arith.sitofp %convert_element_type3A_1846 : vector<256x8xi32> to vector<256x8xf32>
    %mul3A_1848 = vector.broadcast %broadcast_in_dim3A_1839 : vector<256x1xf32> to vector<256x8xf32>
    %mul3A_1849 = arith.mulf %convert_element_type3A_1847, %mul3A_1848 : vector<256x8xf32>
    %convert_element_type3A_1850 = arith.extui %eq3A_1833 : vector<256x8xi1> to vector<256x8xi32>
    %convert_element_type3A_1851 = arith.sitofp %convert_element_type3A_1850 : vector<256x8xi32> to vector<256x8xf32>
    %mul3A_1852 = vector.broadcast %broadcast_in_dim3A_1845 : vector<256x1xf32> to vector<256x8xf32>
    %mul3A_1853 = arith.mulf %convert_element_type3A_1851, %mul3A_1852 : vector<256x8xf32>
    %add3A_1854 = arith.addf %mul3A_1849, %mul3A_1853 : vector<256x8xf32>
    %add3A_1855 = arith.addf %broadcast_in_dim3A_1839, %broadcast_in_dim3A_1845 : vector<256x1xf32>
    %div3A_1856 = vector.broadcast %add3A_1855 : vector<256x1xf32> to vector<256x8xf32>
    %div3A_1857 = arith.divf %add3A_1854, %div3A_1856 : vector<256x8xf32>
    %swap3A_1858 = arith.constant 0 : index
    %swap3A_1859 = arith.constant 0 : index
    %swap3A_1860 = vector.load %arg16[%swap3A_1858, %swap3A_1859] : memref<256x8xf32, #tpu.memory_space<vmem>>, vector<256x8xf32>
    tpu.vector_store %arg16[%swap3A_1858, %swap3A_1859], %div3A_1857 {strides = array<i32>} : memref<256x8xf32, #tpu.memory_space<vmem>>, vector<256x8xf32>,
    return
  }
  func.func @transform_0(%arg0: i32) -> (i32, i32) {
    %c0_i32 = arith.constant 0 : i32
    %c0_i32_0 = arith.constant 0 : i32
    return %arg0, %c0_i32 : i32, i32
  }
  func.func @transform_1(%arg0: i32) -> (i32, i32) {
    %c0_i32 = arith.constant 0 : i32
    %c0_i32_0 = arith.constant 0 : i32
    %c0_i32_1 = arith.constant 0 : i32
    return %c0_i32, %c0_i32_0 : i32, i32
  }
  func.func @transform_2(%arg0: i32) -> (i32, i32) {
    %c0_i32 = arith.constant 0 : i32
    %c0_i32_0 = arith.constant 0 : i32
    %c0_i32_1 = arith.constant 0 : i32
    return %c0_i32, %c0_i32_0 : i32, i32
  }
  func.func @transform_3(%arg0: i32) -> (i32, i32) {
    %c0_i32 = arith.constant 0 : i32
    %c0_i32_0 = arith.constant 0 : i32
    %c0_i32_1 = arith.constant 0 : i32
    return %c0_i32, %c0_i32_0 : i32, i32
  }
  func.func @transform_4(%arg0: i32) -> (i32, i32) {
    %c0_i32 = arith.constant 0 : i32
    %c0_i32_0 = arith.constant 0 : i32
    %c0_i32_1 = arith.constant 0 : i32
    return %c0_i32, %c0_i32_0 : i32, i32
  }
  func.func @transform_5(%arg0: i32) -> (i32, i32) {
    %c0_i32 = arith.constant 0 : i32
    %c0_i32_0 = arith.constant 0 : i32
    %c0_i32_1 = arith.constant 0 : i32
    return %c0_i32, %c0_i32_0 : i32, i32
  }
  func.func @transform_6(%arg0: i32) -> (i32, i32) {
    %c0_i32 = arith.constant 0 : i32
    %c0_i32_0 = arith.constant 0 : i32
    %c0_i32_1 = arith.constant 0 : i32
    return %c0_i32, %c0_i32_0 : i32, i32
  }
  func.func @transform_7(%arg0: i32) -> (i32, i32) {
    %c0_i32 = arith.constant 0 : i32
    %c0_i32_0 = arith.constant 0 : i32
    %c0_i32_1 = arith.constant 0 : i32
    return %c0_i32, %c0_i32_0 : i32, i32
  }
  func.func @transform_8(%arg0: i32) -> (i32, i32) {
    %c0_i32 = arith.constant 0 : i32
    %c0_i32_0 = arith.constant 0 : i32
    %c0_i32_1 = arith.constant 0 : i32
    return %c0_i32, %c0_i32_0 : i32, i32
  }
  func.func @transform_9(%arg0: i32) -> (i32, i32) {
    %c0_i32 = arith.constant 0 : i32
    %c0_i32_0 = arith.constant 0 : i32
    %c0_i32_1 = arith.constant 0 : i32
    return %c0_i32, %c0_i32_0 : i32, i32
  }
  func.func @transform_10(%arg0: i32) -> (i32, i32) {
    %c0_i32 = arith.constant 0 : i32
    %c0_i32_0 = arith.constant 0 : i32
    %c0_i32_1 = arith.constant 0 : i32
    return %c0_i32, %c0_i32_0 : i32, i32
  }
  func.func @transform_11(%arg0: i32) -> (i32, i32) {
    %c0_i32 = arith.constant 0 : i32
    %c0_i32_0 = arith.constant 0 : i32
    %c0_i32_1 = arith.constant 0 : i32
    return %c0_i32, %c0_i32_0 : i32, i32
  }
  func.func @transform_12(%arg0: i32) -> (i32, i32) {
    %c0_i32 = arith.constant 0 : i32
    %c0_i32_0 = arith.constant 0 : i32
    %c0_i32_1 = arith.constant 0 : i32
    return %c0_i32, %c0_i32_0 : i32, i32
  }
  func.func @transform_13(%arg0: i32) -> (i32, i32) {
    %c0_i32 = arith.constant 0 : i32
    %c0_i32_0 = arith.constant 0 : i32
    return %arg0, %c0_i32 : i32, i32
  }
  func.func @transform_14(%arg0: i32) -> (i32, i32) {
    %c0_i32 = arith.constant 0 : i32
    %c0_i32_0 = arith.constant 0 : i32
    return %arg0, %c0_i32 : i32, i32
  }
  func.func @transform_15(%arg0: i32) -> (i32, i32) {
    %c0_i32 = arith.constant 0 : i32
    %c0_i32_0 = arith.constant 0 : i32
    return %arg0, %c0_i32 : i32, i32
  }
}

module attributes {stable_mosaic.version = 14 : i64} {
  func.func @_moe_grouped_body(%arg0: i32, %arg1: memref<40xi32, #tpu.memory_space<smem>>, %arg2: memref<128x512xi32, #tpu.memory_space<vmem>>, %arg3: memref<1x1024x2816xbf16, #tpu.memory_space<vmem>>, %arg4: memref<1x1x2816xf32, #tpu.memory_space<vmem>>, %arg5: memref<1x2816x1024xbf16, #tpu.memory_space<vmem>>, %arg6: memref<1x1x1024xf32, #tpu.memory_space<vmem>>, %arg7: memref<128x512xi32, #tpu.memory_space<vmem>>) attributes {dimension_semantics = [#tpu.dimension_semantics<arbitrary>], iteration_bounds = array<i64: 40>, scalar_prefetch = 1 : i64, scratch_operands = 0 : i64, tpu.core_type = #tpu.core_type<tc>, window_params = [{transform_indices = @transform_0, window_bounds = array<i64: 128, 512>}, {transform_indices = @transform_1, window_bounds = array<i64: 1, 1024, 2816>}, {transform_indices = @transform_2, window_bounds = array<i64: 1, 1, 2816>}, {transform_indices = @transform_3, window_bounds = array<i64: 1, 2816, 1024>}, {transform_indices = @transform_4, window_bounds = array<i64: 1, 1, 1024>}, {transform_indices = @transform_5, window_bounds = array<i64: 128, 512>}]} {
    %get3A = arith.constant 0 : index
    %get3A_0 = arith.constant 0 : index
    %get3A_1 = vector.load %arg2[%get3A, %get3A_0] : memref<128x512xi32, #tpu.memory_space<vmem>>, vector<128x512xi32>
    %shift_left3A = arith.constant 16 : i32
    %shift_left3A_2 = vector.broadcast %shift_left3A : i32 to vector<128x512xi32>
    %shift_left3A_3 = arith.shli %get3A_1, %shift_left3A_2 : vector<128x512xi32>
    %bitcast_convert_type3A = tpu.bitcast %shift_left3A_3 : vector<128x512xi32> -> vector<128x512xf32>
    %and3A = arith.constant -65536 : i32
    %and3A_4 = vector.broadcast %and3A : i32 to vector<128x512xi32>
    %and3A_5 = arith.andi %get3A_1, %and3A_4 : vector<128x512xi32>
    %bitcast_convert_type3A_6 = tpu.bitcast %and3A_5 : vector<128x512xi32> -> vector<128x512xf32>
    %concatenate3A = tpu.concatenate %bitcast_convert_type3A, %bitcast_convert_type3A_6 in 1 : vector<128x512xf32>, vector<128x512xf32> -> vector<128x1024xf32>
    %convert_element_type3A = arith.truncf %concatenate3A : vector<128x1024xf32> to vector<128x1024xbf16>
    %get3A_7 = arith.constant 0 : index
    %get3A_8 = arith.constant 0 : index
    %get3A_9 = arith.constant 0 : index
    %get3A_10 = vector.load %arg3[%get3A_7, %get3A_8, %get3A_9] : memref<1x1024x2816xbf16, #tpu.memory_space<vmem>>, vector<1x1024x2816xbf16>
    %get3A_11 = vector.shape_cast %get3A_10 : vector<1x1024x2816xbf16> to vector<1024x2816xbf16>
    %dot_general3A = arith.constant dense<0.000000e+00> : vector<128x2816xf32>
    %dot_general3A_12 = tpu.matmul %convert_element_type3A, %get3A_11, %dot_general3A {dimension_numbers = #tpu.dot_dimension_numbers<[1], [0], [0], [1], [0, 0, 1, 1], [], []>, transpose_lhs_hint = false} : vector<128x1024xbf16>, vector<1024x2816xbf16>, vector<128x2816xf32> -> vector<128x2816xf32>
    %get3A_13 = arith.constant 0 : index
    %get3A_14 = arith.constant 0 : index
    %get3A_15 = arith.constant 0 : index
    %get3A_16 = vector.load %arg4[%get3A_13, %get3A_14, %get3A_15] : memref<1x1x2816xf32, #tpu.memory_space<vmem>>, vector<1x1x2816xf32>
    %get3A_17 = vector.shape_cast %get3A_16 : vector<1x1x2816xf32> to vector<1x2816xf32>
    %add3A = vector.broadcast %get3A_17 : vector<1x2816xf32> to vector<128x2816xf32>
    %add3A_18 = arith.addf %dot_general3A_12, %add3A : vector<128x2816xf32>
    %mul3A = arith.constant 5.000000e-01 : f32
    %mul3A_19 = vector.broadcast %mul3A : f32 to vector<128x2816xf32>
    %mul3A_20 = arith.mulf %mul3A_19, %add3A_18 : vector<128x2816xf32>
    %div3A = arith.constant 1.41421354 : f32
    %div3A_21 = vector.broadcast %div3A : f32 to vector<128x2816xf32>
    %div3A_22 = arith.divf %add3A_18, %div3A_21 : vector<128x2816xf32>
    %erf3A = math.erf %div3A_22 : vector<128x2816xf32>
    %add3A_23 = arith.constant 1.000000e+00 : f32
    %add3A_24 = vector.broadcast %add3A_23 : f32 to vector<128x2816xf32>
    %add3A_25 = arith.addf %add3A_24, %erf3A : vector<128x2816xf32>
    %mul3A_26 = arith.mulf %mul3A_20, %add3A_25 : vector<128x2816xf32>
    %convert_element_type3A_27 = arith.truncf %mul3A_26 : vector<128x2816xf32> to vector<128x2816xbf16>
    %get3A_28 = arith.constant 0 : index
    %get3A_29 = arith.constant 0 : index
    %get3A_30 = arith.constant 0 : index
    %get3A_31 = vector.load %arg5[%get3A_28, %get3A_29, %get3A_30] : memref<1x2816x1024xbf16, #tpu.memory_space<vmem>>, vector<1x2816x1024xbf16>
    %get3A_32 = vector.shape_cast %get3A_31 : vector<1x2816x1024xbf16> to vector<2816x1024xbf16>
    %dot_general3A_33 = arith.constant dense<0.000000e+00> : vector<128x1024xf32>
    %dot_general3A_34 = tpu.matmul %convert_element_type3A_27, %get3A_32, %dot_general3A_33 {dimension_numbers = #tpu.dot_dimension_numbers<[1], [0], [0], [1], [0, 0, 1, 1], [], []>, transpose_lhs_hint = false} : vector<128x2816xbf16>, vector<2816x1024xbf16>, vector<128x1024xf32> -> vector<128x1024xf32>
    %get3A_35 = arith.constant 0 : index
    %get3A_36 = arith.constant 0 : index
    %get3A_37 = arith.constant 0 : index
    %get3A_38 = vector.load %arg6[%get3A_35, %get3A_36, %get3A_37] : memref<1x1x1024xf32, #tpu.memory_space<vmem>>, vector<1x1x1024xf32>
    %get3A_39 = vector.shape_cast %get3A_38 : vector<1x1x1024xf32> to vector<1x1024xf32>
    %add3A_40 = vector.broadcast %get3A_39 : vector<1x1024xf32> to vector<128x1024xf32>
    %add3A_41 = arith.addf %dot_general3A_34, %add3A_40 : vector<128x1024xf32>
    %convert_element_type3A_42 = arith.truncf %add3A_41 : vector<128x1024xf32> to vector<128x1024xbf16>
    %bitcast_convert_type3A_43 = tpu.bitcast %convert_element_type3A_42 : vector<128x1024xbf16> -> vector<128x1024xi16>
    %slice3A = vector.extract_strided_slice %bitcast_convert_type3A_43 {offsets = [0, 0], sizes = [128, 512], strides = [1, 1]} : vector<128x1024xi16> to vector<128x512xi16>
    %convert_element_type3A_44 = arith.extsi %slice3A : vector<128x512xi16> to vector<128x512xi32>
    %and3A_45 = arith.constant 65535 : i32
    %and3A_46 = vector.broadcast %and3A_45 : i32 to vector<128x512xi32>
    %and3A_47 = arith.andi %convert_element_type3A_44, %and3A_46 : vector<128x512xi32>
    %slice3A_48 = vector.extract_strided_slice %bitcast_convert_type3A_43 {offsets = [0, 512], sizes = [128, 512], strides = [1, 1]} : vector<128x1024xi16> to vector<128x512xi16>
    %convert_element_type3A_49 = arith.extsi %slice3A_48 : vector<128x512xi16> to vector<128x512xi32>
    %shift_left3A_50 = arith.constant 16 : i32
    %shift_left3A_51 = vector.broadcast %shift_left3A_50 : i32 to vector<128x512xi32>
    %shift_left3A_52 = arith.shli %convert_element_type3A_49, %shift_left3A_51 : vector<128x512xi32>
    %or3A = arith.ori %and3A_47, %shift_left3A_52 : vector<128x512xi32>
    %swap3A = arith.constant 0 : index
    %swap3A_53 = arith.constant 0 : index
    %swap3A_54 = vector.load %arg7[%swap3A, %swap3A_53] : memref<128x512xi32, #tpu.memory_space<vmem>>, vector<128x512xi32>
    tpu.vector_store %arg7[%swap3A, %swap3A_53], %or3A {strides = array<i32>} : memref<128x512xi32, #tpu.memory_space<vmem>>, vector<128x512xi32>,
    return
  }
  func.func @transform_0(%arg0: i32, %arg1: memref<40xi32, #tpu.memory_space<smem>>) -> (i32, i32) {
    %c0_i32 = arith.constant 0 : i32
    %c0_i32_0 = arith.constant 0 : i32
    return %arg0, %c0_i32 : i32, i32
  }
  func.func @transform_1(%arg0: i32, %arg1: memref<40xi32, #tpu.memory_space<smem>>) -> (i32, i32, i32) {
    %get3A = arith.index_cast %arg0 : i32 to index
    %get3A_0 = memref.load %arg1[%get3A] : memref<40xi32, #tpu.memory_space<smem>>
    %c0_i32 = arith.constant 0 : i32
    %c0_i32_1 = arith.constant 0 : i32
    %c0_i32_2 = arith.constant 0 : i32
    return %get3A_0, %c0_i32, %c0_i32_1 : i32, i32, i32
  }
  func.func @transform_2(%arg0: i32, %arg1: memref<40xi32, #tpu.memory_space<smem>>) -> (i32, i32, i32) {
    %get3A = arith.index_cast %arg0 : i32 to index
    %get3A_0 = memref.load %arg1[%get3A] : memref<40xi32, #tpu.memory_space<smem>>
    %c0_i32 = arith.constant 0 : i32
    %c0_i32_1 = arith.constant 0 : i32
    %c0_i32_2 = arith.constant 0 : i32
    return %get3A_0, %c0_i32, %c0_i32_1 : i32, i32, i32
  }
  func.func @transform_3(%arg0: i32, %arg1: memref<40xi32, #tpu.memory_space<smem>>) -> (i32, i32, i32) {
    %get3A = arith.index_cast %arg0 : i32 to index
    %get3A_0 = memref.load %arg1[%get3A] : memref<40xi32, #tpu.memory_space<smem>>
    %c0_i32 = arith.constant 0 : i32
    %c0_i32_1 = arith.constant 0 : i32
    %c0_i32_2 = arith.constant 0 : i32
    return %get3A_0, %c0_i32, %c0_i32_1 : i32, i32, i32
  }
  func.func @transform_4(%arg0: i32, %arg1: memref<40xi32, #tpu.memory_space<smem>>) -> (i32, i32, i32) {
    %get3A = arith.index_cast %arg0 : i32 to index
    %get3A_0 = memref.load %arg1[%get3A] : memref<40xi32, #tpu.memory_space<smem>>
    %c0_i32 = arith.constant 0 : i32
    %c0_i32_1 = arith.constant 0 : i32
    %c0_i32_2 = arith.constant 0 : i32
    return %get3A_0, %c0_i32, %c0_i32_1 : i32, i32, i32
  }
  func.func @transform_5(%arg0: i32, %arg1: memref<40xi32, #tpu.memory_space<smem>>) -> (i32, i32) {
    %c0_i32 = arith.constant 0 : i32
    %c0_i32_0 = arith.constant 0 : i32
    return %arg0, %c0_i32 : i32, i32
  }
}

module attributes {stable_mosaic.version = 14 : i64} {
  func.func @_combine_body(%arg0: i32, %arg1: memref<256x1024xf32, #tpu.memory_space<vmem>>, %arg2: memref<256x8xf32, #tpu.memory_space<vmem>>, %arg3: memref<256x512xi32, #tpu.memory_space<vmem>>, %arg4: memref<256x512xi32, #tpu.memory_space<vmem>>, %arg5: memref<256x1024xf32, #tpu.memory_space<vmem>>) attributes {dimension_semantics = [#tpu.dimension_semantics<arbitrary>], iteration_bounds = array<i64: 8>, scalar_prefetch = 0 : i64, scratch_operands = 0 : i64, tpu.core_type = #tpu.core_type<tc>, window_params = [{transform_indices = @transform_0, window_bounds = array<i64: 256, 1024>}, {transform_indices = @transform_1, window_bounds = array<i64: 256, 8>}, {transform_indices = @transform_2, window_bounds = array<i64: 256, 512>}, {transform_indices = @transform_3, window_bounds = array<i64: 256, 512>}, {transform_indices = @transform_4, window_bounds = array<i64: 256, 1024>}]} {
    %get3A = arith.constant 0 : index
    %get3A_0 = arith.constant 0 : index
    %get3A_1 = vector.load %arg2[%get3A, %get3A_0] : memref<256x8xf32, #tpu.memory_space<vmem>>, vector<256x8xf32>
    %reduce_max3A = arith.constant dense<0xFF800000> : vector<256xf32>
    %reduce_max3A_2 = vector.multi_reduction <maximumf>, %get3A_1, %reduce_max3A [1] : vector<256x8xf32> to vector<256xf32>
    %broadcast_in_dim3A = vector.shape_cast %reduce_max3A_2 : vector<256xf32> to vector<256x1xf32>
    %reduce_sum3A = arith.constant dense<0.000000e+00> : vector<256xf32>
    %reduce_sum3A_3 = vector.multi_reduction <add>, %get3A_1, %reduce_sum3A [1] : vector<256x8xf32> to vector<256xf32>
    %broadcast_in_dim3A_4 = vector.shape_cast %reduce_sum3A_3 : vector<256xf32> to vector<256x1xf32>
    %sub3A = arith.subf %broadcast_in_dim3A_4, %broadcast_in_dim3A : vector<256x1xf32>
    %get3A_5 = arith.constant 0 : index
    %get3A_6 = arith.constant 0 : index
    %get3A_7 = vector.load %arg3[%get3A_5, %get3A_6] : memref<256x512xi32, #tpu.memory_space<vmem>>, vector<256x512xi32>
    %shift_left3A = arith.constant 16 : i32
    %shift_left3A_8 = vector.broadcast %shift_left3A : i32 to vector<256x512xi32>
    %shift_left3A_9 = arith.shli %get3A_7, %shift_left3A_8 : vector<256x512xi32>
    %bitcast_convert_type3A = tpu.bitcast %shift_left3A_9 : vector<256x512xi32> -> vector<256x512xf32>
    %and3A = arith.constant -65536 : i32
    %and3A_10 = vector.broadcast %and3A : i32 to vector<256x512xi32>
    %and3A_11 = arith.andi %get3A_7, %and3A_10 : vector<256x512xi32>
    %bitcast_convert_type3A_12 = tpu.bitcast %and3A_11 : vector<256x512xi32> -> vector<256x512xf32>
    %concatenate3A = tpu.concatenate %bitcast_convert_type3A, %bitcast_convert_type3A_12 in 1 : vector<256x512xf32>, vector<256x512xf32> -> vector<256x1024xf32>
    %get3A_13 = arith.constant 0 : index
    %get3A_14 = arith.constant 0 : index
    %get3A_15 = vector.load %arg4[%get3A_13, %get3A_14] : memref<256x512xi32, #tpu.memory_space<vmem>>, vector<256x512xi32>
    %shift_left3A_16 = arith.constant 16 : i32
    %shift_left3A_17 = vector.broadcast %shift_left3A_16 : i32 to vector<256x512xi32>
    %shift_left3A_18 = arith.shli %get3A_15, %shift_left3A_17 : vector<256x512xi32>
    %bitcast_convert_type3A_19 = tpu.bitcast %shift_left3A_18 : vector<256x512xi32> -> vector<256x512xf32>
    %and3A_20 = arith.constant -65536 : i32
    %and3A_21 = vector.broadcast %and3A_20 : i32 to vector<256x512xi32>
    %and3A_22 = arith.andi %get3A_15, %and3A_21 : vector<256x512xi32>
    %bitcast_convert_type3A_23 = tpu.bitcast %and3A_22 : vector<256x512xi32> -> vector<256x512xf32>
    %concatenate3A_24 = tpu.concatenate %bitcast_convert_type3A_19, %bitcast_convert_type3A_23 in 1 : vector<256x512xf32>, vector<256x512xf32> -> vector<256x1024xf32>
    %get3A_25 = arith.constant 0 : index
    %get3A_26 = arith.constant 0 : index
    %get3A_27 = vector.load %arg1[%get3A_25, %get3A_26] : memref<256x1024xf32, #tpu.memory_space<vmem>>, vector<256x1024xf32>
    %mul3A = vector.broadcast %broadcast_in_dim3A : vector<256x1xf32> to vector<256x1024xf32>
    %mul3A_28 = arith.mulf %mul3A, %concatenate3A : vector<256x1024xf32>
    %add3A = arith.addf %get3A_27, %mul3A_28 : vector<256x1024xf32>
    %mul3A_29 = vector.broadcast %sub3A : vector<256x1xf32> to vector<256x1024xf32>
    %mul3A_30 = arith.mulf %mul3A_29, %concatenate3A_24 : vector<256x1024xf32>
    %add3A_31 = arith.addf %add3A, %mul3A_30 : vector<256x1024xf32>
    %swap3A = arith.constant 0 : index
    %swap3A_32 = arith.constant 0 : index
    %swap3A_33 = vector.load %arg5[%swap3A, %swap3A_32] : memref<256x1024xf32, #tpu.memory_space<vmem>>, vector<256x1024xf32>
    tpu.vector_store %arg5[%swap3A, %swap3A_32], %add3A_31 {strides = array<i32>} : memref<256x1024xf32, #tpu.memory_space<vmem>>, vector<256x1024xf32>,
    return
  }
  func.func @transform_0(%arg0: i32) -> (i32, i32) {
    %c0_i32 = arith.constant 0 : i32
    %c0_i32_0 = arith.constant 0 : i32
    return %arg0, %c0_i32 : i32, i32
  }
  func.func @transform_1(%arg0: i32) -> (i32, i32) {
    %c0_i32 = arith.constant 0 : i32
    %c0_i32_0 = arith.constant 0 : i32
    return %arg0, %c0_i32 : i32, i32
  }
  func.func @transform_2(%arg0: i32) -> (i32, i32) {
    %c0_i32 = arith.constant 0 : i32
    %c0_i32_0 = arith.constant 0 : i32
    return %arg0, %c0_i32 : i32, i32
  }
  func.func @transform_3(%arg0: i32) -> (i32, i32) {
    %add3A = arith.constant 8 : i32
    %add3A_0 = arith.addi %arg0, %add3A : i32
    %c0_i32 = arith.constant 0 : i32
    %c0_i32_1 = arith.constant 0 : i32
    return %add3A_0, %c0_i32 : i32, i32
  }
  func.func @transform_4(%arg0: i32) -> (i32, i32) {
    %c0_i32 = arith.constant 0 : i32
    %c0_i32_0 = arith.constant 0 : i32
    return %arg0, %c0_i32 : i32, i32
  }
}

</mosaic_0001>

<sc_bundles>
// kernel: gather_offload_async_start
scs
__scs_entry_jumppad:
0x0: {  	(pc) =	sbr.rel $0x88, $3  }
0x1: {  	(tag) =	ssettag $0x0;
	lr =	simm.s32 $0x1  }
0x2: {  	[smem:$0x3F90] =	sst lr;
	_ =	strace $0xD0000000  }
0x3: {  	_ = 	snop  }
0x4: {  	_ = 	snop  }
0x5: {  	_ = 	snop  }
0x6: {  	_ = 	snop  }
0x7: {  	_ = 	snop  }
__scs_overlays_trampoline_lowered:
0x8: {  	[smem:$0x3F9F] =	sst s0  }
0x9: {  	[smem:$0x3FA0] =	sst s1  }
0xa: {  	[smem:$0x3FA1] =	sst s2  }
0xb: {  	[smem:$0x3FA2] =	sst s3  }
0xc: {  	[smem:$0x3FA3] =	sst s4  }
0xd: {  	[smem:$0x3FA4] =	sst s5  }
0xe: {  	[smem:$0x3FA5] =	sst s6  }
0xf: {  	[smem:$0x3FA6] =	sst s7  }
0x10: {  	[smem:$0x3FA7] =	sst s8  }
0x11: {  	[smem:$0x3FA8] =	sst s9;
	s0 =	simm.s32 @!p0 $0x0  }
0x12: {  	s1 =	sld [smem:$0x3F8E];
	s0 =	simm.s32 @p0 $0x1  }
0x13: {  	[smem:$0x3FA9] =	sst s0;
	s0 =	simm.s32 @!p1 $0x0  }
0x14: {  	s2 =	sld [smem:$0x3F8D];
	s0 =	simm.s32 @p1 $0x1  }
0x15: {  	[smem:$0x3FAA] =	sst s0;
	s0 =	simm.s32 @!p2 $0x0  }
0x16: {  	s3 =	sld [smem:$0x3FDB];
	s0 =	simm.s32 @p2 $0x1  }
0x17: {  	s4 =	simm.s32 $0x1BF5;
	[smem:$0x3FAC] =	sst s0  }
0x18: {  	s0 =	sld [smem:$0x3F8F];
	_ =	swait.ge [sflag:s4], $0x0  }
0x19: {  	s7 =	sld [smem:$0x3F90]  }
0x1a: {  	s8 =	sadd.s32 $0xFFFFE003, lr  }
0x1b: {  	s9 =	sadd.s32 $0xFFFFFEF7, lr;
	s5 =	simm.s32 $0xFFFFFFFF;
	p2 =	slt.u32 s8, $0xFFFFF086  }
0x1c: {  	p1 =	slt.u32 s9, $0xF7A;
	s5 =	simm.s32 @!p2 $0x0  }
0x1d: {  	s5 =	simm.s32 @p1 $0x1;
	p0 =	seq.s32 s7, s2  }
0x1e: {  	s7 =	smul.u32 @!p0 $0xF7A, s2;
	p2 =	seq.s32 @!p0 s5, $0x0  }
0x1f: {  	s9 =	smul.u32 $0xF7A, s1;
	s8 =	simm.s32 @!p0 $0x1BF5;
	p2 =	por !p2, p0  }
0x20: {  	[sflag:s8] =	ssyncset.s32 @!p0 $0xFFFFF086;
	s6 =	sadd.s32 @!p0 s3, s7;
	s7 =	simm.s32 @!p0 $0x108  }
0x21: {  	s3 =	sadd.s32 s3, s9;
	s6 =	sadd.s32 @!p0 $0x88, s6;
	s7 =	simm.s32 @p2 $0x1082  }
0x22: {  	[simem:s7], [sflag:s8] =	dma.local @!p0 [hbm:s6], $0xF7A  }
0x23: {  	s9 =	sor.u32 $0xD0000000, s2;
	s6 =	simm.s32 $0x108;
	_ =	swait.ge @!p0 [sflag:s8], $0x0  }
0x24: {  	s3 =	sadd.s32 $0x88, s3;
	s6 =	simm.s32 @!p1 $0x1082;
	[sflag:s4] =	ssyncset.s32 $0xFFFFF086  }
0x25: {  	[simem:s6], [sflag:s4] =	dma.local [hbm:s3], $0xF7A  }
0x26: {  	[smem:$0x3F90] =	sst s1;
	(tag) =	ssettag s2;
	_ =	strace s9  }
0x27: {  	s1 =	sld [smem:$0x3FA0]  }
0x28: {  	s2 =	sld [smem:$0x3FA1]  }
0x29: {  	s4 =	sld [smem:$0x3FA3]  }
0x2a: {  	p0 =	seq.s32 s5, $0x0;
	s5 =	sld [smem:$0x3FA4]  }
0x2b: {  	s6 =	sld [smem:$0x3FA5]  }
0x2c: {  	s7 =	sld [smem:$0x3FA6]  }
0x2d: {  	s3 =	simm.s32 $0x108;
	s8 =	sld [smem:$0x3FA7]  }
0x2e: {  	s3 =	simm.s32 @!p0 $0x1082;
	s9 =	sld [smem:$0x3FA8]  }
0x2f: {  	lr =	sadd.s32 s0, s3;
	s0 =	sld [smem:$0x3F9F]  }
0x30: {  	s3 =	sld [smem:$0x3FA2]  }
0x31: {  	[smem:$0x3FAB] =	sst s10  }
0x32: {  	s10 =	sld [smem:$0x3FA9];
	_ =	sdelay $0x3  }
0x33: {  	p0 =	seq.s32 s10, $0x1;
	s10 =	sld [smem:$0x3FAB];
	_ =	sdelay $0x3  }
0x34: {  	[smem:$0x3FAB] =	sst s10  }
0x35: {  	s10 =	sld [smem:$0x3FAA];
	_ =	sdelay $0x3  }
0x36: {  	p1 =	seq.s32 s10, $0x1;
	s10 =	sld [smem:$0x3FAB];
	_ =	sdelay $0x3  }
0x37: {  	[smem:$0x3FAB] =	sst s10  }
0x38: {  	s10 =	sld [smem:$0x3FAC]  }
0x39: {  	_ = 	snop;
	(pc) =	sbr.ind lr, $3  }
0x3a: {  	_ = 	snop  }
0x3b: {  	_ = 	snop  }
0x3c: {  	p2 =	seq.s32 s10, $0x1;
	s10 =	sld [smem:$0x3FAB]  }
0x3d: {  	_ =	shalt  }
0x3e: {  	_ =	shalt  }
0x3f: {  	_ =	shalt  }
0x40: {  	_ =	shalt  }
0x41: {  	_ =	shalt  }
0x42: {  	_ =	shalt  }
0x43: {  	_ =	shalt  }
0x44: {  	_ =	shalt  }
0x45: {  	_ =	shalt  }
0x46: {  	_ =	shalt  }
0x47: {  	_ =	shalt  }
0x48: {  	_ =	shalt  }
0x49: {  	_ =	shalt  }
0x4a: {  	_ =	shalt  }
0x4b: {  	_ =	shalt  }
0x4c: {  	_ =	shalt  }
0x4d: {  	_ =	shalt  }
0x4e: {  	_ =	shalt  }
0x4f: {  	_ =	shalt  }
0x50: {  	_ =	shalt  }
0x51: {  	_ =	shalt  }
0x52: {  	_ =	shalt  }
0x53: {  	_ =	shalt  }
0x54: {  	_ =	shalt  }
0x55: {  	_ =	shalt  }
0x56: {  	_ =	shalt  }
0x57: {  	_ =	shalt  }
0x58: {  	_ =	shalt  }
0x59: {  	_ =	shalt  }
0x5a: {  	_ =	shalt  }
0x5b: {  	_ =	shalt  }
0x5c: {  	_ =	shalt  }
0x5d: {  	_ =	shalt  }
0x5e: {  	_ =	shalt  }
0x5f: {  	_ =	shalt  }
0x60: {  	_ =	shalt  }
0x61: {  	_ =	shalt  }
0x62: {  	_ =	shalt  }
0x63: {  	_ =	shalt  }
0x64: {  	_ =	shalt  }
0x65: {  	_ =	shalt  }
0x66: {  	_ =	shalt  }
0x67: {  	_ =	shalt  }
0x68: {  	_ =	shalt  }
0x69: {  	_ =	shalt  }
0x6a: {  	_ =	shalt  }
0x6b: {  	_ =	shalt  }
0x6c: {  	_ =	shalt  }
0x6d: {  	_ =	shalt  }
0x6e: {  	_ =	shalt  }
0x6f: {  	_ =	shalt  }
0x70: {  	_ =	shalt  }
0x71: {  	_ =	shalt  }
0x72: {  	_ =	shalt  }
0x73: {  	_ =	shalt  }
0x74: {  	_ =	shalt  }
0x75: {  	_ =	shalt  }
0x76: {  	_ =	shalt  }
0x77: {  	_ =	shalt  }
0x78: {  	_ =	shalt  }
0x79: {  	_ =	shalt  }
0x7a: {  	_ =	shalt  }
0x7b: {  	_ =	shalt  }
0x7c: {  	_ =	shalt  }
0x7d: {  	_ =	shalt  }
0x7e: {  	_ =	shalt  }
0x7f: {  	_ =	shalt  }
0x80: {  	_ =	shalt  }
0x81: {  	_ =	shalt  }
0x82: {  	_ =	shalt  }
0x83: {  	_ =	shalt  }
0x84: {  	_ =	shalt  }
0x85: {  	_ =	shalt  }
0x86: {  	_ =	shalt  }
0x87: {  	_ =	shalt  }
.Lfunc_end0:
.L_simem_size_0:
called_computation_lowered:
.L_overlay_start_0:
0x88: {  	s2 =	sld [smem:$0x3FD9]  }
0x89: {  	s3 =	sld [smem:$0x3FFE];
	_ =	sdelay $0x1  }
0x8a: {  	s1 =	srdreg.scid  }
0x8b: {  	s0 =	sand.u32 $0x1, s1  }
0x8c: {  	s16 =	sshll.u32 s0, $0xA;
	s2 =	sadd.s32 s3, s2  }
0x8d: {  	s2 =	sadd.s32 s2, s16  }
0x8e: {  	[smem:$0x3FB7] =	sst s2  }
0x8f: {  	_ = 	snop  }
0x90: {  	(tm) =	ssettm $0x1  }
0x91: {  	s17 =	sld [smem:$0x3FFB];
	_ =	sdelay $0x3  }
0x92: {  	_ =	strace s17  }
0x93: {  	s2 =	sld [smem:$0x3FFC];
	_ =	sdelay $0x3  }
0x94: {  	_ =	strace s2  }
0x95: {  	s2 =	sld [smem:$0x3FFD];
	_ =	sdelay $0x3  }
0x96: {  	_ =	strace s2  }
0x97: {  	_ =	strace $0x8FFFFFFF  }
0x98: {  	s18 =	sld [smem:$0x3FDB];
	_ =	sdelay $0x1  }
0x99: {  	s19 =	simm.s32 $_scs_section_size  }
0x9a: {  	s4 =	simm.s32 $_size__tile_overlayer_lowered;
	s5 =	simm.s32 $_tile_overlayer_lowered  }
0x9b: {  	s22 =	simm.s32 $0x1BFF;
	s21 =	sshll.u32 s5, $0x1;
	s2 =	sadd.s32 s19, s18  }
0x9c: {  	s6 =	simm.s32 $0x0;
	s20 =	sshll.u32 s4, $0x1;
	s4 =	sadd.s32 s21, s2  }
0x9d: {  	[timem:s6], [sflag:s22] =	dma.local [hbm:s4], s20  }
0x9e: {  	_ =	swait.ge [sflag:s22], s20  }
0x9f: {  	s3 =	ssub.s32 $0x0, s20;
	[sflag:s22] =	ssyncset.done $0x0  }
0xa0: {  	[sflag:s22] =	ssyncadd.s32 s3;
	_ =	sdelay $0x1  }
0xa1: {  	s23 =	simm.s32 $0x1B8B  }
0xa2: {  	_ =	swait.ge [sflag:s23], $0x1  }
0xa3: {  	[sflag:s23] =	ssyncset.done $0x0  }
0xa4: {  	s25 =	simm.s32 $0x1B8E;
	s24 =	sld [smem:$0x3FFE];
	[sflag:s23] =	ssyncadd.s32 $0xFFFFFFFF  }
0xa5: {  	s26 =	simm.s32 $execute0_lowered;
	[smem:$0x3FD2] =	sst s25  }
0xa6: {  	s4 =	sshll.u32 s26, $0x1;
	_ =	strace $0x80000046;
	[dreg:$0x1] =	wrdreg $0xFFFFFFFF  }
0xa7: {  	s28 =	simm.s32 $_size_execute0_lowered;
	s2 =	sadd.s32 s2, s4;
	[dreg:$0x0] =	wrdreg $0x0  }
0xa8: {  	s4 =	sshll.u32 s28, $0x1;
	[dreg:$0x2] =	wrdreg s2  }
0xa9: {  	[dreg:$0x3] =	wrdreg s4  }
0xaa: {  	[dreg:$0x4] =	wrdreg $0xC0  }
0xab: {  	_ =	task [dreg:s6], $0x5FFFF  }
0xac: {  	[dreg:$0x1] =	wrdreg $0xFFFFFFFF  }
0xad: {  	[dreg:$0x0] =	wrdreg $0x60  }
0xae: {  	[dreg:$0x2] =	wrdreg s24  }
0xaf: {  	[dreg:$0x3] =	wrdreg $0x9  }
0xb0: {  	_ =	task.clear_ibuf [dreg:s6], $0x4FFFF;
	_ =	strace $0x90000046  }
0xb1: {  	s29 =	simm.s32 $0x9;
	_ =	strace $0x80000048  }
0xb2: {  	_ =	swait.ge [sflag:s29], $0x1  }
0xb3: {  	[sflag:s29] =	ssyncadd.s32 $0xFFFFFFFF  }
0xb4: {  	_ =	strace $0x90000048  }
0xb5: {  	_ =	sfence  }
0xb6: {  	s30 =	sld [smem:$0x0];
	_ =	sdelay $0x2  }
0xb7: {  	s31 =	sshll.u32 s1, $0xD;
	s1 =	sshrl.u32 s1, $0x2  }
0xb8: {  	s3 =	sand.u32 $0x4000, s31;
	s1 =	sadd.s32 s1, s30  }
0xb9: {  	s0 =	sor.u32 s3, s0;
	s1 =	sshll.u32 s1, $0x11  }
0xba: {  	s0 =	sor.u32 s1, s0  }
0xbb: {  	s0 =	sadd.s32 $0x8F2B, s0  }
0xbc: {  	[sflag:s0] =	ssyncadd.remote.s32 $0x1  }
0xbd: {  	_ =	sfence.sel $0xFFFF  }
0xbe: {  	[dreg:$0x0] =	wrdreg $0xFFFFFFFF;
	(pc) =	sbr.abs _section_cstart, $3  }
0xbf: {  	[dreg:$0x1] =	wrdreg $0xFFFFFFFF  }
0xc0: {  	_ =	task.clear_ibuf [dreg:s6], $0x2FFFF;
	_ =	strace $0x9FFFFFFF  }
0xc1: {  	(tm) =	ssettm $0x7FFFFFFF  }
tec
execute0_lowered:
.L_overlay_start_1:
0x0: {  	(tag) =	ssettag $0x1  }
0x1: {  	s0 =	srdreg.scid;
	s5 =	rddreg [dreg:$0x0]  }
0x2: {  	s1 =	stileid.u32;
	s6 =	simm.s32 $0x1;
	s9 =	simm.s32 $0x1  }
0x3: {  	s10 =	simm.s32 $0x3;
	s13 =	simm.s32 $0x0;
	s2 =	sshll.u32 s0, $0x6  }
0x4: {  	s12 =	simm.s32 $0x0;
	s3 =	sshll.u32 s1, $0x7;
	s2 =	sand.u32 $0x40, s2  }
0x5: {  	s0 =	rddreg [dreg:$0x1];
	_ =	strace $0x80000047;
	s2 =	sor.u32 s3, s2  }
0x6: {  	s4 =	sadd.s32 $0x28000, s5;
	[sflag:s6] =	ssyncpa.u1 $0x0;
	s8 =	ssub.s32 $0x1000, s2  }
.Ltmp0:
0x7: {  	s3 =	sadd.s32 $0x28200, s5;
	s7 =	sand.u32 $0x7C0, s8;
	(pc) =	sbr.rel .LBB2_1-.Ltmp0, $4  }
0x8: {  	s5 =	sadd.s32 $0x38200, s5;
	s11 =	smov.u32 s2;
	p0 =	sne.s32 s7, $0x0  }
0x9: {  	s8 =	sshrl.u32 s8, $0xB;
	s7 =	simm.s32 $0x2;
	s9 =	simm.s32 @!p0 $0x0  }
0xa: {  	[sflag:s7] =	ssyncpa.u1 $0x0;
	p0 =	por $0x0, $0x0;
	s8 =	sadd.s32 s9, s8  }
0xb: {  	vm0 =	vmmov $0xffff;
	[sflag:s10] =	ssyncpa.u1 $0x0;
	s10 =	simm.s32 $0x0;
	s9 =	sadd.s32 $0x1, s8  }
.LBB2_4:
0xc: {  	v5 =	vshrl.u32 v1, $0xC;
	v6 =	vshll.u32 v1, $0x7  }
0xd: {  	vm1 =	veq.s32 v1, $0x80000000;
	v58 =	vand.u32 $0x7, v5;
	v59 =	vand.u32 $0x7FF80, v6  }
0xe: {  	v1 =	vsel vm1, $0xFFFFFFFF, v58;
	v5 =	vsel vm1, $0xFFFFFF80, v59  }
0xf: {  	v3 =	vor.u32 v4, v3;
	v60 =	vand.u32 $0xFFFFFC00, v5;
	v61 =	vand.u32 $0xFFFFFC00, v1  }
0x10: {  	v2 =	vor.u32 v2, v3;
	v63 =	vand.u32 $0x380, v5;
	v62 =	vadd.s32 v61, v60  }
0x11: {  	v1 =	vand.u32 $0x7F, v1;
	v3 =	vor.u32 v63, v62  }
0x12: {  	v1 =	vor.u32 v1, v3  }
0x13: {  	[tilespmem:s15], [sflag:$0x1] =	stream.indirect_vreg.gather [hbm4b:s3+s10], $0x1, v0, vm0, $0x4038;
	[tilespmem:$0x100] =	vst v63  }
0x14: {  	(ifvalue) =	ssetifvalue $0x7FFFFFFF  }
0x15: {  	[tilespmem:s16], [sflag:$0x1] =	stream.indirect_vreg.gather [hbm4b:s3+s10], $0x1, v2, vm0, $0x4038;
	[tilespmem:$0x100] =	vst v63  }
0x16: {  	s29 =	sadd.s32 $0x10, s16;
	(ifvalue) =	ssetifvalue $0x7FFFFFFF  }
0x17: {  	[tilespmem:s29], [sflag:$0x1] =	stream.indirect_vreg.gather [hbm4b:s3+s10], $0x1, v1, vm0, $0x4038;
	[tilespmem:$0x100] =	vst v63  }
0x18: {  	_ =	swait.ge [sflag:s6], $0x40  }
0x19: {  	s30 =	sshrl.u32 s13, $0x3;
	[sflag:s6] =	ssyncset.done $0x0  }
0x1a: {  	s31 =	sand.u32 $0x7, s13;
	s15 =	sadd.s32 s5, s30;
	[sflag:s6] =	ssyncadd.s32 $0xFFFFFFC0  }
0x1b: {  	[hbm4b:s15+s31] =	stream.linear.scatter [tilespmem:s14], [sflag:$0x3], $0x40, $0x38;
	[tilespmem:$0x100] =	vst v63  }
.LBB2_5:
0x1c: {  	s15 =	sadd.s32 $0x800, s11  }
0x1d: {  	p2 =	sgt.s32 s15, $0xFFF  }
0x1e: {  	s15 =	smov.u32 @p2 s2;
	p2 =	sne.s32 s12, s9  }
.Ltmp1:
0x1f: {  	p1 =	slt.u32 s12, $0x2;
	(pc) =	sbr.rel @!p2 .LBB2_6-.Ltmp1, $4  }
0x20: {  	s14 =	simm.s32 @!p1 $0x3  }
0x21: {  	s16 =	sadd.s32 $0x1, s12;
	_ =	swait.ge @!p1 [sflag:s14], $0x40  }
0x22: {  	s13 =	smov.u32 s11;
	p0 =	por !p0, !p0;
	[sflag:s14] =	ssyncset.done @!p1 $0x0  }
0x23: {  	s12 =	smov.u32 s16;
	s11 =	smov.u32 s15;
	[sflag:s14] =	ssyncadd.s32 @!p1 $0xFFFFFFC0  }
.LBB2_1:
0x24: {  	p1 =	sge.u32 s12, s8  }
0x25: {  	s14 =	sxor.u32 @!p1 $0xFFFFFFFF, s12  }
0x26: {  	s31 =	sadd.s32 $0xFFFFFFFF, s12;
	s15 =	sshrl.u32 @!p1 s11, $0x3;
	s14 =	sshll.u32 @!p1 s14, $0x6  }
0x27: {  	s16 =	sand.u32 @!p1 $0x7, s11;
	s15 =	sadd.s32 @!p1 s4, s15;
	s14 =	sand.u32 @!p1 $0x40, s14  }
0x28: {  	[tilespmem:s14], [sflag:$0x2] =	stream.linear.gather @!p1 [hbm4b:s15+s16], $0x40, $0x38;
	[tilespmem:$0x100] =	vst v63  }
0x29: {  	p1 =	sge.u32 s31, s8  }
.Ltmp2:
0x2a: {  	_ = 	snop;
	(pc) =	sbr.rel @p1 .LBB2_5-.Ltmp2, $1  }
0x2b: {  	_ =	sdelay $0x3  }
0x2c: {  	s14 =	simm.s32 $0x1  }
0x2d: {  	_ =	swait.ge [sflag:s7], $0x40;
	s14 =	simm.s32 @!p0 $0x0  }
0x2e: {  	[sflag:s7] =	ssyncset.done $0x0;
	s14 =	sshll.u32 s14, $0x6  }
0x2f: {  	[sflag:s7] =	ssyncadd.s32 $0xFFFFFFC0;
	(ifvalue) =	ssetifvalue $0x7FFFFFFF;
	v0 =	vld.msk [tilespmem:s14+$0x0 ss:$0x1], $0xffff;
	_ =	sdelay $0x4  }
0x30: {  	s15 =	sadd.s32 $0x10, s14;
	v2 =	vshrl.u32 v0, $0xC;
	v3 =	vshll.u32 v0, $0x7  }
0x31: {  	v1 =	vld.msk [tilespmem:s15+$0x0 ss:$0x1], $0xffff;
	vm1 =	veq.s32 v0, $0x80000000;
	v0 =	vand.u32 $0x7, v2;
	v2 =	vand.u32 $0x7FF80, v3  }
0x32: {  	v0 =	vsel vm1, $0xFFFFFFFF, v0;
	v2 =	vsel vm1, $0xFFFFFF80, v2  }
0x33: {  	v3 =	vand.u32 $0xFFFFFC00, v2;
	v4 =	vand.u32 $0xFFFFFC00, v0  }
0x34: {  	v2 =	vand.u32 $0x380, v2;
	v3 =	vadd.s32 v4, v3  }
0x35: {  	v0 =	vand.u32 $0x7F, v0;
	v2 =	vor.u32 v2, v3  }
0x36: {  	v5 =	vshll.u32 v1, $0x7;
	v4 =	vshrl.u32 v1, $0xC;
	v0 =	vor.u32 v0, v2  }
0x37: {  	s16 =	sshll.u32 s12, $0x6;
	vm1 =	veq.s32 v1, $0x80000000;
	v1 =	vand.u32 $0x7, v4;
	v4 =	vand.u32 $0x7FF80, v5  }
0x38: {  	s16 =	sand.u32 $0x40, s16;
	s18 =	sadd.s32 $0x10, s15;
	v3 =	vsel vm1, $0xFFFFFFFF, v1;
	v4 =	vsel vm1, $0xFFFFFF80, v4  }
0x39: {  	s17 =	simm.s32 $0x20;
	s15 =	sor.u32 $0x80, s14;
	s14 =	sor.u32 $0x80, s16;
	v1 =	vld.msk [tilespmem:s18+$0x0 ss:$0x1], $0xffff;
	v5 =	vand.u32 $0xFFFFFC00, v4;
	v6 =	vand.u32 $0xFFFFFC00, v3  }
0x3a: {  	s16 =	sadd.s32 $0x10, s15;
	s18 =	sadd.s32 $0x10, s18;
	(ifvalue) =	ssetifvalue $0x7FFFFFFF;
	v2 =	vand.u32 $0x7F, v3;
	v4 =	vand.u32 $0x380, v4;
	v3 =	vadd.s32 v6, v5  }
.LBB2_3:
0x3b: {  	[tilespmem:s15], [sflag:$0x1] =	stream.indirect_vreg.gather [hbm4b:s3+s10], $0x1, v0, vm0, $0x4038;
	[tilespmem:$0x100] =	vst v63  }
0x3c: {  	s17 =	sadd.s32 $0x10, s17  }
0x3d: {  	v3 =	vor.u32 v4, v3;
	p1 =	slt.u32 s17, $0x30  }
.Ltmp3:
0x3e: {  	v4 =	vshrl.u32 v1, $0xC;
	v5 =	vshll.u32 v1, $0x7;
	s15 =	smov.u32 s16;
	v0 =	vor.u32 v2, v3;
	v2 =	vmovc v1;
	v1 =	vld.msk [tilespmem:s18+$0x0 ss:$0x1], $0xffff;
	(pc) =	sbr.rel @p1 .LBB2_3-.Ltmp3, $4  }
0x3f: {  	v3 =	vand.u32 $0x7FF80, v5;
	vm1 =	veq.s32 v2, $0x80000000;
	v2 =	vand.u32 $0x7, v4  }
0x40: {  	v4 =	vsel vm1, $0xFFFFFFFF, v2;
	v5 =	vsel vm1, $0xFFFFFF80, v3  }
0x41: {  	v2 =	vand.u32 $0x7F, v4;
	v3 =	vand.u32 $0xFFFFFC00, v5;
	v4 =	vand.u32 $0xFFFFFC00, v4  }
0x42: {  	s16 =	sadd.s32 $0x10, s16;
	s18 =	sadd.s32 $0x10, s18;
	v3 =	vadd.s32 v4, v3;
	v4 =	vand.u32 $0x380, v5;
	(ifvalue) =	ssetifvalue $0x7FFFFFFF  }
.Ltmp4:
0x43: {  	_ = 	snop;
	(pc) =	sbr.rel .LBB2_4-.Ltmp4, $1  }
0x44: {  	_ =	sdelay $0x3  }
.LBB2_6:
0x45: {  	_ =	sfence.sel $0x180000  }
0x46: {  	s2 =	simm.s32 $0x2;
	[bflag:$0x0] =	sbarrier.arrive $0xFFFF  }
0x47: {  	s30 =	simm.s32 $0x3;
	[sflag:s2] =	ssyncpa.u1 $0x1  }
0x48: {  	s31 =	simm.s32 $0x1;
	[sflag:s30] =	ssyncpa.u1 $0x1  }
0x49: {  	[sflag:s31] =	ssyncpa.u1 $0x1  }
0x4a: {  	p0 =	sne.s32 s1, $0x0;
	_ =	strace $0x90000047  }
0x4b: {  	s0 =	sadd.s32 @!p0 $0x100000, s0;
	[bflag:$0x2] =	sbarrier.arrive $0xFFFF  }
0x4c: {  	[sflag:s0] =	ssyncadd.tile.s32 @!p0 $0x1;
	_ =	shalt  }
.Lfunc_end2:
_tile_overlayer_lowered:
.L_overlay_start_2:
0x4d: {  	(tag) =	ssettag $0x2  }
0x4e: {  	s0 =	rddreg [dreg:$0x0];
	s2 =	stileid.u32  }
0x4f: {  	s1 =	rddreg [dreg:$0x1];
	p0 =	sne.s32 s2, $0x0  }
0x50: {  	s3 =	rddreg [dreg:$0x2];
	[bflag:$0x3] =	sbarrier.arrive $0xFFFF;
	s2 =	simm.s32 @!p0 $0x1C01  }
0x51: {  	[timem:s3], [sflag:s2] =	dma.local @!p0 [hbm:s0], s1  }
0x52: {  	s0 =	simm.s32 @!p0 $0x1  }
0x53: {  	_ =	swait.ge @!p0 [sflag:s0], s1  }
0x54: {  	s1 =	ssub.s32 @!p0 $0x0, s1;
	[sflag:s0] =	ssyncset.done @!p0 $0x0  }
0x55: {  	[sflag:s0] =	ssyncadd.s32 @!p0 s1  }
0x56: {  	[bflag:$0x3] =	sbarrier.arrive $0xFFFF  }
0x57: {  	_ =	shalt  }

// kernel: kernel.10.cloned.1.call-start
scs
__scs_entry_jumppad:
0x0: {  	(pc) =	sbr.rel $0x88, $3  }
0x1: {  	(tag) =	ssettag $0x0;
	lr =	simm.s32 $0x1  }
0x2: {  	[smem:$0x3F90] =	sst lr;
	_ =	strace $0xD0000000  }
0x3: {  	_ = 	snop  }
0x4: {  	_ = 	snop  }
0x5: {  	_ = 	snop  }
0x6: {  	_ = 	snop  }
0x7: {  	_ = 	snop  }
__scs_overlays_trampoline_lowered:
0x8: {  	[smem:$0x3F9F] =	sst s0  }
0x9: {  	[smem:$0x3FA0] =	sst s1  }
0xa: {  	[smem:$0x3FA1] =	sst s2  }
0xb: {  	[smem:$0x3FA2] =	sst s3  }
0xc: {  	[smem:$0x3FA3] =	sst s4  }
0xd: {  	[smem:$0x3FA4] =	sst s5  }
0xe: {  	[smem:$0x3FA5] =	sst s6  }
0xf: {  	[smem:$0x3FA6] =	sst s7  }
0x10: {  	[smem:$0x3FA7] =	sst s8  }
0x11: {  	[smem:$0x3FA8] =	sst s9;
	s0 =	simm.s32 @!p0 $0x0  }
0x12: {  	s1 =	sld [smem:$0x3F8E];
	s0 =	simm.s32 @p0 $0x1  }
0x13: {  	[smem:$0x3FA9] =	sst s0;
	s0 =	simm.s32 @!p1 $0x0  }
0x14: {  	s2 =	sld [smem:$0x3F8D];
	s0 =	simm.s32 @p1 $0x1  }
0x15: {  	[smem:$0x3FAA] =	sst s0;
	s0 =	simm.s32 @!p2 $0x0  }
0x16: {  	s3 =	sld [smem:$0x3FDB];
	s0 =	simm.s32 @p2 $0x1  }
0x17: {  	s4 =	simm.s32 $0x1BF5;
	[smem:$0x3FAC] =	sst s0  }
0x18: {  	s0 =	sld [smem:$0x3F8F];
	_ =	swait.ge [sflag:s4], $0x0  }
0x19: {  	s7 =	sld [smem:$0x3F90]  }
0x1a: {  	s8 =	sadd.s32 $0xFFFFE003, lr  }
0x1b: {  	s9 =	sadd.s32 $0xFFFFFEF7, lr;
	s5 =	simm.s32 $0xFFFFFFFF;
	p2 =	slt.u32 s8, $0xFFFFF086  }
0x1c: {  	p1 =	slt.u32 s9, $0xF7A;
	s5 =	simm.s32 @!p2 $0x0  }
0x1d: {  	s5 =	simm.s32 @p1 $0x1;
	p0 =	seq.s32 s7, s2  }
0x1e: {  	s7 =	smul.u32 @!p0 $0xF7A, s2;
	p2 =	seq.s32 @!p0 s5, $0x0  }
0x1f: {  	s9 =	smul.u32 $0xF7A, s1;
	s8 =	simm.s32 @!p0 $0x1BF5;
	p2 =	por !p2, p0  }
0x20: {  	[sflag:s8] =	ssyncset.s32 @!p0 $0xFFFFF086;
	s6 =	sadd.s32 @!p0 s3, s7;
	s7 =	simm.s32 @!p0 $0x108  }
0x21: {  	s3 =	sadd.s32 s3, s9;
	s6 =	sadd.s32 @!p0 $0x88, s6;
	s7 =	simm.s32 @p2 $0x1082  }
0x22: {  	[simem:s7], [sflag:s8] =	dma.local @!p0 [hbm:s6], $0xF7A  }
0x23: {  	s9 =	sor.u32 $0xD0000000, s2;
	s6 =	simm.s32 $0x108;
	_ =	swait.ge @!p0 [sflag:s8], $0x0  }
0x24: {  	s3 =	sadd.s32 $0x88, s3;
	s6 =	simm.s32 @!p1 $0x1082;
	[sflag:s4] =	ssyncset.s32 $0xFFFFF086  }
0x25: {  	[simem:s6], [sflag:s4] =	dma.local [hbm:s3], $0xF7A  }
0x26: {  	[smem:$0x3F90] =	sst s1;
	(tag) =	ssettag s2;
	_ =	strace s9  }
0x27: {  	s1 =	sld [smem:$0x3FA0]  }
0x28: {  	s2 =	sld [smem:$0x3FA1]  }
0x29: {  	s4 =	sld [smem:$0x3FA3]  }
0x2a: {  	p0 =	seq.s32 s5, $0x0;
	s5 =	sld [smem:$0x3FA4]  }
0x2b: {  	s6 =	sld [smem:$0x3FA5]  }
0x2c: {  	s7 =	sld [smem:$0x3FA6]  }
0x2d: {  	s3 =	simm.s32 $0x108;
	s8 =	sld [smem:$0x3FA7]  }
0x2e: {  	s3 =	simm.s32 @!p0 $0x1082;
	s9 =	sld [smem:$0x3FA8]  }
0x2f: {  	lr =	sadd.s32 s0, s3;
	s0 =	sld [smem:$0x3F9F]  }
0x30: {  	s3 =	sld [smem:$0x3FA2]  }
0x31: {  	[smem:$0x3FAB] =	sst s10  }
0x32: {  	s10 =	sld [smem:$0x3FA9];
	_ =	sdelay $0x3  }
0x33: {  	p0 =	seq.s32 s10, $0x1;
	s10 =	sld [smem:$0x3FAB];
	_ =	sdelay $0x3  }
0x34: {  	[smem:$0x3FAB] =	sst s10  }
0x35: {  	s10 =	sld [smem:$0x3FAA];
	_ =	sdelay $0x3  }
0x36: {  	p1 =	seq.s32 s10, $0x1;
	s10 =	sld [smem:$0x3FAB];
	_ =	sdelay $0x3  }
0x37: {  	[smem:$0x3FAB] =	sst s10  }
0x38: {  	s10 =	sld [smem:$0x3FAC]  }
0x39: {  	_ = 	snop;
	(pc) =	sbr.ind lr, $3  }
0x3a: {  	_ = 	snop  }
0x3b: {  	_ = 	snop  }
0x3c: {  	p2 =	seq.s32 s10, $0x1;
	s10 =	sld [smem:$0x3FAB]  }
0x3d: {  	_ =	shalt  }
0x3e: {  	_ =	shalt  }
0x3f: {  	_ =	shalt  }
0x40: {  	_ =	shalt  }
0x41: {  	_ =	shalt  }
0x42: {  	_ =	shalt  }
0x43: {  	_ =	shalt  }
0x44: {  	_ =	shalt  }
0x45: {  	_ =	shalt  }
0x46: {  	_ =	shalt  }
0x47: {  	_ =	shalt  }
0x48: {  	_ =	shalt  }
0x49: {  	_ =	shalt  }
0x4a: {  	_ =	shalt  }
0x4b: {  	_ =	shalt  }
0x4c: {  	_ =	shalt  }
0x4d: {  	_ =	shalt  }
0x4e: {  	_ =	shalt  }
0x4f: {  	_ =	shalt  }
0x50: {  	_ =	shalt  }
0x51: {  	_ =	shalt  }
0x52: {  	_ =	shalt  }
0x53: {  	_ =	shalt  }
0x54: {  	_ =	shalt  }
0x55: {  	_ =	shalt  }
0x56: {  	_ =	shalt  }
0x57: {  	_ =	shalt  }
0x58: {  	_ =	shalt  }
0x59: {  	_ =	shalt  }
0x5a: {  	_ =	shalt  }
0x5b: {  	_ =	shalt  }
0x5c: {  	_ =	shalt  }
0x5d: {  	_ =	shalt  }
0x5e: {  	_ =	shalt  }
0x5f: {  	_ =	shalt  }
0x60: {  	_ =	shalt  }
0x61: {  	_ =	shalt  }
0x62: {  	_ =	shalt  }
0x63: {  	_ =	shalt  }
0x64: {  	_ =	shalt  }
0x65: {  	_ =	shalt  }
0x66: {  	_ =	shalt  }
0x67: {  	_ =	shalt  }
0x68: {  	_ =	shalt  }
0x69: {  	_ =	shalt  }
0x6a: {  	_ =	shalt  }
0x6b: {  	_ =	shalt  }
0x6c: {  	_ =	shalt  }
0x6d: {  	_ =	shalt  }
0x6e: {  	_ =	shalt  }
0x6f: {  	_ =	shalt  }
0x70: {  	_ =	shalt  }
0x71: {  	_ =	shalt  }
0x72: {  	_ =	shalt  }
0x73: {  	_ =	shalt  }
0x74: {  	_ =	shalt  }
0x75: {  	_ =	shalt  }
0x76: {  	_ =	shalt  }
0x77: {  	_ =	shalt  }
0x78: {  	_ =	shalt  }
0x79: {  	_ =	shalt  }
0x7a: {  	_ =	shalt  }
0x7b: {  	_ =	shalt  }
0x7c: {  	_ =	shalt  }
0x7d: {  	_ =	shalt  }
0x7e: {  	_ =	shalt  }
0x7f: {  	_ =	shalt  }
0x80: {  	_ =	shalt  }
0x81: {  	_ =	shalt  }
0x82: {  	_ =	shalt  }
0x83: {  	_ =	shalt  }
0x84: {  	_ =	shalt  }
0x85: {  	_ =	shalt  }
0x86: {  	_ =	shalt  }
0x87: {  	_ =	shalt  }
.Lfunc_end0:
.L_simem_size_0:
called_computation.2_lowered:
.L_overlay_start_0:
0x88: {  	s2 =	sld [smem:$0x3FD9]  }
0x89: {  	s3 =	sld [smem:$0x3FFE];
	_ =	sdelay $0x1  }
0x8a: {  	s1 =	srdreg.scid  }
0x8b: {  	s0 =	sand.u32 $0x1, s1  }
0x8c: {  	s16 =	sshll.u32 s0, $0xA;
	s2 =	sadd.s32 s3, s2  }
0x8d: {  	s2 =	sadd.s32 s2, s16  }
0x8e: {  	[smem:$0x3FB7] =	sst s2  }
0x8f: {  	_ = 	snop  }
0x90: {  	(tm) =	ssettm $0x1  }
0x91: {  	s17 =	sld [smem:$0x3FFB];
	_ =	sdelay $0x3  }
0x92: {  	_ =	strace s17  }
0x93: {  	s2 =	sld [smem:$0x3FFC];
	_ =	sdelay $0x3  }
0x94: {  	_ =	strace s2  }
0x95: {  	s2 =	sld [smem:$0x3FFD];
	_ =	sdelay $0x3  }
0x96: {  	_ =	strace s2  }
0x97: {  	_ =	strace $0x8FFFFFFF  }
0x98: {  	s18 =	sld [smem:$0x3FDB];
	_ =	sdelay $0x1  }
0x99: {  	s19 =	simm.s32 $_scs_section_size  }
0x9a: {  	s4 =	simm.s32 $_size__tile_overlayer_lowered;
	s5 =	simm.s32 $_tile_overlayer_lowered  }
0x9b: {  	s22 =	simm.s32 $0x1BFF;
	s21 =	sshll.u32 s5, $0x1;
	s2 =	sadd.s32 s19, s18  }
0x9c: {  	s6 =	simm.s32 $0x0;
	s20 =	sshll.u32 s4, $0x1;
	s4 =	sadd.s32 s21, s2  }
0x9d: {  	[timem:s6], [sflag:s22] =	dma.local [hbm:s4], s20  }
0x9e: {  	_ =	swait.ge [sflag:s22], s20  }
0x9f: {  	s3 =	ssub.s32 $0x0, s20;
	[sflag:s22] =	ssyncset.done $0x0  }
0xa0: {  	[sflag:s22] =	ssyncadd.s32 s3;
	_ =	sdelay $0x1  }
0xa1: {  	s23 =	simm.s32 $0x1B8B  }
0xa2: {  	_ =	swait.ge [sflag:s23], $0x1  }
0xa3: {  	[sflag:s23] =	ssyncset.done $0x0  }
0xa4: {  	s25 =	simm.s32 $0x1B8E;
	s24 =	sld [smem:$0x3FFE];
	[sflag:s23] =	ssyncadd.s32 $0xFFFFFFFF  }
0xa5: {  	s26 =	simm.s32 $execute0_lowered;
	[smem:$0x3FD2] =	sst s25  }
0xa6: {  	s4 =	sshll.u32 s26, $0x1;
	_ =	strace $0x8000004C;
	[dreg:$0x1] =	wrdreg $0xFFFFFFFF  }
0xa7: {  	s28 =	simm.s32 $_size_execute0_lowered;
	s2 =	sadd.s32 s2, s4;
	[dreg:$0x0] =	wrdreg $0x0  }
0xa8: {  	s4 =	sshll.u32 s28, $0x1;
	[dreg:$0x2] =	wrdreg s2  }
0xa9: {  	[dreg:$0x3] =	wrdreg s4  }
0xaa: {  	[dreg:$0x4] =	wrdreg $0xC0  }
0xab: {  	_ =	task [dreg:s6], $0x5FFFF  }
0xac: {  	[dreg:$0x1] =	wrdreg $0xFFFFFFFF  }
0xad: {  	[dreg:$0x0] =	wrdreg $0x60  }
0xae: {  	[dreg:$0x2] =	wrdreg s24  }
0xaf: {  	[dreg:$0x3] =	wrdreg $0x9  }
0xb0: {  	_ =	task.clear_ibuf [dreg:s6], $0x4FFFF;
	_ =	strace $0x9000004C  }
0xb1: {  	s29 =	simm.s32 $0x9;
	_ =	strace $0x8000004E  }
0xb2: {  	_ =	swait.ge [sflag:s29], $0x1  }
0xb3: {  	[sflag:s29] =	ssyncadd.s32 $0xFFFFFFFF  }
0xb4: {  	_ =	strace $0x9000004E  }
0xb5: {  	_ =	sfence  }
0xb6: {  	s30 =	sld [smem:$0x0];
	_ =	sdelay $0x2  }
0xb7: {  	s31 =	sshll.u32 s1, $0xD;
	s1 =	sshrl.u32 s1, $0x2  }
0xb8: {  	s3 =	sand.u32 $0x4000, s31;
	s1 =	sadd.s32 s1, s30  }
0xb9: {  	s0 =	sor.u32 s3, s0;
	s1 =	sshll.u32 s1, $0x11  }
0xba: {  	s0 =	sor.u32 s1, s0  }
0xbb: {  	s0 =	sadd.s32 $0x8F2B, s0  }
0xbc: {  	[sflag:s0] =	ssyncadd.remote.s32 $0x1  }
0xbd: {  	_ =	sfence.sel $0xFFFF  }
0xbe: {  	[dreg:$0x0] =	wrdreg $0xFFFFFFFF;
	(pc) =	sbr.abs _section_cstart, $3  }
0xbf: {  	[dreg:$0x1] =	wrdreg $0xFFFFFFFF  }
0xc0: {  	_ =	task.clear_ibuf [dreg:s6], $0x2FFFF;
	_ =	strace $0x9FFFFFFF  }
0xc1: {  	(tm) =	ssettm $0x7FFFFFFF  }
tec
execute0_lowered:
.L_overlay_start_1:
0x0: {  	(tag) =	ssettag $0x1  }
0x1: {  	s1 =	srdreg.scid  }
0x2: {  	s0 =	stileid.u32;
	s4 =	rddreg [dreg:$0x0];
	s16 =	simm.s32 $0x880  }
0x3: {  	s17 =	simm.s32 $0x1080;
	s18 =	simm.s32 $0x1880;
	s19 =	simm.s32 $0x2080  }
0x4: {  	s20 =	simm.s32 $0x2880;
	s21 =	simm.s32 $0x3080;
	s1 =	sand.u32 $0x1, s1  }
0x5: {  	s22 =	simm.s32 $0x3880;
	s2 =	sshll.u32 s0, $0x8;
	s3 =	sshll.u32 s1, $0x7  }
0x6: {  	s23 =	simm.s32 $0x4080;
	s3 =	sor.u32 s3, s2;
	s2 =	simm.s32 $0x0  }
0x7: {  	s24 =	simm.s32 $0x4880;
	s25 =	simm.s32 $0x5080;
	[smem:$0x7FF] =	sst s2  }
0x8: {  	s26 =	simm.s32 $0x5880;
	_ =	strace $0x8000004D;
	[dreg:$0x5] =	wrdreg s16  }
0x9: {  	s7 =	simm.s32 $0x80;
	s9 =	simm.s32 $0x6880;
	[dreg:$0x6] =	wrdreg s17  }
0xa: {  	s10 =	simm.s32 $0x7080;
	s11 =	simm.s32 $0x7880;
	[dreg:$0x7] =	wrdreg s18  }
0xb: {  	s12 =	simm.s32 $0x8080;
	s13 =	simm.s32 $0x8880;
	[dreg:$0x8] =	wrdreg s19  }
0xc: {  	s14 =	simm.s32 $0x9080;
	s28 =	simm.s32 $0xF880;
	[dreg:$0x9] =	wrdreg s20  }
0xd: {  	s29 =	simm.s32 $0x1;
	s30 =	simm.s32 $0x2;
	[dreg:$0xa] =	wrdreg s21  }
0xe: {  	s31 =	simm.s32 $0x3;
	s1 =	ssub.s32 $0x2, s1;
	[dreg:$0xb] =	wrdreg s22  }
0xf: {  	s6 =	sshrl.u32 s1, $0x1;
	s5 =	sshrl.u32 s3, $0x3;
	[dreg:$0xc] =	wrdreg s23  }
0x10: {  	s3 =	sshll.u32 s3, $0x6;
	s1 =	ssub.s32 s1, s6;
	[dreg:$0xd] =	wrdreg s24  }
0x11: {  	s6 =	simm.s32 $0x5;
	s5 =	sadd.s32 s5, s4;
	[dreg:$0xe] =	wrdreg s25  }
0x12: {  	s3 =	sadd.s32 s3, s4;
	[dreg:$0xf] =	wrdreg s26;
	s16 =	simm.s32 $0xA080  }
0x13: {  	s17 =	simm.s32 $0xA880;
	s18 =	simm.s32 $0xB080;
	s19 =	simm.s32 $0xB880  }
0x14: {  	s20 =	simm.s32 $0xC080;
	s21 =	simm.s32 $0xC880;
	s22 =	simm.s32 $0xD080  }
0x15: {  	s23 =	simm.s32 $0xD880;
	s24 =	simm.s32 $0xE080;
	s5 =	sadd.s32 $0x38400, s5  }
0x16: {  	s25 =	simm.s32 $0xE880;
	s15 =	sadd.s32 $0x88600, s3;
	[dreg:$0x2] =	wrdreg s5  }
0x17: {  	v2 =	vlaneseq.u32;
	s26 =	simm.s32 $0xF080;
	s3 =	sadd.s32 $0x89600, s3;
	[dreg:$0x3] =	wrdreg s15  }
0x18: {  	vm0 =	vmmov $0xffff;
	v1 =	vshrl.u32 v2, $0x3;
	[dreg:$0x4] =	wrdreg s3;
	s3 =	sadd.s32 $0x38600, s4;
	s4 =	sadd.s32 $0x38700, s4  }
0x19: {  	v0 =	vand.u32 $0x7, v2;
	v2 =	vor.u32 $0x8, v2;
	v1 =	vmul.u32 $0x8, v1;
	s5 =	smax.u32 s1, $0x1;
	s15 =	simm.s32 $0x9880;
	s1 =	simm.s32 $0x4  }
.LBB2_1:
0x1a: {  	s0 =	rddreg [dreg:$0x2]  }
0x1b: {  	[tilespmem:s2], [sflag:$0x5] =	stream.linear.gather [hbm4b:s0+s2], $0x80, $0x38;
	[tilespmem:$0x10080] =	vst v63  }
0x1c: {  	_ =	swait.ge [sflag:s6], $0x80  }
0x1d: {  	[sflag:s6] =	ssyncset.done $0x0  }
0x1e: {  	[sflag:s6] =	ssyncadd.s32 $0xFFFFFF80  }
0x1f: {  	v3 =	vld [tilespmem:$0x0];
	_ =	sdelay $0x4  }
0x20: {  	v4 =	vshll.u32 v3, $0x2  }
0x21: {  	v3 =	vand.u32 $0x7, v3;
	v4 =	vand.u32 $0xFFFFFFE0, v4  }
0x22: {  	v3 =	vor.u32 v3, v4  }
0x23: {  	v4 =	vperm.xlane v3, v0;
	_ =	sdelay $0x1  }
0x24: {  	v4 =	vadd.s32 v1, v4;
	_ =	sdelay $0x1  }
0x25: {  	v3 =	vperm.xlane v3, v2;
	_ =	sdelay $0x1  }
0x26: {  	v3 =	vadd.s32 v1, v3  }
0x27: {  	[tilespmem:s7], [sflag:$0x1] =	stream.indirect_vreg.gather [hbm4b:s3+s2], $0x80, v4, vm0, $0xb8;
	[tilespmem:$0x10080] =	vst v63  }
0x28: {  	s0 =	rddreg [dreg:$0x5]  }
0x29: {  	[tilespmem:s0], [sflag:$0x1] =	stream.indirect_vreg.gather [hbm4b:s4+s2], $0x80, v4, vm0, $0xb8;
	[tilespmem:$0x10080] =	vst v63  }
0x2a: {  	s8 =	rddreg [dreg:$0x6]  }
0x2b: {  	[tilespmem:s8], [sflag:$0x1] =	stream.indirect_vreg.gather [hbm4b:s3+s2], $0x80, v3, vm0, $0xb8;
	[tilespmem:$0x10080] =	vst v63  }
0x2c: {  	s0 =	rddreg [dreg:$0x7]  }
0x2d: {  	[tilespmem:s0], [sflag:$0x1] =	stream.indirect_vreg.gather [hbm4b:s4+s2], $0x80, v3, vm0, $0xb8;
	[tilespmem:$0x10080] =	vst v63  }
0x2e: {  	v3 =	vld [tilespmem:$0x10];
	_ =	sdelay $0x4  }
0x2f: {  	v57 =	vshll.u32 v3, $0x2  }
0x30: {  	v3 =	vand.u32 $0x7, v3;
	v4 =	vand.u32 $0xFFFFFFE0, v57  }
0x31: {  	v3 =	vor.u32 v3, v4  }
0x32: {  	v4 =	vperm.xlane v3, v0;
	_ =	sdelay $0x1  }
0x33: {  	v4 =	vadd.s32 v1, v4;
	_ =	sdelay $0x1  }
0x34: {  	v3 =	vperm.xlane v3, v2;
	_ =	sdelay $0x1  }
0x35: {  	s0 =	rddreg [dreg:$0x8];
	v3 =	vadd.s32 v1, v3  }
0x36: {  	[tilespmem:s0], [sflag:$0x1] =	stream.indirect_vreg.gather [hbm4b:s3+s2], $0x80, v4, vm0, $0xb8;
	[tilespmem:$0x10080] =	vst v63  }
0x37: {  	s8 =	rddreg [dreg:$0x9]  }
0x38: {  	[tilespmem:s8], [sflag:$0x1] =	stream.indirect_vreg.gather [hbm4b:s4+s2], $0x80, v4, vm0, $0xb8;
	[tilespmem:$0x10080] =	vst v63  }
0x39: {  	s0 =	rddreg [dreg:$0xa]  }
0x3a: {  	[tilespmem:s0], [sflag:$0x1] =	stream.indirect_vreg.gather [hbm4b:s3+s2], $0x80, v3, vm0, $0xb8;
	[tilespmem:$0x10080] =	vst v63  }
0x3b: {  	s8 =	rddreg [dreg:$0xb]  }
0x3c: {  	[tilespmem:s8], [sflag:$0x1] =	stream.indirect_vreg.gather [hbm4b:s4+s2], $0x80, v3, vm0, $0xb8;
	[tilespmem:$0x10080] =	vst v63  }
0x3d: {  	v3 =	vld [tilespmem:$0x20];
	_ =	sdelay $0x4  }
0x3e: {  	v58 =	vshll.u32 v3, $0x2  }
0x3f: {  	v3 =	vand.u32 $0x7, v3;
	v4 =	vand.u32 $0xFFFFFFE0, v58  }
0x40: {  	v3 =	vor.u32 v3, v4  }
0x41: {  	v4 =	vperm.xlane v3, v0;
	_ =	sdelay $0x1  }
0x42: {  	v4 =	vadd.s32 v1, v4;
	_ =	sdelay $0x1  }
0x43: {  	v3 =	vperm.xlane v3, v2;
	_ =	sdelay $0x1  }
0x44: {  	s0 =	rddreg [dreg:$0xc];
	v3 =	vadd.s32 v1, v3  }
0x45: {  	[tilespmem:s0], [sflag:$0x1] =	stream.indirect_vreg.gather [hbm4b:s3+s2], $0x80, v4, vm0, $0xb8;
	[tilespmem:$0x10080] =	vst v63  }
0x46: {  	s8 =	rddreg [dreg:$0xd]  }
0x47: {  	[tilespmem:s8], [sflag:$0x1] =	stream.indirect_vreg.gather [hbm4b:s4+s2], $0x80, v4, vm0, $0xb8;
	[tilespmem:$0x10080] =	vst v63  }
0x48: {  	s0 =	rddreg [dreg:$0xe]  }
0x49: {  	[tilespmem:s0], [sflag:$0x1] =	stream.indirect_vreg.gather [hbm4b:s3+s2], $0x80, v3, vm0, $0xb8;
	[tilespmem:$0x10080] =	vst v63  }
0x4a: {  	s8 =	rddreg [dreg:$0xf]  }
0x4b: {  	[tilespmem:s8], [sflag:$0x1] =	stream.indirect_vreg.gather [hbm4b:s4+s2], $0x80, v3, vm0, $0xb8;
	[tilespmem:$0x10080] =	vst v63  }
0x4c: {  	v3 =	vld [tilespmem:$0x30];
	_ =	sdelay $0x4  }
0x4d: {  	v59 =	vshll.u32 v3, $0x2  }
0x4e: {  	v3 =	vand.u32 $0x7, v3;
	v4 =	vand.u32 $0xFFFFFFE0, v59  }
0x4f: {  	v3 =	vor.u32 v3, v4  }
0x50: {  	v4 =	vperm.xlane v3, v0;
	_ =	sdelay $0x1  }
0x51: {  	v4 =	vadd.s32 v1, v4;
	_ =	sdelay $0x1  }
0x52: {  	v3 =	vperm.xlane v3, v2;
	_ =	sdelay $0x1  }
0x53: {  	s8 =	simm.s32 $0x6080;
	v3 =	vadd.s32 v1, v3  }
0x54: {  	[tilespmem:s8], [sflag:$0x1] =	stream.indirect_vreg.gather [hbm4b:s3+s2], $0x80, v4, vm0, $0xb8;
	[tilespmem:$0x10080] =	vst v63  }
0x55: {  	_ = 	snop  }
0x56: {  	[tilespmem:s9], [sflag:$0x1] =	stream.indirect_vreg.gather [hbm4b:s4+s2], $0x80, v4, vm0, $0xb8;
	[tilespmem:$0x10080] =	vst v63  }
0x57: {  	_ = 	snop  }
0x58: {  	[tilespmem:s10], [sflag:$0x1] =	stream.indirect_vreg.gather [hbm4b:s3+s2], $0x80, v3, vm0, $0xb8;
	[tilespmem:$0x10080] =	vst v63  }
0x59: {  	_ = 	snop  }
0x5a: {  	[tilespmem:s11], [sflag:$0x1] =	stream.indirect_vreg.gather [hbm4b:s4+s2], $0x80, v3, vm0, $0xb8;
	[tilespmem:$0x10080] =	vst v63  }
0x5b: {  	v3 =	vld [tilespmem:$0x40];
	_ =	sdelay $0x4  }
0x5c: {  	v60 =	vshll.u32 v3, $0x2  }
0x5d: {  	v3 =	vand.u32 $0x7, v3;
	v4 =	vand.u32 $0xFFFFFFE0, v60  }
0x5e: {  	v3 =	vor.u32 v3, v4  }
0x5f: {  	v4 =	vperm.xlane v3, v0;
	_ =	sdelay $0x1  }
0x60: {  	v4 =	vadd.s32 v1, v4;
	_ =	sdelay $0x1  }
0x61: {  	v3 =	vperm.xlane v3, v2;
	_ =	sdelay $0x1  }
0x62: {  	v3 =	vadd.s32 v1, v3  }
0x63: {  	[tilespmem:s12], [sflag:$0x2] =	stream.indirect_vreg.gather [hbm4b:s3+s2], $0x80, v4, vm0, $0xb8;
	[tilespmem:$0x10080] =	vst v63  }
0x64: {  	_ = 	snop  }
0x65: {  	[tilespmem:s13], [sflag:$0x2] =	stream.indirect_vreg.gather [hbm4b:s4+s2], $0x80, v4, vm0, $0xb8;
	[tilespmem:$0x10080] =	vst v63  }
0x66: {  	_ = 	snop  }
0x67: {  	[tilespmem:s14], [sflag:$0x2] =	stream.indirect_vreg.gather [hbm4b:s3+s2], $0x80, v3, vm0, $0xb8;
	[tilespmem:$0x10080] =	vst v63  }
0x68: {  	_ = 	snop  }
0x69: {  	[tilespmem:s15], [sflag:$0x2] =	stream.indirect_vreg.gather [hbm4b:s4+s2], $0x80, v3, vm0, $0xb8;
	[tilespmem:$0x10080] =	vst v63  }
0x6a: {  	v3 =	vld [tilespmem:$0x50];
	_ =	sdelay $0x4  }
0x6b: {  	v61 =	vshll.u32 v3, $0x2  }
0x6c: {  	v3 =	vand.u32 $0x7, v3;
	v4 =	vand.u32 $0xFFFFFFE0, v61  }
0x6d: {  	v3 =	vor.u32 v3, v4  }
0x6e: {  	v4 =	vperm.xlane v3, v0;
	_ =	sdelay $0x1  }
0x6f: {  	v4 =	vadd.s32 v1, v4;
	_ =	sdelay $0x1  }
0x70: {  	v3 =	vperm.xlane v3, v2;
	_ =	sdelay $0x1  }
0x71: {  	v3 =	vadd.s32 v1, v3  }
0x72: {  	[tilespmem:s16], [sflag:$0x2] =	stream.indirect_vreg.gather [hbm4b:s3+s2], $0x80, v4, vm0, $0xb8;
	[tilespmem:$0x10080] =	vst v63  }
0x73: {  	_ = 	snop  }
0x74: {  	[tilespmem:s17], [sflag:$0x2] =	stream.indirect_vreg.gather [hbm4b:s4+s2], $0x80, v4, vm0, $0xb8;
	[tilespmem:$0x10080] =	vst v63  }
0x75: {  	_ = 	snop  }
0x76: {  	[tilespmem:s18], [sflag:$0x2] =	stream.indirect_vreg.gather [hbm4b:s3+s2], $0x80, v3, vm0, $0xb8;
	[tilespmem:$0x10080] =	vst v63  }
0x77: {  	_ = 	snop  }
0x78: {  	[tilespmem:s19], [sflag:$0x2] =	stream.indirect_vreg.gather [hbm4b:s4+s2], $0x80, v3, vm0, $0xb8;
	[tilespmem:$0x10080] =	vst v63  }
0x79: {  	v3 =	vld [tilespmem:$0x60];
	_ =	sdelay $0x4  }
0x7a: {  	v62 =	vshll.u32 v3, $0x2  }
0x7b: {  	v3 =	vand.u32 $0x7, v3;
	v4 =	vand.u32 $0xFFFFFFE0, v62  }
0x7c: {  	v3 =	vor.u32 v3, v4  }
0x7d: {  	v4 =	vperm.xlane v3, v0;
	_ =	sdelay $0x1  }
0x7e: {  	v4 =	vadd.s32 v1, v4;
	_ =	sdelay $0x1  }
0x7f: {  	v3 =	vperm.xlane v3, v2;
	_ =	sdelay $0x1  }
0x80: {  	v3 =	vadd.s32 v1, v3  }
0x81: {  	[tilespmem:s20], [sflag:$0x2] =	stream.indirect_vreg.gather [hbm4b:s3+s2], $0x80, v4, vm0, $0xb8;
	[tilespmem:$0x10080] =	vst v63  }
0x82: {  	_ = 	snop  }
0x83: {  	[tilespmem:s21], [sflag:$0x2] =	stream.indirect_vreg.gather [hbm4b:s4+s2], $0x80, v4, vm0, $0xb8;
	[tilespmem:$0x10080] =	vst v63  }
0x84: {  	_ = 	snop  }
0x85: {  	[tilespmem:s22], [sflag:$0x2] =	stream.indirect_vreg.gather [hbm4b:s3+s2], $0x80, v3, vm0, $0xb8;
	[tilespmem:$0x10080] =	vst v63  }
0x86: {  	_ = 	snop  }
0x87: {  	[tilespmem:s23], [sflag:$0x2] =	stream.indirect_vreg.gather [hbm4b:s4+s2], $0x80, v3, vm0, $0xb8;
	[tilespmem:$0x10080] =	vst v63  }
0x88: {  	v3 =	vld [tilespmem:$0x70];
	_ =	sdelay $0x4  }
0x89: {  	v63 =	vshll.u32 v3, $0x2  }
0x8a: {  	v3 =	vand.u32 $0x7, v3;
	v4 =	vand.u32 $0xFFFFFFE0, v63  }
0x8b: {  	v3 =	vor.u32 v3, v4  }
0x8c: {  	v4 =	vperm.xlane v3, v0;
	_ =	sdelay $0x1  }
0x8d: {  	v4 =	vadd.s32 v1, v4;
	_ =	sdelay $0x1  }
0x8e: {  	v3 =	vperm.xlane v3, v2;
	_ =	sdelay $0x1  }
0x8f: {  	v3 =	vadd.s32 v1, v3  }
0x90: {  	[tilespmem:s24], [sflag:$0x2] =	stream.indirect_vreg.gather [hbm4b:s3+s2], $0x80, v4, vm0, $0xb8;
	[tilespmem:$0x10080] =	vst v63  }
0x91: {  	_ = 	snop  }
0x92: {  	[tilespmem:s25], [sflag:$0x2] =	stream.indirect_vreg.gather [hbm4b:s4+s2], $0x80, v4, vm0, $0xb8;
	[tilespmem:$0x10080] =	vst v63  }
0x93: {  	_ = 	snop  }
0x94: {  	[tilespmem:s26], [sflag:$0x2] =	stream.indirect_vreg.gather [hbm4b:s3+s2], $0x80, v3, vm0, $0xb8;
	[tilespmem:$0x10080] =	vst v63  }
0x95: {  	_ = 	snop  }
0x96: {  	[tilespmem:s28], [sflag:$0x2] =	stream.indirect_vreg.gather [hbm4b:s4+s2], $0x80, v3, vm0, $0xb8;
	[tilespmem:$0x10080] =	vst v63  }
0x97: {  	_ =	swait.ge [sflag:s29], $0x8000  }
0x98: {  	[sflag:s29] =	ssyncset.done $0x0  }
0x99: {  	s8 =	rddreg [dreg:$0x3];
	[sflag:s29] =	ssyncadd.s32 $0xFFFF8000  }
0x9a: {  	[hbm4b:s8+s2] =	stream.linear.scatter [tilespmem:s7], [sflag:$0x3], $0x8000, $0x38;
	[tilespmem:$0x10080] =	vst v63  }
0x9b: {  	_ =	swait.ge [sflag:s30], $0x8000  }
0x9c: {  	[sflag:s30] =	ssyncset.done $0x0  }
0x9d: {  	s8 =	rddreg [dreg:$0x4];
	[sflag:s30] =	ssyncadd.s32 $0xFFFF8000  }
0x9e: {  	[hbm4b:s8+s2] =	stream.linear.scatter [tilespmem:s12], [sflag:$0x4], $0x8000, $0x38;
	[tilespmem:$0x10080] =	vst v63  }
0x9f: {  	p0 =	sne.s32 s5, $0x1;
	_ =	swait.ge [sflag:s31], $0x8000  }
.Ltmp0:
0xa0: {  	[sflag:s31] =	ssyncset.done $0x0;
	(pc) =	sbr.rel @p0 .LBB2_1-.Ltmp0, $4  }
0xa1: {  	[sflag:s31] =	ssyncadd.s32 $0xFFFF8000  }
0xa2: {  	_ =	swait.ge [sflag:s1], $0x8000  }
0xa3: {  	[sflag:s1] =	ssyncset.done $0x0  }
0xa4: {  	s5 =	sadd.s32 $0xFFFFFFFF, s5;
	[sflag:s1] =	ssyncadd.s32 $0xFFFF8000  }
0xa5: {  	_ =	sfence.sel $0x180000  }
0xa6: {  	[bflag:$0x0] =	sbarrier.arrive $0xFFFF  }
0xa7: {  	_ =	strace $0x9000004D  }
0xa8: {  	s0 =	stileid.u32;
	[bflag:$0x2] =	sbarrier.arrive $0xFFFF  }
0xa9: {  	p0 =	sne.s32 s0, $0x0;
	s0 =	rddreg [dreg:$0x1]  }
0xaa: {  	s0 =	sadd.s32 @!p0 $0x100000, s0  }
0xab: {  	[sflag:s0] =	ssyncadd.tile.s32 @!p0 $0x1;
	_ =	shalt  }
.Lfunc_end2:
_tile_overlayer_lowered:
.L_overlay_start_2:
0xac: {  	(tag) =	ssettag $0x2  }
0xad: {  	s0 =	rddreg [dreg:$0x0];
	s2 =	stileid.u32  }
0xae: {  	s1 =	rddreg [dreg:$0x1];
	p0 =	sne.s32 s2, $0x0  }
0xaf: {  	s3 =	rddreg [dreg:$0x2];
	[bflag:$0x3] =	sbarrier.arrive $0xFFFF;
	s2 =	simm.s32 @!p0 $0x1C05  }
0xb0: {  	[timem:s3], [sflag:s2] =	dma.local @!p0 [hbm:s0], s1  }
0xb1: {  	s0 =	simm.s32 @!p0 $0x5  }
0xb2: {  	_ =	swait.ge @!p0 [sflag:s0], s1  }
0xb3: {  	s1 =	ssub.s32 @!p0 $0x0, s1;
	[sflag:s0] =	ssyncset.done @!p0 $0x0  }
0xb4: {  	[sflag:s0] =	ssyncadd.s32 @!p0 s1  }
0xb5: {  	[bflag:$0x3] =	sbarrier.arrive $0xFFFF  }
0xb6: {  	_ =	shalt  }

// kernel: kernel.7.cloned.1.call-start
scs
__scs_entry_jumppad:
0x0: {  	(pc) =	sbr.rel $0x88, $3  }
0x1: {  	(tag) =	ssettag $0x0;
	lr =	simm.s32 $0x1  }
0x2: {  	[smem:$0x3F90] =	sst lr;
	_ =	strace $0xD0000000  }
0x3: {  	_ = 	snop  }
0x4: {  	_ = 	snop  }
0x5: {  	_ = 	snop  }
0x6: {  	_ = 	snop  }
0x7: {  	_ = 	snop  }
__scs_overlays_trampoline_lowered:
0x8: {  	[smem:$0x3F9F] =	sst s0  }
0x9: {  	[smem:$0x3FA0] =	sst s1  }
0xa: {  	[smem:$0x3FA1] =	sst s2  }
0xb: {  	[smem:$0x3FA2] =	sst s3  }
0xc: {  	[smem:$0x3FA3] =	sst s4  }
0xd: {  	[smem:$0x3FA4] =	sst s5  }
0xe: {  	[smem:$0x3FA5] =	sst s6  }
0xf: {  	[smem:$0x3FA6] =	sst s7  }
0x10: {  	[smem:$0x3FA7] =	sst s8  }
0x11: {  	[smem:$0x3FA8] =	sst s9;
	s0 =	simm.s32 @!p0 $0x0  }
0x12: {  	s1 =	sld [smem:$0x3F8E];
	s0 =	simm.s32 @p0 $0x1  }
0x13: {  	[smem:$0x3FA9] =	sst s0;
	s0 =	simm.s32 @!p1 $0x0  }
0x14: {  	s2 =	sld [smem:$0x3F8D];
	s0 =	simm.s32 @p1 $0x1  }
0x15: {  	[smem:$0x3FAA] =	sst s0;
	s0 =	simm.s32 @!p2 $0x0  }
0x16: {  	s3 =	sld [smem:$0x3FDB];
	s0 =	simm.s32 @p2 $0x1  }
0x17: {  	s4 =	simm.s32 $0x1BF5;
	[smem:$0x3FAC] =	sst s0  }
0x18: {  	s0 =	sld [smem:$0x3F8F];
	_ =	swait.ge [sflag:s4], $0x0  }
0x19: {  	s7 =	sld [smem:$0x3F90]  }
0x1a: {  	s8 =	sadd.s32 $0xFFFFE003, lr  }
0x1b: {  	s9 =	sadd.s32 $0xFFFFFEF7, lr;
	s5 =	simm.s32 $0xFFFFFFFF;
	p2 =	slt.u32 s8, $0xFFFFF086  }
0x1c: {  	p1 =	slt.u32 s9, $0xF7A;
	s5 =	simm.s32 @!p2 $0x0  }
0x1d: {  	s5 =	simm.s32 @p1 $0x1;
	p0 =	seq.s32 s7, s2  }
0x1e: {  	s7 =	smul.u32 @!p0 $0xF7A, s2;
	p2 =	seq.s32 @!p0 s5, $0x0  }
0x1f: {  	s9 =	smul.u32 $0xF7A, s1;
	s8 =	simm.s32 @!p0 $0x1BF5;
	p2 =	por !p2, p0  }
0x20: {  	[sflag:s8] =	ssyncset.s32 @!p0 $0xFFFFF086;
	s6 =	sadd.s32 @!p0 s3, s7;
	s7 =	simm.s32 @!p0 $0x108  }
0x21: {  	s3 =	sadd.s32 s3, s9;
	s6 =	sadd.s32 @!p0 $0x88, s6;
	s7 =	simm.s32 @p2 $0x1082  }
0x22: {  	[simem:s7], [sflag:s8] =	dma.local @!p0 [hbm:s6], $0xF7A  }
0x23: {  	s9 =	sor.u32 $0xD0000000, s2;
	s6 =	simm.s32 $0x108;
	_ =	swait.ge @!p0 [sflag:s8], $0x0  }
0x24: {  	s3 =	sadd.s32 $0x88, s3;
	s6 =	simm.s32 @!p1 $0x1082;
	[sflag:s4] =	ssyncset.s32 $0xFFFFF086  }
0x25: {  	[simem:s6], [sflag:s4] =	dma.local [hbm:s3], $0xF7A  }
0x26: {  	[smem:$0x3F90] =	sst s1;
	(tag) =	ssettag s2;
	_ =	strace s9  }
0x27: {  	s1 =	sld [smem:$0x3FA0]  }
0x28: {  	s2 =	sld [smem:$0x3FA1]  }
0x29: {  	s4 =	sld [smem:$0x3FA3]  }
0x2a: {  	p0 =	seq.s32 s5, $0x0;
	s5 =	sld [smem:$0x3FA4]  }
0x2b: {  	s6 =	sld [smem:$0x3FA5]  }
0x2c: {  	s7 =	sld [smem:$0x3FA6]  }
0x2d: {  	s3 =	simm.s32 $0x108;
	s8 =	sld [smem:$0x3FA7]  }
0x2e: {  	s3 =	simm.s32 @!p0 $0x1082;
	s9 =	sld [smem:$0x3FA8]  }
0x2f: {  	lr =	sadd.s32 s0, s3;
	s0 =	sld [smem:$0x3F9F]  }
0x30: {  	s3 =	sld [smem:$0x3FA2]  }
0x31: {  	[smem:$0x3FAB] =	sst s10  }
0x32: {  	s10 =	sld [smem:$0x3FA9];
	_ =	sdelay $0x3  }
0x33: {  	p0 =	seq.s32 s10, $0x1;
	s10 =	sld [smem:$0x3FAB];
	_ =	sdelay $0x3  }
0x34: {  	[smem:$0x3FAB] =	sst s10  }
0x35: {  	s10 =	sld [smem:$0x3FAA];
	_ =	sdelay $0x3  }
0x36: {  	p1 =	seq.s32 s10, $0x1;
	s10 =	sld [smem:$0x3FAB];
	_ =	sdelay $0x3  }
0x37: {  	[smem:$0x3FAB] =	sst s10  }
0x38: {  	s10 =	sld [smem:$0x3FAC]  }
0x39: {  	_ = 	snop;
	(pc) =	sbr.ind lr, $3  }
0x3a: {  	_ = 	snop  }
0x3b: {  	_ = 	snop  }
0x3c: {  	p2 =	seq.s32 s10, $0x1;
	s10 =	sld [smem:$0x3FAB]  }
0x3d: {  	_ =	shalt  }
0x3e: {  	_ =	shalt  }
0x3f: {  	_ =	shalt  }
0x40: {  	_ =	shalt  }
0x41: {  	_ =	shalt  }
0x42: {  	_ =	shalt  }
0x43: {  	_ =	shalt  }
0x44: {  	_ =	shalt  }
0x45: {  	_ =	shalt  }
0x46: {  	_ =	shalt  }
0x47: {  	_ =	shalt  }
0x48: {  	_ =	shalt  }
0x49: {  	_ =	shalt  }
0x4a: {  	_ =	shalt  }
0x4b: {  	_ =	shalt  }
0x4c: {  	_ =	shalt  }
0x4d: {  	_ =	shalt  }
0x4e: {  	_ =	shalt  }
0x4f: {  	_ =	shalt  }
0x50: {  	_ =	shalt  }
0x51: {  	_ =	shalt  }
0x52: {  	_ =	shalt  }
0x53: {  	_ =	shalt  }
0x54: {  	_ =	shalt  }
0x55: {  	_ =	shalt  }
0x56: {  	_ =	shalt  }
0x57: {  	_ =	shalt  }
0x58: {  	_ =	shalt  }
0x59: {  	_ =	shalt  }
0x5a: {  	_ =	shalt  }
0x5b: {  	_ =	shalt  }
0x5c: {  	_ =	shalt  }
0x5d: {  	_ =	shalt  }
0x5e: {  	_ =	shalt  }
0x5f: {  	_ =	shalt  }
0x60: {  	_ =	shalt  }
0x61: {  	_ =	shalt  }
0x62: {  	_ =	shalt  }
0x63: {  	_ =	shalt  }
0x64: {  	_ =	shalt  }
0x65: {  	_ =	shalt  }
0x66: {  	_ =	shalt  }
0x67: {  	_ =	shalt  }
0x68: {  	_ =	shalt  }
0x69: {  	_ =	shalt  }
0x6a: {  	_ =	shalt  }
0x6b: {  	_ =	shalt  }
0x6c: {  	_ =	shalt  }
0x6d: {  	_ =	shalt  }
0x6e: {  	_ =	shalt  }
0x6f: {  	_ =	shalt  }
0x70: {  	_ =	shalt  }
0x71: {  	_ =	shalt  }
0x72: {  	_ =	shalt  }
0x73: {  	_ =	shalt  }
0x74: {  	_ =	shalt  }
0x75: {  	_ =	shalt  }
0x76: {  	_ =	shalt  }
0x77: {  	_ =	shalt  }
0x78: {  	_ =	shalt  }
0x79: {  	_ =	shalt  }
0x7a: {  	_ =	shalt  }
0x7b: {  	_ =	shalt  }
0x7c: {  	_ =	shalt  }
0x7d: {  	_ =	shalt  }
0x7e: {  	_ =	shalt  }
0x7f: {  	_ =	shalt  }
0x80: {  	_ =	shalt  }
0x81: {  	_ =	shalt  }
0x82: {  	_ =	shalt  }
0x83: {  	_ =	shalt  }
0x84: {  	_ =	shalt  }
0x85: {  	_ =	shalt  }
0x86: {  	_ =	shalt  }
0x87: {  	_ =	shalt  }
.Lfunc_end0:
.L_simem_size_0:
called_computation.1_lowered:
.L_overlay_start_0:
0x88: {  	s2 =	sld [smem:$0x3FD9]  }
0x89: {  	s3 =	sld [smem:$0x3FFE];
	_ =	sdelay $0x1  }
0x8a: {  	s1 =	srdreg.scid  }
0x8b: {  	s0 =	sand.u32 $0x1, s1  }
0x8c: {  	s16 =	sshll.u32 s0, $0xA;
	s2 =	sadd.s32 s3, s2  }
0x8d: {  	s2 =	sadd.s32 s2, s16  }
0x8e: {  	[smem:$0x3FB7] =	sst s2  }
0x8f: {  	_ = 	snop  }
0x90: {  	(tm) =	ssettm $0x1  }
0x91: {  	s17 =	sld [smem:$0x3FFB];
	_ =	sdelay $0x3  }
0x92: {  	_ =	strace s17  }
0x93: {  	s2 =	sld [smem:$0x3FFC];
	_ =	sdelay $0x3  }
0x94: {  	_ =	strace s2  }
0x95: {  	s2 =	sld [smem:$0x3FFD];
	_ =	sdelay $0x3  }
0x96: {  	_ =	strace s2  }
0x97: {  	_ =	strace $0x8FFFFFFF  }
0x98: {  	s18 =	sld [smem:$0x3FDB];
	_ =	sdelay $0x1  }
0x99: {  	s19 =	simm.s32 $_scs_section_size  }
0x9a: {  	s4 =	simm.s32 $_size__tile_overlayer_lowered;
	s5 =	simm.s32 $_tile_overlayer_lowered  }
0x9b: {  	s22 =	simm.s32 $0x1BFF;
	s21 =	sshll.u32 s5, $0x1;
	s2 =	sadd.s32 s19, s18  }
0x9c: {  	s6 =	simm.s32 $0x0;
	s20 =	sshll.u32 s4, $0x1;
	s4 =	sadd.s32 s21, s2  }
0x9d: {  	[timem:s6], [sflag:s22] =	dma.local [hbm:s4], s20  }
0x9e: {  	_ =	swait.ge [sflag:s22], s20  }
0x9f: {  	s3 =	ssub.s32 $0x0, s20;
	[sflag:s22] =	ssyncset.done $0x0  }
0xa0: {  	[sflag:s22] =	ssyncadd.s32 s3;
	_ =	sdelay $0x1  }
0xa1: {  	s23 =	simm.s32 $0x1B8B  }
0xa2: {  	_ =	swait.ge [sflag:s23], $0x1  }
0xa3: {  	[sflag:s23] =	ssyncset.done $0x0  }
0xa4: {  	s25 =	simm.s32 $0x1B8E;
	s24 =	sld [smem:$0x3FFE];
	[sflag:s23] =	ssyncadd.s32 $0xFFFFFFFF  }
0xa5: {  	s26 =	simm.s32 $execute0_lowered;
	[smem:$0x3FD2] =	sst s25  }
0xa6: {  	s4 =	sshll.u32 s26, $0x1;
	_ =	strace $0x80000049;
	[dreg:$0x1] =	wrdreg $0xFFFFFFFF  }
0xa7: {  	s28 =	simm.s32 $_size_execute0_lowered;
	s2 =	sadd.s32 s2, s4;
	[dreg:$0x0] =	wrdreg $0x0  }
0xa8: {  	s4 =	sshll.u32 s28, $0x1;
	[dreg:$0x2] =	wrdreg s2  }
0xa9: {  	[dreg:$0x3] =	wrdreg s4  }
0xaa: {  	[dreg:$0x4] =	wrdreg $0xC0  }
0xab: {  	_ =	task [dreg:s6], $0x5FFFF  }
0xac: {  	[dreg:$0x1] =	wrdreg $0xFFFFFFFF  }
0xad: {  	[dreg:$0x0] =	wrdreg $0x60  }
0xae: {  	[dreg:$0x2] =	wrdreg s24  }
0xaf: {  	[dreg:$0x3] =	wrdreg $0x9  }
0xb0: {  	_ =	task.clear_ibuf [dreg:s6], $0x4FFFF;
	_ =	strace $0x90000049  }
0xb1: {  	s29 =	simm.s32 $0x9;
	_ =	strace $0x8000004B  }
0xb2: {  	_ =	swait.ge [sflag:s29], $0x1  }
0xb3: {  	[sflag:s29] =	ssyncadd.s32 $0xFFFFFFFF  }
0xb4: {  	_ =	strace $0x9000004B  }
0xb5: {  	_ =	sfence  }
0xb6: {  	s30 =	sld [smem:$0x0];
	_ =	sdelay $0x2  }
0xb7: {  	s31 =	sshll.u32 s1, $0xD;
	s1 =	sshrl.u32 s1, $0x2  }
0xb8: {  	s3 =	sand.u32 $0x4000, s31;
	s1 =	sadd.s32 s1, s30  }
0xb9: {  	s0 =	sor.u32 s3, s0;
	s1 =	sshll.u32 s1, $0x11  }
0xba: {  	s0 =	sor.u32 s1, s0  }
0xbb: {  	s0 =	sadd.s32 $0x8F2B, s0  }
0xbc: {  	[sflag:s0] =	ssyncadd.remote.s32 $0x1  }
0xbd: {  	_ =	sfence.sel $0xFFFF  }
0xbe: {  	[dreg:$0x0] =	wrdreg $0xFFFFFFFF;
	(pc) =	sbr.abs _section_cstart, $3  }
0xbf: {  	[dreg:$0x1] =	wrdreg $0xFFFFFFFF  }
0xc0: {  	_ =	task.clear_ibuf [dreg:s6], $0x2FFFF;
	_ =	strace $0x9FFFFFFF  }
0xc1: {  	(tm) =	ssettm $0x7FFFFFFF  }
tec
execute0_lowered:
.L_overlay_start_1:
0x0: {  	(tag) =	ssettag $0x1  }
0x1: {  	s1 =	srdreg.scid;
	s0 =	stileid.u32  }
0x2: {  	s1 =	sand.u32 $0x1, s1;
	s3 =	sshll.u32 s0, $0x1  }
0x3: {  	s2 =	rddreg [dreg:$0x0];
	s4 =	sor.u32 s1, s3;
	s3 =	simm.s32 $0x0  }
0x4: {  	s8 =	simm.s32 $0x1100;
	[smem:$0x7FF] =	sst s3  }
0x5: {  	s9 =	simm.s32 $0x1900;
	_ =	strace $0x8000004A;
	[dreg:$0x6] =	wrdreg s8  }
0x6: {  	s10 =	simm.s32 $0x2100;
	[dreg:$0x7] =	wrdreg s9  }
0x7: {  	s11 =	simm.s32 $0x2900;
	[dreg:$0x8] =	wrdreg s10  }
0x8: {  	s12 =	simm.s32 $0x3100;
	[dreg:$0x9] =	wrdreg s11  }
0x9: {  	s13 =	simm.s32 $0x3900;
	[dreg:$0xa] =	wrdreg s12  }
0xa: {  	s14 =	simm.s32 $0x4100;
	[dreg:$0xb] =	wrdreg s13  }
0xb: {  	s15 =	simm.s32 $0x4900;
	[dreg:$0xc] =	wrdreg s14  }
0xc: {  	s16 =	simm.s32 $0x5100;
	s17 =	simm.s32 $0x5900;
	[dreg:$0xd] =	wrdreg s15  }
0xd: {  	s18 =	simm.s32 $0x6100;
	s19 =	simm.s32 $0x6900;
	[dreg:$0xe] =	wrdreg s16  }
0xe: {  	s20 =	simm.s32 $0x7100;
	s21 =	simm.s32 $0x7900;
	[dreg:$0xf] =	wrdreg s17  }
0xf: {  	s23 =	simm.s32 $0x8100;
	s24 =	simm.s32 $0x8900;
	[dreg:$0x10] =	wrdreg s18  }
0x10: {  	s25 =	simm.s32 $0x9100;
	s26 =	simm.s32 $0x9900;
	[dreg:$0x11] =	wrdreg s19  }
0x11: {  	s28 =	simm.s32 $0x13900;
	s29 =	simm.s32 $0x1;
	[dreg:$0x12] =	wrdreg s20  }
0x12: {  	s30 =	simm.s32 $0x2;
	s31 =	simm.s32 $0x3;
	[dreg:$0x13] =	wrdreg s21  }
0x13: {  	s7 =	sadd.s32 $0x38600, s2;
	s5 =	smul.u32 $0x14, s4;
	[dreg:$0x14] =	wrdreg s23  }
0x14: {  	s1 =	ssub.s32 $0x2, s1;
	s6 =	smul.u32 $0x14000, s4;
	[dreg:$0x15] =	wrdreg s24  }
0x15: {  	s4 =	smul.u32 $0x2800, s4;
	s22 =	sshrl.u32 s1, $0x1;
	[dreg:$0x16] =	wrdreg s25  }
0x16: {  	s1 =	ssub.s32 s1, s22;
	[dreg:$0x17] =	wrdreg s26;
	s8 =	simm.s32 $0xA100  }
0x17: {  	s10 =	simm.s32 $0xB100;
	s11 =	simm.s32 $0xB900;
	s12 =	simm.s32 $0xC100  }
0x18: {  	s13 =	simm.s32 $0xC900;
	s14 =	simm.s32 $0xD100;
	s15 =	simm.s32 $0xD900  }
0x19: {  	s16 =	simm.s32 $0xE100;
	s17 =	simm.s32 $0xE900;
	s18 =	simm.s32 $0xF100  }
0x1a: {  	s19 =	simm.s32 $0xF900;
	s20 =	simm.s32 $0x10100;
	s21 =	simm.s32 $0x10900  }
0x1b: {  	s22 =	simm.s32 $0x11100;
	s23 =	simm.s32 $0x11900;
	s24 =	simm.s32 $0x12100  }
0x1c: {  	s25 =	simm.s32 $0x12900;
	s26 =	simm.s32 $0x13100;
	s5 =	sadd.s32 s5, s2  }
0x1d: {  	s6 =	sshrl.u32 s6, $0x3;
	s4 =	sadd.s32 s7, s4;
	s5 =	sadd.s32 $0x28000, s5  }
0x1e: {  	s0 =	sadd.s32 s7, s6;
	[dreg:$0x3] =	wrdreg s4;
	s7 =	simm.s32 $0x900  }
0x1f: {  	v2 =	vlaneseq.u32;
	s4 =	sadd.s32 $0x100, s2;
	[dreg:$0x2] =	wrdreg s5;
	s6 =	sadd.s32 $0x1400, s0  }
0x20: {  	vm0 =	vmmov $0xffff;
	v1 =	vshrl.u32 v2, $0x3;
	[dreg:$0x5] =	wrdreg s7;
	s5 =	smax.u32 s1, $0x1;
	s7 =	simm.s32 $0x100  }
0x21: {  	v0 =	vand.u32 $0x7, v2;
	v2 =	vor.u32 $0x8, v2;
	v1 =	vmul.u32 $0x8, v1;
	s1 =	simm.s32 $0x4;
	[dreg:$0x4] =	wrdreg s6;
	s6 =	simm.s32 $0x5  }
.LBB2_1:
0x22: {  	s0 =	rddreg [dreg:$0x2]  }
0x23: {  	[tilespmem:s3], [sflag:$0x5] =	stream.linear.gather [hbm4b:s0+s3], $0xA0, $0x38;
	[tilespmem:$0x14100] =	vst v63  }
0x24: {  	_ =	swait.ge [sflag:s6], $0xA0  }
0x25: {  	[sflag:s6] =	ssyncset.done $0x0  }
0x26: {  	[sflag:s6] =	ssyncadd.s32 $0xFFFFFF60  }
0x27: {  	v3 =	vld [tilespmem:$0x0];
	_ =	sdelay $0x4  }
0x28: {  	v4 =	vshll.u32 v3, $0x2  }
0x29: {  	v3 =	vand.u32 $0x7, v3;
	v4 =	vand.u32 $0xFFFFFFE0, v4  }
0x2a: {  	v3 =	vor.u32 v3, v4  }
0x2b: {  	v4 =	vperm.xlane v3, v0;
	_ =	sdelay $0x1  }
0x2c: {  	v4 =	vadd.s32 v1, v4;
	_ =	sdelay $0x1  }
0x2d: {  	v3 =	vperm.xlane v3, v2;
	_ =	sdelay $0x1  }
0x2e: {  	v3 =	vadd.s32 v1, v3  }
0x2f: {  	[tilespmem:s7], [sflag:$0x1] =	stream.indirect_vreg.gather [hbm4b:s2+s3], $0x80, v4, vm0, $0xb8;
	[tilespmem:$0x14100] =	vst v63  }
0x30: {  	s0 =	rddreg [dreg:$0x5]  }
0x31: {  	[tilespmem:s0], [sflag:$0x1] =	stream.indirect_vreg.gather [hbm4b:s4+s3], $0x80, v4, vm0, $0xb8;
	[tilespmem:$0x14100] =	vst v63  }
0x32: {  	s9 =	rddreg [dreg:$0x6]  }
0x33: {  	[tilespmem:s9], [sflag:$0x1] =	stream.indirect_vreg.gather [hbm4b:s2+s3], $0x80, v3, vm0, $0xb8;
	[tilespmem:$0x14100] =	vst v63  }
0x34: {  	s0 =	rddreg [dreg:$0x7]  }
0x35: {  	[tilespmem:s0], [sflag:$0x1] =	stream.indirect_vreg.gather [hbm4b:s4+s3], $0x80, v3, vm0, $0xb8;
	[tilespmem:$0x14100] =	vst v63  }
0x36: {  	v3 =	vld [tilespmem:$0x10];
	_ =	sdelay $0x4  }
0x37: {  	v55 =	vshll.u32 v3, $0x2  }
0x38: {  	v3 =	vand.u32 $0x7, v3;
	v4 =	vand.u32 $0xFFFFFFE0, v55  }
0x39: {  	v3 =	vor.u32 v3, v4  }
0x3a: {  	v4 =	vperm.xlane v3, v0;
	_ =	sdelay $0x1  }
0x3b: {  	v4 =	vadd.s32 v1, v4;
	_ =	sdelay $0x1  }
0x3c: {  	v3 =	vperm.xlane v3, v2;
	_ =	sdelay $0x1  }
0x3d: {  	s0 =	rddreg [dreg:$0x8];
	v3 =	vadd.s32 v1, v3  }
0x3e: {  	[tilespmem:s0], [sflag:$0x1] =	stream.indirect_vreg.gather [hbm4b:s2+s3], $0x80, v4, vm0, $0xb8;
	[tilespmem:$0x14100] =	vst v63  }
0x3f: {  	s9 =	rddreg [dreg:$0x9]  }
0x40: {  	[tilespmem:s9], [sflag:$0x1] =	stream.indirect_vreg.gather [hbm4b:s4+s3], $0x80, v4, vm0, $0xb8;
	[tilespmem:$0x14100] =	vst v63  }
0x41: {  	s0 =	rddreg [dreg:$0xa]  }
0x42: {  	[tilespmem:s0], [sflag:$0x1] =	stream.indirect_vreg.gather [hbm4b:s2+s3], $0x80, v3, vm0, $0xb8;
	[tilespmem:$0x14100] =	vst v63  }
0x43: {  	s9 =	rddreg [dreg:$0xb]  }
0x44: {  	[tilespmem:s9], [sflag:$0x1] =	stream.indirect_vreg.gather [hbm4b:s4+s3], $0x80, v3, vm0, $0xb8;
	[tilespmem:$0x14100] =	vst v63  }
0x45: {  	v3 =	vld [tilespmem:$0x20];
	_ =	sdelay $0x4  }
0x46: {  	v56 =	vshll.u32 v3, $0x2  }
0x47: {  	v3 =	vand.u32 $0x7, v3;
	v4 =	vand.u32 $0xFFFFFFE0, v56  }
0x48: {  	v3 =	vor.u32 v3, v4  }
0x49: {  	v4 =	vperm.xlane v3, v0;
	_ =	sdelay $0x1  }
0x4a: {  	v4 =	vadd.s32 v1, v4;
	_ =	sdelay $0x1  }
0x4b: {  	v3 =	vperm.xlane v3, v2;
	_ =	sdelay $0x1  }
0x4c: {  	s0 =	rddreg [dreg:$0xc];
	v3 =	vadd.s32 v1, v3  }
0x4d: {  	[tilespmem:s0], [sflag:$0x1] =	stream.indirect_vreg.gather [hbm4b:s2+s3], $0x80, v4, vm0, $0xb8;
	[tilespmem:$0x14100] =	vst v63  }
0x4e: {  	s9 =	rddreg [dreg:$0xd]  }
0x4f: {  	[tilespmem:s9], [sflag:$0x1] =	stream.indirect_vreg.gather [hbm4b:s4+s3], $0x80, v4, vm0, $0xb8;
	[tilespmem:$0x14100] =	vst v63  }
0x50: {  	s0 =	rddreg [dreg:$0xe]  }
0x51: {  	[tilespmem:s0], [sflag:$0x1] =	stream.indirect_vreg.gather [hbm4b:s2+s3], $0x80, v3, vm0, $0xb8;
	[tilespmem:$0x14100] =	vst v63  }
0x52: {  	s9 =	rddreg [dreg:$0xf]  }
0x53: {  	[tilespmem:s9], [sflag:$0x1] =	stream.indirect_vreg.gather [hbm4b:s4+s3], $0x80, v3, vm0, $0xb8;
	[tilespmem:$0x14100] =	vst v63  }
0x54: {  	v3 =	vld [tilespmem:$0x30];
	_ =	sdelay $0x4  }
0x55: {  	v57 =	vshll.u32 v3, $0x2  }
0x56: {  	v3 =	vand.u32 $0x7, v3;
	v4 =	vand.u32 $0xFFFFFFE0, v57  }
0x57: {  	v3 =	vor.u32 v3, v4  }
0x58: {  	v4 =	vperm.xlane v3, v0;
	_ =	sdelay $0x1  }
0x59: {  	v4 =	vadd.s32 v1, v4;
	_ =	sdelay $0x1  }
0x5a: {  	v3 =	vperm.xlane v3, v2;
	_ =	sdelay $0x1  }
0x5b: {  	s0 =	rddreg [dreg:$0x10];
	v3 =	vadd.s32 v1, v3  }
0x5c: {  	[tilespmem:s0], [sflag:$0x1] =	stream.indirect_vreg.gather [hbm4b:s2+s3], $0x80, v4, vm0, $0xb8;
	[tilespmem:$0x14100] =	vst v63  }
0x5d: {  	s9 =	rddreg [dreg:$0x11]  }
0x5e: {  	[tilespmem:s9], [sflag:$0x1] =	stream.indirect_vreg.gather [hbm4b:s4+s3], $0x80, v4, vm0, $0xb8;
	[tilespmem:$0x14100] =	vst v63  }
0x5f: {  	s0 =	rddreg [dreg:$0x12]  }
0x60: {  	[tilespmem:s0], [sflag:$0x1] =	stream.indirect_vreg.gather [hbm4b:s2+s3], $0x80, v3, vm0, $0xb8;
	[tilespmem:$0x14100] =	vst v63  }
0x61: {  	s9 =	rddreg [dreg:$0x13]  }
0x62: {  	[tilespmem:s9], [sflag:$0x1] =	stream.indirect_vreg.gather [hbm4b:s4+s3], $0x80, v3, vm0, $0xb8;
	[tilespmem:$0x14100] =	vst v63  }
0x63: {  	v3 =	vld [tilespmem:$0x40];
	_ =	sdelay $0x4  }
0x64: {  	v58 =	vshll.u32 v3, $0x2  }
0x65: {  	v3 =	vand.u32 $0x7, v3;
	v4 =	vand.u32 $0xFFFFFFE0, v58  }
0x66: {  	v3 =	vor.u32 v3, v4  }
0x67: {  	v4 =	vperm.xlane v3, v0;
	_ =	sdelay $0x1  }
0x68: {  	v4 =	vadd.s32 v1, v4;
	_ =	sdelay $0x1  }
0x69: {  	v3 =	vperm.xlane v3, v2;
	_ =	sdelay $0x1  }
0x6a: {  	s0 =	rddreg [dreg:$0x14];
	v3 =	vadd.s32 v1, v3  }
0x6b: {  	[tilespmem:s0], [sflag:$0x1] =	stream.indirect_vreg.gather [hbm4b:s2+s3], $0x80, v4, vm0, $0xb8;
	[tilespmem:$0x14100] =	vst v63  }
0x6c: {  	s9 =	rddreg [dreg:$0x15]  }
0x6d: {  	[tilespmem:s9], [sflag:$0x1] =	stream.indirect_vreg.gather [hbm4b:s4+s3], $0x80, v4, vm0, $0xb8;
	[tilespmem:$0x14100] =	vst v63  }
0x6e: {  	s0 =	rddreg [dreg:$0x16]  }
0x6f: {  	[tilespmem:s0], [sflag:$0x1] =	stream.indirect_vreg.gather [hbm4b:s2+s3], $0x80, v3, vm0, $0xb8;
	[tilespmem:$0x14100] =	vst v63  }
0x70: {  	s9 =	rddreg [dreg:$0x17]  }
0x71: {  	[tilespmem:s9], [sflag:$0x1] =	stream.indirect_vreg.gather [hbm4b:s4+s3], $0x80, v3, vm0, $0xb8;
	[tilespmem:$0x14100] =	vst v63  }
0x72: {  	v3 =	vld [tilespmem:$0x50];
	_ =	sdelay $0x4  }
0x73: {  	v59 =	vshll.u32 v3, $0x2  }
0x74: {  	v3 =	vand.u32 $0x7, v3;
	v4 =	vand.u32 $0xFFFFFFE0, v59  }
0x75: {  	v3 =	vor.u32 v3, v4  }
0x76: {  	v4 =	vperm.xlane v3, v0;
	_ =	sdelay $0x1  }
0x77: {  	v4 =	vadd.s32 v1, v4;
	_ =	sdelay $0x1  }
0x78: {  	v3 =	vperm.xlane v3, v2;
	_ =	sdelay $0x1  }
0x79: {  	v3 =	vadd.s32 v1, v3  }
0x7a: {  	[tilespmem:s8], [sflag:$0x2] =	stream.indirect_vreg.gather [hbm4b:s2+s3], $0x80, v4, vm0, $0xb8;
	[tilespmem:$0x14100] =	vst v63  }
0x7b: {  	s9 =	simm.s32 $0xA900  }
0x7c: {  	[tilespmem:s9], [sflag:$0x2] =	stream.indirect_vreg.gather [hbm4b:s4+s3], $0x80, v4, vm0, $0xb8;
	[tilespmem:$0x14100] =	vst v63  }
0x7d: {  	_ = 	snop  }
0x7e: {  	[tilespmem:s10], [sflag:$0x2] =	stream.indirect_vreg.gather [hbm4b:s2+s3], $0x80, v3, vm0, $0xb8;
	[tilespmem:$0x14100] =	vst v63  }
0x7f: {  	_ = 	snop  }
0x80: {  	[tilespmem:s11], [sflag:$0x2] =	stream.indirect_vreg.gather [hbm4b:s4+s3], $0x80, v3, vm0, $0xb8;
	[tilespmem:$0x14100] =	vst v63  }
0x81: {  	v3 =	vld [tilespmem:$0x60];
	_ =	sdelay $0x4  }
0x82: {  	v60 =	vshll.u32 v3, $0x2  }
0x83: {  	v3 =	vand.u32 $0x7, v3;
	v4 =	vand.u32 $0xFFFFFFE0, v60  }
0x84: {  	v3 =	vor.u32 v3, v4  }
0x85: {  	v4 =	vperm.xlane v3, v0;
	_ =	sdelay $0x1  }
0x86: {  	v4 =	vadd.s32 v1, v4;
	_ =	sdelay $0x1  }
0x87: {  	v3 =	vperm.xlane v3, v2;
	_ =	sdelay $0x1  }
0x88: {  	v3 =	vadd.s32 v1, v3  }
0x89: {  	[tilespmem:s12], [sflag:$0x2] =	stream.indirect_vreg.gather [hbm4b:s2+s3], $0x80, v4, vm0, $0xb8;
	[tilespmem:$0x14100] =	vst v63  }
0x8a: {  	_ = 	snop  }
0x8b: {  	[tilespmem:s13], [sflag:$0x2] =	stream.indirect_vreg.gather [hbm4b:s4+s3], $0x80, v4, vm0, $0xb8;
	[tilespmem:$0x14100] =	vst v63  }
0x8c: {  	_ = 	snop  }
0x8d: {  	[tilespmem:s14], [sflag:$0x2] =	stream.indirect_vreg.gather [hbm4b:s2+s3], $0x80, v3, vm0, $0xb8;
	[tilespmem:$0x14100] =	vst v63  }
0x8e: {  	_ = 	snop  }
0x8f: {  	[tilespmem:s15], [sflag:$0x2] =	stream.indirect_vreg.gather [hbm4b:s4+s3], $0x80, v3, vm0, $0xb8;
	[tilespmem:$0x14100] =	vst v63  }
0x90: {  	v3 =	vld [tilespmem:$0x70];
	_ =	sdelay $0x4  }
0x91: {  	v61 =	vshll.u32 v3, $0x2  }
0x92: {  	v3 =	vand.u32 $0x7, v3;
	v4 =	vand.u32 $0xFFFFFFE0, v61  }
0x93: {  	v3 =	vor.u32 v3, v4  }
0x94: {  	v4 =	vperm.xlane v3, v0;
	_ =	sdelay $0x1  }
0x95: {  	v4 =	vadd.s32 v1, v4;
	_ =	sdelay $0x1  }
0x96: {  	v3 =	vperm.xlane v3, v2;
	_ =	sdelay $0x1  }
0x97: {  	v3 =	vadd.s32 v1, v3  }
0x98: {  	[tilespmem:s16], [sflag:$0x2] =	stream.indirect_vreg.gather [hbm4b:s2+s3], $0x80, v4, vm0, $0xb8;
	[tilespmem:$0x14100] =	vst v63  }
0x99: {  	_ = 	snop  }
0x9a: {  	[tilespmem:s17], [sflag:$0x2] =	stream.indirect_vreg.gather [hbm4b:s4+s3], $0x80, v4, vm0, $0xb8;
	[tilespmem:$0x14100] =	vst v63  }
0x9b: {  	_ = 	snop  }
0x9c: {  	[tilespmem:s18], [sflag:$0x2] =	stream.indirect_vreg.gather [hbm4b:s2+s3], $0x80, v3, vm0, $0xb8;
	[tilespmem:$0x14100] =	vst v63  }
0x9d: {  	_ = 	snop  }
0x9e: {  	[tilespmem:s19], [sflag:$0x2] =	stream.indirect_vreg.gather [hbm4b:s4+s3], $0x80, v3, vm0, $0xb8;
	[tilespmem:$0x14100] =	vst v63  }
0x9f: {  	v3 =	vld [tilespmem:$0x80];
	_ =	sdelay $0x4  }
0xa0: {  	v62 =	vshll.u32 v3, $0x2  }
0xa1: {  	v3 =	vand.u32 $0x7, v3;
	v4 =	vand.u32 $0xFFFFFFE0, v62  }
0xa2: {  	v3 =	vor.u32 v3, v4  }
0xa3: {  	v4 =	vperm.xlane v3, v0;
	_ =	sdelay $0x1  }
0xa4: {  	v4 =	vadd.s32 v1, v4;
	_ =	sdelay $0x1  }
0xa5: {  	v3 =	vperm.xlane v3, v2;
	_ =	sdelay $0x1  }
0xa6: {  	v3 =	vadd.s32 v1, v3  }
0xa7: {  	[tilespmem:s20], [sflag:$0x2] =	stream.indirect_vreg.gather [hbm4b:s2+s3], $0x80, v4, vm0, $0xb8;
	[tilespmem:$0x14100] =	vst v63  }
0xa8: {  	_ = 	snop  }
0xa9: {  	[tilespmem:s21], [sflag:$0x2] =	stream.indirect_vreg.gather [hbm4b:s4+s3], $0x80, v4, vm0, $0xb8;
	[tilespmem:$0x14100] =	vst v63  }
0xaa: {  	_ = 	snop  }
0xab: {  	[tilespmem:s22], [sflag:$0x2] =	stream.indirect_vreg.gather [hbm4b:s2+s3], $0x80, v3, vm0, $0xb8;
	[tilespmem:$0x14100] =	vst v63  }
0xac: {  	_ = 	snop  }
0xad: {  	[tilespmem:s23], [sflag:$0x2] =	stream.indirect_vreg.gather [hbm4b:s4+s3], $0x80, v3, vm0, $0xb8;
	[tilespmem:$0x14100] =	vst v63  }
0xae: {  	v3 =	vld [tilespmem:$0x90];
	_ =	sdelay $0x4  }
0xaf: {  	v63 =	vshll.u32 v3, $0x2  }
0xb0: {  	v3 =	vand.u32 $0x7, v3;
	v4 =	vand.u32 $0xFFFFFFE0, v63  }
0xb1: {  	v3 =	vor.u32 v3, v4  }
0xb2: {  	v4 =	vperm.xlane v3, v0;
	_ =	sdelay $0x1  }
0xb3: {  	v4 =	vadd.s32 v1, v4;
	_ =	sdelay $0x1  }
0xb4: {  	v3 =	vperm.xlane v3, v2;
	_ =	sdelay $0x1  }
0xb5: {  	v3 =	vadd.s32 v1, v3  }
0xb6: {  	[tilespmem:s24], [sflag:$0x2] =	stream.indirect_vreg.gather [hbm4b:s2+s3], $0x80, v4, vm0, $0xb8;
	[tilespmem:$0x14100] =	vst v63  }
0xb7: {  	_ = 	snop  }
0xb8: {  	[tilespmem:s25], [sflag:$0x2] =	stream.indirect_vreg.gather [hbm4b:s4+s3], $0x80, v4, vm0, $0xb8;
	[tilespmem:$0x14100] =	vst v63  }
0xb9: {  	_ = 	snop  }
0xba: {  	[tilespmem:s26], [sflag:$0x2] =	stream.indirect_vreg.gather [hbm4b:s2+s3], $0x80, v3, vm0, $0xb8;
	[tilespmem:$0x14100] =	vst v63  }
0xbb: {  	_ = 	snop  }
0xbc: {  	[tilespmem:s28], [sflag:$0x2] =	stream.indirect_vreg.gather [hbm4b:s4+s3], $0x80, v3, vm0, $0xb8;
	[tilespmem:$0x14100] =	vst v63  }
0xbd: {  	_ =	swait.ge [sflag:s29], $0xA000  }
0xbe: {  	[sflag:s29] =	ssyncset.done $0x0  }
0xbf: {  	s9 =	rddreg [dreg:$0x3];
	[sflag:s29] =	ssyncadd.s32 $0xFFFF6000  }
0xc0: {  	[hbm4b:s9+s3] =	stream.linear.scatter [tilespmem:s7], [sflag:$0x3], $0xA000, $0x38;
	[tilespmem:$0x14100] =	vst v63  }
0xc1: {  	_ =	swait.ge [sflag:s30], $0xA000  }
0xc2: {  	[sflag:s30] =	ssyncset.done $0x0  }
0xc3: {  	s9 =	rddreg [dreg:$0x4];
	[sflag:s30] =	ssyncadd.s32 $0xFFFF6000  }
0xc4: {  	[hbm4b:s9+s3] =	stream.linear.scatter [tilespmem:s8], [sflag:$0x4], $0xA000, $0x38;
	[tilespmem:$0x14100] =	vst v63  }
0xc5: {  	p0 =	sne.s32 s5, $0x1;
	_ =	swait.ge [sflag:s31], $0xA000  }
.Ltmp0:
0xc6: {  	[sflag:s31] =	ssyncset.done $0x0;
	(pc) =	sbr.rel @p0 .LBB2_1-.Ltmp0, $4  }
0xc7: {  	[sflag:s31] =	ssyncadd.s32 $0xFFFF6000  }
0xc8: {  	_ =	swait.ge [sflag:s1], $0xA000  }
0xc9: {  	[sflag:s1] =	ssyncset.done $0x0  }
0xca: {  	s5 =	sadd.s32 $0xFFFFFFFF, s5;
	[sflag:s1] =	ssyncadd.s32 $0xFFFF6000  }
0xcb: {  	_ =	sfence.sel $0x180000  }
0xcc: {  	[bflag:$0x0] =	sbarrier.arrive $0xFFFF  }
0xcd: {  	_ =	strace $0x9000004A  }
0xce: {  	s0 =	stileid.u32;
	[bflag:$0x2] =	sbarrier.arrive $0xFFFF  }
0xcf: {  	p0 =	sne.s32 s0, $0x0;
	s0 =	rddreg [dreg:$0x1]  }
0xd0: {  	s0 =	sadd.s32 @!p0 $0x100000, s0  }
0xd1: {  	[sflag:s0] =	ssyncadd.tile.s32 @!p0 $0x1;
	_ =	shalt  }
.Lfunc_end2:
_tile_overlayer_lowered:
.L_overlay_start_2:
0xd2: {  	(tag) =	ssettag $0x2  }
0xd3: {  	s0 =	rddreg [dreg:$0x0];
	s2 =	stileid.u32  }
0xd4: {  	s1 =	rddreg [dreg:$0x1];
	p0 =	sne.s32 s2, $0x0  }
0xd5: {  	s3 =	rddreg [dreg:$0x2];
	[bflag:$0x3] =	sbarrier.arrive $0xFFFF;
	s2 =	simm.s32 @!p0 $0x1C05  }
0xd6: {  	[timem:s3], [sflag:s2] =	dma.local @!p0 [hbm:s0], s1  }
0xd7: {  	s0 =	simm.s32 @!p0 $0x5  }
0xd8: {  	_ =	swait.ge @!p0 [sflag:s0], s1  }
0xd9: {  	s1 =	ssub.s32 @!p0 $0x0, s1;
	[sflag:s0] =	ssyncset.done @!p0 $0x0  }
0xda: {  	[sflag:s0] =	ssyncadd.s32 @!p0 s1  }
0xdb: {  	[bflag:$0x3] =	sbarrier.arrive $0xFFFF  }
0xdc: {  	_ =	shalt  }

</sc_bundles>
